<compile_context>
chip_gen: v7x
topology: tpu7x:2x2x1
jax: 0.10.2.dev20260603
libtpu: 0.0.44.dev20260713+nightly
codegen_flags: <defaults>
</compile_context>

<pallas_src>
import functools

import jax
import jax.numpy as jnp
from jax import lax
from jax.experimental import pallas as pl
from jax.experimental.pallas import tpu as pltpu
from jax.experimental.pallas import tpu_sc as plsc

NC = 2
NS = 16
NW = NC * NS
L = 16

N_ATOMS = 100_000
N_EDGES = 3_200_000
N_MOL = 1000

E_PER_W = N_EDGES // NW
CHUNK = 800
N_CHUNKS = E_PER_W // CHUNK
VEC_PER_CHUNK = CHUNK // L
UNROLL = 10

ACC_STRIDE = 1009
MOL_PAD = 1008
ACC_ALLOC = (((L - 1) * ACC_STRIDE + MOL_PAD) + L - 1) // L * L

_MESH = plsc.VectorSubcoreMesh(
    core_axis_name="c", subcore_axis_name="s", num_cores=NC, num_subcores=NS
)


def _sc_body(key_hbm, pow_hbm, par_hbm, rx_hbm, ry_hbm, rz_hbm, ii_hbm, jj_hbm,
             out_hbm, key_v, pow_v, par_v,
             rxb0, ryb0, rzb0, ibuf0, jbuf0,
             rxb1, ryb1, rzb1, ibuf1, jbuf1,
             acc, red, sem0, sem1):
    bufs = ((rxb0, ryb0, rzb0, ibuf0, jbuf0), (rxb1, ryb1, rzb1, ibuf1, jbuf1))
    cid = lax.axis_index("c")
    sid = lax.axis_index("s")
    wid = sid * NC + cid

    pltpu.sync_copy(key_hbm, key_v)
    pltpu.sync_copy(pow_hbm, pow_v)
    pltpu.sync_copy(par_hbm, par_v)

    lanes = lax.iota(jnp.int32, L)
    accbase = lanes * ACC_STRIDE
    zero = jnp.zeros((L,), jnp.float32)

    def zero_body(i, _):
        acc[pl.ds(i * L, L)] = zero
        return 0

    lax.fori_loop(0, ACC_ALLOC // L, zero_body, 0)

    c0 = par_v[0]
    c1 = par_v[1]
    c2 = par_v[2]
    c3 = par_v[3]
    ne0 = par_v[4]
    ne1 = par_v[5]
    ne2 = par_v[6]
    ne3 = par_v[7]

    def issue(ci, sem, bs):
        base = wid * E_PER_W + ci * CHUNK
        rx, ry_, rz, ib, jb = bufs[bs]
        pltpu.async_copy(ii_hbm.at[pl.ds(base, CHUNK)], ib, sem)
        pltpu.async_copy(jj_hbm.at[pl.ds(base, CHUNK)], jb, sem)
        pltpu.async_copy(rx_hbm.at[pl.ds(base, CHUNK)], rx, sem)
        pltpu.async_copy(ry_hbm.at[pl.ds(base, CHUNK)], ry_, sem)
        pltpu.async_copy(rz_hbm.at[pl.ds(base, CHUNK)], rz, sem)

    def drain(sem, bs):
        rx, ry_, rz, ib, jb = bufs[bs]
        pltpu.make_async_copy(ii_hbm.at[pl.ds(0, CHUNK)], ib, sem).wait()
        pltpu.make_async_copy(jj_hbm.at[pl.ds(0, CHUNK)], jb, sem).wait()
        pltpu.make_async_copy(rx_hbm.at[pl.ds(0, CHUNK)], rx, sem).wait()
        pltpu.make_async_copy(ry_hbm.at[pl.ds(0, CHUNK)], ry_, sem).wait()
        pltpu.make_async_copy(rz_hbm.at[pl.ds(0, CHUNK)], rz, sem).wait()

    def compute(bs):
        rxv, ryv, rzv, ib, jb = bufs[bs]

        def vec_body(g, _):
            for u in range(UNROLL):
                b = (g * UNROLL + u) * L
                ii = ib[pl.ds(b, L)]
                jj = jb[pl.ds(b, L)]
                ki = plsc.load_gather(key_v, [ii])
                kj = plsc.load_gather(key_v, [jj])
                zi = ki & 127
                zj = kj & 127
                mi = ki >> 7
                ai = plsc.load_gather(pow_v, [(zi << 4) | lanes])
                aj = plsc.load_gather(pow_v, [(zj << 4) | lanes])
                x = rxv[pl.ds(b, L)]
                y = ryv[pl.ds(b, L)]
                w = rzv[pl.ds(b, L)]
                d2 = x * x + y * y + w * w
                xh = d2 * 0.5
                bi = jnp.int32(0x5F3759DF) - (plsc.bitcast(d2, jnp.int32) >> 1)
                ry = plsc.bitcast(bi, jnp.float32)
                ry = ry * (1.5 - xh * ry * ry)
                ry = ry * (1.5 - xh * ry * ry)
                d = d2 * ry
                t = (ai + aj) * d
                s = (c0 * jnp.exp(ne0 * t) + c1 * jnp.exp(ne1 * t)
                     + c2 * jnp.exp(ne2 * t) + c3 * jnp.exp(ne3 * t))
                rep = zi.astype(jnp.float32) * zj.astype(jnp.float32) * ry
                plsc.addupdate_scatter(acc, [accbase + mi], rep * s)
            return 0

        lax.fori_loop(0, VEC_PER_CHUNK // UNROLL, vec_body, 0)

    issue(0, sem0, 0)
    issue(1, sem1, 1)

    def pair_body(g, _):
        ci0 = g * 2
        for bs, sem, ci in ((0, sem0, ci0), (1, sem1, ci0 + 1)):
            drain(sem, bs)
            compute(bs)
            issue(jnp.minimum(ci + 2, N_CHUNKS - 1), sem, bs)
        return 0

    lax.fori_loop(0, N_CHUNKS // 2, pair_body, 0)

    drain(sem0, 0)
    compute(0)
    drain(sem1, 1)

    def red_body(mb, _):
        o = mb * L
        s = acc[pl.ds(o, L)]
        for l in range(1, L):
            s = s + acc[pl.ds(l * ACC_STRIDE + o, L)]
        red[pl.ds(o, L)] = s
        return 0

    lax.fori_loop(0, MOL_PAD // L, red_body, 0)
    pltpu.sync_copy(red.at[pl.ds(0, N_MOL)], out_hbm.at[pl.ds(wid * N_MOL, N_MOL)])


_sc_call = functools.partial(
    pl.kernel,
    out_type=jax.ShapeDtypeStruct((NW * N_MOL,), jnp.float32),
    mesh=_MESH,
    scratch_types=[
        pltpu.VMEM((N_ATOMS,), jnp.int32),
        pltpu.VMEM((128 * L,), jnp.float32),
        pltpu.VMEM((8, L), jnp.float32),
        pltpu.VMEM((CHUNK,), jnp.float32),
        pltpu.VMEM((CHUNK,), jnp.float32),
        pltpu.VMEM((CHUNK,), jnp.float32),
        pltpu.VMEM((CHUNK,), jnp.int32),
        pltpu.VMEM((CHUNK,), jnp.int32),
        pltpu.VMEM((CHUNK,), jnp.float32),
        pltpu.VMEM((CHUNK,), jnp.float32),
        pltpu.VMEM((CHUNK,), jnp.float32),
        pltpu.VMEM((CHUNK,), jnp.int32),
        pltpu.VMEM((CHUNK,), jnp.int32),
        pltpu.VMEM((ACC_ALLOC,), jnp.float32),
        pltpu.VMEM((MOL_PAD,), jnp.float32),
        pltpu.SemaphoreType.DMA,
        pltpu.SemaphoreType.DMA,
    ],
    compiler_params=pltpu.CompilerParams(needs_layout_passes=False),
)(_sc_body)


def kernel(z, r_ij, idx_i, idx_j, idx_m, a_pow, a_div, coefficients, exponents):
    p = jax.nn.softplus(a_pow[0])
    s_div = jax.nn.softplus(a_div[0])
    c = jax.nn.softplus(coefficients)
    c = c / jnp.clip(jnp.sum(jnp.abs(c)), 1e-12, None)
    e = jax.nn.softplus(exponents)
    zt = jnp.maximum(jnp.arange(128, dtype=jnp.float32), 1.0)
    pow_table = jnp.broadcast_to(
        (s_div * zt**p).astype(jnp.float32)[:, None], (128, L)
    ).reshape(-1)
    key = z.astype(jnp.int32) | (idx_m.astype(jnp.int32) << 7)
    params = jnp.broadcast_to(
        jnp.concatenate([0.5 * c, -e]).astype(jnp.float32)[:, None], (8, L)
    )
    partials = _sc_call(
        key,
        pow_table,
        params,
        r_ij[:, 0],
        r_ij[:, 1],
        r_ij[:, 2],
        idx_i.astype(jnp.int32),
        idx_j.astype(jnp.int32),
    )
    return partials.reshape(NW, N_MOL).sum(axis=0)

# --- scband reference (transcript-rebuilt; emitter-appended) ---
"""Pipeline reference for scband-zblrepulsion-energy-13391708029204 (READ-ONLY COPY).

The authoritative reference and input builder live on the scoring server;
editing this copy changes nothing except your own understanding.
"""

import jax, jax.numpy as jnp
import numpy as np


def softplus_inverse(x):
    x = jnp.asarray(x, dtype=jnp.float32)
    return x + jnp.log(-jnp.expm1(-x))


def softplus(x):
    return jax.nn.softplus(x)


def setup_inputs(seed: int = 0) -> dict:
    key = jax.random.key(seed)
    k1, k2, k3, k4, k5 = jax.random.split(key, 5)
    n_atoms = 100000
    n_edges = 3200000
    n_mol = 1000
    z = jax.random.randint(k1, (n_atoms,), 1, 100, dtype=jnp.int64 if jax.config.jax_enable_x64 else jnp.int32)
    r_ij = jax.random.normal(k2, (n_edges, 3), dtype=jnp.float32)
    idx_i = jax.random.randint(k3, (n_edges,), 0, n_atoms)
    idx_j = jax.random.randint(k4, (n_edges,), 0, n_atoms)
    idx_m = jnp.sort(jax.random.randint(k5, (n_atoms,), 0, n_mol))
    idx_m = idx_m.at[-1].set(n_mol - 1)
    # learned parameters (trainable=True), initialized exactly as in the torch module
    # energy_unit='Hartree', position_unit='Bohr' -> unit conversion factors are 1.0
    a_pow = softplus_inverse(jnp.array([0.23], dtype=jnp.float32))
    a_div = softplus_inverse(jnp.array([1.0 / (1.0 * 0.8854)], dtype=jnp.float32))
    exponents = softplus_inverse(jnp.array([3.1998, 0.94229, 0.4029, 0.20162], dtype=jnp.float32))
    coefficients = softplus_inverse(jnp.array([0.18175, 0.50986, 0.28022, 0.02817], dtype=jnp.float32))
    return {
        "z": z,
        "r_ij": r_ij,
        "idx_i": idx_i,
        "idx_j": idx_j,
        "idx_m": idx_m,
        "a_pow": a_pow,
        "a_div": a_div,
        "coefficients": coefficients,
        "exponents": exponents,
    }


def reference(z, r_ij, idx_i, idx_j, idx_m, a_pow, a_div, coefficients, exponents):
    ke = jnp.float32(1.0)  # Ha->Hartree and Bohr->Bohr conversions are both 1.0
    n_atoms = z.shape[0]
    n_molecules = 1000
    zf = z.astype(jnp.float32)
    d_ij = jnp.linalg.norm(r_ij, axis=1)
    a = zf ** softplus(a_pow)  # [N]
    a_ij = (a[idx_i] + a[idx_j]) * softplus(a_div)  # [E]
    exps = a_ij[:, None] * softplus(exponents)[None, :]  # [E, 4]
    coeffs = softplus(coefficients)[None, :]  # [1, 4]
    coeffs = coeffs / jnp.clip(jnp.sum(jnp.abs(coeffs), axis=1, keepdims=True), 1e-12, None)  # F.normalize p=1
    screening = jnp.sum(coeffs * jnp.exp(-exps * d_ij[:, None]), axis=1)  # [E]
    repulsion = zf[idx_i] * zf[idx_j] / d_ij  # [E] (no cutoff_fn)
    y_atom = jax.ops.segment_sum(repulsion * screening, idx_i, num_segments=n_atoms)
    y_mol = jax.ops.segment_sum(y_atom, idx_m, num_segments=n_molecules)
    y_zbl = 0.5 * ke * y_mol
    return y_zbl

if __name__ == "__main__":
    import jax
    _d = setup_inputs()
    print(jax.jit(kernel)(*tuple(_d.values())))

</pallas_src>

<mosaic_0001>
#map = affine_map<(d0, d1) -> (0)>
#map1 = affine_map<(d0, d1) -> (0, 0)>
module attributes {stable_mosaic.version = 14 : i64} {
  func.func @_sc_body(%arg0: i32, %arg1: i32, %arg2: memref<100000xi32, #tpu.memory_space<hbm>>, %arg3: memref<2048xf32, #tpu.memory_space<hbm>>, %arg4: memref<8x16xf32, #tpu.memory_space<hbm>>, %arg5: memref<3200000xf32, #tpu.memory_space<hbm>>, %arg6: memref<3200000xf32, #tpu.memory_space<hbm>>, %arg7: memref<3200000xf32, #tpu.memory_space<hbm>>, %arg8: memref<3200000xi32, #tpu.memory_space<hbm>>, %arg9: memref<3200000xi32, #tpu.memory_space<hbm>>, %arg10: memref<32000xf32, #tpu.memory_space<hbm>>, %arg11: memref<100000xi32, #tpu.memory_space<vmem>>, %arg12: memref<2048xf32, #tpu.memory_space<vmem>>, %arg13: memref<8x16xf32, #tpu.memory_space<vmem>>, %arg14: memref<800xf32, #tpu.memory_space<vmem>>, %arg15: memref<800xf32, #tpu.memory_space<vmem>>, %arg16: memref<800xf32, #tpu.memory_space<vmem>>, %arg17: memref<800xi32, #tpu.memory_space<vmem>>, %arg18: memref<800xi32, #tpu.memory_space<vmem>>, %arg19: memref<800xf32, #tpu.memory_space<vmem>>, %arg20: memref<800xf32, #tpu.memory_space<vmem>>, %arg21: memref<800xf32, #tpu.memory_space<vmem>>, %arg22: memref<800xi32, #tpu.memory_space<vmem>>, %arg23: memref<800xi32, #tpu.memory_space<vmem>>, %arg24: memref<16144xf32, #tpu.memory_space<vmem>>, %arg25: memref<1008xf32, #tpu.memory_space<vmem>>, %arg26: memref<!tpu.dma_semaphore, #tpu.memory_space<semaphore_mem>>, %arg27: memref<!tpu.dma_semaphore, #tpu.memory_space<semaphore_mem>>) attributes {dimension_semantics = [#tpu.dimension_semantics<core_parallel>, #tpu.dimension_semantics<subcore_parallel>], iteration_bounds = array<i64: 2, 16>, scalar_prefetch = 0 : i64, scratch_operands = 17 : i64, tpu.core_type = #tpu.core_type<sc_vector_subcore>, window_params = [{transform_indices = #map}, {transform_indices = #map}, {transform_indices = #map1}, {transform_indices = #map}, {transform_indices = #map}, {transform_indices = #map}, {transform_indices = #map}, {transform_indices = #map}, {transform_indices = #map}]} {
    %mul3A = arith.constant 2 : i32
    %mul3A_0 = arith.muli %arg1, %mul3A : i32
    %add3A = arith.addi %mul3A_0, %arg0 : i32
    "tpu.region"() ({
      %run_scoped3A = tpu.sem_alloc : memref<!tpu.dma_semaphore, #tpu.memory_space<semaphore_mem>>
      tpu.enqueue_dma source(%arg2 : memref<100000xi32, #tpu.memory_space<hbm>>) target(%arg11 : memref<100000xi32, #tpu.memory_space<vmem>>) target_semaphore(%run_scoped3A : memref<!tpu.dma_semaphore, #tpu.memory_space<semaphore_mem>>)
      tpu.wait_dma2 semaphore(%run_scoped3A : memref<!tpu.dma_semaphore, #tpu.memory_space<semaphore_mem>>) src(%arg2 : memref<100000xi32, #tpu.memory_space<hbm>>) dst(%arg11 : memref<100000xi32, #tpu.memory_space<vmem>>)
      tpu.yield
    }) : () -> ()
    "tpu.region"() ({
      %run_scoped3A = tpu.sem_alloc : memref<!tpu.dma_semaphore, #tpu.memory_space<semaphore_mem>>
      tpu.enqueue_dma source(%arg3 : memref<2048xf32, #tpu.memory_space<hbm>>) target(%arg12 : memref<2048xf32, #tpu.memory_space<vmem>>) target_semaphore(%run_scoped3A : memref<!tpu.dma_semaphore, #tpu.memory_space<semaphore_mem>>)
      tpu.wait_dma2 semaphore(%run_scoped3A : memref<!tpu.dma_semaphore, #tpu.memory_space<semaphore_mem>>) src(%arg3 : memref<2048xf32, #tpu.memory_space<hbm>>) dst(%arg12 : memref<2048xf32, #tpu.memory_space<vmem>>)
      tpu.yield
    }) : () -> ()
    "tpu.region"() ({
      %run_scoped3A = tpu.sem_alloc : memref<!tpu.dma_semaphore, #tpu.memory_space<semaphore_mem>>
      tpu.enqueue_dma source(%arg4 : memref<8x16xf32, #tpu.memory_space<hbm>>) target(%arg13 : memref<8x16xf32, #tpu.memory_space<vmem>>) target_semaphore(%run_scoped3A : memref<!tpu.dma_semaphore, #tpu.memory_space<semaphore_mem>>)
      tpu.wait_dma2 semaphore(%run_scoped3A : memref<!tpu.dma_semaphore, #tpu.memory_space<semaphore_mem>>) src(%arg4 : memref<8x16xf32, #tpu.memory_space<hbm>>) dst(%arg13 : memref<8x16xf32, #tpu.memory_space<vmem>>)
      tpu.yield
    }) : () -> ()
    %iota3A = tpu.iota {dimensions = array<i32: 0>} : vector<16xi32>
    %mul3A_1 = arith.constant 1009 : i32
    %mul3A_2 = vector.broadcast %mul3A_1 : i32 to vector<16xi32>
    %mul3A_3 = arith.muli %iota3A, %mul3A_2 : vector<16xi32>
    %broadcast_in_dim3A = arith.constant 0.000000e+00 : f32
    %broadcast_in_dim3A_4 = vector.broadcast %broadcast_in_dim3A : f32 to vector<16xf32>
    %scan3A = arith.constant 0 : i32
    %scan3A_5 = arith.constant 0 : i32
    %scan3A_6 = arith.constant 1009 : i32
    %scan3A_7 = arith.addi %scan3A_5, %scan3A_6 : i32
    %scan3A_8 = arith.constant 1 : i32
    %scan3A_9 = scf.for %scan3A_131 = %scan3A_5 to %scan3A_7 step %scan3A_8 iter_args(%scan3A_132 = %scan3A) -> (i32)  : i32 {
      %mul3A_133 = arith.constant 16 : i32
      %mul3A_134 = arith.muli %scan3A_131, %mul3A_133 : i32
      %swap3A = arith.index_cast %mul3A_134 : i32 to index
      %swap3A_135 = tpu.vector_load %arg24[%swap3A] {strides = array<i32>} : memref<16144xf32, #tpu.memory_space<vmem>>, vector<16xf32>,
      tpu.vector_store %arg24[%swap3A], %broadcast_in_dim3A_4 {strides = array<i32>} : memref<16144xf32, #tpu.memory_space<vmem>>, vector<16xf32>,
      %scan3A_136 = arith.constant 0 : i32
      scf.yield %scan3A_136 : i32
    }
    %scan3A_10 = arith.constant 1009 : i32
    %get3A = arith.constant 0 : i32
    %get3A_11 = arith.index_cast %get3A : i32 to index
    %get3A_12 = arith.constant 0 : index
    %get3A_13 = tpu.vector_load %arg13[%get3A_11, %get3A_12] {strides = array<i32>} : memref<8x16xf32, #tpu.memory_space<vmem>>, vector<16xf32>,
    %get3A_14 = arith.constant 1 : i32
    %get3A_15 = arith.index_cast %get3A_14 : i32 to index
    %get3A_16 = arith.constant 0 : index
    %get3A_17 = tpu.vector_load %arg13[%get3A_15, %get3A_16] {strides = array<i32>} : memref<8x16xf32, #tpu.memory_space<vmem>>, vector<16xf32>,
    %get3A_18 = arith.constant 2 : i32
    %get3A_19 = arith.index_cast %get3A_18 : i32 to index
    %get3A_20 = arith.constant 0 : index
    %get3A_21 = tpu.vector_load %arg13[%get3A_19, %get3A_20] {strides = array<i32>} : memref<8x16xf32, #tpu.memory_space<vmem>>, vector<16xf32>,
    %get3A_22 = arith.constant 3 : i32
    %get3A_23 = arith.index_cast %get3A_22 : i32 to index
    %get3A_24 = arith.constant 0 : index
    %get3A_25 = tpu.vector_load %arg13[%get3A_23, %get3A_24] {strides = array<i32>} : memref<8x16xf32, #tpu.memory_space<vmem>>, vector<16xf32>,
    %get3A_26 = arith.constant 4 : i32
    %get3A_27 = arith.index_cast %get3A_26 : i32 to index
    %get3A_28 = arith.constant 0 : index
    %get3A_29 = tpu.vector_load %arg13[%get3A_27, %get3A_28] {strides = array<i32>} : memref<8x16xf32, #tpu.memory_space<vmem>>, vector<16xf32>,
    %get3A_30 = arith.constant 5 : i32
    %get3A_31 = arith.index_cast %get3A_30 : i32 to index
    %get3A_32 = arith.constant 0 : index
    %get3A_33 = tpu.vector_load %arg13[%get3A_31, %get3A_32] {strides = array<i32>} : memref<8x16xf32, #tpu.memory_space<vmem>>, vector<16xf32>,
    %get3A_34 = arith.constant 6 : i32
    %get3A_35 = arith.index_cast %get3A_34 : i32 to index
    %get3A_36 = arith.constant 0 : index
    %get3A_37 = tpu.vector_load %arg13[%get3A_35, %get3A_36] {strides = array<i32>} : memref<8x16xf32, #tpu.memory_space<vmem>>, vector<16xf32>,
    %get3A_38 = arith.constant 7 : i32
    %get3A_39 = arith.index_cast %get3A_38 : i32 to index
    %get3A_40 = arith.constant 0 : index
    %get3A_41 = tpu.vector_load %arg13[%get3A_39, %get3A_40] {strides = array<i32>} : memref<8x16xf32, #tpu.memory_space<vmem>>, vector<16xf32>,
    %mul3A_42 = arith.constant 100000 : i32
    %mul3A_43 = arith.muli %add3A, %mul3A_42 : i32
    %add3A_44 = arith.constant 0 : i32
    %add3A_45 = arith.addi %mul3A_43, %add3A_44 : i32
    %dma_start3A = tpu.memref_slice %arg8[%add3A_45] : memref<3200000xi32, #tpu.memory_space<hbm>> -> memref<800xi32, #tpu.memory_space<hbm>>
    %dma_start3A_46 = tpu.memref_slice %arg8[%add3A_45] : memref<3200000xi32, #tpu.memory_space<hbm>> -> memref<800xi32, #tpu.memory_space<hbm>>
    tpu.enqueue_dma source(%dma_start3A_46 : memref<800xi32, #tpu.memory_space<hbm>>) target(%arg17 : memref<800xi32, #tpu.memory_space<vmem>>) target_semaphore(%arg26 : memref<!tpu.dma_semaphore, #tpu.memory_space<semaphore_mem>>)
    %dma_start3A_47 = tpu.memref_slice %arg9[%add3A_45] : memref<3200000xi32, #tpu.memory_space<hbm>> -> memref<800xi32, #tpu.memory_space<hbm>>
    %dma_start3A_48 = tpu.memref_slice %arg9[%add3A_45] : memref<3200000xi32, #tpu.memory_space<hbm>> -> memref<800xi32, #tpu.memory_space<hbm>>
    tpu.enqueue_dma source(%dma_start3A_48 : memref<800xi32, #tpu.memory_space<hbm>>) target(%arg18 : memref<800xi32, #tpu.memory_space<vmem>>) target_semaphore(%arg26 : memref<!tpu.dma_semaphore, #tpu.memory_space<semaphore_mem>>)
    %dma_start3A_49 = tpu.memref_slice %arg5[%add3A_45] : memref<3200000xf32, #tpu.memory_space<hbm>> -> memref<800xf32, #tpu.memory_space<hbm>>
    %dma_start3A_50 = tpu.memref_slice %arg5[%add3A_45] : memref<3200000xf32, #tpu.memory_space<hbm>> -> memref<800xf32, #tpu.memory_space<hbm>>
    tpu.enqueue_dma source(%dma_start3A_50 : memref<800xf32, #tpu.memory_space<hbm>>) target(%arg14 : memref<800xf32, #tpu.memory_space<vmem>>) target_semaphore(%arg26 : memref<!tpu.dma_semaphore, #tpu.memory_space<semaphore_mem>>)
    %dma_start3A_51 = tpu.memref_slice %arg6[%add3A_45] : memref<3200000xf32, #tpu.memory_space<hbm>> -> memref<800xf32, #tpu.memory_space<hbm>>
    %dma_start3A_52 = tpu.memref_slice %arg6[%add3A_45] : memref<3200000xf32, #tpu.memory_space<hbm>> -> memref<800xf32, #tpu.memory_space<hbm>>
    tpu.enqueue_dma source(%dma_start3A_52 : memref<800xf32, #tpu.memory_space<hbm>>) target(%arg15 : memref<800xf32, #tpu.memory_space<vmem>>) target_semaphore(%arg26 : memref<!tpu.dma_semaphore, #tpu.memory_space<semaphore_mem>>)
    %dma_start3A_53 = tpu.memref_slice %arg7[%add3A_45] : memref<3200000xf32, #tpu.memory_space<hbm>> -> memref<800xf32, #tpu.memory_space<hbm>>
    %dma_start3A_54 = tpu.memref_slice %arg7[%add3A_45] : memref<3200000xf32, #tpu.memory_space<hbm>> -> memref<800xf32, #tpu.memory_space<hbm>>
    tpu.enqueue_dma source(%dma_start3A_54 : memref<800xf32, #tpu.memory_space<hbm>>) target(%arg16 : memref<800xf32, #tpu.memory_space<vmem>>) target_semaphore(%arg26 : memref<!tpu.dma_semaphore, #tpu.memory_space<semaphore_mem>>)
    %mul3A_55 = arith.constant 100000 : i32
    %mul3A_56 = arith.muli %add3A, %mul3A_55 : i32
    %add3A_57 = arith.constant 800 : i32
    %add3A_58 = arith.addi %mul3A_56, %add3A_57 : i32
    %dma_start3A_59 = tpu.memref_slice %arg8[%add3A_58] : memref<3200000xi32, #tpu.memory_space<hbm>> -> memref<800xi32, #tpu.memory_space<hbm>>
    %dma_start3A_60 = tpu.memref_slice %arg8[%add3A_58] : memref<3200000xi32, #tpu.memory_space<hbm>> -> memref<800xi32, #tpu.memory_space<hbm>>
    tpu.enqueue_dma source(%dma_start3A_60 : memref<800xi32, #tpu.memory_space<hbm>>) target(%arg22 : memref<800xi32, #tpu.memory_space<vmem>>) target_semaphore(%arg27 : memref<!tpu.dma_semaphore, #tpu.memory_space<semaphore_mem>>)
    %dma_start3A_61 = tpu.memref_slice %arg9[%add3A_58] : memref<3200000xi32, #tpu.memory_space<hbm>> -> memref<800xi32, #tpu.memory_space<hbm>>
    %dma_start3A_62 = tpu.memref_slice %arg9[%add3A_58] : memref<3200000xi32, #tpu.memory_space<hbm>> -> memref<800xi32, #tpu.memory_space<hbm>>
    tpu.enqueue_dma source(%dma_start3A_62 : memref<800xi32, #tpu.memory_space<hbm>>) target(%arg23 : memref<800xi32, #tpu.memory_space<vmem>>) target_semaphore(%arg27 : memref<!tpu.dma_semaphore, #tpu.memory_space<semaphore_mem>>)
    %dma_start3A_63 = tpu.memref_slice %arg5[%add3A_58] : memref<3200000xf32, #tpu.memory_space<hbm>> -> memref<800xf32, #tpu.memory_space<hbm>>
    %dma_start3A_64 = tpu.memref_slice %arg5[%add3A_58] : memref<3200000xf32, #tpu.memory_space<hbm>> -> memref<800xf32, #tpu.memory_space<hbm>>
    tpu.enqueue_dma source(%dma_start3A_64 : memref<800xf32, #tpu.memory_space<hbm>>) target(%arg19 : memref<800xf32, #tpu.memory_space<vmem>>) target_semaphore(%arg27 : memref<!tpu.dma_semaphore, #tpu.memory_space<semaphore_mem>>)
    %dma_start3A_65 = tpu.memref_slice %arg6[%add3A_58] : memref<3200000xf32, #tpu.memory_space<hbm>> -> memref<800xf32, #tpu.memory_space<hbm>>
    %dma_start3A_66 = tpu.memref_slice %arg6[%add3A_58] : memref<3200000xf32, #tpu.memory_space<hbm>> -> memref<800xf32, #tpu.memory_space<hbm>>
    tpu.enqueue_dma source(%dma_start3A_66 : memref<800xf32, #tpu.memory_space<hbm>>) target(%arg20 : memref<800xf32, #tpu.memory_space<vmem>>) target_semaphore(%arg27 : memref<!tpu.dma_semaphore, #tpu.memory_space<semaphore_mem>>)
    %dma_start3A_67 = tpu.memref_slice %arg7[%add3A_58] : memref<3200000xf32, #tpu.memory_space<hbm>> -> memref<800xf32, #tpu.memory_space<hbm>>
    %dma_start3A_68 = tpu.memref_slice %arg7[%add3A_58] : memref<3200000xf32, #tpu.memory_space<hbm>> -> memref<800xf32, #tpu.memory_space<hbm>>
    tpu.enqueue_dma source(%dma_start3A_68 : memref<800xf32, #tpu.memory_space<hbm>>) target(%arg21 : memref<800xf32, #tpu.memory_space<vmem>>) target_semaphore(%arg27 : memref<!tpu.dma_semaphore, #tpu.memory_space<semaphore_mem>>)
    %scan3A_69 = arith.constant 0 : i32
    %scan3A_70 = arith.constant 0 : i32
    %scan3A_71 = arith.constant 62 : i32
    %scan3A_72 = arith.addi %scan3A_70, %scan3A_71 : i32
    %scan3A_73 = arith.constant 1 : i32
    %scan3A_74 = scf.for %scan3A_131 = %scan3A_70 to %scan3A_72 step %scan3A_73 iter_args(%scan3A_132 = %scan3A_69) -> (i32)  : i32 {
      %mul3A_133 = arith.constant 2 : i32
      %mul3A_134 = arith.muli %scan3A_131, %mul3A_133 : i32
      %add3A_135 = arith.constant 1 : i32
      %add3A_136 = arith.addi %mul3A_134, %add3A_135 : i32
      %dma_wait3A_137 = arith.constant 0 : i32
      %dma_wait3A_138 = tpu.memref_slice %arg8[%dma_wait3A_137] : memref<3200000xi32, #tpu.memory_space<hbm>> -> memref<800xi32, #tpu.memory_space<hbm>>
      %dma_wait3A_139 = arith.constant 0 : i32
      %dma_wait3A_140 = tpu.memref_slice %arg8[%dma_wait3A_139] : memref<3200000xi32, #tpu.memory_space<hbm>> -> memref<800xi32, #tpu.memory_space<hbm>>
      tpu.wait_dma2 semaphore(%arg26 : memref<!tpu.dma_semaphore, #tpu.memory_space<semaphore_mem>>) src(%dma_wait3A_140 : memref<800xi32, #tpu.memory_space<hbm>>) dst(%arg17 : memref<800xi32, #tpu.memory_space<vmem>>)
      %dma_wait3A_141 = arith.constant 0 : i32
      %dma_wait3A_142 = tpu.memref_slice %arg9[%dma_wait3A_141] : memref<3200000xi32, #tpu.memory_space<hbm>> -> memref<800xi32, #tpu.memory_space<hbm>>
      %dma_wait3A_143 = arith.constant 0 : i32
      %dma_wait3A_144 = tpu.memref_slice %arg9[%dma_wait3A_143] : memref<3200000xi32, #tpu.memory_space<hbm>> -> memref<800xi32, #tpu.memory_space<hbm>>
      tpu.wait_dma2 semaphore(%arg26 : memref<!tpu.dma_semaphore, #tpu.memory_space<semaphore_mem>>) src(%dma_wait3A_144 : memref<800xi32, #tpu.memory_space<hbm>>) dst(%arg18 : memref<800xi32, #tpu.memory_space<vmem>>)
      %dma_wait3A_145 = arith.constant 0 : i32
      %dma_wait3A_146 = tpu.memref_slice %arg5[%dma_wait3A_145] : memref<3200000xf32, #tpu.memory_space<hbm>> -> memref<800xf32, #tpu.memory_space<hbm>>
      %dma_wait3A_147 = arith.constant 0 : i32
      %dma_wait3A_148 = tpu.memref_slice %arg5[%dma_wait3A_147] : memref<3200000xf32, #tpu.memory_space<hbm>> -> memref<800xf32, #tpu.memory_space<hbm>>
      tpu.wait_dma2 semaphore(%arg26 : memref<!tpu.dma_semaphore, #tpu.memory_space<semaphore_mem>>) src(%dma_wait3A_148 : memref<800xf32, #tpu.memory_space<hbm>>) dst(%arg14 : memref<800xf32, #tpu.memory_space<vmem>>)
      %dma_wait3A_149 = arith.constant 0 : i32
      %dma_wait3A_150 = tpu.memref_slice %arg6[%dma_wait3A_149] : memref<3200000xf32, #tpu.memory_space<hbm>> -> memref<800xf32, #tpu.memory_space<hbm>>
      %dma_wait3A_151 = arith.constant 0 : i32
      %dma_wait3A_152 = tpu.memref_slice %arg6[%dma_wait3A_151] : memref<3200000xf32, #tpu.memory_space<hbm>> -> memref<800xf32, #tpu.memory_space<hbm>>
      tpu.wait_dma2 semaphore(%arg26 : memref<!tpu.dma_semaphore, #tpu.memory_space<semaphore_mem>>) src(%dma_wait3A_152 : memref<800xf32, #tpu.memory_space<hbm>>) dst(%arg15 : memref<800xf32, #tpu.memory_space<vmem>>)
      %dma_wait3A_153 = arith.constant 0 : i32
      %dma_wait3A_154 = tpu.memref_slice %arg7[%dma_wait3A_153] : memref<3200000xf32, #tpu.memory_space<hbm>> -> memref<800xf32, #tpu.memory_space<hbm>>
      %dma_wait3A_155 = arith.constant 0 : i32
      %dma_wait3A_156 = tpu.memref_slice %arg7[%dma_wait3A_155] : memref<3200000xf32, #tpu.memory_space<hbm>> -> memref<800xf32, #tpu.memory_space<hbm>>
      tpu.wait_dma2 semaphore(%arg26 : memref<!tpu.dma_semaphore, #tpu.memory_space<semaphore_mem>>) src(%dma_wait3A_156 : memref<800xf32, #tpu.memory_space<hbm>>) dst(%arg16 : memref<800xf32, #tpu.memory_space<vmem>>)
      %scan3A_157 = arith.constant 0 : i32
      %scan3A_158 = arith.constant 0 : i32
      %scan3A_159 = arith.constant 5 : i32
      %scan3A_160 = arith.addi %scan3A_158, %scan3A_159 : i32
      %scan3A_161 = arith.constant 1 : i32
      %scan3A_162 = scf.for %scan3A_229 = %scan3A_158 to %scan3A_160 step %scan3A_161 iter_args(%scan3A_230 = %scan3A_157) -> (i32)  : i32 {
        %mul3A_231 = arith.constant 10 : i32
        %mul3A_232 = arith.muli %scan3A_229, %mul3A_231 : i32
        %add3A_233 = arith.constant 0 : i32
        %add3A_234 = arith.addi %mul3A_232, %add3A_233 : i32
        %mul3A_235 = arith.constant 16 : i32
        %mul3A_236 = arith.muli %add3A_234, %mul3A_235 : i32
        %get3A_237 = arith.index_cast %mul3A_236 : i32 to index
        %get3A_238 = tpu.vector_load %arg17[%get3A_237] {strides = array<i32>} : memref<800xi32, #tpu.memory_space<vmem>>, vector<16xi32>,
        %get3A_239 = arith.index_cast %mul3A_236 : i32 to index
        %get3A_240 = tpu.vector_load %arg18[%get3A_239] {strides = array<i32>} : memref<800xi32, #tpu.memory_space<vmem>>, vector<16xi32>,
        %gather3A = tpu.vector_load_idx %arg11[%get3A_238] : memref<100000xi32, #tpu.memory_space<vmem>>[vector<16xi32>], vector<16xi32>,
        %gather3A_241 = tpu.vector_load_idx %arg11[%get3A_240] : memref<100000xi32, #tpu.memory_space<vmem>>[vector<16xi32>], vector<16xi32>,
        %and3A = arith.constant 127 : i32
        %and3A_242 = vector.broadcast %and3A : i32 to vector<16xi32>
        %and3A_243 = arith.andi %gather3A, %and3A_242 : vector<16xi32>
        %and3A_244 = arith.constant 127 : i32
        %and3A_245 = vector.broadcast %and3A_244 : i32 to vector<16xi32>
        %and3A_246 = arith.andi %gather3A_241, %and3A_245 : vector<16xi32>
        %shift_right_arithmetic3A = arith.constant 7 : i32
        %shift_right_arithmetic3A_247 = vector.broadcast %shift_right_arithmetic3A : i32 to vector<16xi32>
        %shift_right_arithmetic3A_248 = arith.shrsi %gather3A, %shift_right_arithmetic3A_247 : vector<16xi32>
        %shift_left3A = arith.constant 4 : i32
        %shift_left3A_249 = vector.broadcast %shift_left3A : i32 to vector<16xi32>
        %shift_left3A_250 = arith.shli %and3A_243, %shift_left3A_249 : vector<16xi32>
        %or3A = arith.ori %shift_left3A_250, %iota3A : vector<16xi32>
        %gather3A_251 = tpu.vector_load_idx %arg12[%or3A] : memref<2048xf32, #tpu.memory_space<vmem>>[vector<16xi32>], vector<16xf32>,
        %shift_left3A_252 = arith.constant 4 : i32
        %shift_left3A_253 = vector.broadcast %shift_left3A_252 : i32 to vector<16xi32>
        %shift_left3A_254 = arith.shli %and3A_246, %shift_left3A_253 : vector<16xi32>
        %or3A_255 = arith.ori %shift_left3A_254, %iota3A : vector<16xi32>
        %gather3A_256 = tpu.vector_load_idx %arg12[%or3A_255] : memref<2048xf32, #tpu.memory_space<vmem>>[vector<16xi32>], vector<16xf32>,
        %get3A_257 = arith.index_cast %mul3A_236 : i32 to index
        %get3A_258 = tpu.vector_load %arg14[%get3A_257] {strides = array<i32>} : memref<800xf32, #tpu.memory_space<vmem>>, vector<16xf32>,
        %get3A_259 = arith.index_cast %mul3A_236 : i32 to index
        %get3A_260 = tpu.vector_load %arg15[%get3A_259] {strides = array<i32>} : memref<800xf32, #tpu.memory_space<vmem>>, vector<16xf32>,
        %get3A_261 = arith.index_cast %mul3A_236 : i32 to index
        %get3A_262 = tpu.vector_load %arg16[%get3A_261] {strides = array<i32>} : memref<800xf32, #tpu.memory_space<vmem>>, vector<16xf32>,
        %mul3A_263 = arith.mulf %get3A_258, %get3A_258 : vector<16xf32>
        %mul3A_264 = arith.mulf %get3A_260, %get3A_260 : vector<16xf32>
        %add3A_265 = arith.addf %mul3A_263, %mul3A_264 : vector<16xf32>
        %mul3A_266 = arith.mulf %get3A_262, %get3A_262 : vector<16xf32>
        %add3A_267 = arith.addf %add3A_265, %mul3A_266 : vector<16xf32>
        %mul3A_268 = arith.constant 5.000000e-01 : f32
        %mul3A_269 = vector.broadcast %mul3A_268 : f32 to vector<16xf32>
        %mul3A_270 = arith.mulf %add3A_267, %mul3A_269 : vector<16xf32>
        %bitcast3A = vector.bitcast %add3A_267 : vector<16xf32> to vector<16xi32>
        %shift_right_arithmetic3A_271 = arith.constant 1 : i32
        %shift_right_arithmetic3A_272 = vector.broadcast %shift_right_arithmetic3A_271 : i32 to vector<16xi32>
        %shift_right_arithmetic3A_273 = arith.shrsi %bitcast3A, %shift_right_arithmetic3A_272 : vector<16xi32>
        %sub3A = arith.constant 1597463007 : i32
        %sub3A_274 = vector.broadcast %sub3A : i32 to vector<16xi32>
        %sub3A_275 = arith.subi %sub3A_274, %shift_right_arithmetic3A_273 : vector<16xi32>
        %bitcast3A_276 = vector.bitcast %sub3A_275 : vector<16xi32> to vector<16xf32>
        %mul3A_277 = arith.mulf %mul3A_270, %bitcast3A_276 : vector<16xf32>
        %mul3A_278 = arith.mulf %mul3A_277, %bitcast3A_276 : vector<16xf32>
        %sub3A_279 = arith.constant 1.500000e+00 : f32
        %sub3A_280 = vector.broadcast %sub3A_279 : f32 to vector<16xf32>
        %sub3A_281 = arith.subf %sub3A_280, %mul3A_278 : vector<16xf32>
        %mul3A_282 = arith.mulf %bitcast3A_276, %sub3A_281 : vector<16xf32>
        %mul3A_283 = arith.mulf %mul3A_270, %mul3A_282 : vector<16xf32>
        %mul3A_284 = arith.mulf %mul3A_283, %mul3A_282 : vector<16xf32>
        %sub3A_285 = arith.constant 1.500000e+00 : f32
        %sub3A_286 = vector.broadcast %sub3A_285 : f32 to vector<16xf32>
        %sub3A_287 = arith.subf %sub3A_286, %mul3A_284 : vector<16xf32>
        %mul3A_288 = arith.mulf %mul3A_282, %sub3A_287 : vector<16xf32>
        %mul3A_289 = arith.mulf %add3A_267, %mul3A_288 : vector<16xf32>
        %add3A_290 = arith.addf %gather3A_251, %gather3A_256 : vector<16xf32>
        %mul3A_291 = arith.mulf %add3A_290, %mul3A_289 : vector<16xf32>
        %mul3A_292 = arith.mulf %get3A_29, %mul3A_291 : vector<16xf32>
        %exp3A = math.exp %mul3A_292 : vector<16xf32>
        %mul3A_293 = arith.mulf %get3A_13, %exp3A : vector<16xf32>
        %mul3A_294 = arith.mulf %get3A_33, %mul3A_291 : vector<16xf32>
        %exp3A_295 = math.exp %mul3A_294 : vector<16xf32>
        %mul3A_296 = arith.mulf %get3A_17, %exp3A_295 : vector<16xf32>
        %add3A_297 = arith.addf %mul3A_293, %mul3A_296 : vector<16xf32>
        %mul3A_298 = arith.mulf %get3A_37, %mul3A_291 : vector<16xf32>
        %exp3A_299 = math.exp %mul3A_298 : vector<16xf32>
        %mul3A_300 = arith.mulf %get3A_21, %exp3A_299 : vector<16xf32>
        %add3A_301 = arith.addf %add3A_297, %mul3A_300 : vector<16xf32>
        %mul3A_302 = arith.mulf %get3A_41, %mul3A_291 : vector<16xf32>
        %exp3A_303 = math.exp %mul3A_302 : vector<16xf32>
        %mul3A_304 = arith.mulf %get3A_25, %exp3A_303 : vector<16xf32>
        %add3A_305 = arith.addf %add3A_301, %mul3A_304 : vector<16xf32>
        %convert_element_type3A = arith.sitofp %and3A_243 : vector<16xi32> to vector<16xf32>
        %convert_element_type3A_306 = arith.sitofp %and3A_246 : vector<16xi32> to vector<16xf32>
        %mul3A_307 = arith.mulf %convert_element_type3A, %convert_element_type3A_306 : vector<16xf32>
        %mul3A_308 = arith.mulf %mul3A_307, %mul3A_288 : vector<16xf32>
        %add3A_309 = arith.addi %mul3A_3, %shift_right_arithmetic3A_248 : vector<16xi32>
        %mul3A_310 = arith.mulf %mul3A_308, %add3A_305 : vector<16xf32>
        tpu.vector_store_idx %arg24[%add3A_309], %mul3A_310 {add = true} : memref<16144xf32, #tpu.memory_space<vmem>>[vector<16xi32>], vector<16xf32>,
        %mul3A_311 = arith.constant 10 : i32
        %mul3A_312 = arith.muli %scan3A_229, %mul3A_311 : i32
        %add3A_313 = arith.constant 1 : i32
        %add3A_314 = arith.addi %mul3A_312, %add3A_313 : i32
        %mul3A_315 = arith.constant 16 : i32
        %mul3A_316 = arith.muli %add3A_314, %mul3A_315 : i32
        %get3A_317 = arith.index_cast %mul3A_316 : i32 to index
        %get3A_318 = tpu.vector_load %arg17[%get3A_317] {strides = array<i32>} : memref<800xi32, #tpu.memory_space<vmem>>, vector<16xi32>,
        %get3A_319 = arith.index_cast %mul3A_316 : i32 to index
        %get3A_320 = tpu.vector_load %arg18[%get3A_319] {strides = array<i32>} : memref<800xi32, #tpu.memory_space<vmem>>, vector<16xi32>,
        %gather3A_321 = tpu.vector_load_idx %arg11[%get3A_318] : memref<100000xi32, #tpu.memory_space<vmem>>[vector<16xi32>], vector<16xi32>,
        %gather3A_322 = tpu.vector_load_idx %arg11[%get3A_320] : memref<100000xi32, #tpu.memory_space<vmem>>[vector<16xi32>], vector<16xi32>,
        %and3A_323 = arith.constant 127 : i32
        %and3A_324 = vector.broadcast %and3A_323 : i32 to vector<16xi32>
        %and3A_325 = arith.andi %gather3A_321, %and3A_324 : vector<16xi32>
        %and3A_326 = arith.constant 127 : i32
        %and3A_327 = vector.broadcast %and3A_326 : i32 to vector<16xi32>
        %and3A_328 = arith.andi %gather3A_322, %and3A_327 : vector<16xi32>
        %shift_right_arithmetic3A_329 = arith.constant 7 : i32
        %shift_right_arithmetic3A_330 = vector.broadcast %shift_right_arithmetic3A_329 : i32 to vector<16xi32>
        %shift_right_arithmetic3A_331 = arith.shrsi %gather3A_321, %shift_right_arithmetic3A_330 : vector<16xi32>
        %shift_left3A_332 = arith.constant 4 : i32
        %shift_left3A_333 = vector.broadcast %shift_left3A_332 : i32 to vector<16xi32>
        %shift_left3A_334 = arith.shli %and3A_325, %shift_left3A_333 : vector<16xi32>
        %or3A_335 = arith.ori %shift_left3A_334, %iota3A : vector<16xi32>
        %gather3A_336 = tpu.vector_load_idx %arg12[%or3A_335] : memref<2048xf32, #tpu.memory_space<vmem>>[vector<16xi32>], vector<16xf32>,
        %shift_left3A_337 = arith.constant 4 : i32
        %shift_left3A_338 = vector.broadcast %shift_left3A_337 : i32 to vector<16xi32>
        %shift_left3A_339 = arith.shli %and3A_328, %shift_left3A_338 : vector<16xi32>
        %or3A_340 = arith.ori %shift_left3A_339, %iota3A : vector<16xi32>
        %gather3A_341 = tpu.vector_load_idx %arg12[%or3A_340] : memref<2048xf32, #tpu.memory_space<vmem>>[vector<16xi32>], vector<16xf32>,
        %get3A_342 = arith.index_cast %mul3A_316 : i32 to index
        %get3A_343 = tpu.vector_load %arg14[%get3A_342] {strides = array<i32>} : memref<800xf32, #tpu.memory_space<vmem>>, vector<16xf32>,
        %get3A_344 = arith.index_cast %mul3A_316 : i32 to index
        %get3A_345 = tpu.vector_load %arg15[%get3A_344] {strides = array<i32>} : memref<800xf32, #tpu.memory_space<vmem>>, vector<16xf32>,
        %get3A_346 = arith.index_cast %mul3A_316 : i32 to index
        %get3A_347 = tpu.vector_load %arg16[%get3A_346] {strides = array<i32>} : memref<800xf32, #tpu.memory_space<vmem>>, vector<16xf32>,
        %mul3A_348 = arith.mulf %get3A_343, %get3A_343 : vector<16xf32>
        %mul3A_349 = arith.mulf %get3A_345, %get3A_345 : vector<16xf32>
        %add3A_350 = arith.addf %mul3A_348, %mul3A_349 : vector<16xf32>
        %mul3A_351 = arith.mulf %get3A_347, %get3A_347 : vector<16xf32>
        %add3A_352 = arith.addf %add3A_350, %mul3A_351 : vector<16xf32>
        %mul3A_353 = arith.constant 5.000000e-01 : f32
        %mul3A_354 = vector.broadcast %mul3A_353 : f32 to vector<16xf32>
        %mul3A_355 = arith.mulf %add3A_352, %mul3A_354 : vector<16xf32>
        %bitcast3A_356 = vector.bitcast %add3A_352 : vector<16xf32> to vector<16xi32>
        %shift_right_arithmetic3A_357 = arith.constant 1 : i32
        %shift_right_arithmetic3A_358 = vector.broadcast %shift_right_arithmetic3A_357 : i32 to vector<16xi32>
        %shift_right_arithmetic3A_359 = arith.shrsi %bitcast3A_356, %shift_right_arithmetic3A_358 : vector<16xi32>
        %sub3A_360 = arith.constant 1597463007 : i32
        %sub3A_361 = vector.broadcast %sub3A_360 : i32 to vector<16xi32>
        %sub3A_362 = arith.subi %sub3A_361, %shift_right_arithmetic3A_359 : vector<16xi32>
        %bitcast3A_363 = vector.bitcast %sub3A_362 : vector<16xi32> to vector<16xf32>
        %mul3A_364 = arith.mulf %mul3A_355, %bitcast3A_363 : vector<16xf32>
        %mul3A_365 = arith.mulf %mul3A_364, %bitcast3A_363 : vector<16xf32>
        %sub3A_366 = arith.constant 1.500000e+00 : f32
        %sub3A_367 = vector.broadcast %sub3A_366 : f32 to vector<16xf32>
        %sub3A_368 = arith.subf %sub3A_367, %mul3A_365 : vector<16xf32>
        %mul3A_369 = arith.mulf %bitcast3A_363, %sub3A_368 : vector<16xf32>
        %mul3A_370 = arith.mulf %mul3A_355, %mul3A_369 : vector<16xf32>
        %mul3A_371 = arith.mulf %mul3A_370, %mul3A_369 : vector<16xf32>
        %sub3A_372 = arith.constant 1.500000e+00 : f32
        %sub3A_373 = vector.broadcast %sub3A_372 : f32 to vector<16xf32>
        %sub3A_374 = arith.subf %sub3A_373, %mul3A_371 : vector<16xf32>
        %mul3A_375 = arith.mulf %mul3A_369, %sub3A_374 : vector<16xf32>
        %mul3A_376 = arith.mulf %add3A_352, %mul3A_375 : vector<16xf32>
        %add3A_377 = arith.addf %gather3A_336, %gather3A_341 : vector<16xf32>
        %mul3A_378 = arith.mulf %add3A_377, %mul3A_376 : vector<16xf32>
        %mul3A_379 = arith.mulf %get3A_29, %mul3A_378 : vector<16xf32>
        %exp3A_380 = math.exp %mul3A_379 : vector<16xf32>
        %mul3A_381 = arith.mulf %get3A_13, %exp3A_380 : vector<16xf32>
        %mul3A_382 = arith.mulf %get3A_33, %mul3A_378 : vector<16xf32>
        %exp3A_383 = math.exp %mul3A_382 : vector<16xf32>
        %mul3A_384 = arith.mulf %get3A_17, %exp3A_383 : vector<16xf32>
        %add3A_385 = arith.addf %mul3A_381, %mul3A_384 : vector<16xf32>
        %mul3A_386 = arith.mulf %get3A_37, %mul3A_378 : vector<16xf32>
        %exp3A_387 = math.exp %mul3A_386 : vector<16xf32>
        %mul3A_388 = arith.mulf %get3A_21, %exp3A_387 : vector<16xf32>
        %add3A_389 = arith.addf %add3A_385, %mul3A_388 : vector<16xf32>
        %mul3A_390 = arith.mulf %get3A_41, %mul3A_378 : vector<16xf32>
        %exp3A_391 = math.exp %mul3A_390 : vector<16xf32>
        %mul3A_392 = arith.mulf %get3A_25, %exp3A_391 : vector<16xf32>
        %add3A_393 = arith.addf %add3A_389, %mul3A_392 : vector<16xf32>
        %convert_element_type3A_394 = arith.sitofp %and3A_325 : vector<16xi32> to vector<16xf32>
        %convert_element_type3A_395 = arith.sitofp %and3A_328 : vector<16xi32> to vector<16xf32>
        %mul3A_396 = arith.mulf %convert_element_type3A_394, %convert_element_type3A_395 : vector<16xf32>
        %mul3A_397 = arith.mulf %mul3A_396, %mul3A_375 : vector<16xf32>
        %add3A_398 = arith.addi %mul3A_3, %shift_right_arithmetic3A_331 : vector<16xi32>
        %mul3A_399 = arith.mulf %mul3A_397, %add3A_393 : vector<16xf32>
        tpu.vector_store_idx %arg24[%add3A_398], %mul3A_399 {add = true} : memref<16144xf32, #tpu.memory_space<vmem>>[vector<16xi32>], vector<16xf32>,
        %mul3A_400 = arith.constant 10 : i32
        %mul3A_401 = arith.muli %scan3A_229, %mul3A_400 : i32
        %add3A_402 = arith.constant 2 : i32
        %add3A_403 = arith.addi %mul3A_401, %add3A_402 : i32
        %mul3A_404 = arith.constant 16 : i32
        %mul3A_405 = arith.muli %add3A_403, %mul3A_404 : i32
        %get3A_406 = arith.index_cast %mul3A_405 : i32 to index
        %get3A_407 = tpu.vector_load %arg17[%get3A_406] {strides = array<i32>} : memref<800xi32, #tpu.memory_space<vmem>>, vector<16xi32>,
        %get3A_408 = arith.index_cast %mul3A_405 : i32 to index
        %get3A_409 = tpu.vector_load %arg18[%get3A_408] {strides = array<i32>} : memref<800xi32, #tpu.memory_space<vmem>>, vector<16xi32>,
        %gather3A_410 = tpu.vector_load_idx %arg11[%get3A_407] : memref<100000xi32, #tpu.memory_space<vmem>>[vector<16xi32>], vector<16xi32>,
        %gather3A_411 = tpu.vector_load_idx %arg11[%get3A_409] : memref<100000xi32, #tpu.memory_space<vmem>>[vector<16xi32>], vector<16xi32>,
        %and3A_412 = arith.constant 127 : i32
        %and3A_413 = vector.broadcast %and3A_412 : i32 to vector<16xi32>
        %and3A_414 = arith.andi %gather3A_410, %and3A_413 : vector<16xi32>
        %and3A_415 = arith.constant 127 : i32
        %and3A_416 = vector.broadcast %and3A_415 : i32 to vector<16xi32>
        %and3A_417 = arith.andi %gather3A_411, %and3A_416 : vector<16xi32>
        %shift_right_arithmetic3A_418 = arith.constant 7 : i32
        %shift_right_arithmetic3A_419 = vector.broadcast %shift_right_arithmetic3A_418 : i32 to vector<16xi32>
        %shift_right_arithmetic3A_420 = arith.shrsi %gather3A_410, %shift_right_arithmetic3A_419 : vector<16xi32>
        %shift_left3A_421 = arith.constant 4 : i32
        %shift_left3A_422 = vector.broadcast %shift_left3A_421 : i32 to vector<16xi32>
        %shift_left3A_423 = arith.shli %and3A_414, %shift_left3A_422 : vector<16xi32>
        %or3A_424 = arith.ori %shift_left3A_423, %iota3A : vector<16xi32>
        %gather3A_425 = tpu.vector_load_idx %arg12[%or3A_424] : memref<2048xf32, #tpu.memory_space<vmem>>[vector<16xi32>], vector<16xf32>,
        %shift_left3A_426 = arith.constant 4 : i32
        %shift_left3A_427 = vector.broadcast %shift_left3A_426 : i32 to vector<16xi32>
        %shift_left3A_428 = arith.shli %and3A_417, %shift_left3A_427 : vector<16xi32>
        %or3A_429 = arith.ori %shift_left3A_428, %iota3A : vector<16xi32>
        %gather3A_430 = tpu.vector_load_idx %arg12[%or3A_429] : memref<2048xf32, #tpu.memory_space<vmem>>[vector<16xi32>], vector<16xf32>,
        %get3A_431 = arith.index_cast %mul3A_405 : i32 to index
        %get3A_432 = tpu.vector_load %arg14[%get3A_431] {strides = array<i32>} : memref<800xf32, #tpu.memory_space<vmem>>, vector<16xf32>,
        %get3A_433 = arith.index_cast %mul3A_405 : i32 to index
        %get3A_434 = tpu.vector_load %arg15[%get3A_433] {strides = array<i32>} : memref<800xf32, #tpu.memory_space<vmem>>, vector<16xf32>,
        %get3A_435 = arith.index_cast %mul3A_405 : i32 to index
        %get3A_436 = tpu.vector_load %arg16[%get3A_435] {strides = array<i32>} : memref<800xf32, #tpu.memory_space<vmem>>, vector<16xf32>,
        %mul3A_437 = arith.mulf %get3A_432, %get3A_432 : vector<16xf32>
        %mul3A_438 = arith.mulf %get3A_434, %get3A_434 : vector<16xf32>
        %add3A_439 = arith.addf %mul3A_437, %mul3A_438 : vector<16xf32>
        %mul3A_440 = arith.mulf %get3A_436, %get3A_436 : vector<16xf32>
        %add3A_441 = arith.addf %add3A_439, %mul3A_440 : vector<16xf32>
        %mul3A_442 = arith.constant 5.000000e-01 : f32
        %mul3A_443 = vector.broadcast %mul3A_442 : f32 to vector<16xf32>
        %mul3A_444 = arith.mulf %add3A_441, %mul3A_443 : vector<16xf32>
        %bitcast3A_445 = vector.bitcast %add3A_441 : vector<16xf32> to vector<16xi32>
        %shift_right_arithmetic3A_446 = arith.constant 1 : i32
        %shift_right_arithmetic3A_447 = vector.broadcast %shift_right_arithmetic3A_446 : i32 to vector<16xi32>
        %shift_right_arithmetic3A_448 = arith.shrsi %bitcast3A_445, %shift_right_arithmetic3A_447 : vector<16xi32>
        %sub3A_449 = arith.constant 1597463007 : i32
        %sub3A_450 = vector.broadcast %sub3A_449 : i32 to vector<16xi32>
        %sub3A_451 = arith.subi %sub3A_450, %shift_right_arithmetic3A_448 : vector<16xi32>
        %bitcast3A_452 = vector.bitcast %sub3A_451 : vector<16xi32> to vector<16xf32>
        %mul3A_453 = arith.mulf %mul3A_444, %bitcast3A_452 : vector<16xf32>
        %mul3A_454 = arith.mulf %mul3A_453, %bitcast3A_452 : vector<16xf32>
        %sub3A_455 = arith.constant 1.500000e+00 : f32
        %sub3A_456 = vector.broadcast %sub3A_455 : f32 to vector<16xf32>
        %sub3A_457 = arith.subf %sub3A_456, %mul3A_454 : vector<16xf32>
        %mul3A_458 = arith.mulf %bitcast3A_452, %sub3A_457 : vector<16xf32>
        %mul3A_459 = arith.mulf %mul3A_444, %mul3A_458 : vector<16xf32>
        %mul3A_460 = arith.mulf %mul3A_459, %mul3A_458 : vector<16xf32>
        %sub3A_461 = arith.constant 1.500000e+00 : f32
        %sub3A_462 = vector.broadcast %sub3A_461 : f32 to vector<16xf32>
        %sub3A_463 = arith.subf %sub3A_462, %mul3A_460 : vector<16xf32>
        %mul3A_464 = arith.mulf %mul3A_458, %sub3A_463 : vector<16xf32>
        %mul3A_465 = arith.mulf %add3A_441, %mul3A_464 : vector<16xf32>
        %add3A_466 = arith.addf %gather3A_425, %gather3A_430 : vector<16xf32>
        %mul3A_467 = arith.mulf %add3A_466, %mul3A_465 : vector<16xf32>
        %mul3A_468 = arith.mulf %get3A_29, %mul3A_467 : vector<16xf32>
        %exp3A_469 = math.exp %mul3A_468 : vector<16xf32>
        %mul3A_470 = arith.mulf %get3A_13, %exp3A_469 : vector<16xf32>
        %mul3A_471 = arith.mulf %get3A_33, %mul3A_467 : vector<16xf32>
        %exp3A_472 = math.exp %mul3A_471 : vector<16xf32>
        %mul3A_473 = arith.mulf %get3A_17, %exp3A_472 : vector<16xf32>
        %add3A_474 = arith.addf %mul3A_470, %mul3A_473 : vector<16xf32>
        %mul3A_475 = arith.mulf %get3A_37, %mul3A_467 : vector<16xf32>
        %exp3A_476 = math.exp %mul3A_475 : vector<16xf32>
        %mul3A_477 = arith.mulf %get3A_21, %exp3A_476 : vector<16xf32>
        %add3A_478 = arith.addf %add3A_474, %mul3A_477 : vector<16xf32>
        %mul3A_479 = arith.mulf %get3A_41, %mul3A_467 : vector<16xf32>
        %exp3A_480 = math.exp %mul3A_479 : vector<16xf32>
        %mul3A_481 = arith.mulf %get3A_25, %exp3A_480 : vector<16xf32>
        %add3A_482 = arith.addf %add3A_478, %mul3A_481 : vector<16xf32>
        %convert_element_type3A_483 = arith.sitofp %and3A_414 : vector<16xi32> to vector<16xf32>
        %convert_element_type3A_484 = arith.sitofp %and3A_417 : vector<16xi32> to vector<16xf32>
        %mul3A_485 = arith.mulf %convert_element_type3A_483, %convert_element_type3A_484 : vector<16xf32>
        %mul3A_486 = arith.mulf %mul3A_485, %mul3A_464 : vector<16xf32>
        %add3A_487 = arith.addi %mul3A_3, %shift_right_arithmetic3A_420 : vector<16xi32>
        %mul3A_488 = arith.mulf %mul3A_486, %add3A_482 : vector<16xf32>
        tpu.vector_store_idx %arg24[%add3A_487], %mul3A_488 {add = true} : memref<16144xf32, #tpu.memory_space<vmem>>[vector<16xi32>], vector<16xf32>,
        %mul3A_489 = arith.constant 10 : i32
        %mul3A_490 = arith.muli %scan3A_229, %mul3A_489 : i32
        %add3A_491 = arith.constant 3 : i32
        %add3A_492 = arith.addi %mul3A_490, %add3A_491 : i32
        %mul3A_493 = arith.constant 16 : i32
        %mul3A_494 = arith.muli %add3A_492, %mul3A_493 : i32
        %get3A_495 = arith.index_cast %mul3A_494 : i32 to index
        %get3A_496 = tpu.vector_load %arg17[%get3A_495] {strides = array<i32>} : memref<800xi32, #tpu.memory_space<vmem>>, vector<16xi32>,
        %get3A_497 = arith.index_cast %mul3A_494 : i32 to index
        %get3A_498 = tpu.vector_load %arg18[%get3A_497] {strides = array<i32>} : memref<800xi32, #tpu.memory_space<vmem>>, vector<16xi32>,
        %gather3A_499 = tpu.vector_load_idx %arg11[%get3A_496] : memref<100000xi32, #tpu.memory_space<vmem>>[vector<16xi32>], vector<16xi32>,
        %gather3A_500 = tpu.vector_load_idx %arg11[%get3A_498] : memref<100000xi32, #tpu.memory_space<vmem>>[vector<16xi32>], vector<16xi32>,
        %and3A_501 = arith.constant 127 : i32
        %and3A_502 = vector.broadcast %and3A_501 : i32 to vector<16xi32>
        %and3A_503 = arith.andi %gather3A_499, %and3A_502 : vector<16xi32>
        %and3A_504 = arith.constant 127 : i32
        %and3A_505 = vector.broadcast %and3A_504 : i32 to vector<16xi32>
        %and3A_506 = arith.andi %gather3A_500, %and3A_505 : vector<16xi32>
        %shift_right_arithmetic3A_507 = arith.constant 7 : i32
        %shift_right_arithmetic3A_508 = vector.broadcast %shift_right_arithmetic3A_507 : i32 to vector<16xi32>
        %shift_right_arithmetic3A_509 = arith.shrsi %gather3A_499, %shift_right_arithmetic3A_508 : vector<16xi32>
        %shift_left3A_510 = arith.constant 4 : i32
        %shift_left3A_511 = vector.broadcast %shift_left3A_510 : i32 to vector<16xi32>
        %shift_left3A_512 = arith.shli %and3A_503, %shift_left3A_511 : vector<16xi32>
        %or3A_513 = arith.ori %shift_left3A_512, %iota3A : vector<16xi32>
        %gather3A_514 = tpu.vector_load_idx %arg12[%or3A_513] : memref<2048xf32, #tpu.memory_space<vmem>>[vector<16xi32>], vector<16xf32>,
        %shift_left3A_515 = arith.constant 4 : i32
        %shift_left3A_516 = vector.broadcast %shift_left3A_515 : i32 to vector<16xi32>
        %shift_left3A_517 = arith.shli %and3A_506, %shift_left3A_516 : vector<16xi32>
        %or3A_518 = arith.ori %shift_left3A_517, %iota3A : vector<16xi32>
        %gather3A_519 = tpu.vector_load_idx %arg12[%or3A_518] : memref<2048xf32, #tpu.memory_space<vmem>>[vector<16xi32>], vector<16xf32>,
        %get3A_520 = arith.index_cast %mul3A_494 : i32 to index
        %get3A_521 = tpu.vector_load %arg14[%get3A_520] {strides = array<i32>} : memref<800xf32, #tpu.memory_space<vmem>>, vector<16xf32>,
        %get3A_522 = arith.index_cast %mul3A_494 : i32 to index
        %get3A_523 = tpu.vector_load %arg15[%get3A_522] {strides = array<i32>} : memref<800xf32, #tpu.memory_space<vmem>>, vector<16xf32>,
        %get3A_524 = arith.index_cast %mul3A_494 : i32 to index
        %get3A_525 = tpu.vector_load %arg16[%get3A_524] {strides = array<i32>} : memref<800xf32, #tpu.memory_space<vmem>>, vector<16xf32>,
        %mul3A_526 = arith.mulf %get3A_521, %get3A_521 : vector<16xf32>
        %mul3A_527 = arith.mulf %get3A_523, %get3A_523 : vector<16xf32>
        %add3A_528 = arith.addf %mul3A_526, %mul3A_527 : vector<16xf32>
        %mul3A_529 = arith.mulf %get3A_525, %get3A_525 : vector<16xf32>
        %add3A_530 = arith.addf %add3A_528, %mul3A_529 : vector<16xf32>
        %mul3A_531 = arith.constant 5.000000e-01 : f32
        %mul3A_532 = vector.broadcast %mul3A_531 : f32 to vector<16xf32>
        %mul3A_533 = arith.mulf %add3A_530, %mul3A_532 : vector<16xf32>
        %bitcast3A_534 = vector.bitcast %add3A_530 : vector<16xf32> to vector<16xi32>
        %shift_right_arithmetic3A_535 = arith.constant 1 : i32
        %shift_right_arithmetic3A_536 = vector.broadcast %shift_right_arithmetic3A_535 : i32 to vector<16xi32>
        %shift_right_arithmetic3A_537 = arith.shrsi %bitcast3A_534, %shift_right_arithmetic3A_536 : vector<16xi32>
        %sub3A_538 = arith.constant 1597463007 : i32
        %sub3A_539 = vector.broadcast %sub3A_538 : i32 to vector<16xi32>
        %sub3A_540 = arith.subi %sub3A_539, %shift_right_arithmetic3A_537 : vector<16xi32>
        %bitcast3A_541 = vector.bitcast %sub3A_540 : vector<16xi32> to vector<16xf32>
        %mul3A_542 = arith.mulf %mul3A_533, %bitcast3A_541 : vector<16xf32>
        %mul3A_543 = arith.mulf %mul3A_542, %bitcast3A_541 : vector<16xf32>
        %sub3A_544 = arith.constant 1.500000e+00 : f32
        %sub3A_545 = vector.broadcast %sub3A_544 : f32 to vector<16xf32>
        %sub3A_546 = arith.subf %sub3A_545, %mul3A_543 : vector<16xf32>
        %mul3A_547 = arith.mulf %bitcast3A_541, %sub3A_546 : vector<16xf32>
        %mul3A_548 = arith.mulf %mul3A_533, %mul3A_547 : vector<16xf32>
        %mul3A_549 = arith.mulf %mul3A_548, %mul3A_547 : vector<16xf32>
        %sub3A_550 = arith.constant 1.500000e+00 : f32
        %sub3A_551 = vector.broadcast %sub3A_550 : f32 to vector<16xf32>
        %sub3A_552 = arith.subf %sub3A_551, %mul3A_549 : vector<16xf32>
        %mul3A_553 = arith.mulf %mul3A_547, %sub3A_552 : vector<16xf32>
        %mul3A_554 = arith.mulf %add3A_530, %mul3A_553 : vector<16xf32>
        %add3A_555 = arith.addf %gather3A_514, %gather3A_519 : vector<16xf32>
        %mul3A_556 = arith.mulf %add3A_555, %mul3A_554 : vector<16xf32>
        %mul3A_557 = arith.mulf %get3A_29, %mul3A_556 : vector<16xf32>
        %exp3A_558 = math.exp %mul3A_557 : vector<16xf32>
        %mul3A_559 = arith.mulf %get3A_13, %exp3A_558 : vector<16xf32>
        %mul3A_560 = arith.mulf %get3A_33, %mul3A_556 : vector<16xf32>
        %exp3A_561 = math.exp %mul3A_560 : vector<16xf32>
        %mul3A_562 = arith.mulf %get3A_17, %exp3A_561 : vector<16xf32>
        %add3A_563 = arith.addf %mul3A_559, %mul3A_562 : vector<16xf32>
        %mul3A_564 = arith.mulf %get3A_37, %mul3A_556 : vector<16xf32>
        %exp3A_565 = math.exp %mul3A_564 : vector<16xf32>
        %mul3A_566 = arith.mulf %get3A_21, %exp3A_565 : vector<16xf32>
        %add3A_567 = arith.addf %add3A_563, %mul3A_566 : vector<16xf32>
        %mul3A_568 = arith.mulf %get3A_41, %mul3A_556 : vector<16xf32>
        %exp3A_569 = math.exp %mul3A_568 : vector<16xf32>
        %mul3A_570 = arith.mulf %get3A_25, %exp3A_569 : vector<16xf32>
        %add3A_571 = arith.addf %add3A_567, %mul3A_570 : vector<16xf32>
        %convert_element_type3A_572 = arith.sitofp %and3A_503 : vector<16xi32> to vector<16xf32>
        %convert_element_type3A_573 = arith.sitofp %and3A_506 : vector<16xi32> to vector<16xf32>
        %mul3A_574 = arith.mulf %convert_element_type3A_572, %convert_element_type3A_573 : vector<16xf32>
        %mul3A_575 = arith.mulf %mul3A_574, %mul3A_553 : vector<16xf32>
        %add3A_576 = arith.addi %mul3A_3, %shift_right_arithmetic3A_509 : vector<16xi32>
        %mul3A_577 = arith.mulf %mul3A_575, %add3A_571 : vector<16xf32>
        tpu.vector_store_idx %arg24[%add3A_576], %mul3A_577 {add = true} : memref<16144xf32, #tpu.memory_space<vmem>>[vector<16xi32>], vector<16xf32>,
        %mul3A_578 = arith.constant 10 : i32
        %mul3A_579 = arith.muli %scan3A_229, %mul3A_578 : i32
        %add3A_580 = arith.constant 4 : i32
        %add3A_581 = arith.addi %mul3A_579, %add3A_580 : i32
        %mul3A_582 = arith.constant 16 : i32
        %mul3A_583 = arith.muli %add3A_581, %mul3A_582 : i32
        %get3A_584 = arith.index_cast %mul3A_583 : i32 to index
        %get3A_585 = tpu.vector_load %arg17[%get3A_584] {strides = array<i32>} : memref<800xi32, #tpu.memory_space<vmem>>, vector<16xi32>,
        %get3A_586 = arith.index_cast %mul3A_583 : i32 to index
        %get3A_587 = tpu.vector_load %arg18[%get3A_586] {strides = array<i32>} : memref<800xi32, #tpu.memory_space<vmem>>, vector<16xi32>,
        %gather3A_588 = tpu.vector_load_idx %arg11[%get3A_585] : memref<100000xi32, #tpu.memory_space<vmem>>[vector<16xi32>], vector<16xi32>,
        %gather3A_589 = tpu.vector_load_idx %arg11[%get3A_587] : memref<100000xi32, #tpu.memory_space<vmem>>[vector<16xi32>], vector<16xi32>,
        %and3A_590 = arith.constant 127 : i32
        %and3A_591 = vector.broadcast %and3A_590 : i32 to vector<16xi32>
        %and3A_592 = arith.andi %gather3A_588, %and3A_591 : vector<16xi32>
        %and3A_593 = arith.constant 127 : i32
        %and3A_594 = vector.broadcast %and3A_593 : i32 to vector<16xi32>
        %and3A_595 = arith.andi %gather3A_589, %and3A_594 : vector<16xi32>
        %shift_right_arithmetic3A_596 = arith.constant 7 : i32
        %shift_right_arithmetic3A_597 = vector.broadcast %shift_right_arithmetic3A_596 : i32 to vector<16xi32>
        %shift_right_arithmetic3A_598 = arith.shrsi %gather3A_588, %shift_right_arithmetic3A_597 : vector<16xi32>
        %shift_left3A_599 = arith.constant 4 : i32
        %shift_left3A_600 = vector.broadcast %shift_left3A_599 : i32 to vector<16xi32>
        %shift_left3A_601 = arith.shli %and3A_592, %shift_left3A_600 : vector<16xi32>
        %or3A_602 = arith.ori %shift_left3A_601, %iota3A : vector<16xi32>
        %gather3A_603 = tpu.vector_load_idx %arg12[%or3A_602] : memref<2048xf32, #tpu.memory_space<vmem>>[vector<16xi32>], vector<16xf32>,
        %shift_left3A_604 = arith.constant 4 : i32
        %shift_left3A_605 = vector.broadcast %shift_left3A_604 : i32 to vector<16xi32>
        %shift_left3A_606 = arith.shli %and3A_595, %shift_left3A_605 : vector<16xi32>
        %or3A_607 = arith.ori %shift_left3A_606, %iota3A : vector<16xi32>
        %gather3A_608 = tpu.vector_load_idx %arg12[%or3A_607] : memref<2048xf32, #tpu.memory_space<vmem>>[vector<16xi32>], vector<16xf32>,
        %get3A_609 = arith.index_cast %mul3A_583 : i32 to index
        %get3A_610 = tpu.vector_load %arg14[%get3A_609] {strides = array<i32>} : memref<800xf32, #tpu.memory_space<vmem>>, vector<16xf32>,
        %get3A_611 = arith.index_cast %mul3A_583 : i32 to index
        %get3A_612 = tpu.vector_load %arg15[%get3A_611] {strides = array<i32>} : memref<800xf32, #tpu.memory_space<vmem>>, vector<16xf32>,
        %get3A_613 = arith.index_cast %mul3A_583 : i32 to index
        %get3A_614 = tpu.vector_load %arg16[%get3A_613] {strides = array<i32>} : memref<800xf32, #tpu.memory_space<vmem>>, vector<16xf32>,
        %mul3A_615 = arith.mulf %get3A_610, %get3A_610 : vector<16xf32>
        %mul3A_616 = arith.mulf %get3A_612, %get3A_612 : vector<16xf32>
        %add3A_617 = arith.addf %mul3A_615, %mul3A_616 : vector<16xf32>
        %mul3A_618 = arith.mulf %get3A_614, %get3A_614 : vector<16xf32>
        %add3A_619 = arith.addf %add3A_617, %mul3A_618 : vector<16xf32>
        %mul3A_620 = arith.constant 5.000000e-01 : f32
        %mul3A_621 = vector.broadcast %mul3A_620 : f32 to vector<16xf32>
        %mul3A_622 = arith.mulf %add3A_619, %mul3A_621 : vector<16xf32>
        %bitcast3A_623 = vector.bitcast %add3A_619 : vector<16xf32> to vector<16xi32>
        %shift_right_arithmetic3A_624 = arith.constant 1 : i32
        %shift_right_arithmetic3A_625 = vector.broadcast %shift_right_arithmetic3A_624 : i32 to vector<16xi32>
        %shift_right_arithmetic3A_626 = arith.shrsi %bitcast3A_623, %shift_right_arithmetic3A_625 : vector<16xi32>
        %sub3A_627 = arith.constant 1597463007 : i32
        %sub3A_628 = vector.broadcast %sub3A_627 : i32 to vector<16xi32>
        %sub3A_629 = arith.subi %sub3A_628, %shift_right_arithmetic3A_626 : vector<16xi32>
        %bitcast3A_630 = vector.bitcast %sub3A_629 : vector<16xi32> to vector<16xf32>
        %mul3A_631 = arith.mulf %mul3A_622, %bitcast3A_630 : vector<16xf32>
        %mul3A_632 = arith.mulf %mul3A_631, %bitcast3A_630 : vector<16xf32>
        %sub3A_633 = arith.constant 1.500000e+00 : f32
        %sub3A_634 = vector.broadcast %sub3A_633 : f32 to vector<16xf32>
        %sub3A_635 = arith.subf %sub3A_634, %mul3A_632 : vector<16xf32>
        %mul3A_636 = arith.mulf %bitcast3A_630, %sub3A_635 : vector<16xf32>
        %mul3A_637 = arith.mulf %mul3A_622, %mul3A_636 : vector<16xf32>
        %mul3A_638 = arith.mulf %mul3A_637, %mul3A_636 : vector<16xf32>
        %sub3A_639 = arith.constant 1.500000e+00 : f32
        %sub3A_640 = vector.broadcast %sub3A_639 : f32 to vector<16xf32>
        %sub3A_641 = arith.subf %sub3A_640, %mul3A_638 : vector<16xf32>
        %mul3A_642 = arith.mulf %mul3A_636, %sub3A_641 : vector<16xf32>
        %mul3A_643 = arith.mulf %add3A_619, %mul3A_642 : vector<16xf32>
        %add3A_644 = arith.addf %gather3A_603, %gather3A_608 : vector<16xf32>
        %mul3A_645 = arith.mulf %add3A_644, %mul3A_643 : vector<16xf32>
        %mul3A_646 = arith.mulf %get3A_29, %mul3A_645 : vector<16xf32>
        %exp3A_647 = math.exp %mul3A_646 : vector<16xf32>
        %mul3A_648 = arith.mulf %get3A_13, %exp3A_647 : vector<16xf32>
        %mul3A_649 = arith.mulf %get3A_33, %mul3A_645 : vector<16xf32>
        %exp3A_650 = math.exp %mul3A_649 : vector<16xf32>
        %mul3A_651 = arith.mulf %get3A_17, %exp3A_650 : vector<16xf32>
        %add3A_652 = arith.addf %mul3A_648, %mul3A_651 : vector<16xf32>
        %mul3A_653 = arith.mulf %get3A_37, %mul3A_645 : vector<16xf32>
        %exp3A_654 = math.exp %mul3A_653 : vector<16xf32>
        %mul3A_655 = arith.mulf %get3A_21, %exp3A_654 : vector<16xf32>
        %add3A_656 = arith.addf %add3A_652, %mul3A_655 : vector<16xf32>
        %mul3A_657 = arith.mulf %get3A_41, %mul3A_645 : vector<16xf32>
        %exp3A_658 = math.exp %mul3A_657 : vector<16xf32>
        %mul3A_659 = arith.mulf %get3A_25, %exp3A_658 : vector<16xf32>
        %add3A_660 = arith.addf %add3A_656, %mul3A_659 : vector<16xf32>
        %convert_element_type3A_661 = arith.sitofp %and3A_592 : vector<16xi32> to vector<16xf32>
        %convert_element_type3A_662 = arith.sitofp %and3A_595 : vector<16xi32> to vector<16xf32>
        %mul3A_663 = arith.mulf %convert_element_type3A_661, %convert_element_type3A_662 : vector<16xf32>
        %mul3A_664 = arith.mulf %mul3A_663, %mul3A_642 : vector<16xf32>
        %add3A_665 = arith.addi %mul3A_3, %shift_right_arithmetic3A_598 : vector<16xi32>
        %mul3A_666 = arith.mulf %mul3A_664, %add3A_660 : vector<16xf32>
        tpu.vector_store_idx %arg24[%add3A_665], %mul3A_666 {add = true} : memref<16144xf32, #tpu.memory_space<vmem>>[vector<16xi32>], vector<16xf32>,
        %mul3A_667 = arith.constant 10 : i32
        %mul3A_668 = arith.muli %scan3A_229, %mul3A_667 : i32
        %add3A_669 = arith.constant 5 : i32
        %add3A_670 = arith.addi %mul3A_668, %add3A_669 : i32
        %mul3A_671 = arith.constant 16 : i32
        %mul3A_672 = arith.muli %add3A_670, %mul3A_671 : i32
        %get3A_673 = arith.index_cast %mul3A_672 : i32 to index
        %get3A_674 = tpu.vector_load %arg17[%get3A_673] {strides = array<i32>} : memref<800xi32, #tpu.memory_space<vmem>>, vector<16xi32>,
        %get3A_675 = arith.index_cast %mul3A_672 : i32 to index
        %get3A_676 = tpu.vector_load %arg18[%get3A_675] {strides = array<i32>} : memref<800xi32, #tpu.memory_space<vmem>>, vector<16xi32>,
        %gather3A_677 = tpu.vector_load_idx %arg11[%get3A_674] : memref<100000xi32, #tpu.memory_space<vmem>>[vector<16xi32>], vector<16xi32>,
        %gather3A_678 = tpu.vector_load_idx %arg11[%get3A_676] : memref<100000xi32, #tpu.memory_space<vmem>>[vector<16xi32>], vector<16xi32>,
        %and3A_679 = arith.constant 127 : i32
        %and3A_680 = vector.broadcast %and3A_679 : i32 to vector<16xi32>
        %and3A_681 = arith.andi %gather3A_677, %and3A_680 : vector<16xi32>
        %and3A_682 = arith.constant 127 : i32
        %and3A_683 = vector.broadcast %and3A_682 : i32 to vector<16xi32>
        %and3A_684 = arith.andi %gather3A_678, %and3A_683 : vector<16xi32>
        %shift_right_arithmetic3A_685 = arith.constant 7 : i32
        %shift_right_arithmetic3A_686 = vector.broadcast %shift_right_arithmetic3A_685 : i32 to vector<16xi32>
        %shift_right_arithmetic3A_687 = arith.shrsi %gather3A_677, %shift_right_arithmetic3A_686 : vector<16xi32>
        %shift_left3A_688 = arith.constant 4 : i32
        %shift_left3A_689 = vector.broadcast %shift_left3A_688 : i32 to vector<16xi32>
        %shift_left3A_690 = arith.shli %and3A_681, %shift_left3A_689 : vector<16xi32>
        %or3A_691 = arith.ori %shift_left3A_690, %iota3A : vector<16xi32>
        %gather3A_692 = tpu.vector_load_idx %arg12[%or3A_691] : memref<2048xf32, #tpu.memory_space<vmem>>[vector<16xi32>], vector<16xf32>,
        %shift_left3A_693 = arith.constant 4 : i32
        %shift_left3A_694 = vector.broadcast %shift_left3A_693 : i32 to vector<16xi32>
        %shift_left3A_695 = arith.shli %and3A_684, %shift_left3A_694 : vector<16xi32>
        %or3A_696 = arith.ori %shift_left3A_695, %iota3A : vector<16xi32>
        %gather3A_697 = tpu.vector_load_idx %arg12[%or3A_696] : memref<2048xf32, #tpu.memory_space<vmem>>[vector<16xi32>], vector<16xf32>,
        %get3A_698 = arith.index_cast %mul3A_672 : i32 to index
        %get3A_699 = tpu.vector_load %arg14[%get3A_698] {strides = array<i32>} : memref<800xf32, #tpu.memory_space<vmem>>, vector<16xf32>,
        %get3A_700 = arith.index_cast %mul3A_672 : i32 to index
        %get3A_701 = tpu.vector_load %arg15[%get3A_700] {strides = array<i32>} : memref<800xf32, #tpu.memory_space<vmem>>, vector<16xf32>,
        %get3A_702 = arith.index_cast %mul3A_672 : i32 to index
        %get3A_703 = tpu.vector_load %arg16[%get3A_702] {strides = array<i32>} : memref<800xf32, #tpu.memory_space<vmem>>, vector<16xf32>,
        %mul3A_704 = arith.mulf %get3A_699, %get3A_699 : vector<16xf32>
        %mul3A_705 = arith.mulf %get3A_701, %get3A_701 : vector<16xf32>
        %add3A_706 = arith.addf %mul3A_704, %mul3A_705 : vector<16xf32>
        %mul3A_707 = arith.mulf %get3A_703, %get3A_703 : vector<16xf32>
        %add3A_708 = arith.addf %add3A_706, %mul3A_707 : vector<16xf32>
        %mul3A_709 = arith.constant 5.000000e-01 : f32
        %mul3A_710 = vector.broadcast %mul3A_709 : f32 to vector<16xf32>
        %mul3A_711 = arith.mulf %add3A_708, %mul3A_710 : vector<16xf32>
        %bitcast3A_712 = vector.bitcast %add3A_708 : vector<16xf32> to vector<16xi32>
        %shift_right_arithmetic3A_713 = arith.constant 1 : i32
        %shift_right_arithmetic3A_714 = vector.broadcast %shift_right_arithmetic3A_713 : i32 to vector<16xi32>
        %shift_right_arithmetic3A_715 = arith.shrsi %bitcast3A_712, %shift_right_arithmetic3A_714 : vector<16xi32>
        %sub3A_716 = arith.constant 1597463007 : i32
        %sub3A_717 = vector.broadcast %sub3A_716 : i32 to vector<16xi32>
        %sub3A_718 = arith.subi %sub3A_717, %shift_right_arithmetic3A_715 : vector<16xi32>
        %bitcast3A_719 = vector.bitcast %sub3A_718 : vector<16xi32> to vector<16xf32>
        %mul3A_720 = arith.mulf %mul3A_711, %bitcast3A_719 : vector<16xf32>
        %mul3A_721 = arith.mulf %mul3A_720, %bitcast3A_719 : vector<16xf32>
        %sub3A_722 = arith.constant 1.500000e+00 : f32
        %sub3A_723 = vector.broadcast %sub3A_722 : f32 to vector<16xf32>
        %sub3A_724 = arith.subf %sub3A_723, %mul3A_721 : vector<16xf32>
        %mul3A_725 = arith.mulf %bitcast3A_719, %sub3A_724 : vector<16xf32>
        %mul3A_726 = arith.mulf %mul3A_711, %mul3A_725 : vector<16xf32>
        %mul3A_727 = arith.mulf %mul3A_726, %mul3A_725 : vector<16xf32>
        %sub3A_728 = arith.constant 1.500000e+00 : f32
        %sub3A_729 = vector.broadcast %sub3A_728 : f32 to vector<16xf32>
        %sub3A_730 = arith.subf %sub3A_729, %mul3A_727 : vector<16xf32>
        %mul3A_731 = arith.mulf %mul3A_725, %sub3A_730 : vector<16xf32>
        %mul3A_732 = arith.mulf %add3A_708, %mul3A_731 : vector<16xf32>
        %add3A_733 = arith.addf %gather3A_692, %gather3A_697 : vector<16xf32>
        %mul3A_734 = arith.mulf %add3A_733, %mul3A_732 : vector<16xf32>
        %mul3A_735 = arith.mulf %get3A_29, %mul3A_734 : vector<16xf32>
        %exp3A_736 = math.exp %mul3A_735 : vector<16xf32>
        %mul3A_737 = arith.mulf %get3A_13, %exp3A_736 : vector<16xf32>
        %mul3A_738 = arith.mulf %get3A_33, %mul3A_734 : vector<16xf32>
        %exp3A_739 = math.exp %mul3A_738 : vector<16xf32>
        %mul3A_740 = arith.mulf %get3A_17, %exp3A_739 : vector<16xf32>
        %add3A_741 = arith.addf %mul3A_737, %mul3A_740 : vector<16xf32>
        %mul3A_742 = arith.mulf %get3A_37, %mul3A_734 : vector<16xf32>
        %exp3A_743 = math.exp %mul3A_742 : vector<16xf32>
        %mul3A_744 = arith.mulf %get3A_21, %exp3A_743 : vector<16xf32>
        %add3A_745 = arith.addf %add3A_741, %mul3A_744 : vector<16xf32>
        %mul3A_746 = arith.mulf %get3A_41, %mul3A_734 : vector<16xf32>
        %exp3A_747 = math.exp %mul3A_746 : vector<16xf32>
        %mul3A_748 = arith.mulf %get3A_25, %exp3A_747 : vector<16xf32>
        %add3A_749 = arith.addf %add3A_745, %mul3A_748 : vector<16xf32>
        %convert_element_type3A_750 = arith.sitofp %and3A_681 : vector<16xi32> to vector<16xf32>
        %convert_element_type3A_751 = arith.sitofp %and3A_684 : vector<16xi32> to vector<16xf32>
        %mul3A_752 = arith.mulf %convert_element_type3A_750, %convert_element_type3A_751 : vector<16xf32>
        %mul3A_753 = arith.mulf %mul3A_752, %mul3A_731 : vector<16xf32>
        %add3A_754 = arith.addi %mul3A_3, %shift_right_arithmetic3A_687 : vector<16xi32>
        %mul3A_755 = arith.mulf %mul3A_753, %add3A_749 : vector<16xf32>
        tpu.vector_store_idx %arg24[%add3A_754], %mul3A_755 {add = true} : memref<16144xf32, #tpu.memory_space<vmem>>[vector<16xi32>], vector<16xf32>,
        %mul3A_756 = arith.constant 10 : i32
        %mul3A_757 = arith.muli %scan3A_229, %mul3A_756 : i32
        %add3A_758 = arith.constant 6 : i32
        %add3A_759 = arith.addi %mul3A_757, %add3A_758 : i32
        %mul3A_760 = arith.constant 16 : i32
        %mul3A_761 = arith.muli %add3A_759, %mul3A_760 : i32
        %get3A_762 = arith.index_cast %mul3A_761 : i32 to index
        %get3A_763 = tpu.vector_load %arg17[%get3A_762] {strides = array<i32>} : memref<800xi32, #tpu.memory_space<vmem>>, vector<16xi32>,
        %get3A_764 = arith.index_cast %mul3A_761 : i32 to index
        %get3A_765 = tpu.vector_load %arg18[%get3A_764] {strides = array<i32>} : memref<800xi32, #tpu.memory_space<vmem>>, vector<16xi32>,
        %gather3A_766 = tpu.vector_load_idx %arg11[%get3A_763] : memref<100000xi32, #tpu.memory_space<vmem>>[vector<16xi32>], vector<16xi32>,
        %gather3A_767 = tpu.vector_load_idx %arg11[%get3A_765] : memref<100000xi32, #tpu.memory_space<vmem>>[vector<16xi32>], vector<16xi32>,
        %and3A_768 = arith.constant 127 : i32
        %and3A_769 = vector.broadcast %and3A_768 : i32 to vector<16xi32>
        %and3A_770 = arith.andi %gather3A_766, %and3A_769 : vector<16xi32>
        %and3A_771 = arith.constant 127 : i32
        %and3A_772 = vector.broadcast %and3A_771 : i32 to vector<16xi32>
        %and3A_773 = arith.andi %gather3A_767, %and3A_772 : vector<16xi32>
        %shift_right_arithmetic3A_774 = arith.constant 7 : i32
        %shift_right_arithmetic3A_775 = vector.broadcast %shift_right_arithmetic3A_774 : i32 to vector<16xi32>
        %shift_right_arithmetic3A_776 = arith.shrsi %gather3A_766, %shift_right_arithmetic3A_775 : vector<16xi32>
        %shift_left3A_777 = arith.constant 4 : i32
        %shift_left3A_778 = vector.broadcast %shift_left3A_777 : i32 to vector<16xi32>
        %shift_left3A_779 = arith.shli %and3A_770, %shift_left3A_778 : vector<16xi32>
        %or3A_780 = arith.ori %shift_left3A_779, %iota3A : vector<16xi32>
        %gather3A_781 = tpu.vector_load_idx %arg12[%or3A_780] : memref<2048xf32, #tpu.memory_space<vmem>>[vector<16xi32>], vector<16xf32>,
        %shift_left3A_782 = arith.constant 4 : i32
        %shift_left3A_783 = vector.broadcast %shift_left3A_782 : i32 to vector<16xi32>
        %shift_left3A_784 = arith.shli %and3A_773, %shift_left3A_783 : vector<16xi32>
        %or3A_785 = arith.ori %shift_left3A_784, %iota3A : vector<16xi32>
        %gather3A_786 = tpu.vector_load_idx %arg12[%or3A_785] : memref<2048xf32, #tpu.memory_space<vmem>>[vector<16xi32>], vector<16xf32>,
        %get3A_787 = arith.index_cast %mul3A_761 : i32 to index
        %get3A_788 = tpu.vector_load %arg14[%get3A_787] {strides = array<i32>} : memref<800xf32, #tpu.memory_space<vmem>>, vector<16xf32>,
        %get3A_789 = arith.index_cast %mul3A_761 : i32 to index
        %get3A_790 = tpu.vector_load %arg15[%get3A_789] {strides = array<i32>} : memref<800xf32, #tpu.memory_space<vmem>>, vector<16xf32>,
        %get3A_791 = arith.index_cast %mul3A_761 : i32 to index
        %get3A_792 = tpu.vector_load %arg16[%get3A_791] {strides = array<i32>} : memref<800xf32, #tpu.memory_space<vmem>>, vector<16xf32>,
        %mul3A_793 = arith.mulf %get3A_788, %get3A_788 : vector<16xf32>
        %mul3A_794 = arith.mulf %get3A_790, %get3A_790 : vector<16xf32>
        %add3A_795 = arith.addf %mul3A_793, %mul3A_794 : vector<16xf32>
        %mul3A_796 = arith.mulf %get3A_792, %get3A_792 : vector<16xf32>
        %add3A_797 = arith.addf %add3A_795, %mul3A_796 : vector<16xf32>
        %mul3A_798 = arith.constant 5.000000e-01 : f32
        %mul3A_799 = vector.broadcast %mul3A_798 : f32 to vector<16xf32>
        %mul3A_800 = arith.mulf %add3A_797, %mul3A_799 : vector<16xf32>
        %bitcast3A_801 = vector.bitcast %add3A_797 : vector<16xf32> to vector<16xi32>
        %shift_right_arithmetic3A_802 = arith.constant 1 : i32
        %shift_right_arithmetic3A_803 = vector.broadcast %shift_right_arithmetic3A_802 : i32 to vector<16xi32>
        %shift_right_arithmetic3A_804 = arith.shrsi %bitcast3A_801, %shift_right_arithmetic3A_803 : vector<16xi32>
        %sub3A_805 = arith.constant 1597463007 : i32
        %sub3A_806 = vector.broadcast %sub3A_805 : i32 to vector<16xi32>
        %sub3A_807 = arith.subi %sub3A_806, %shift_right_arithmetic3A_804 : vector<16xi32>
        %bitcast3A_808 = vector.bitcast %sub3A_807 : vector<16xi32> to vector<16xf32>
        %mul3A_809 = arith.mulf %mul3A_800, %bitcast3A_808 : vector<16xf32>
        %mul3A_810 = arith.mulf %mul3A_809, %bitcast3A_808 : vector<16xf32>
        %sub3A_811 = arith.constant 1.500000e+00 : f32
        %sub3A_812 = vector.broadcast %sub3A_811 : f32 to vector<16xf32>
        %sub3A_813 = arith.subf %sub3A_812, %mul3A_810 : vector<16xf32>
        %mul3A_814 = arith.mulf %bitcast3A_808, %sub3A_813 : vector<16xf32>
        %mul3A_815 = arith.mulf %mul3A_800, %mul3A_814 : vector<16xf32>
        %mul3A_816 = arith.mulf %mul3A_815, %mul3A_814 : vector<16xf32>
        %sub3A_817 = arith.constant 1.500000e+00 : f32
        %sub3A_818 = vector.broadcast %sub3A_817 : f32 to vector<16xf32>
        %sub3A_819 = arith.subf %sub3A_818, %mul3A_816 : vector<16xf32>
        %mul3A_820 = arith.mulf %mul3A_814, %sub3A_819 : vector<16xf32>
        %mul3A_821 = arith.mulf %add3A_797, %mul3A_820 : vector<16xf32>
        %add3A_822 = arith.addf %gather3A_781, %gather3A_786 : vector<16xf32>
        %mul3A_823 = arith.mulf %add3A_822, %mul3A_821 : vector<16xf32>
        %mul3A_824 = arith.mulf %get3A_29, %mul3A_823 : vector<16xf32>
        %exp3A_825 = math.exp %mul3A_824 : vector<16xf32>
        %mul3A_826 = arith.mulf %get3A_13, %exp3A_825 : vector<16xf32>
        %mul3A_827 = arith.mulf %get3A_33, %mul3A_823 : vector<16xf32>
        %exp3A_828 = math.exp %mul3A_827 : vector<16xf32>
        %mul3A_829 = arith.mulf %get3A_17, %exp3A_828 : vector<16xf32>
        %add3A_830 = arith.addf %mul3A_826, %mul3A_829 : vector<16xf32>
        %mul3A_831 = arith.mulf %get3A_37, %mul3A_823 : vector<16xf32>
        %exp3A_832 = math.exp %mul3A_831 : vector<16xf32>
        %mul3A_833 = arith.mulf %get3A_21, %exp3A_832 : vector<16xf32>
        %add3A_834 = arith.addf %add3A_830, %mul3A_833 : vector<16xf32>
        %mul3A_835 = arith.mulf %get3A_41, %mul3A_823 : vector<16xf32>
        %exp3A_836 = math.exp %mul3A_835 : vector<16xf32>
        %mul3A_837 = arith.mulf %get3A_25, %exp3A_836 : vector<16xf32>
        %add3A_838 = arith.addf %add3A_834, %mul3A_837 : vector<16xf32>
        %convert_element_type3A_839 = arith.sitofp %and3A_770 : vector<16xi32> to vector<16xf32>
        %convert_element_type3A_840 = arith.sitofp %and3A_773 : vector<16xi32> to vector<16xf32>
        %mul3A_841 = arith.mulf %convert_element_type3A_839, %convert_element_type3A_840 : vector<16xf32>
        %mul3A_842 = arith.mulf %mul3A_841, %mul3A_820 : vector<16xf32>
        %add3A_843 = arith.addi %mul3A_3, %shift_right_arithmetic3A_776 : vector<16xi32>
        %mul3A_844 = arith.mulf %mul3A_842, %add3A_838 : vector<16xf32>
        tpu.vector_store_idx %arg24[%add3A_843], %mul3A_844 {add = true} : memref<16144xf32, #tpu.memory_space<vmem>>[vector<16xi32>], vector<16xf32>,
        %mul3A_845 = arith.constant 10 : i32
        %mul3A_846 = arith.muli %scan3A_229, %mul3A_845 : i32
        %add3A_847 = arith.constant 7 : i32
        %add3A_848 = arith.addi %mul3A_846, %add3A_847 : i32
        %mul3A_849 = arith.constant 16 : i32
        %mul3A_850 = arith.muli %add3A_848, %mul3A_849 : i32
        %get3A_851 = arith.index_cast %mul3A_850 : i32 to index
        %get3A_852 = tpu.vector_load %arg17[%get3A_851] {strides = array<i32>} : memref<800xi32, #tpu.memory_space<vmem>>, vector<16xi32>,
        %get3A_853 = arith.index_cast %mul3A_850 : i32 to index
        %get3A_854 = tpu.vector_load %arg18[%get3A_853] {strides = array<i32>} : memref<800xi32, #tpu.memory_space<vmem>>, vector<16xi32>,
        %gather3A_855 = tpu.vector_load_idx %arg11[%get3A_852] : memref<100000xi32, #tpu.memory_space<vmem>>[vector<16xi32>], vector<16xi32>,
        %gather3A_856 = tpu.vector_load_idx %arg11[%get3A_854] : memref<100000xi32, #tpu.memory_space<vmem>>[vector<16xi32>], vector<16xi32>,
        %and3A_857 = arith.constant 127 : i32
        %and3A_858 = vector.broadcast %and3A_857 : i32 to vector<16xi32>
        %and3A_859 = arith.andi %gather3A_855, %and3A_858 : vector<16xi32>
        %and3A_860 = arith.constant 127 : i32
        %and3A_861 = vector.broadcast %and3A_860 : i32 to vector<16xi32>
        %and3A_862 = arith.andi %gather3A_856, %and3A_861 : vector<16xi32>
        %shift_right_arithmetic3A_863 = arith.constant 7 : i32
        %shift_right_arithmetic3A_864 = vector.broadcast %shift_right_arithmetic3A_863 : i32 to vector<16xi32>
        %shift_right_arithmetic3A_865 = arith.shrsi %gather3A_855, %shift_right_arithmetic3A_864 : vector<16xi32>
        %shift_left3A_866 = arith.constant 4 : i32
        %shift_left3A_867 = vector.broadcast %shift_left3A_866 : i32 to vector<16xi32>
        %shift_left3A_868 = arith.shli %and3A_859, %shift_left3A_867 : vector<16xi32>
        %or3A_869 = arith.ori %shift_left3A_868, %iota3A : vector<16xi32>
        %gather3A_870 = tpu.vector_load_idx %arg12[%or3A_869] : memref<2048xf32, #tpu.memory_space<vmem>>[vector<16xi32>], vector<16xf32>,
        %shift_left3A_871 = arith.constant 4 : i32
        %shift_left3A_872 = vector.broadcast %shift_left3A_871 : i32 to vector<16xi32>
        %shift_left3A_873 = arith.shli %and3A_862, %shift_left3A_872 : vector<16xi32>
        %or3A_874 = arith.ori %shift_left3A_873, %iota3A : vector<16xi32>
        %gather3A_875 = tpu.vector_load_idx %arg12[%or3A_874] : memref<2048xf32, #tpu.memory_space<vmem>>[vector<16xi32>], vector<16xf32>,
        %get3A_876 = arith.index_cast %mul3A_850 : i32 to index
        %get3A_877 = tpu.vector_load %arg14[%get3A_876] {strides = array<i32>} : memref<800xf32, #tpu.memory_space<vmem>>, vector<16xf32>,
        %get3A_878 = arith.index_cast %mul3A_850 : i32 to index
        %get3A_879 = tpu.vector_load %arg15[%get3A_878] {strides = array<i32>} : memref<800xf32, #tpu.memory_space<vmem>>, vector<16xf32>,
        %get3A_880 = arith.index_cast %mul3A_850 : i32 to index
        %get3A_881 = tpu.vector_load %arg16[%get3A_880] {strides = array<i32>} : memref<800xf32, #tpu.memory_space<vmem>>, vector<16xf32>,
        %mul3A_882 = arith.mulf %get3A_877, %get3A_877 : vector<16xf32>
        %mul3A_883 = arith.mulf %get3A_879, %get3A_879 : vector<16xf32>
        %add3A_884 = arith.addf %mul3A_882, %mul3A_883 : vector<16xf32>
        %mul3A_885 = arith.mulf %get3A_881, %get3A_881 : vector<16xf32>
        %add3A_886 = arith.addf %add3A_884, %mul3A_885 : vector<16xf32>
        %mul3A_887 = arith.constant 5.000000e-01 : f32
        %mul3A_888 = vector.broadcast %mul3A_887 : f32 to vector<16xf32>
        %mul3A_889 = arith.mulf %add3A_886, %mul3A_888 : vector<16xf32>
        %bitcast3A_890 = vector.bitcast %add3A_886 : vector<16xf32> to vector<16xi32>
        %shift_right_arithmetic3A_891 = arith.constant 1 : i32
        %shift_right_arithmetic3A_892 = vector.broadcast %shift_right_arithmetic3A_891 : i32 to vector<16xi32>
        %shift_right_arithmetic3A_893 = arith.shrsi %bitcast3A_890, %shift_right_arithmetic3A_892 : vector<16xi32>
        %sub3A_894 = arith.constant 1597463007 : i32
        %sub3A_895 = vector.broadcast %sub3A_894 : i32 to vector<16xi32>
        %sub3A_896 = arith.subi %sub3A_895, %shift_right_arithmetic3A_893 : vector<16xi32>
        %bitcast3A_897 = vector.bitcast %sub3A_896 : vector<16xi32> to vector<16xf32>
        %mul3A_898 = arith.mulf %mul3A_889, %bitcast3A_897 : vector<16xf32>
        %mul3A_899 = arith.mulf %mul3A_898, %bitcast3A_897 : vector<16xf32>
        %sub3A_900 = arith.constant 1.500000e+00 : f32
        %sub3A_901 = vector.broadcast %sub3A_900 : f32 to vector<16xf32>
        %sub3A_902 = arith.subf %sub3A_901, %mul3A_899 : vector<16xf32>
        %mul3A_903 = arith.mulf %bitcast3A_897, %sub3A_902 : vector<16xf32>
        %mul3A_904 = arith.mulf %mul3A_889, %mul3A_903 : vector<16xf32>
        %mul3A_905 = arith.mulf %mul3A_904, %mul3A_903 : vector<16xf32>
        %sub3A_906 = arith.constant 1.500000e+00 : f32
        %sub3A_907 = vector.broadcast %sub3A_906 : f32 to vector<16xf32>
        %sub3A_908 = arith.subf %sub3A_907, %mul3A_905 : vector<16xf32>
        %mul3A_909 = arith.mulf %mul3A_903, %sub3A_908 : vector<16xf32>
        %mul3A_910 = arith.mulf %add3A_886, %mul3A_909 : vector<16xf32>
        %add3A_911 = arith.addf %gather3A_870, %gather3A_875 : vector<16xf32>
        %mul3A_912 = arith.mulf %add3A_911, %mul3A_910 : vector<16xf32>
        %mul3A_913 = arith.mulf %get3A_29, %mul3A_912 : vector<16xf32>
        %exp3A_914 = math.exp %mul3A_913 : vector<16xf32>
        %mul3A_915 = arith.mulf %get3A_13, %exp3A_914 : vector<16xf32>
        %mul3A_916 = arith.mulf %get3A_33, %mul3A_912 : vector<16xf32>
        %exp3A_917 = math.exp %mul3A_916 : vector<16xf32>
        %mul3A_918 = arith.mulf %get3A_17, %exp3A_917 : vector<16xf32>
        %add3A_919 = arith.addf %mul3A_915, %mul3A_918 : vector<16xf32>
        %mul3A_920 = arith.mulf %get3A_37, %mul3A_912 : vector<16xf32>
        %exp3A_921 = math.exp %mul3A_920 : vector<16xf32>
        %mul3A_922 = arith.mulf %get3A_21, %exp3A_921 : vector<16xf32>
        %add3A_923 = arith.addf %add3A_919, %mul3A_922 : vector<16xf32>
        %mul3A_924 = arith.mulf %get3A_41, %mul3A_912 : vector<16xf32>
        %exp3A_925 = math.exp %mul3A_924 : vector<16xf32>
        %mul3A_926 = arith.mulf %get3A_25, %exp3A_925 : vector<16xf32>
        %add3A_927 = arith.addf %add3A_923, %mul3A_926 : vector<16xf32>
        %convert_element_type3A_928 = arith.sitofp %and3A_859 : vector<16xi32> to vector<16xf32>
        %convert_element_type3A_929 = arith.sitofp %and3A_862 : vector<16xi32> to vector<16xf32>
        %mul3A_930 = arith.mulf %convert_element_type3A_928, %convert_element_type3A_929 : vector<16xf32>
        %mul3A_931 = arith.mulf %mul3A_930, %mul3A_909 : vector<16xf32>
        %add3A_932 = arith.addi %mul3A_3, %shift_right_arithmetic3A_865 : vector<16xi32>
        %mul3A_933 = arith.mulf %mul3A_931, %add3A_927 : vector<16xf32>
        tpu.vector_store_idx %arg24[%add3A_932], %mul3A_933 {add = true} : memref<16144xf32, #tpu.memory_space<vmem>>[vector<16xi32>], vector<16xf32>,
        %mul3A_934 = arith.constant 10 : i32
        %mul3A_935 = arith.muli %scan3A_229, %mul3A_934 : i32
        %add3A_936 = arith.constant 8 : i32
        %add3A_937 = arith.addi %mul3A_935, %add3A_936 : i32
        %mul3A_938 = arith.constant 16 : i32
        %mul3A_939 = arith.muli %add3A_937, %mul3A_938 : i32
        %get3A_940 = arith.index_cast %mul3A_939 : i32 to index
        %get3A_941 = tpu.vector_load %arg17[%get3A_940] {strides = array<i32>} : memref<800xi32, #tpu.memory_space<vmem>>, vector<16xi32>,
        %get3A_942 = arith.index_cast %mul3A_939 : i32 to index
        %get3A_943 = tpu.vector_load %arg18[%get3A_942] {strides = array<i32>} : memref<800xi32, #tpu.memory_space<vmem>>, vector<16xi32>,
        %gather3A_944 = tpu.vector_load_idx %arg11[%get3A_941] : memref<100000xi32, #tpu.memory_space<vmem>>[vector<16xi32>], vector<16xi32>,
        %gather3A_945 = tpu.vector_load_idx %arg11[%get3A_943] : memref<100000xi32, #tpu.memory_space<vmem>>[vector<16xi32>], vector<16xi32>,
        %and3A_946 = arith.constant 127 : i32
        %and3A_947 = vector.broadcast %and3A_946 : i32 to vector<16xi32>
        %and3A_948 = arith.andi %gather3A_944, %and3A_947 : vector<16xi32>
        %and3A_949 = arith.constant 127 : i32
        %and3A_950 = vector.broadcast %and3A_949 : i32 to vector<16xi32>
        %and3A_951 = arith.andi %gather3A_945, %and3A_950 : vector<16xi32>
        %shift_right_arithmetic3A_952 = arith.constant 7 : i32
        %shift_right_arithmetic3A_953 = vector.broadcast %shift_right_arithmetic3A_952 : i32 to vector<16xi32>
        %shift_right_arithmetic3A_954 = arith.shrsi %gather3A_944, %shift_right_arithmetic3A_953 : vector<16xi32>
        %shift_left3A_955 = arith.constant 4 : i32
        %shift_left3A_956 = vector.broadcast %shift_left3A_955 : i32 to vector<16xi32>
        %shift_left3A_957 = arith.shli %and3A_948, %shift_left3A_956 : vector<16xi32>
        %or3A_958 = arith.ori %shift_left3A_957, %iota3A : vector<16xi32>
        %gather3A_959 = tpu.vector_load_idx %arg12[%or3A_958] : memref<2048xf32, #tpu.memory_space<vmem>>[vector<16xi32>], vector<16xf32>,
        %shift_left3A_960 = arith.constant 4 : i32
        %shift_left3A_961 = vector.broadcast %shift_left3A_960 : i32 to vector<16xi32>
        %shift_left3A_962 = arith.shli %and3A_951, %shift_left3A_961 : vector<16xi32>
        %or3A_963 = arith.ori %shift_left3A_962, %iota3A : vector<16xi32>
        %gather3A_964 = tpu.vector_load_idx %arg12[%or3A_963] : memref<2048xf32, #tpu.memory_space<vmem>>[vector<16xi32>], vector<16xf32>,
        %get3A_965 = arith.index_cast %mul3A_939 : i32 to index
        %get3A_966 = tpu.vector_load %arg14[%get3A_965] {strides = array<i32>} : memref<800xf32, #tpu.memory_space<vmem>>, vector<16xf32>,
        %get3A_967 = arith.index_cast %mul3A_939 : i32 to index
        %get3A_968 = tpu.vector_load %arg15[%get3A_967] {strides = array<i32>} : memref<800xf32, #tpu.memory_space<vmem>>, vector<16xf32>,
        %get3A_969 = arith.index_cast %mul3A_939 : i32 to index
        %get3A_970 = tpu.vector_load %arg16[%get3A_969] {strides = array<i32>} : memref<800xf32, #tpu.memory_space<vmem>>, vector<16xf32>,
        %mul3A_971 = arith.mulf %get3A_966, %get3A_966 : vector<16xf32>
        %mul3A_972 = arith.mulf %get3A_968, %get3A_968 : vector<16xf32>
        %add3A_973 = arith.addf %mul3A_971, %mul3A_972 : vector<16xf32>
        %mul3A_974 = arith.mulf %get3A_970, %get3A_970 : vector<16xf32>
        %add3A_975 = arith.addf %add3A_973, %mul3A_974 : vector<16xf32>
        %mul3A_976 = arith.constant 5.000000e-01 : f32
        %mul3A_977 = vector.broadcast %mul3A_976 : f32 to vector<16xf32>
        %mul3A_978 = arith.mulf %add3A_975, %mul3A_977 : vector<16xf32>
        %bitcast3A_979 = vector.bitcast %add3A_975 : vector<16xf32> to vector<16xi32>
        %shift_right_arithmetic3A_980 = arith.constant 1 : i32
        %shift_right_arithmetic3A_981 = vector.broadcast %shift_right_arithmetic3A_980 : i32 to vector<16xi32>
        %shift_right_arithmetic3A_982 = arith.shrsi %bitcast3A_979, %shift_right_arithmetic3A_981 : vector<16xi32>
        %sub3A_983 = arith.constant 1597463007 : i32
        %sub3A_984 = vector.broadcast %sub3A_983 : i32 to vector<16xi32>
        %sub3A_985 = arith.subi %sub3A_984, %shift_right_arithmetic3A_982 : vector<16xi32>
        %bitcast3A_986 = vector.bitcast %sub3A_985 : vector<16xi32> to vector<16xf32>
        %mul3A_987 = arith.mulf %mul3A_978, %bitcast3A_986 : vector<16xf32>
        %mul3A_988 = arith.mulf %mul3A_987, %bitcast3A_986 : vector<16xf32>
        %sub3A_989 = arith.constant 1.500000e+00 : f32
        %sub3A_990 = vector.broadcast %sub3A_989 : f32 to vector<16xf32>
        %sub3A_991 = arith.subf %sub3A_990, %mul3A_988 : vector<16xf32>
        %mul3A_992 = arith.mulf %bitcast3A_986, %sub3A_991 : vector<16xf32>
        %mul3A_993 = arith.mulf %mul3A_978, %mul3A_992 : vector<16xf32>
        %mul3A_994 = arith.mulf %mul3A_993, %mul3A_992 : vector<16xf32>
        %sub3A_995 = arith.constant 1.500000e+00 : f32
        %sub3A_996 = vector.broadcast %sub3A_995 : f32 to vector<16xf32>
        %sub3A_997 = arith.subf %sub3A_996, %mul3A_994 : vector<16xf32>
        %mul3A_998 = arith.mulf %mul3A_992, %sub3A_997 : vector<16xf32>
        %mul3A_999 = arith.mulf %add3A_975, %mul3A_998 : vector<16xf32>
        %add3A_1000 = arith.addf %gather3A_959, %gather3A_964 : vector<16xf32>
        %mul3A_1001 = arith.mulf %add3A_1000, %mul3A_999 : vector<16xf32>
        %mul3A_1002 = arith.mulf %get3A_29, %mul3A_1001 : vector<16xf32>
        %exp3A_1003 = math.exp %mul3A_1002 : vector<16xf32>
        %mul3A_1004 = arith.mulf %get3A_13, %exp3A_1003 : vector<16xf32>
        %mul3A_1005 = arith.mulf %get3A_33, %mul3A_1001 : vector<16xf32>
        %exp3A_1006 = math.exp %mul3A_1005 : vector<16xf32>
        %mul3A_1007 = arith.mulf %get3A_17, %exp3A_1006 : vector<16xf32>
        %add3A_1008 = arith.addf %mul3A_1004, %mul3A_1007 : vector<16xf32>
        %mul3A_1009 = arith.mulf %get3A_37, %mul3A_1001 : vector<16xf32>
        %exp3A_1010 = math.exp %mul3A_1009 : vector<16xf32>
        %mul3A_1011 = arith.mulf %get3A_21, %exp3A_1010 : vector<16xf32>
        %add3A_1012 = arith.addf %add3A_1008, %mul3A_1011 : vector<16xf32>
        %mul3A_1013 = arith.mulf %get3A_41, %mul3A_1001 : vector<16xf32>
        %exp3A_1014 = math.exp %mul3A_1013 : vector<16xf32>
        %mul3A_1015 = arith.mulf %get3A_25, %exp3A_1014 : vector<16xf32>
        %add3A_1016 = arith.addf %add3A_1012, %mul3A_1015 : vector<16xf32>
        %convert_element_type3A_1017 = arith.sitofp %and3A_948 : vector<16xi32> to vector<16xf32>
        %convert_element_type3A_1018 = arith.sitofp %and3A_951 : vector<16xi32> to vector<16xf32>
        %mul3A_1019 = arith.mulf %convert_element_type3A_1017, %convert_element_type3A_1018 : vector<16xf32>
        %mul3A_1020 = arith.mulf %mul3A_1019, %mul3A_998 : vector<16xf32>
        %add3A_1021 = arith.addi %mul3A_3, %shift_right_arithmetic3A_954 : vector<16xi32>
        %mul3A_1022 = arith.mulf %mul3A_1020, %add3A_1016 : vector<16xf32>
        tpu.vector_store_idx %arg24[%add3A_1021], %mul3A_1022 {add = true} : memref<16144xf32, #tpu.memory_space<vmem>>[vector<16xi32>], vector<16xf32>,
        %mul3A_1023 = arith.constant 10 : i32
        %mul3A_1024 = arith.muli %scan3A_229, %mul3A_1023 : i32
        %add3A_1025 = arith.constant 9 : i32
        %add3A_1026 = arith.addi %mul3A_1024, %add3A_1025 : i32
        %mul3A_1027 = arith.constant 16 : i32
        %mul3A_1028 = arith.muli %add3A_1026, %mul3A_1027 : i32
        %get3A_1029 = arith.index_cast %mul3A_1028 : i32 to index
        %get3A_1030 = tpu.vector_load %arg17[%get3A_1029] {strides = array<i32>} : memref<800xi32, #tpu.memory_space<vmem>>, vector<16xi32>,
        %get3A_1031 = arith.index_cast %mul3A_1028 : i32 to index
        %get3A_1032 = tpu.vector_load %arg18[%get3A_1031] {strides = array<i32>} : memref<800xi32, #tpu.memory_space<vmem>>, vector<16xi32>,
        %gather3A_1033 = tpu.vector_load_idx %arg11[%get3A_1030] : memref<100000xi32, #tpu.memory_space<vmem>>[vector<16xi32>], vector<16xi32>,
        %gather3A_1034 = tpu.vector_load_idx %arg11[%get3A_1032] : memref<100000xi32, #tpu.memory_space<vmem>>[vector<16xi32>], vector<16xi32>,
        %and3A_1035 = arith.constant 127 : i32
        %and3A_1036 = vector.broadcast %and3A_1035 : i32 to vector<16xi32>
        %and3A_1037 = arith.andi %gather3A_1033, %and3A_1036 : vector<16xi32>
        %and3A_1038 = arith.constant 127 : i32
        %and3A_1039 = vector.broadcast %and3A_1038 : i32 to vector<16xi32>
        %and3A_1040 = arith.andi %gather3A_1034, %and3A_1039 : vector<16xi32>
        %shift_right_arithmetic3A_1041 = arith.constant 7 : i32
        %shift_right_arithmetic3A_1042 = vector.broadcast %shift_right_arithmetic3A_1041 : i32 to vector<16xi32>
        %shift_right_arithmetic3A_1043 = arith.shrsi %gather3A_1033, %shift_right_arithmetic3A_1042 : vector<16xi32>
        %shift_left3A_1044 = arith.constant 4 : i32
        %shift_left3A_1045 = vector.broadcast %shift_left3A_1044 : i32 to vector<16xi32>
        %shift_left3A_1046 = arith.shli %and3A_1037, %shift_left3A_1045 : vector<16xi32>
        %or3A_1047 = arith.ori %shift_left3A_1046, %iota3A : vector<16xi32>
        %gather3A_1048 = tpu.vector_load_idx %arg12[%or3A_1047] : memref<2048xf32, #tpu.memory_space<vmem>>[vector<16xi32>], vector<16xf32>,
        %shift_left3A_1049 = arith.constant 4 : i32
        %shift_left3A_1050 = vector.broadcast %shift_left3A_1049 : i32 to vector<16xi32>
        %shift_left3A_1051 = arith.shli %and3A_1040, %shift_left3A_1050 : vector<16xi32>
        %or3A_1052 = arith.ori %shift_left3A_1051, %iota3A : vector<16xi32>
        %gather3A_1053 = tpu.vector_load_idx %arg12[%or3A_1052] : memref<2048xf32, #tpu.memory_space<vmem>>[vector<16xi32>], vector<16xf32>,
        %get3A_1054 = arith.index_cast %mul3A_1028 : i32 to index
        %get3A_1055 = tpu.vector_load %arg14[%get3A_1054] {strides = array<i32>} : memref<800xf32, #tpu.memory_space<vmem>>, vector<16xf32>,
        %get3A_1056 = arith.index_cast %mul3A_1028 : i32 to index
        %get3A_1057 = tpu.vector_load %arg15[%get3A_1056] {strides = array<i32>} : memref<800xf32, #tpu.memory_space<vmem>>, vector<16xf32>,
        %get3A_1058 = arith.index_cast %mul3A_1028 : i32 to index
        %get3A_1059 = tpu.vector_load %arg16[%get3A_1058] {strides = array<i32>} : memref<800xf32, #tpu.memory_space<vmem>>, vector<16xf32>,
        %mul3A_1060 = arith.mulf %get3A_1055, %get3A_1055 : vector<16xf32>
        %mul3A_1061 = arith.mulf %get3A_1057, %get3A_1057 : vector<16xf32>
        %add3A_1062 = arith.addf %mul3A_1060, %mul3A_1061 : vector<16xf32>
        %mul3A_1063 = arith.mulf %get3A_1059, %get3A_1059 : vector<16xf32>
        %add3A_1064 = arith.addf %add3A_1062, %mul3A_1063 : vector<16xf32>
        %mul3A_1065 = arith.constant 5.000000e-01 : f32
        %mul3A_1066 = vector.broadcast %mul3A_1065 : f32 to vector<16xf32>
        %mul3A_1067 = arith.mulf %add3A_1064, %mul3A_1066 : vector<16xf32>
        %bitcast3A_1068 = vector.bitcast %add3A_1064 : vector<16xf32> to vector<16xi32>
        %shift_right_arithmetic3A_1069 = arith.constant 1 : i32
        %shift_right_arithmetic3A_1070 = vector.broadcast %shift_right_arithmetic3A_1069 : i32 to vector<16xi32>
        %shift_right_arithmetic3A_1071 = arith.shrsi %bitcast3A_1068, %shift_right_arithmetic3A_1070 : vector<16xi32>
        %sub3A_1072 = arith.constant 1597463007 : i32
        %sub3A_1073 = vector.broadcast %sub3A_1072 : i32 to vector<16xi32>
        %sub3A_1074 = arith.subi %sub3A_1073, %shift_right_arithmetic3A_1071 : vector<16xi32>
        %bitcast3A_1075 = vector.bitcast %sub3A_1074 : vector<16xi32> to vector<16xf32>
        %mul3A_1076 = arith.mulf %mul3A_1067, %bitcast3A_1075 : vector<16xf32>
        %mul3A_1077 = arith.mulf %mul3A_1076, %bitcast3A_1075 : vector<16xf32>
        %sub3A_1078 = arith.constant 1.500000e+00 : f32
        %sub3A_1079 = vector.broadcast %sub3A_1078 : f32 to vector<16xf32>
        %sub3A_1080 = arith.subf %sub3A_1079, %mul3A_1077 : vector<16xf32>
        %mul3A_1081 = arith.mulf %bitcast3A_1075, %sub3A_1080 : vector<16xf32>
        %mul3A_1082 = arith.mulf %mul3A_1067, %mul3A_1081 : vector<16xf32>
        %mul3A_1083 = arith.mulf %mul3A_1082, %mul3A_1081 : vector<16xf32>
        %sub3A_1084 = arith.constant 1.500000e+00 : f32
        %sub3A_1085 = vector.broadcast %sub3A_1084 : f32 to vector<16xf32>
        %sub3A_1086 = arith.subf %sub3A_1085, %mul3A_1083 : vector<16xf32>
        %mul3A_1087 = arith.mulf %mul3A_1081, %sub3A_1086 : vector<16xf32>
        %mul3A_1088 = arith.mulf %add3A_1064, %mul3A_1087 : vector<16xf32>
        %add3A_1089 = arith.addf %gather3A_1048, %gather3A_1053 : vector<16xf32>
        %mul3A_1090 = arith.mulf %add3A_1089, %mul3A_1088 : vector<16xf32>
        %mul3A_1091 = arith.mulf %get3A_29, %mul3A_1090 : vector<16xf32>
        %exp3A_1092 = math.exp %mul3A_1091 : vector<16xf32>
        %mul3A_1093 = arith.mulf %get3A_13, %exp3A_1092 : vector<16xf32>
        %mul3A_1094 = arith.mulf %get3A_33, %mul3A_1090 : vector<16xf32>
        %exp3A_1095 = math.exp %mul3A_1094 : vector<16xf32>
        %mul3A_1096 = arith.mulf %get3A_17, %exp3A_1095 : vector<16xf32>
        %add3A_1097 = arith.addf %mul3A_1093, %mul3A_1096 : vector<16xf32>
        %mul3A_1098 = arith.mulf %get3A_37, %mul3A_1090 : vector<16xf32>
        %exp3A_1099 = math.exp %mul3A_1098 : vector<16xf32>
        %mul3A_1100 = arith.mulf %get3A_21, %exp3A_1099 : vector<16xf32>
        %add3A_1101 = arith.addf %add3A_1097, %mul3A_1100 : vector<16xf32>
        %mul3A_1102 = arith.mulf %get3A_41, %mul3A_1090 : vector<16xf32>
        %exp3A_1103 = math.exp %mul3A_1102 : vector<16xf32>
        %mul3A_1104 = arith.mulf %get3A_25, %exp3A_1103 : vector<16xf32>
        %add3A_1105 = arith.addf %add3A_1101, %mul3A_1104 : vector<16xf32>
        %convert_element_type3A_1106 = arith.sitofp %and3A_1037 : vector<16xi32> to vector<16xf32>
        %convert_element_type3A_1107 = arith.sitofp %and3A_1040 : vector<16xi32> to vector<16xf32>
        %mul3A_1108 = arith.mulf %convert_element_type3A_1106, %convert_element_type3A_1107 : vector<16xf32>
        %mul3A_1109 = arith.mulf %mul3A_1108, %mul3A_1087 : vector<16xf32>
        %add3A_1110 = arith.addi %mul3A_3, %shift_right_arithmetic3A_1043 : vector<16xi32>
        %mul3A_1111 = arith.mulf %mul3A_1109, %add3A_1105 : vector<16xf32>
        tpu.vector_store_idx %arg24[%add3A_1110], %mul3A_1111 {add = true} : memref<16144xf32, #tpu.memory_space<vmem>>[vector<16xi32>], vector<16xf32>,
        %scan3A_1112 = arith.constant 0 : i32
        scf.yield %scan3A_1112 : i32
      }
      %scan3A_163 = arith.constant 5 : i32
      %add3A_164 = arith.constant 2 : i32
      %add3A_165 = arith.addi %mul3A_134, %add3A_164 : i32
      %min3A = arith.constant 124 : i32
      %min3A_166 = arith.minsi %add3A_165, %min3A : i32
      %mul3A_167 = arith.constant 100000 : i32
      %mul3A_168 = arith.muli %add3A, %mul3A_167 : i32
      %mul3A_169 = arith.constant 800 : i32
      %mul3A_170 = arith.muli %min3A_166, %mul3A_169 : i32
      %add3A_171 = arith.addi %mul3A_168, %mul3A_170 : i32
      %dma_start3A_172 = tpu.memref_slice %arg8[%add3A_171] : memref<3200000xi32, #tpu.memory_space<hbm>> -> memref<800xi32, #tpu.memory_space<hbm>>
      %dma_start3A_173 = tpu.memref_slice %arg8[%add3A_171] : memref<3200000xi32, #tpu.memory_space<hbm>> -> memref<800xi32, #tpu.memory_space<hbm>>
      tpu.enqueue_dma source(%dma_start3A_173 : memref<800xi32, #tpu.memory_space<hbm>>) target(%arg17 : memref<800xi32, #tpu.memory_space<vmem>>) target_semaphore(%arg26 : memref<!tpu.dma_semaphore, #tpu.memory_space<semaphore_mem>>)
      %dma_start3A_174 = tpu.memref_slice %arg9[%add3A_171] : memref<3200000xi32, #tpu.memory_space<hbm>> -> memref<800xi32, #tpu.memory_space<hbm>>
      %dma_start3A_175 = tpu.memref_slice %arg9[%add3A_171] : memref<3200000xi32, #tpu.memory_space<hbm>> -> memref<800xi32, #tpu.memory_space<hbm>>
      tpu.enqueue_dma source(%dma_start3A_175 : memref<800xi32, #tpu.memory_space<hbm>>) target(%arg18 : memref<800xi32, #tpu.memory_space<vmem>>) target_semaphore(%arg26 : memref<!tpu.dma_semaphore, #tpu.memory_space<semaphore_mem>>)
      %dma_start3A_176 = tpu.memref_slice %arg5[%add3A_171] : memref<3200000xf32, #tpu.memory_space<hbm>> -> memref<800xf32, #tpu.memory_space<hbm>>
      %dma_start3A_177 = tpu.memref_slice %arg5[%add3A_171] : memref<3200000xf32, #tpu.memory_space<hbm>> -> memref<800xf32, #tpu.memory_space<hbm>>
      tpu.enqueue_dma source(%dma_start3A_177 : memref<800xf32, #tpu.memory_space<hbm>>) target(%arg14 : memref<800xf32, #tpu.memory_space<vmem>>) target_semaphore(%arg26 : memref<!tpu.dma_semaphore, #tpu.memory_space<semaphore_mem>>)
      %dma_start3A_178 = tpu.memref_slice %arg6[%add3A_171] : memref<3200000xf32, #tpu.memory_space<hbm>> -> memref<800xf32, #tpu.memory_space<hbm>>
      %dma_start3A_179 = tpu.memref_slice %arg6[%add3A_171] : memref<3200000xf32, #tpu.memory_space<hbm>> -> memref<800xf32, #tpu.memory_space<hbm>>
      tpu.enqueue_dma source(%dma_start3A_179 : memref<800xf32, #tpu.memory_space<hbm>>) target(%arg15 : memref<800xf32, #tpu.memory_space<vmem>>) target_semaphore(%arg26 : memref<!tpu.dma_semaphore, #tpu.memory_space<semaphore_mem>>)
      %dma_start3A_180 = tpu.memref_slice %arg7[%add3A_171] : memref<3200000xf32, #tpu.memory_space<hbm>> -> memref<800xf32, #tpu.memory_space<hbm>>
      %dma_start3A_181 = tpu.memref_slice %arg7[%add3A_171] : memref<3200000xf32, #tpu.memory_space<hbm>> -> memref<800xf32, #tpu.memory_space<hbm>>
      tpu.enqueue_dma source(%dma_start3A_181 : memref<800xf32, #tpu.memory_space<hbm>>) target(%arg16 : memref<800xf32, #tpu.memory_space<vmem>>) target_semaphore(%arg26 : memref<!tpu.dma_semaphore, #tpu.memory_space<semaphore_mem>>)
      %dma_wait3A_182 = arith.constant 0 : i32
      %dma_wait3A_183 = tpu.memref_slice %arg8[%dma_wait3A_182] : memref<3200000xi32, #tpu.memory_space<hbm>> -> memref<800xi32, #tpu.memory_space<hbm>>
      %dma_wait3A_184 = arith.constant 0 : i32
      %dma_wait3A_185 = tpu.memref_slice %arg8[%dma_wait3A_184] : memref<3200000xi32, #tpu.memory_space<hbm>> -> memref<800xi32, #tpu.memory_space<hbm>>
      tpu.wait_dma2 semaphore(%arg27 : memref<!tpu.dma_semaphore, #tpu.memory_space<semaphore_mem>>) src(%dma_wait3A_185 : memref<800xi32, #tpu.memory_space<hbm>>) dst(%arg22 : memref<800xi32, #tpu.memory_space<vmem>>)
      %dma_wait3A_186 = arith.constant 0 : i32
      %dma_wait3A_187 = tpu.memref_slice %arg9[%dma_wait3A_186] : memref<3200000xi32, #tpu.memory_space<hbm>> -> memref<800xi32, #tpu.memory_space<hbm>>
      %dma_wait3A_188 = arith.constant 0 : i32
      %dma_wait3A_189 = tpu.memref_slice %arg9[%dma_wait3A_188] : memref<3200000xi32, #tpu.memory_space<hbm>> -> memref<800xi32, #tpu.memory_space<hbm>>
      tpu.wait_dma2 semaphore(%arg27 : memref<!tpu.dma_semaphore, #tpu.memory_space<semaphore_mem>>) src(%dma_wait3A_189 : memref<800xi32, #tpu.memory_space<hbm>>) dst(%arg23 : memref<800xi32, #tpu.memory_space<vmem>>)
      %dma_wait3A_190 = arith.constant 0 : i32
      %dma_wait3A_191 = tpu.memref_slice %arg5[%dma_wait3A_190] : memref<3200000xf32, #tpu.memory_space<hbm>> -> memref<800xf32, #tpu.memory_space<hbm>>
      %dma_wait3A_192 = arith.constant 0 : i32
      %dma_wait3A_193 = tpu.memref_slice %arg5[%dma_wait3A_192] : memref<3200000xf32, #tpu.memory_space<hbm>> -> memref<800xf32, #tpu.memory_space<hbm>>
      tpu.wait_dma2 semaphore(%arg27 : memref<!tpu.dma_semaphore, #tpu.memory_space<semaphore_mem>>) src(%dma_wait3A_193 : memref<800xf32, #tpu.memory_space<hbm>>) dst(%arg19 : memref<800xf32, #tpu.memory_space<vmem>>)
      %dma_wait3A_194 = arith.constant 0 : i32
      %dma_wait3A_195 = tpu.memref_slice %arg6[%dma_wait3A_194] : memref<3200000xf32, #tpu.memory_space<hbm>> -> memref<800xf32, #tpu.memory_space<hbm>>
      %dma_wait3A_196 = arith.constant 0 : i32
      %dma_wait3A_197 = tpu.memref_slice %arg6[%dma_wait3A_196] : memref<3200000xf32, #tpu.memory_space<hbm>> -> memref<800xf32, #tpu.memory_space<hbm>>
      tpu.wait_dma2 semaphore(%arg27 : memref<!tpu.dma_semaphore, #tpu.memory_space<semaphore_mem>>) src(%dma_wait3A_197 : memref<800xf32, #tpu.memory_space<hbm>>) dst(%arg20 : memref<800xf32, #tpu.memory_space<vmem>>)
      %dma_wait3A_198 = arith.constant 0 : i32
      %dma_wait3A_199 = tpu.memref_slice %arg7[%dma_wait3A_198] : memref<3200000xf32, #tpu.memory_space<hbm>> -> memref<800xf32, #tpu.memory_space<hbm>>
      %dma_wait3A_200 = arith.constant 0 : i32
      %dma_wait3A_201 = tpu.memref_slice %arg7[%dma_wait3A_200] : memref<3200000xf32, #tpu.memory_space<hbm>> -> memref<800xf32, #tpu.memory_space<hbm>>
      tpu.wait_dma2 semaphore(%arg27 : memref<!tpu.dma_semaphore, #tpu.memory_space<semaphore_mem>>) src(%dma_wait3A_201 : memref<800xf32, #tpu.memory_space<hbm>>) dst(%arg21 : memref<800xf32, #tpu.memory_space<vmem>>)
      %scan3A_202 = arith.constant 0 : i32
      %scan3A_203 = arith.constant 0 : i32
      %scan3A_204 = arith.constant 5 : i32
      %scan3A_205 = arith.addi %scan3A_203, %scan3A_204 : i32
      %scan3A_206 = arith.constant 1 : i32
      %scan3A_207 = scf.for %scan3A_229 = %scan3A_203 to %scan3A_205 step %scan3A_206 iter_args(%scan3A_230 = %scan3A_202) -> (i32)  : i32 {
        %mul3A_231 = arith.constant 10 : i32
        %mul3A_232 = arith.muli %scan3A_229, %mul3A_231 : i32
        %add3A_233 = arith.constant 0 : i32
        %add3A_234 = arith.addi %mul3A_232, %add3A_233 : i32
        %mul3A_235 = arith.constant 16 : i32
        %mul3A_236 = arith.muli %add3A_234, %mul3A_235 : i32
        %get3A_237 = arith.index_cast %mul3A_236 : i32 to index
        %get3A_238 = tpu.vector_load %arg22[%get3A_237] {strides = array<i32>} : memref<800xi32, #tpu.memory_space<vmem>>, vector<16xi32>,
        %get3A_239 = arith.index_cast %mul3A_236 : i32 to index
        %get3A_240 = tpu.vector_load %arg23[%get3A_239] {strides = array<i32>} : memref<800xi32, #tpu.memory_space<vmem>>, vector<16xi32>,
        %gather3A = tpu.vector_load_idx %arg11[%get3A_238] : memref<100000xi32, #tpu.memory_space<vmem>>[vector<16xi32>], vector<16xi32>,
        %gather3A_241 = tpu.vector_load_idx %arg11[%get3A_240] : memref<100000xi32, #tpu.memory_space<vmem>>[vector<16xi32>], vector<16xi32>,
        %and3A = arith.constant 127 : i32
        %and3A_242 = vector.broadcast %and3A : i32 to vector<16xi32>
        %and3A_243 = arith.andi %gather3A, %and3A_242 : vector<16xi32>
        %and3A_244 = arith.constant 127 : i32
        %and3A_245 = vector.broadcast %and3A_244 : i32 to vector<16xi32>
        %and3A_246 = arith.andi %gather3A_241, %and3A_245 : vector<16xi32>
        %shift_right_arithmetic3A = arith.constant 7 : i32
        %shift_right_arithmetic3A_247 = vector.broadcast %shift_right_arithmetic3A : i32 to vector<16xi32>
        %shift_right_arithmetic3A_248 = arith.shrsi %gather3A, %shift_right_arithmetic3A_247 : vector<16xi32>
        %shift_left3A = arith.constant 4 : i32
        %shift_left3A_249 = vector.broadcast %shift_left3A : i32 to vector<16xi32>
        %shift_left3A_250 = arith.shli %and3A_243, %shift_left3A_249 : vector<16xi32>
        %or3A = arith.ori %shift_left3A_250, %iota3A : vector<16xi32>
        %gather3A_251 = tpu.vector_load_idx %arg12[%or3A] : memref<2048xf32, #tpu.memory_space<vmem>>[vector<16xi32>], vector<16xf32>,
        %shift_left3A_252 = arith.constant 4 : i32
        %shift_left3A_253 = vector.broadcast %shift_left3A_252 : i32 to vector<16xi32>
        %shift_left3A_254 = arith.shli %and3A_246, %shift_left3A_253 : vector<16xi32>
        %or3A_255 = arith.ori %shift_left3A_254, %iota3A : vector<16xi32>
        %gather3A_256 = tpu.vector_load_idx %arg12[%or3A_255] : memref<2048xf32, #tpu.memory_space<vmem>>[vector<16xi32>], vector<16xf32>,
        %get3A_257 = arith.index_cast %mul3A_236 : i32 to index
        %get3A_258 = tpu.vector_load %arg19[%get3A_257] {strides = array<i32>} : memref<800xf32, #tpu.memory_space<vmem>>, vector<16xf32>,
        %get3A_259 = arith.index_cast %mul3A_236 : i32 to index
        %get3A_260 = tpu.vector_load %arg20[%get3A_259] {strides = array<i32>} : memref<800xf32, #tpu.memory_space<vmem>>, vector<16xf32>,
        %get3A_261 = arith.index_cast %mul3A_236 : i32 to index
        %get3A_262 = tpu.vector_load %arg21[%get3A_261] {strides = array<i32>} : memref<800xf32, #tpu.memory_space<vmem>>, vector<16xf32>,
        %mul3A_263 = arith.mulf %get3A_258, %get3A_258 : vector<16xf32>
        %mul3A_264 = arith.mulf %get3A_260, %get3A_260 : vector<16xf32>
        %add3A_265 = arith.addf %mul3A_263, %mul3A_264 : vector<16xf32>
        %mul3A_266 = arith.mulf %get3A_262, %get3A_262 : vector<16xf32>
        %add3A_267 = arith.addf %add3A_265, %mul3A_266 : vector<16xf32>
        %mul3A_268 = arith.constant 5.000000e-01 : f32
        %mul3A_269 = vector.broadcast %mul3A_268 : f32 to vector<16xf32>
        %mul3A_270 = arith.mulf %add3A_267, %mul3A_269 : vector<16xf32>
        %bitcast3A = vector.bitcast %add3A_267 : vector<16xf32> to vector<16xi32>
        %shift_right_arithmetic3A_271 = arith.constant 1 : i32
        %shift_right_arithmetic3A_272 = vector.broadcast %shift_right_arithmetic3A_271 : i32 to vector<16xi32>
        %shift_right_arithmetic3A_273 = arith.shrsi %bitcast3A, %shift_right_arithmetic3A_272 : vector<16xi32>
        %sub3A = arith.constant 1597463007 : i32
        %sub3A_274 = vector.broadcast %sub3A : i32 to vector<16xi32>
        %sub3A_275 = arith.subi %sub3A_274, %shift_right_arithmetic3A_273 : vector<16xi32>
        %bitcast3A_276 = vector.bitcast %sub3A_275 : vector<16xi32> to vector<16xf32>
        %mul3A_277 = arith.mulf %mul3A_270, %bitcast3A_276 : vector<16xf32>
        %mul3A_278 = arith.mulf %mul3A_277, %bitcast3A_276 : vector<16xf32>
        %sub3A_279 = arith.constant 1.500000e+00 : f32
        %sub3A_280 = vector.broadcast %sub3A_279 : f32 to vector<16xf32>
        %sub3A_281 = arith.subf %sub3A_280, %mul3A_278 : vector<16xf32>
        %mul3A_282 = arith.mulf %bitcast3A_276, %sub3A_281 : vector<16xf32>
        %mul3A_283 = arith.mulf %mul3A_270, %mul3A_282 : vector<16xf32>
        %mul3A_284 = arith.mulf %mul3A_283, %mul3A_282 : vector<16xf32>
        %sub3A_285 = arith.constant 1.500000e+00 : f32
        %sub3A_286 = vector.broadcast %sub3A_285 : f32 to vector<16xf32>
        %sub3A_287 = arith.subf %sub3A_286, %mul3A_284 : vector<16xf32>
        %mul3A_288 = arith.mulf %mul3A_282, %sub3A_287 : vector<16xf32>
        %mul3A_289 = arith.mulf %add3A_267, %mul3A_288 : vector<16xf32>
        %add3A_290 = arith.addf %gather3A_251, %gather3A_256 : vector<16xf32>
        %mul3A_291 = arith.mulf %add3A_290, %mul3A_289 : vector<16xf32>
        %mul3A_292 = arith.mulf %get3A_29, %mul3A_291 : vector<16xf32>
        %exp3A = math.exp %mul3A_292 : vector<16xf32>
        %mul3A_293 = arith.mulf %get3A_13, %exp3A : vector<16xf32>
        %mul3A_294 = arith.mulf %get3A_33, %mul3A_291 : vector<16xf32>
        %exp3A_295 = math.exp %mul3A_294 : vector<16xf32>
        %mul3A_296 = arith.mulf %get3A_17, %exp3A_295 : vector<16xf32>
        %add3A_297 = arith.addf %mul3A_293, %mul3A_296 : vector<16xf32>
        %mul3A_298 = arith.mulf %get3A_37, %mul3A_291 : vector<16xf32>
        %exp3A_299 = math.exp %mul3A_298 : vector<16xf32>
        %mul3A_300 = arith.mulf %get3A_21, %exp3A_299 : vector<16xf32>
        %add3A_301 = arith.addf %add3A_297, %mul3A_300 : vector<16xf32>
        %mul3A_302 = arith.mulf %get3A_41, %mul3A_291 : vector<16xf32>
        %exp3A_303 = math.exp %mul3A_302 : vector<16xf32>
        %mul3A_304 = arith.mulf %get3A_25, %exp3A_303 : vector<16xf32>
        %add3A_305 = arith.addf %add3A_301, %mul3A_304 : vector<16xf32>
        %convert_element_type3A = arith.sitofp %and3A_243 : vector<16xi32> to vector<16xf32>
        %convert_element_type3A_306 = arith.sitofp %and3A_246 : vector<16xi32> to vector<16xf32>
        %mul3A_307 = arith.mulf %convert_element_type3A, %convert_element_type3A_306 : vector<16xf32>
        %mul3A_308 = arith.mulf %mul3A_307, %mul3A_288 : vector<16xf32>
        %add3A_309 = arith.addi %mul3A_3, %shift_right_arithmetic3A_248 : vector<16xi32>
        %mul3A_310 = arith.mulf %mul3A_308, %add3A_305 : vector<16xf32>
        tpu.vector_store_idx %arg24[%add3A_309], %mul3A_310 {add = true} : memref<16144xf32, #tpu.memory_space<vmem>>[vector<16xi32>], vector<16xf32>,
        %mul3A_311 = arith.constant 10 : i32
        %mul3A_312 = arith.muli %scan3A_229, %mul3A_311 : i32
        %add3A_313 = arith.constant 1 : i32
        %add3A_314 = arith.addi %mul3A_312, %add3A_313 : i32
        %mul3A_315 = arith.constant 16 : i32
        %mul3A_316 = arith.muli %add3A_314, %mul3A_315 : i32
        %get3A_317 = arith.index_cast %mul3A_316 : i32 to index
        %get3A_318 = tpu.vector_load %arg22[%get3A_317] {strides = array<i32>} : memref<800xi32, #tpu.memory_space<vmem>>, vector<16xi32>,
        %get3A_319 = arith.index_cast %mul3A_316 : i32 to index
        %get3A_320 = tpu.vector_load %arg23[%get3A_319] {strides = array<i32>} : memref<800xi32, #tpu.memory_space<vmem>>, vector<16xi32>,
        %gather3A_321 = tpu.vector_load_idx %arg11[%get3A_318] : memref<100000xi32, #tpu.memory_space<vmem>>[vector<16xi32>], vector<16xi32>,
        %gather3A_322 = tpu.vector_load_idx %arg11[%get3A_320] : memref<100000xi32, #tpu.memory_space<vmem>>[vector<16xi32>], vector<16xi32>,
        %and3A_323 = arith.constant 127 : i32
        %and3A_324 = vector.broadcast %and3A_323 : i32 to vector<16xi32>
        %and3A_325 = arith.andi %gather3A_321, %and3A_324 : vector<16xi32>
        %and3A_326 = arith.constant 127 : i32
        %and3A_327 = vector.broadcast %and3A_326 : i32 to vector<16xi32>
        %and3A_328 = arith.andi %gather3A_322, %and3A_327 : vector<16xi32>
        %shift_right_arithmetic3A_329 = arith.constant 7 : i32
        %shift_right_arithmetic3A_330 = vector.broadcast %shift_right_arithmetic3A_329 : i32 to vector<16xi32>
        %shift_right_arithmetic3A_331 = arith.shrsi %gather3A_321, %shift_right_arithmetic3A_330 : vector<16xi32>
        %shift_left3A_332 = arith.constant 4 : i32
        %shift_left3A_333 = vector.broadcast %shift_left3A_332 : i32 to vector<16xi32>
        %shift_left3A_334 = arith.shli %and3A_325, %shift_left3A_333 : vector<16xi32>
        %or3A_335 = arith.ori %shift_left3A_334, %iota3A : vector<16xi32>
        %gather3A_336 = tpu.vector_load_idx %arg12[%or3A_335] : memref<2048xf32, #tpu.memory_space<vmem>>[vector<16xi32>], vector<16xf32>,
        %shift_left3A_337 = arith.constant 4 : i32
        %shift_left3A_338 = vector.broadcast %shift_left3A_337 : i32 to vector<16xi32>
        %shift_left3A_339 = arith.shli %and3A_328, %shift_left3A_338 : vector<16xi32>
        %or3A_340 = arith.ori %shift_left3A_339, %iota3A : vector<16xi32>
        %gather3A_341 = tpu.vector_load_idx %arg12[%or3A_340] : memref<2048xf32, #tpu.memory_space<vmem>>[vector<16xi32>], vector<16xf32>,
        %get3A_342 = arith.index_cast %mul3A_316 : i32 to index
        %get3A_343 = tpu.vector_load %arg19[%get3A_342] {strides = array<i32>} : memref<800xf32, #tpu.memory_space<vmem>>, vector<16xf32>,
        %get3A_344 = arith.index_cast %mul3A_316 : i32 to index
        %get3A_345 = tpu.vector_load %arg20[%get3A_344] {strides = array<i32>} : memref<800xf32, #tpu.memory_space<vmem>>, vector<16xf32>,
        %get3A_346 = arith.index_cast %mul3A_316 : i32 to index
        %get3A_347 = tpu.vector_load %arg21[%get3A_346] {strides = array<i32>} : memref<800xf32, #tpu.memory_space<vmem>>, vector<16xf32>,
        %mul3A_348 = arith.mulf %get3A_343, %get3A_343 : vector<16xf32>
        %mul3A_349 = arith.mulf %get3A_345, %get3A_345 : vector<16xf32>
        %add3A_350 = arith.addf %mul3A_348, %mul3A_349 : vector<16xf32>
        %mul3A_351 = arith.mulf %get3A_347, %get3A_347 : vector<16xf32>
        %add3A_352 = arith.addf %add3A_350, %mul3A_351 : vector<16xf32>
        %mul3A_353 = arith.constant 5.000000e-01 : f32
        %mul3A_354 = vector.broadcast %mul3A_353 : f32 to vector<16xf32>
        %mul3A_355 = arith.mulf %add3A_352, %mul3A_354 : vector<16xf32>
        %bitcast3A_356 = vector.bitcast %add3A_352 : vector<16xf32> to vector<16xi32>
        %shift_right_arithmetic3A_357 = arith.constant 1 : i32
        %shift_right_arithmetic3A_358 = vector.broadcast %shift_right_arithmetic3A_357 : i32 to vector<16xi32>
        %shift_right_arithmetic3A_359 = arith.shrsi %bitcast3A_356, %shift_right_arithmetic3A_358 : vector<16xi32>
        %sub3A_360 = arith.constant 1597463007 : i32
        %sub3A_361 = vector.broadcast %sub3A_360 : i32 to vector<16xi32>
        %sub3A_362 = arith.subi %sub3A_361, %shift_right_arithmetic3A_359 : vector<16xi32>
        %bitcast3A_363 = vector.bitcast %sub3A_362 : vector<16xi32> to vector<16xf32>
        %mul3A_364 = arith.mulf %mul3A_355, %bitcast3A_363 : vector<16xf32>
        %mul3A_365 = arith.mulf %mul3A_364, %bitcast3A_363 : vector<16xf32>
        %sub3A_366 = arith.constant 1.500000e+00 : f32
        %sub3A_367 = vector.broadcast %sub3A_366 : f32 to vector<16xf32>
        %sub3A_368 = arith.subf %sub3A_367, %mul3A_365 : vector<16xf32>
        %mul3A_369 = arith.mulf %bitcast3A_363, %sub3A_368 : vector<16xf32>
        %mul3A_370 = arith.mulf %mul3A_355, %mul3A_369 : vector<16xf32>
        %mul3A_371 = arith.mulf %mul3A_370, %mul3A_369 : vector<16xf32>
        %sub3A_372 = arith.constant 1.500000e+00 : f32
        %sub3A_373 = vector.broadcast %sub3A_372 : f32 to vector<16xf32>
        %sub3A_374 = arith.subf %sub3A_373, %mul3A_371 : vector<16xf32>
        %mul3A_375 = arith.mulf %mul3A_369, %sub3A_374 : vector<16xf32>
        %mul3A_376 = arith.mulf %add3A_352, %mul3A_375 : vector<16xf32>
        %add3A_377 = arith.addf %gather3A_336, %gather3A_341 : vector<16xf32>
        %mul3A_378 = arith.mulf %add3A_377, %mul3A_376 : vector<16xf32>
        %mul3A_379 = arith.mulf %get3A_29, %mul3A_378 : vector<16xf32>
        %exp3A_380 = math.exp %mul3A_379 : vector<16xf32>
        %mul3A_381 = arith.mulf %get3A_13, %exp3A_380 : vector<16xf32>
        %mul3A_382 = arith.mulf %get3A_33, %mul3A_378 : vector<16xf32>
        %exp3A_383 = math.exp %mul3A_382 : vector<16xf32>
        %mul3A_384 = arith.mulf %get3A_17, %exp3A_383 : vector<16xf32>
        %add3A_385 = arith.addf %mul3A_381, %mul3A_384 : vector<16xf32>
        %mul3A_386 = arith.mulf %get3A_37, %mul3A_378 : vector<16xf32>
        %exp3A_387 = math.exp %mul3A_386 : vector<16xf32>
        %mul3A_388 = arith.mulf %get3A_21, %exp3A_387 : vector<16xf32>
        %add3A_389 = arith.addf %add3A_385, %mul3A_388 : vector<16xf32>
        %mul3A_390 = arith.mulf %get3A_41, %mul3A_378 : vector<16xf32>
        %exp3A_391 = math.exp %mul3A_390 : vector<16xf32>
        %mul3A_392 = arith.mulf %get3A_25, %exp3A_391 : vector<16xf32>
        %add3A_393 = arith.addf %add3A_389, %mul3A_392 : vector<16xf32>
        %convert_element_type3A_394 = arith.sitofp %and3A_325 : vector<16xi32> to vector<16xf32>
        %convert_element_type3A_395 = arith.sitofp %and3A_328 : vector<16xi32> to vector<16xf32>
        %mul3A_396 = arith.mulf %convert_element_type3A_394, %convert_element_type3A_395 : vector<16xf32>
        %mul3A_397 = arith.mulf %mul3A_396, %mul3A_375 : vector<16xf32>
        %add3A_398 = arith.addi %mul3A_3, %shift_right_arithmetic3A_331 : vector<16xi32>
        %mul3A_399 = arith.mulf %mul3A_397, %add3A_393 : vector<16xf32>
        tpu.vector_store_idx %arg24[%add3A_398], %mul3A_399 {add = true} : memref<16144xf32, #tpu.memory_space<vmem>>[vector<16xi32>], vector<16xf32>,
        %mul3A_400 = arith.constant 10 : i32
        %mul3A_401 = arith.muli %scan3A_229, %mul3A_400 : i32
        %add3A_402 = arith.constant 2 : i32
        %add3A_403 = arith.addi %mul3A_401, %add3A_402 : i32
        %mul3A_404 = arith.constant 16 : i32
        %mul3A_405 = arith.muli %add3A_403, %mul3A_404 : i32
        %get3A_406 = arith.index_cast %mul3A_405 : i32 to index
        %get3A_407 = tpu.vector_load %arg22[%get3A_406] {strides = array<i32>} : memref<800xi32, #tpu.memory_space<vmem>>, vector<16xi32>,
        %get3A_408 = arith.index_cast %mul3A_405 : i32 to index
        %get3A_409 = tpu.vector_load %arg23[%get3A_408] {strides = array<i32>} : memref<800xi32, #tpu.memory_space<vmem>>, vector<16xi32>,
        %gather3A_410 = tpu.vector_load_idx %arg11[%get3A_407] : memref<100000xi32, #tpu.memory_space<vmem>>[vector<16xi32>], vector<16xi32>,
        %gather3A_411 = tpu.vector_load_idx %arg11[%get3A_409] : memref<100000xi32, #tpu.memory_space<vmem>>[vector<16xi32>], vector<16xi32>,
        %and3A_412 = arith.constant 127 : i32
        %and3A_413 = vector.broadcast %and3A_412 : i32 to vector<16xi32>
        %and3A_414 = arith.andi %gather3A_410, %and3A_413 : vector<16xi32>
        %and3A_415 = arith.constant 127 : i32
        %and3A_416 = vector.broadcast %and3A_415 : i32 to vector<16xi32>
        %and3A_417 = arith.andi %gather3A_411, %and3A_416 : vector<16xi32>
        %shift_right_arithmetic3A_418 = arith.constant 7 : i32
        %shift_right_arithmetic3A_419 = vector.broadcast %shift_right_arithmetic3A_418 : i32 to vector<16xi32>
        %shift_right_arithmetic3A_420 = arith.shrsi %gather3A_410, %shift_right_arithmetic3A_419 : vector<16xi32>
        %shift_left3A_421 = arith.constant 4 : i32
        %shift_left3A_422 = vector.broadcast %shift_left3A_421 : i32 to vector<16xi32>
        %shift_left3A_423 = arith.shli %and3A_414, %shift_left3A_422 : vector<16xi32>
        %or3A_424 = arith.ori %shift_left3A_423, %iota3A : vector<16xi32>
        %gather3A_425 = tpu.vector_load_idx %arg12[%or3A_424] : memref<2048xf32, #tpu.memory_space<vmem>>[vector<16xi32>], vector<16xf32>,
        %shift_left3A_426 = arith.constant 4 : i32
        %shift_left3A_427 = vector.broadcast %shift_left3A_426 : i32 to vector<16xi32>
        %shift_left3A_428 = arith.shli %and3A_417, %shift_left3A_427 : vector<16xi32>
        %or3A_429 = arith.ori %shift_left3A_428, %iota3A : vector<16xi32>
        %gather3A_430 = tpu.vector_load_idx %arg12[%or3A_429] : memref<2048xf32, #tpu.memory_space<vmem>>[vector<16xi32>], vector<16xf32>,
        %get3A_431 = arith.index_cast %mul3A_405 : i32 to index
        %get3A_432 = tpu.vector_load %arg19[%get3A_431] {strides = array<i32>} : memref<800xf32, #tpu.memory_space<vmem>>, vector<16xf32>,
        %get3A_433 = arith.index_cast %mul3A_405 : i32 to index
        %get3A_434 = tpu.vector_load %arg20[%get3A_433] {strides = array<i32>} : memref<800xf32, #tpu.memory_space<vmem>>, vector<16xf32>,
        %get3A_435 = arith.index_cast %mul3A_405 : i32 to index
        %get3A_436 = tpu.vector_load %arg21[%get3A_435] {strides = array<i32>} : memref<800xf32, #tpu.memory_space<vmem>>, vector<16xf32>,
        %mul3A_437 = arith.mulf %get3A_432, %get3A_432 : vector<16xf32>
        %mul3A_438 = arith.mulf %get3A_434, %get3A_434 : vector<16xf32>
        %add3A_439 = arith.addf %mul3A_437, %mul3A_438 : vector<16xf32>
        %mul3A_440 = arith.mulf %get3A_436, %get3A_436 : vector<16xf32>
        %add3A_441 = arith.addf %add3A_439, %mul3A_440 : vector<16xf32>
        %mul3A_442 = arith.constant 5.000000e-01 : f32
        %mul3A_443 = vector.broadcast %mul3A_442 : f32 to vector<16xf32>
        %mul3A_444 = arith.mulf %add3A_441, %mul3A_443 : vector<16xf32>
        %bitcast3A_445 = vector.bitcast %add3A_441 : vector<16xf32> to vector<16xi32>
        %shift_right_arithmetic3A_446 = arith.constant 1 : i32
        %shift_right_arithmetic3A_447 = vector.broadcast %shift_right_arithmetic3A_446 : i32 to vector<16xi32>
        %shift_right_arithmetic3A_448 = arith.shrsi %bitcast3A_445, %shift_right_arithmetic3A_447 : vector<16xi32>
        %sub3A_449 = arith.constant 1597463007 : i32
        %sub3A_450 = vector.broadcast %sub3A_449 : i32 to vector<16xi32>
        %sub3A_451 = arith.subi %sub3A_450, %shift_right_arithmetic3A_448 : vector<16xi32>
        %bitcast3A_452 = vector.bitcast %sub3A_451 : vector<16xi32> to vector<16xf32>
        %mul3A_453 = arith.mulf %mul3A_444, %bitcast3A_452 : vector<16xf32>
        %mul3A_454 = arith.mulf %mul3A_453, %bitcast3A_452 : vector<16xf32>
        %sub3A_455 = arith.constant 1.500000e+00 : f32
        %sub3A_456 = vector.broadcast %sub3A_455 : f32 to vector<16xf32>
        %sub3A_457 = arith.subf %sub3A_456, %mul3A_454 : vector<16xf32>
        %mul3A_458 = arith.mulf %bitcast3A_452, %sub3A_457 : vector<16xf32>
        %mul3A_459 = arith.mulf %mul3A_444, %mul3A_458 : vector<16xf32>
        %mul3A_460 = arith.mulf %mul3A_459, %mul3A_458 : vector<16xf32>
        %sub3A_461 = arith.constant 1.500000e+00 : f32
        %sub3A_462 = vector.broadcast %sub3A_461 : f32 to vector<16xf32>
        %sub3A_463 = arith.subf %sub3A_462, %mul3A_460 : vector<16xf32>
        %mul3A_464 = arith.mulf %mul3A_458, %sub3A_463 : vector<16xf32>
        %mul3A_465 = arith.mulf %add3A_441, %mul3A_464 : vector<16xf32>
        %add3A_466 = arith.addf %gather3A_425, %gather3A_430 : vector<16xf32>
        %mul3A_467 = arith.mulf %add3A_466, %mul3A_465 : vector<16xf32>
        %mul3A_468 = arith.mulf %get3A_29, %mul3A_467 : vector<16xf32>
        %exp3A_469 = math.exp %mul3A_468 : vector<16xf32>
        %mul3A_470 = arith.mulf %get3A_13, %exp3A_469 : vector<16xf32>
        %mul3A_471 = arith.mulf %get3A_33, %mul3A_467 : vector<16xf32>
        %exp3A_472 = math.exp %mul3A_471 : vector<16xf32>
        %mul3A_473 = arith.mulf %get3A_17, %exp3A_472 : vector<16xf32>
        %add3A_474 = arith.addf %mul3A_470, %mul3A_473 : vector<16xf32>
        %mul3A_475 = arith.mulf %get3A_37, %mul3A_467 : vector<16xf32>
        %exp3A_476 = math.exp %mul3A_475 : vector<16xf32>
        %mul3A_477 = arith.mulf %get3A_21, %exp3A_476 : vector<16xf32>
        %add3A_478 = arith.addf %add3A_474, %mul3A_477 : vector<16xf32>
        %mul3A_479 = arith.mulf %get3A_41, %mul3A_467 : vector<16xf32>
        %exp3A_480 = math.exp %mul3A_479 : vector<16xf32>
        %mul3A_481 = arith.mulf %get3A_25, %exp3A_480 : vector<16xf32>
        %add3A_482 = arith.addf %add3A_478, %mul3A_481 : vector<16xf32>
        %convert_element_type3A_483 = arith.sitofp %and3A_414 : vector<16xi32> to vector<16xf32>
        %convert_element_type3A_484 = arith.sitofp %and3A_417 : vector<16xi32> to vector<16xf32>
        %mul3A_485 = arith.mulf %convert_element_type3A_483, %convert_element_type3A_484 : vector<16xf32>
        %mul3A_486 = arith.mulf %mul3A_485, %mul3A_464 : vector<16xf32>
        %add3A_487 = arith.addi %mul3A_3, %shift_right_arithmetic3A_420 : vector<16xi32>
        %mul3A_488 = arith.mulf %mul3A_486, %add3A_482 : vector<16xf32>
        tpu.vector_store_idx %arg24[%add3A_487], %mul3A_488 {add = true} : memref<16144xf32, #tpu.memory_space<vmem>>[vector<16xi32>], vector<16xf32>,
        %mul3A_489 = arith.constant 10 : i32
        %mul3A_490 = arith.muli %scan3A_229, %mul3A_489 : i32
        %add3A_491 = arith.constant 3 : i32
        %add3A_492 = arith.addi %mul3A_490, %add3A_491 : i32
        %mul3A_493 = arith.constant 16 : i32
        %mul3A_494 = arith.muli %add3A_492, %mul3A_493 : i32
        %get3A_495 = arith.index_cast %mul3A_494 : i32 to index
        %get3A_496 = tpu.vector_load %arg22[%get3A_495] {strides = array<i32>} : memref<800xi32, #tpu.memory_space<vmem>>, vector<16xi32>,
        %get3A_497 = arith.index_cast %mul3A_494 : i32 to index
        %get3A_498 = tpu.vector_load %arg23[%get3A_497] {strides = array<i32>} : memref<800xi32, #tpu.memory_space<vmem>>, vector<16xi32>,
        %gather3A_499 = tpu.vector_load_idx %arg11[%get3A_496] : memref<100000xi32, #tpu.memory_space<vmem>>[vector<16xi32>], vector<16xi32>,
        %gather3A_500 = tpu.vector_load_idx %arg11[%get3A_498] : memref<100000xi32, #tpu.memory_space<vmem>>[vector<16xi32>], vector<16xi32>,
        %and3A_501 = arith.constant 127 : i32
        %and3A_502 = vector.broadcast %and3A_501 : i32 to vector<16xi32>
        %and3A_503 = arith.andi %gather3A_499, %and3A_502 : vector<16xi32>
        %and3A_504 = arith.constant 127 : i32
        %and3A_505 = vector.broadcast %and3A_504 : i32 to vector<16xi32>
        %and3A_506 = arith.andi %gather3A_500, %and3A_505 : vector<16xi32>
        %shift_right_arithmetic3A_507 = arith.constant 7 : i32
        %shift_right_arithmetic3A_508 = vector.broadcast %shift_right_arithmetic3A_507 : i32 to vector<16xi32>
        %shift_right_arithmetic3A_509 = arith.shrsi %gather3A_499, %shift_right_arithmetic3A_508 : vector<16xi32>
        %shift_left3A_510 = arith.constant 4 : i32
        %shift_left3A_511 = vector.broadcast %shift_left3A_510 : i32 to vector<16xi32>
        %shift_left3A_512 = arith.shli %and3A_503, %shift_left3A_511 : vector<16xi32>
        %or3A_513 = arith.ori %shift_left3A_512, %iota3A : vector<16xi32>
        %gather3A_514 = tpu.vector_load_idx %arg12[%or3A_513] : memref<2048xf32, #tpu.memory_space<vmem>>[vector<16xi32>], vector<16xf32>,
        %shift_left3A_515 = arith.constant 4 : i32
        %shift_left3A_516 = vector.broadcast %shift_left3A_515 : i32 to vector<16xi32>
        %shift_left3A_517 = arith.shli %and3A_506, %shift_left3A_516 : vector<16xi32>
        %or3A_518 = arith.ori %shift_left3A_517, %iota3A : vector<16xi32>
        %gather3A_519 = tpu.vector_load_idx %arg12[%or3A_518] : memref<2048xf32, #tpu.memory_space<vmem>>[vector<16xi32>], vector<16xf32>,
        %get3A_520 = arith.index_cast %mul3A_494 : i32 to index
        %get3A_521 = tpu.vector_load %arg19[%get3A_520] {strides = array<i32>} : memref<800xf32, #tpu.memory_space<vmem>>, vector<16xf32>,
        %get3A_522 = arith.index_cast %mul3A_494 : i32 to index
        %get3A_523 = tpu.vector_load %arg20[%get3A_522] {strides = array<i32>} : memref<800xf32, #tpu.memory_space<vmem>>, vector<16xf32>,
        %get3A_524 = arith.index_cast %mul3A_494 : i32 to index
        %get3A_525 = tpu.vector_load %arg21[%get3A_524] {strides = array<i32>} : memref<800xf32, #tpu.memory_space<vmem>>, vector<16xf32>,
        %mul3A_526 = arith.mulf %get3A_521, %get3A_521 : vector<16xf32>
        %mul3A_527 = arith.mulf %get3A_523, %get3A_523 : vector<16xf32>
        %add3A_528 = arith.addf %mul3A_526, %mul3A_527 : vector<16xf32>
        %mul3A_529 = arith.mulf %get3A_525, %get3A_525 : vector<16xf32>
        %add3A_530 = arith.addf %add3A_528, %mul3A_529 : vector<16xf32>
        %mul3A_531 = arith.constant 5.000000e-01 : f32
        %mul3A_532 = vector.broadcast %mul3A_531 : f32 to vector<16xf32>
        %mul3A_533 = arith.mulf %add3A_530, %mul3A_532 : vector<16xf32>
        %bitcast3A_534 = vector.bitcast %add3A_530 : vector<16xf32> to vector<16xi32>
        %shift_right_arithmetic3A_535 = arith.constant 1 : i32
        %shift_right_arithmetic3A_536 = vector.broadcast %shift_right_arithmetic3A_535 : i32 to vector<16xi32>
        %shift_right_arithmetic3A_537 = arith.shrsi %bitcast3A_534, %shift_right_arithmetic3A_536 : vector<16xi32>
        %sub3A_538 = arith.constant 1597463007 : i32
        %sub3A_539 = vector.broadcast %sub3A_538 : i32 to vector<16xi32>
        %sub3A_540 = arith.subi %sub3A_539, %shift_right_arithmetic3A_537 : vector<16xi32>
        %bitcast3A_541 = vector.bitcast %sub3A_540 : vector<16xi32> to vector<16xf32>
        %mul3A_542 = arith.mulf %mul3A_533, %bitcast3A_541 : vector<16xf32>
        %mul3A_543 = arith.mulf %mul3A_542, %bitcast3A_541 : vector<16xf32>
        %sub3A_544 = arith.constant 1.500000e+00 : f32
        %sub3A_545 = vector.broadcast %sub3A_544 : f32 to vector<16xf32>
        %sub3A_546 = arith.subf %sub3A_545, %mul3A_543 : vector<16xf32>
        %mul3A_547 = arith.mulf %bitcast3A_541, %sub3A_546 : vector<16xf32>
        %mul3A_548 = arith.mulf %mul3A_533, %mul3A_547 : vector<16xf32>
        %mul3A_549 = arith.mulf %mul3A_548, %mul3A_547 : vector<16xf32>
        %sub3A_550 = arith.constant 1.500000e+00 : f32
        %sub3A_551 = vector.broadcast %sub3A_550 : f32 to vector<16xf32>
        %sub3A_552 = arith.subf %sub3A_551, %mul3A_549 : vector<16xf32>
        %mul3A_553 = arith.mulf %mul3A_547, %sub3A_552 : vector<16xf32>
        %mul3A_554 = arith.mulf %add3A_530, %mul3A_553 : vector<16xf32>
        %add3A_555 = arith.addf %gather3A_514, %gather3A_519 : vector<16xf32>
        %mul3A_556 = arith.mulf %add3A_555, %mul3A_554 : vector<16xf32>
        %mul3A_557 = arith.mulf %get3A_29, %mul3A_556 : vector<16xf32>
        %exp3A_558 = math.exp %mul3A_557 : vector<16xf32>
        %mul3A_559 = arith.mulf %get3A_13, %exp3A_558 : vector<16xf32>
        %mul3A_560 = arith.mulf %get3A_33, %mul3A_556 : vector<16xf32>
        %exp3A_561 = math.exp %mul3A_560 : vector<16xf32>
        %mul3A_562 = arith.mulf %get3A_17, %exp3A_561 : vector<16xf32>
        %add3A_563 = arith.addf %mul3A_559, %mul3A_562 : vector<16xf32>
        %mul3A_564 = arith.mulf %get3A_37, %mul3A_556 : vector<16xf32>
        %exp3A_565 = math.exp %mul3A_564 : vector<16xf32>
        %mul3A_566 = arith.mulf %get3A_21, %exp3A_565 : vector<16xf32>
        %add3A_567 = arith.addf %add3A_563, %mul3A_566 : vector<16xf32>
        %mul3A_568 = arith.mulf %get3A_41, %mul3A_556 : vector<16xf32>
        %exp3A_569 = math.exp %mul3A_568 : vector<16xf32>
        %mul3A_570 = arith.mulf %get3A_25, %exp3A_569 : vector<16xf32>
        %add3A_571 = arith.addf %add3A_567, %mul3A_570 : vector<16xf32>
        %convert_element_type3A_572 = arith.sitofp %and3A_503 : vector<16xi32> to vector<16xf32>
        %convert_element_type3A_573 = arith.sitofp %and3A_506 : vector<16xi32> to vector<16xf32>
        %mul3A_574 = arith.mulf %convert_element_type3A_572, %convert_element_type3A_573 : vector<16xf32>
        %mul3A_575 = arith.mulf %mul3A_574, %mul3A_553 : vector<16xf32>
        %add3A_576 = arith.addi %mul3A_3, %shift_right_arithmetic3A_509 : vector<16xi32>
        %mul3A_577 = arith.mulf %mul3A_575, %add3A_571 : vector<16xf32>
        tpu.vector_store_idx %arg24[%add3A_576], %mul3A_577 {add = true} : memref<16144xf32, #tpu.memory_space<vmem>>[vector<16xi32>], vector<16xf32>,
        %mul3A_578 = arith.constant 10 : i32
        %mul3A_579 = arith.muli %scan3A_229, %mul3A_578 : i32
        %add3A_580 = arith.constant 4 : i32
        %add3A_581 = arith.addi %mul3A_579, %add3A_580 : i32
        %mul3A_582 = arith.constant 16 : i32
        %mul3A_583 = arith.muli %add3A_581, %mul3A_582 : i32
        %get3A_584 = arith.index_cast %mul3A_583 : i32 to index
        %get3A_585 = tpu.vector_load %arg22[%get3A_584] {strides = array<i32>} : memref<800xi32, #tpu.memory_space<vmem>>, vector<16xi32>,
        %get3A_586 = arith.index_cast %mul3A_583 : i32 to index
        %get3A_587 = tpu.vector_load %arg23[%get3A_586] {strides = array<i32>} : memref<800xi32, #tpu.memory_space<vmem>>, vector<16xi32>,
        %gather3A_588 = tpu.vector_load_idx %arg11[%get3A_585] : memref<100000xi32, #tpu.memory_space<vmem>>[vector<16xi32>], vector<16xi32>,
        %gather3A_589 = tpu.vector_load_idx %arg11[%get3A_587] : memref<100000xi32, #tpu.memory_space<vmem>>[vector<16xi32>], vector<16xi32>,
        %and3A_590 = arith.constant 127 : i32
        %and3A_591 = vector.broadcast %and3A_590 : i32 to vector<16xi32>
        %and3A_592 = arith.andi %gather3A_588, %and3A_591 : vector<16xi32>
        %and3A_593 = arith.constant 127 : i32
        %and3A_594 = vector.broadcast %and3A_593 : i32 to vector<16xi32>
        %and3A_595 = arith.andi %gather3A_589, %and3A_594 : vector<16xi32>
        %shift_right_arithmetic3A_596 = arith.constant 7 : i32
        %shift_right_arithmetic3A_597 = vector.broadcast %shift_right_arithmetic3A_596 : i32 to vector<16xi32>
        %shift_right_arithmetic3A_598 = arith.shrsi %gather3A_588, %shift_right_arithmetic3A_597 : vector<16xi32>
        %shift_left3A_599 = arith.constant 4 : i32
        %shift_left3A_600 = vector.broadcast %shift_left3A_599 : i32 to vector<16xi32>
        %shift_left3A_601 = arith.shli %and3A_592, %shift_left3A_600 : vector<16xi32>
        %or3A_602 = arith.ori %shift_left3A_601, %iota3A : vector<16xi32>
        %gather3A_603 = tpu.vector_load_idx %arg12[%or3A_602] : memref<2048xf32, #tpu.memory_space<vmem>>[vector<16xi32>], vector<16xf32>,
        %shift_left3A_604 = arith.constant 4 : i32
        %shift_left3A_605 = vector.broadcast %shift_left3A_604 : i32 to vector<16xi32>
        %shift_left3A_606 = arith.shli %and3A_595, %shift_left3A_605 : vector<16xi32>
        %or3A_607 = arith.ori %shift_left3A_606, %iota3A : vector<16xi32>
        %gather3A_608 = tpu.vector_load_idx %arg12[%or3A_607] : memref<2048xf32, #tpu.memory_space<vmem>>[vector<16xi32>], vector<16xf32>,
        %get3A_609 = arith.index_cast %mul3A_583 : i32 to index
        %get3A_610 = tpu.vector_load %arg19[%get3A_609] {strides = array<i32>} : memref<800xf32, #tpu.memory_space<vmem>>, vector<16xf32>,
        %get3A_611 = arith.index_cast %mul3A_583 : i32 to index
        %get3A_612 = tpu.vector_load %arg20[%get3A_611] {strides = array<i32>} : memref<800xf32, #tpu.memory_space<vmem>>, vector<16xf32>,
        %get3A_613 = arith.index_cast %mul3A_583 : i32 to index
        %get3A_614 = tpu.vector_load %arg21[%get3A_613] {strides = array<i32>} : memref<800xf32, #tpu.memory_space<vmem>>, vector<16xf32>,
        %mul3A_615 = arith.mulf %get3A_610, %get3A_610 : vector<16xf32>
        %mul3A_616 = arith.mulf %get3A_612, %get3A_612 : vector<16xf32>
        %add3A_617 = arith.addf %mul3A_615, %mul3A_616 : vector<16xf32>
        %mul3A_618 = arith.mulf %get3A_614, %get3A_614 : vector<16xf32>
        %add3A_619 = arith.addf %add3A_617, %mul3A_618 : vector<16xf32>
        %mul3A_620 = arith.constant 5.000000e-01 : f32
        %mul3A_621 = vector.broadcast %mul3A_620 : f32 to vector<16xf32>
        %mul3A_622 = arith.mulf %add3A_619, %mul3A_621 : vector<16xf32>
        %bitcast3A_623 = vector.bitcast %add3A_619 : vector<16xf32> to vector<16xi32>
        %shift_right_arithmetic3A_624 = arith.constant 1 : i32
        %shift_right_arithmetic3A_625 = vector.broadcast %shift_right_arithmetic3A_624 : i32 to vector<16xi32>
        %shift_right_arithmetic3A_626 = arith.shrsi %bitcast3A_623, %shift_right_arithmetic3A_625 : vector<16xi32>
        %sub3A_627 = arith.constant 1597463007 : i32
        %sub3A_628 = vector.broadcast %sub3A_627 : i32 to vector<16xi32>
        %sub3A_629 = arith.subi %sub3A_628, %shift_right_arithmetic3A_626 : vector<16xi32>
        %bitcast3A_630 = vector.bitcast %sub3A_629 : vector<16xi32> to vector<16xf32>
        %mul3A_631 = arith.mulf %mul3A_622, %bitcast3A_630 : vector<16xf32>
        %mul3A_632 = arith.mulf %mul3A_631, %bitcast3A_630 : vector<16xf32>
        %sub3A_633 = arith.constant 1.500000e+00 : f32
        %sub3A_634 = vector.broadcast %sub3A_633 : f32 to vector<16xf32>
        %sub3A_635 = arith.subf %sub3A_634, %mul3A_632 : vector<16xf32>
        %mul3A_636 = arith.mulf %bitcast3A_630, %sub3A_635 : vector<16xf32>
        %mul3A_637 = arith.mulf %mul3A_622, %mul3A_636 : vector<16xf32>
        %mul3A_638 = arith.mulf %mul3A_637, %mul3A_636 : vector<16xf32>
        %sub3A_639 = arith.constant 1.500000e+00 : f32
        %sub3A_640 = vector.broadcast %sub3A_639 : f32 to vector<16xf32>
        %sub3A_641 = arith.subf %sub3A_640, %mul3A_638 : vector<16xf32>
        %mul3A_642 = arith.mulf %mul3A_636, %sub3A_641 : vector<16xf32>
        %mul3A_643 = arith.mulf %add3A_619, %mul3A_642 : vector<16xf32>
        %add3A_644 = arith.addf %gather3A_603, %gather3A_608 : vector<16xf32>
        %mul3A_645 = arith.mulf %add3A_644, %mul3A_643 : vector<16xf32>
        %mul3A_646 = arith.mulf %get3A_29, %mul3A_645 : vector<16xf32>
        %exp3A_647 = math.exp %mul3A_646 : vector<16xf32>
        %mul3A_648 = arith.mulf %get3A_13, %exp3A_647 : vector<16xf32>
        %mul3A_649 = arith.mulf %get3A_33, %mul3A_645 : vector<16xf32>
        %exp3A_650 = math.exp %mul3A_649 : vector<16xf32>
        %mul3A_651 = arith.mulf %get3A_17, %exp3A_650 : vector<16xf32>
        %add3A_652 = arith.addf %mul3A_648, %mul3A_651 : vector<16xf32>
        %mul3A_653 = arith.mulf %get3A_37, %mul3A_645 : vector<16xf32>
        %exp3A_654 = math.exp %mul3A_653 : vector<16xf32>
        %mul3A_655 = arith.mulf %get3A_21, %exp3A_654 : vector<16xf32>
        %add3A_656 = arith.addf %add3A_652, %mul3A_655 : vector<16xf32>
        %mul3A_657 = arith.mulf %get3A_41, %mul3A_645 : vector<16xf32>
        %exp3A_658 = math.exp %mul3A_657 : vector<16xf32>
        %mul3A_659 = arith.mulf %get3A_25, %exp3A_658 : vector<16xf32>
        %add3A_660 = arith.addf %add3A_656, %mul3A_659 : vector<16xf32>
        %convert_element_type3A_661 = arith.sitofp %and3A_592 : vector<16xi32> to vector<16xf32>
        %convert_element_type3A_662 = arith.sitofp %and3A_595 : vector<16xi32> to vector<16xf32>
        %mul3A_663 = arith.mulf %convert_element_type3A_661, %convert_element_type3A_662 : vector<16xf32>
        %mul3A_664 = arith.mulf %mul3A_663, %mul3A_642 : vector<16xf32>
        %add3A_665 = arith.addi %mul3A_3, %shift_right_arithmetic3A_598 : vector<16xi32>
        %mul3A_666 = arith.mulf %mul3A_664, %add3A_660 : vector<16xf32>
        tpu.vector_store_idx %arg24[%add3A_665], %mul3A_666 {add = true} : memref<16144xf32, #tpu.memory_space<vmem>>[vector<16xi32>], vector<16xf32>,
        %mul3A_667 = arith.constant 10 : i32
        %mul3A_668 = arith.muli %scan3A_229, %mul3A_667 : i32
        %add3A_669 = arith.constant 5 : i32
        %add3A_670 = arith.addi %mul3A_668, %add3A_669 : i32
        %mul3A_671 = arith.constant 16 : i32
        %mul3A_672 = arith.muli %add3A_670, %mul3A_671 : i32
        %get3A_673 = arith.index_cast %mul3A_672 : i32 to index
        %get3A_674 = tpu.vector_load %arg22[%get3A_673] {strides = array<i32>} : memref<800xi32, #tpu.memory_space<vmem>>, vector<16xi32>,
        %get3A_675 = arith.index_cast %mul3A_672 : i32 to index
        %get3A_676 = tpu.vector_load %arg23[%get3A_675] {strides = array<i32>} : memref<800xi32, #tpu.memory_space<vmem>>, vector<16xi32>,
        %gather3A_677 = tpu.vector_load_idx %arg11[%get3A_674] : memref<100000xi32, #tpu.memory_space<vmem>>[vector<16xi32>], vector<16xi32>,
        %gather3A_678 = tpu.vector_load_idx %arg11[%get3A_676] : memref<100000xi32, #tpu.memory_space<vmem>>[vector<16xi32>], vector<16xi32>,
        %and3A_679 = arith.constant 127 : i32
        %and3A_680 = vector.broadcast %and3A_679 : i32 to vector<16xi32>
        %and3A_681 = arith.andi %gather3A_677, %and3A_680 : vector<16xi32>
        %and3A_682 = arith.constant 127 : i32
        %and3A_683 = vector.broadcast %and3A_682 : i32 to vector<16xi32>
        %and3A_684 = arith.andi %gather3A_678, %and3A_683 : vector<16xi32>
        %shift_right_arithmetic3A_685 = arith.constant 7 : i32
        %shift_right_arithmetic3A_686 = vector.broadcast %shift_right_arithmetic3A_685 : i32 to vector<16xi32>
        %shift_right_arithmetic3A_687 = arith.shrsi %gather3A_677, %shift_right_arithmetic3A_686 : vector<16xi32>
        %shift_left3A_688 = arith.constant 4 : i32
        %shift_left3A_689 = vector.broadcast %shift_left3A_688 : i32 to vector<16xi32>
        %shift_left3A_690 = arith.shli %and3A_681, %shift_left3A_689 : vector<16xi32>
        %or3A_691 = arith.ori %shift_left3A_690, %iota3A : vector<16xi32>
        %gather3A_692 = tpu.vector_load_idx %arg12[%or3A_691] : memref<2048xf32, #tpu.memory_space<vmem>>[vector<16xi32>], vector<16xf32>,
        %shift_left3A_693 = arith.constant 4 : i32
        %shift_left3A_694 = vector.broadcast %shift_left3A_693 : i32 to vector<16xi32>
        %shift_left3A_695 = arith.shli %and3A_684, %shift_left3A_694 : vector<16xi32>
        %or3A_696 = arith.ori %shift_left3A_695, %iota3A : vector<16xi32>
        %gather3A_697 = tpu.vector_load_idx %arg12[%or3A_696] : memref<2048xf32, #tpu.memory_space<vmem>>[vector<16xi32>], vector<16xf32>,
        %get3A_698 = arith.index_cast %mul3A_672 : i32 to index
        %get3A_699 = tpu.vector_load %arg19[%get3A_698] {strides = array<i32>} : memref<800xf32, #tpu.memory_space<vmem>>, vector<16xf32>,
        %get3A_700 = arith.index_cast %mul3A_672 : i32 to index
        %get3A_701 = tpu.vector_load %arg20[%get3A_700] {strides = array<i32>} : memref<800xf32, #tpu.memory_space<vmem>>, vector<16xf32>,
        %get3A_702 = arith.index_cast %mul3A_672 : i32 to index
        %get3A_703 = tpu.vector_load %arg21[%get3A_702] {strides = array<i32>} : memref<800xf32, #tpu.memory_space<vmem>>, vector<16xf32>,
        %mul3A_704 = arith.mulf %get3A_699, %get3A_699 : vector<16xf32>
        %mul3A_705 = arith.mulf %get3A_701, %get3A_701 : vector<16xf32>
        %add3A_706 = arith.addf %mul3A_704, %mul3A_705 : vector<16xf32>
        %mul3A_707 = arith.mulf %get3A_703, %get3A_703 : vector<16xf32>
        %add3A_708 = arith.addf %add3A_706, %mul3A_707 : vector<16xf32>
        %mul3A_709 = arith.constant 5.000000e-01 : f32
        %mul3A_710 = vector.broadcast %mul3A_709 : f32 to vector<16xf32>
        %mul3A_711 = arith.mulf %add3A_708, %mul3A_710 : vector<16xf32>
        %bitcast3A_712 = vector.bitcast %add3A_708 : vector<16xf32> to vector<16xi32>
        %shift_right_arithmetic3A_713 = arith.constant 1 : i32
        %shift_right_arithmetic3A_714 = vector.broadcast %shift_right_arithmetic3A_713 : i32 to vector<16xi32>
        %shift_right_arithmetic3A_715 = arith.shrsi %bitcast3A_712, %shift_right_arithmetic3A_714 : vector<16xi32>
        %sub3A_716 = arith.constant 1597463007 : i32
        %sub3A_717 = vector.broadcast %sub3A_716 : i32 to vector<16xi32>
        %sub3A_718 = arith.subi %sub3A_717, %shift_right_arithmetic3A_715 : vector<16xi32>
        %bitcast3A_719 = vector.bitcast %sub3A_718 : vector<16xi32> to vector<16xf32>
        %mul3A_720 = arith.mulf %mul3A_711, %bitcast3A_719 : vector<16xf32>
        %mul3A_721 = arith.mulf %mul3A_720, %bitcast3A_719 : vector<16xf32>
        %sub3A_722 = arith.constant 1.500000e+00 : f32
        %sub3A_723 = vector.broadcast %sub3A_722 : f32 to vector<16xf32>
        %sub3A_724 = arith.subf %sub3A_723, %mul3A_721 : vector<16xf32>
        %mul3A_725 = arith.mulf %bitcast3A_719, %sub3A_724 : vector<16xf32>
        %mul3A_726 = arith.mulf %mul3A_711, %mul3A_725 : vector<16xf32>
        %mul3A_727 = arith.mulf %mul3A_726, %mul3A_725 : vector<16xf32>
        %sub3A_728 = arith.constant 1.500000e+00 : f32
        %sub3A_729 = vector.broadcast %sub3A_728 : f32 to vector<16xf32>
        %sub3A_730 = arith.subf %sub3A_729, %mul3A_727 : vector<16xf32>
        %mul3A_731 = arith.mulf %mul3A_725, %sub3A_730 : vector<16xf32>
        %mul3A_732 = arith.mulf %add3A_708, %mul3A_731 : vector<16xf32>
        %add3A_733 = arith.addf %gather3A_692, %gather3A_697 : vector<16xf32>
        %mul3A_734 = arith.mulf %add3A_733, %mul3A_732 : vector<16xf32>
        %mul3A_735 = arith.mulf %get3A_29, %mul3A_734 : vector<16xf32>
        %exp3A_736 = math.exp %mul3A_735 : vector<16xf32>
        %mul3A_737 = arith.mulf %get3A_13, %exp3A_736 : vector<16xf32>
        %mul3A_738 = arith.mulf %get3A_33, %mul3A_734 : vector<16xf32>
        %exp3A_739 = math.exp %mul3A_738 : vector<16xf32>
        %mul3A_740 = arith.mulf %get3A_17, %exp3A_739 : vector<16xf32>
        %add3A_741 = arith.addf %mul3A_737, %mul3A_740 : vector<16xf32>
        %mul3A_742 = arith.mulf %get3A_37, %mul3A_734 : vector<16xf32>
        %exp3A_743 = math.exp %mul3A_742 : vector<16xf32>
        %mul3A_744 = arith.mulf %get3A_21, %exp3A_743 : vector<16xf32>
        %add3A_745 = arith.addf %add3A_741, %mul3A_744 : vector<16xf32>
        %mul3A_746 = arith.mulf %get3A_41, %mul3A_734 : vector<16xf32>
        %exp3A_747 = math.exp %mul3A_746 : vector<16xf32>
        %mul3A_748 = arith.mulf %get3A_25, %exp3A_747 : vector<16xf32>
        %add3A_749 = arith.addf %add3A_745, %mul3A_748 : vector<16xf32>
        %convert_element_type3A_750 = arith.sitofp %and3A_681 : vector<16xi32> to vector<16xf32>
        %convert_element_type3A_751 = arith.sitofp %and3A_684 : vector<16xi32> to vector<16xf32>
        %mul3A_752 = arith.mulf %convert_element_type3A_750, %convert_element_type3A_751 : vector<16xf32>
        %mul3A_753 = arith.mulf %mul3A_752, %mul3A_731 : vector<16xf32>
        %add3A_754 = arith.addi %mul3A_3, %shift_right_arithmetic3A_687 : vector<16xi32>
        %mul3A_755 = arith.mulf %mul3A_753, %add3A_749 : vector<16xf32>
        tpu.vector_store_idx %arg24[%add3A_754], %mul3A_755 {add = true} : memref<16144xf32, #tpu.memory_space<vmem>>[vector<16xi32>], vector<16xf32>,
        %mul3A_756 = arith.constant 10 : i32
        %mul3A_757 = arith.muli %scan3A_229, %mul3A_756 : i32
        %add3A_758 = arith.constant 6 : i32
        %add3A_759 = arith.addi %mul3A_757, %add3A_758 : i32
        %mul3A_760 = arith.constant 16 : i32
        %mul3A_761 = arith.muli %add3A_759, %mul3A_760 : i32
        %get3A_762 = arith.index_cast %mul3A_761 : i32 to index
        %get3A_763 = tpu.vector_load %arg22[%get3A_762] {strides = array<i32>} : memref<800xi32, #tpu.memory_space<vmem>>, vector<16xi32>,
        %get3A_764 = arith.index_cast %mul3A_761 : i32 to index
        %get3A_765 = tpu.vector_load %arg23[%get3A_764] {strides = array<i32>} : memref<800xi32, #tpu.memory_space<vmem>>, vector<16xi32>,
        %gather3A_766 = tpu.vector_load_idx %arg11[%get3A_763] : memref<100000xi32, #tpu.memory_space<vmem>>[vector<16xi32>], vector<16xi32>,
        %gather3A_767 = tpu.vector_load_idx %arg11[%get3A_765] : memref<100000xi32, #tpu.memory_space<vmem>>[vector<16xi32>], vector<16xi32>,
        %and3A_768 = arith.constant 127 : i32
        %and3A_769 = vector.broadcast %and3A_768 : i32 to vector<16xi32>
        %and3A_770 = arith.andi %gather3A_766, %and3A_769 : vector<16xi32>
        %and3A_771 = arith.constant 127 : i32
        %and3A_772 = vector.broadcast %and3A_771 : i32 to vector<16xi32>
        %and3A_773 = arith.andi %gather3A_767, %and3A_772 : vector<16xi32>
        %shift_right_arithmetic3A_774 = arith.constant 7 : i32
        %shift_right_arithmetic3A_775 = vector.broadcast %shift_right_arithmetic3A_774 : i32 to vector<16xi32>
        %shift_right_arithmetic3A_776 = arith.shrsi %gather3A_766, %shift_right_arithmetic3A_775 : vector<16xi32>
        %shift_left3A_777 = arith.constant 4 : i32
        %shift_left3A_778 = vector.broadcast %shift_left3A_777 : i32 to vector<16xi32>
        %shift_left3A_779 = arith.shli %and3A_770, %shift_left3A_778 : vector<16xi32>
        %or3A_780 = arith.ori %shift_left3A_779, %iota3A : vector<16xi32>
        %gather3A_781 = tpu.vector_load_idx %arg12[%or3A_780] : memref<2048xf32, #tpu.memory_space<vmem>>[vector<16xi32>], vector<16xf32>,
        %shift_left3A_782 = arith.constant 4 : i32
        %shift_left3A_783 = vector.broadcast %shift_left3A_782 : i32 to vector<16xi32>
        %shift_left3A_784 = arith.shli %and3A_773, %shift_left3A_783 : vector<16xi32>
        %or3A_785 = arith.ori %shift_left3A_784, %iota3A : vector<16xi32>
        %gather3A_786 = tpu.vector_load_idx %arg12[%or3A_785] : memref<2048xf32, #tpu.memory_space<vmem>>[vector<16xi32>], vector<16xf32>,
        %get3A_787 = arith.index_cast %mul3A_761 : i32 to index
        %get3A_788 = tpu.vector_load %arg19[%get3A_787] {strides = array<i32>} : memref<800xf32, #tpu.memory_space<vmem>>, vector<16xf32>,
        %get3A_789 = arith.index_cast %mul3A_761 : i32 to index
        %get3A_790 = tpu.vector_load %arg20[%get3A_789] {strides = array<i32>} : memref<800xf32, #tpu.memory_space<vmem>>, vector<16xf32>,
        %get3A_791 = arith.index_cast %mul3A_761 : i32 to index
        %get3A_792 = tpu.vector_load %arg21[%get3A_791] {strides = array<i32>} : memref<800xf32, #tpu.memory_space<vmem>>, vector<16xf32>,
        %mul3A_793 = arith.mulf %get3A_788, %get3A_788 : vector<16xf32>
        %mul3A_794 = arith.mulf %get3A_790, %get3A_790 : vector<16xf32>
        %add3A_795 = arith.addf %mul3A_793, %mul3A_794 : vector<16xf32>
        %mul3A_796 = arith.mulf %get3A_792, %get3A_792 : vector<16xf32>
        %add3A_797 = arith.addf %add3A_795, %mul3A_796 : vector<16xf32>
        %mul3A_798 = arith.constant 5.000000e-01 : f32
        %mul3A_799 = vector.broadcast %mul3A_798 : f32 to vector<16xf32>
        %mul3A_800 = arith.mulf %add3A_797, %mul3A_799 : vector<16xf32>
        %bitcast3A_801 = vector.bitcast %add3A_797 : vector<16xf32> to vector<16xi32>
        %shift_right_arithmetic3A_802 = arith.constant 1 : i32
        %shift_right_arithmetic3A_803 = vector.broadcast %shift_right_arithmetic3A_802 : i32 to vector<16xi32>
        %shift_right_arithmetic3A_804 = arith.shrsi %bitcast3A_801, %shift_right_arithmetic3A_803 : vector<16xi32>
        %sub3A_805 = arith.constant 1597463007 : i32
        %sub3A_806 = vector.broadcast %sub3A_805 : i32 to vector<16xi32>
        %sub3A_807 = arith.subi %sub3A_806, %shift_right_arithmetic3A_804 : vector<16xi32>
        %bitcast3A_808 = vector.bitcast %sub3A_807 : vector<16xi32> to vector<16xf32>
        %mul3A_809 = arith.mulf %mul3A_800, %bitcast3A_808 : vector<16xf32>
        %mul3A_810 = arith.mulf %mul3A_809, %bitcast3A_808 : vector<16xf32>
        %sub3A_811 = arith.constant 1.500000e+00 : f32
        %sub3A_812 = vector.broadcast %sub3A_811 : f32 to vector<16xf32>
        %sub3A_813 = arith.subf %sub3A_812, %mul3A_810 : vector<16xf32>
        %mul3A_814 = arith.mulf %bitcast3A_808, %sub3A_813 : vector<16xf32>
        %mul3A_815 = arith.mulf %mul3A_800, %mul3A_814 : vector<16xf32>
        %mul3A_816 = arith.mulf %mul3A_815, %mul3A_814 : vector<16xf32>
        %sub3A_817 = arith.constant 1.500000e+00 : f32
        %sub3A_818 = vector.broadcast %sub3A_817 : f32 to vector<16xf32>
        %sub3A_819 = arith.subf %sub3A_818, %mul3A_816 : vector<16xf32>
        %mul3A_820 = arith.mulf %mul3A_814, %sub3A_819 : vector<16xf32>
        %mul3A_821 = arith.mulf %add3A_797, %mul3A_820 : vector<16xf32>
        %add3A_822 = arith.addf %gather3A_781, %gather3A_786 : vector<16xf32>
        %mul3A_823 = arith.mulf %add3A_822, %mul3A_821 : vector<16xf32>
        %mul3A_824 = arith.mulf %get3A_29, %mul3A_823 : vector<16xf32>
        %exp3A_825 = math.exp %mul3A_824 : vector<16xf32>
        %mul3A_826 = arith.mulf %get3A_13, %exp3A_825 : vector<16xf32>
        %mul3A_827 = arith.mulf %get3A_33, %mul3A_823 : vector<16xf32>
        %exp3A_828 = math.exp %mul3A_827 : vector<16xf32>
        %mul3A_829 = arith.mulf %get3A_17, %exp3A_828 : vector<16xf32>
        %add3A_830 = arith.addf %mul3A_826, %mul3A_829 : vector<16xf32>
        %mul3A_831 = arith.mulf %get3A_37, %mul3A_823 : vector<16xf32>
        %exp3A_832 = math.exp %mul3A_831 : vector<16xf32>
        %mul3A_833 = arith.mulf %get3A_21, %exp3A_832 : vector<16xf32>
        %add3A_834 = arith.addf %add3A_830, %mul3A_833 : vector<16xf32>
        %mul3A_835 = arith.mulf %get3A_41, %mul3A_823 : vector<16xf32>
        %exp3A_836 = math.exp %mul3A_835 : vector<16xf32>
        %mul3A_837 = arith.mulf %get3A_25, %exp3A_836 : vector<16xf32>
        %add3A_838 = arith.addf %add3A_834, %mul3A_837 : vector<16xf32>
        %convert_element_type3A_839 = arith.sitofp %and3A_770 : vector<16xi32> to vector<16xf32>
        %convert_element_type3A_840 = arith.sitofp %and3A_773 : vector<16xi32> to vector<16xf32>
        %mul3A_841 = arith.mulf %convert_element_type3A_839, %convert_element_type3A_840 : vector<16xf32>
        %mul3A_842 = arith.mulf %mul3A_841, %mul3A_820 : vector<16xf32>
        %add3A_843 = arith.addi %mul3A_3, %shift_right_arithmetic3A_776 : vector<16xi32>
        %mul3A_844 = arith.mulf %mul3A_842, %add3A_838 : vector<16xf32>
        tpu.vector_store_idx %arg24[%add3A_843], %mul3A_844 {add = true} : memref<16144xf32, #tpu.memory_space<vmem>>[vector<16xi32>], vector<16xf32>,
        %mul3A_845 = arith.constant 10 : i32
        %mul3A_846 = arith.muli %scan3A_229, %mul3A_845 : i32
        %add3A_847 = arith.constant 7 : i32
        %add3A_848 = arith.addi %mul3A_846, %add3A_847 : i32
        %mul3A_849 = arith.constant 16 : i32
        %mul3A_850 = arith.muli %add3A_848, %mul3A_849 : i32
        %get3A_851 = arith.index_cast %mul3A_850 : i32 to index
        %get3A_852 = tpu.vector_load %arg22[%get3A_851] {strides = array<i32>} : memref<800xi32, #tpu.memory_space<vmem>>, vector<16xi32>,
        %get3A_853 = arith.index_cast %mul3A_850 : i32 to index
        %get3A_854 = tpu.vector_load %arg23[%get3A_853] {strides = array<i32>} : memref<800xi32, #tpu.memory_space<vmem>>, vector<16xi32>,
        %gather3A_855 = tpu.vector_load_idx %arg11[%get3A_852] : memref<100000xi32, #tpu.memory_space<vmem>>[vector<16xi32>], vector<16xi32>,
        %gather3A_856 = tpu.vector_load_idx %arg11[%get3A_854] : memref<100000xi32, #tpu.memory_space<vmem>>[vector<16xi32>], vector<16xi32>,
        %and3A_857 = arith.constant 127 : i32
        %and3A_858 = vector.broadcast %and3A_857 : i32 to vector<16xi32>
        %and3A_859 = arith.andi %gather3A_855, %and3A_858 : vector<16xi32>
        %and3A_860 = arith.constant 127 : i32
        %and3A_861 = vector.broadcast %and3A_860 : i32 to vector<16xi32>
        %and3A_862 = arith.andi %gather3A_856, %and3A_861 : vector<16xi32>
        %shift_right_arithmetic3A_863 = arith.constant 7 : i32
        %shift_right_arithmetic3A_864 = vector.broadcast %shift_right_arithmetic3A_863 : i32 to vector<16xi32>
        %shift_right_arithmetic3A_865 = arith.shrsi %gather3A_855, %shift_right_arithmetic3A_864 : vector<16xi32>
        %shift_left3A_866 = arith.constant 4 : i32
        %shift_left3A_867 = vector.broadcast %shift_left3A_866 : i32 to vector<16xi32>
        %shift_left3A_868 = arith.shli %and3A_859, %shift_left3A_867 : vector<16xi32>
        %or3A_869 = arith.ori %shift_left3A_868, %iota3A : vector<16xi32>
        %gather3A_870 = tpu.vector_load_idx %arg12[%or3A_869] : memref<2048xf32, #tpu.memory_space<vmem>>[vector<16xi32>], vector<16xf32>,
        %shift_left3A_871 = arith.constant 4 : i32
        %shift_left3A_872 = vector.broadcast %shift_left3A_871 : i32 to vector<16xi32>
        %shift_left3A_873 = arith.shli %and3A_862, %shift_left3A_872 : vector<16xi32>
        %or3A_874 = arith.ori %shift_left3A_873, %iota3A : vector<16xi32>
        %gather3A_875 = tpu.vector_load_idx %arg12[%or3A_874] : memref<2048xf32, #tpu.memory_space<vmem>>[vector<16xi32>], vector<16xf32>,
        %get3A_876 = arith.index_cast %mul3A_850 : i32 to index
        %get3A_877 = tpu.vector_load %arg19[%get3A_876] {strides = array<i32>} : memref<800xf32, #tpu.memory_space<vmem>>, vector<16xf32>,
        %get3A_878 = arith.index_cast %mul3A_850 : i32 to index
        %get3A_879 = tpu.vector_load %arg20[%get3A_878] {strides = array<i32>} : memref<800xf32, #tpu.memory_space<vmem>>, vector<16xf32>,
        %get3A_880 = arith.index_cast %mul3A_850 : i32 to index
        %get3A_881 = tpu.vector_load %arg21[%get3A_880] {strides = array<i32>} : memref<800xf32, #tpu.memory_space<vmem>>, vector<16xf32>,
        %mul3A_882 = arith.mulf %get3A_877, %get3A_877 : vector<16xf32>
        %mul3A_883 = arith.mulf %get3A_879, %get3A_879 : vector<16xf32>
        %add3A_884 = arith.addf %mul3A_882, %mul3A_883 : vector<16xf32>
        %mul3A_885 = arith.mulf %get3A_881, %get3A_881 : vector<16xf32>
        %add3A_886 = arith.addf %add3A_884, %mul3A_885 : vector<16xf32>
        %mul3A_887 = arith.constant 5.000000e-01 : f32
        %mul3A_888 = vector.broadcast %mul3A_887 : f32 to vector<16xf32>
        %mul3A_889 = arith.mulf %add3A_886, %mul3A_888 : vector<16xf32>
        %bitcast3A_890 = vector.bitcast %add3A_886 : vector<16xf32> to vector<16xi32>
        %shift_right_arithmetic3A_891 = arith.constant 1 : i32
        %shift_right_arithmetic3A_892 = vector.broadcast %shift_right_arithmetic3A_891 : i32 to vector<16xi32>
        %shift_right_arithmetic3A_893 = arith.shrsi %bitcast3A_890, %shift_right_arithmetic3A_892 : vector<16xi32>
        %sub3A_894 = arith.constant 1597463007 : i32
        %sub3A_895 = vector.broadcast %sub3A_894 : i32 to vector<16xi32>
        %sub3A_896 = arith.subi %sub3A_895, %shift_right_arithmetic3A_893 : vector<16xi32>
        %bitcast3A_897 = vector.bitcast %sub3A_896 : vector<16xi32> to vector<16xf32>
        %mul3A_898 = arith.mulf %mul3A_889, %bitcast3A_897 : vector<16xf32>
        %mul3A_899 = arith.mulf %mul3A_898, %bitcast3A_897 : vector<16xf32>
        %sub3A_900 = arith.constant 1.500000e+00 : f32
        %sub3A_901 = vector.broadcast %sub3A_900 : f32 to vector<16xf32>
        %sub3A_902 = arith.subf %sub3A_901, %mul3A_899 : vector<16xf32>
        %mul3A_903 = arith.mulf %bitcast3A_897, %sub3A_902 : vector<16xf32>
        %mul3A_904 = arith.mulf %mul3A_889, %mul3A_903 : vector<16xf32>
        %mul3A_905 = arith.mulf %mul3A_904, %mul3A_903 : vector<16xf32>
        %sub3A_906 = arith.constant 1.500000e+00 : f32
        %sub3A_907 = vector.broadcast %sub3A_906 : f32 to vector<16xf32>
        %sub3A_908 = arith.subf %sub3A_907, %mul3A_905 : vector<16xf32>
        %mul3A_909 = arith.mulf %mul3A_903, %sub3A_908 : vector<16xf32>
        %mul3A_910 = arith.mulf %add3A_886, %mul3A_909 : vector<16xf32>
        %add3A_911 = arith.addf %gather3A_870, %gather3A_875 : vector<16xf32>
        %mul3A_912 = arith.mulf %add3A_911, %mul3A_910 : vector<16xf32>
        %mul3A_913 = arith.mulf %get3A_29, %mul3A_912 : vector<16xf32>
        %exp3A_914 = math.exp %mul3A_913 : vector<16xf32>
        %mul3A_915 = arith.mulf %get3A_13, %exp3A_914 : vector<16xf32>
        %mul3A_916 = arith.mulf %get3A_33, %mul3A_912 : vector<16xf32>
        %exp3A_917 = math.exp %mul3A_916 : vector<16xf32>
        %mul3A_918 = arith.mulf %get3A_17, %exp3A_917 : vector<16xf32>
        %add3A_919 = arith.addf %mul3A_915, %mul3A_918 : vector<16xf32>
        %mul3A_920 = arith.mulf %get3A_37, %mul3A_912 : vector<16xf32>
        %exp3A_921 = math.exp %mul3A_920 : vector<16xf32>
        %mul3A_922 = arith.mulf %get3A_21, %exp3A_921 : vector<16xf32>
        %add3A_923 = arith.addf %add3A_919, %mul3A_922 : vector<16xf32>
        %mul3A_924 = arith.mulf %get3A_41, %mul3A_912 : vector<16xf32>
        %exp3A_925 = math.exp %mul3A_924 : vector<16xf32>
        %mul3A_926 = arith.mulf %get3A_25, %exp3A_925 : vector<16xf32>
        %add3A_927 = arith.addf %add3A_923, %mul3A_926 : vector<16xf32>
        %convert_element_type3A_928 = arith.sitofp %and3A_859 : vector<16xi32> to vector<16xf32>
        %convert_element_type3A_929 = arith.sitofp %and3A_862 : vector<16xi32> to vector<16xf32>
        %mul3A_930 = arith.mulf %convert_element_type3A_928, %convert_element_type3A_929 : vector<16xf32>
        %mul3A_931 = arith.mulf %mul3A_930, %mul3A_909 : vector<16xf32>
        %add3A_932 = arith.addi %mul3A_3, %shift_right_arithmetic3A_865 : vector<16xi32>
        %mul3A_933 = arith.mulf %mul3A_931, %add3A_927 : vector<16xf32>
        tpu.vector_store_idx %arg24[%add3A_932], %mul3A_933 {add = true} : memref<16144xf32, #tpu.memory_space<vmem>>[vector<16xi32>], vector<16xf32>,
        %mul3A_934 = arith.constant 10 : i32
        %mul3A_935 = arith.muli %scan3A_229, %mul3A_934 : i32
        %add3A_936 = arith.constant 8 : i32
        %add3A_937 = arith.addi %mul3A_935, %add3A_936 : i32
        %mul3A_938 = arith.constant 16 : i32
        %mul3A_939 = arith.muli %add3A_937, %mul3A_938 : i32
        %get3A_940 = arith.index_cast %mul3A_939 : i32 to index
        %get3A_941 = tpu.vector_load %arg22[%get3A_940] {strides = array<i32>} : memref<800xi32, #tpu.memory_space<vmem>>, vector<16xi32>,
        %get3A_942 = arith.index_cast %mul3A_939 : i32 to index
        %get3A_943 = tpu.vector_load %arg23[%get3A_942] {strides = array<i32>} : memref<800xi32, #tpu.memory_space<vmem>>, vector<16xi32>,
        %gather3A_944 = tpu.vector_load_idx %arg11[%get3A_941] : memref<100000xi32, #tpu.memory_space<vmem>>[vector<16xi32>], vector<16xi32>,
        %gather3A_945 = tpu.vector_load_idx %arg11[%get3A_943] : memref<100000xi32, #tpu.memory_space<vmem>>[vector<16xi32>], vector<16xi32>,
        %and3A_946 = arith.constant 127 : i32
        %and3A_947 = vector.broadcast %and3A_946 : i32 to vector<16xi32>
        %and3A_948 = arith.andi %gather3A_944, %and3A_947 : vector<16xi32>
        %and3A_949 = arith.constant 127 : i32
        %and3A_950 = vector.broadcast %and3A_949 : i32 to vector<16xi32>
        %and3A_951 = arith.andi %gather3A_945, %and3A_950 : vector<16xi32>
        %shift_right_arithmetic3A_952 = arith.constant 7 : i32
        %shift_right_arithmetic3A_953 = vector.broadcast %shift_right_arithmetic3A_952 : i32 to vector<16xi32>
        %shift_right_arithmetic3A_954 = arith.shrsi %gather3A_944, %shift_right_arithmetic3A_953 : vector<16xi32>
        %shift_left3A_955 = arith.constant 4 : i32
        %shift_left3A_956 = vector.broadcast %shift_left3A_955 : i32 to vector<16xi32>
        %shift_left3A_957 = arith.shli %and3A_948, %shift_left3A_956 : vector<16xi32>
        %or3A_958 = arith.ori %shift_left3A_957, %iota3A : vector<16xi32>
        %gather3A_959 = tpu.vector_load_idx %arg12[%or3A_958] : memref<2048xf32, #tpu.memory_space<vmem>>[vector<16xi32>], vector<16xf32>,
        %shift_left3A_960 = arith.constant 4 : i32
        %shift_left3A_961 = vector.broadcast %shift_left3A_960 : i32 to vector<16xi32>
        %shift_left3A_962 = arith.shli %and3A_951, %shift_left3A_961 : vector<16xi32>
        %or3A_963 = arith.ori %shift_left3A_962, %iota3A : vector<16xi32>
        %gather3A_964 = tpu.vector_load_idx %arg12[%or3A_963] : memref<2048xf32, #tpu.memory_space<vmem>>[vector<16xi32>], vector<16xf32>,
        %get3A_965 = arith.index_cast %mul3A_939 : i32 to index
        %get3A_966 = tpu.vector_load %arg19[%get3A_965] {strides = array<i32>} : memref<800xf32, #tpu.memory_space<vmem>>, vector<16xf32>,
        %get3A_967 = arith.index_cast %mul3A_939 : i32 to index
        %get3A_968 = tpu.vector_load %arg20[%get3A_967] {strides = array<i32>} : memref<800xf32, #tpu.memory_space<vmem>>, vector<16xf32>,
        %get3A_969 = arith.index_cast %mul3A_939 : i32 to index
        %get3A_970 = tpu.vector_load %arg21[%get3A_969] {strides = array<i32>} : memref<800xf32, #tpu.memory_space<vmem>>, vector<16xf32>,
        %mul3A_971 = arith.mulf %get3A_966, %get3A_966 : vector<16xf32>
        %mul3A_972 = arith.mulf %get3A_968, %get3A_968 : vector<16xf32>
        %add3A_973 = arith.addf %mul3A_971, %mul3A_972 : vector<16xf32>
        %mul3A_974 = arith.mulf %get3A_970, %get3A_970 : vector<16xf32>
        %add3A_975 = arith.addf %add3A_973, %mul3A_974 : vector<16xf32>
        %mul3A_976 = arith.constant 5.000000e-01 : f32
        %mul3A_977 = vector.broadcast %mul3A_976 : f32 to vector<16xf32>
        %mul3A_978 = arith.mulf %add3A_975, %mul3A_977 : vector<16xf32>
        %bitcast3A_979 = vector.bitcast %add3A_975 : vector<16xf32> to vector<16xi32>
        %shift_right_arithmetic3A_980 = arith.constant 1 : i32
        %shift_right_arithmetic3A_981 = vector.broadcast %shift_right_arithmetic3A_980 : i32 to vector<16xi32>
        %shift_right_arithmetic3A_982 = arith.shrsi %bitcast3A_979, %shift_right_arithmetic3A_981 : vector<16xi32>
        %sub3A_983 = arith.constant 1597463007 : i32
        %sub3A_984 = vector.broadcast %sub3A_983 : i32 to vector<16xi32>
        %sub3A_985 = arith.subi %sub3A_984, %shift_right_arithmetic3A_982 : vector<16xi32>
        %bitcast3A_986 = vector.bitcast %sub3A_985 : vector<16xi32> to vector<16xf32>
        %mul3A_987 = arith.mulf %mul3A_978, %bitcast3A_986 : vector<16xf32>
        %mul3A_988 = arith.mulf %mul3A_987, %bitcast3A_986 : vector<16xf32>
        %sub3A_989 = arith.constant 1.500000e+00 : f32
        %sub3A_990 = vector.broadcast %sub3A_989 : f32 to vector<16xf32>
        %sub3A_991 = arith.subf %sub3A_990, %mul3A_988 : vector<16xf32>
        %mul3A_992 = arith.mulf %bitcast3A_986, %sub3A_991 : vector<16xf32>
        %mul3A_993 = arith.mulf %mul3A_978, %mul3A_992 : vector<16xf32>
        %mul3A_994 = arith.mulf %mul3A_993, %mul3A_992 : vector<16xf32>
        %sub3A_995 = arith.constant 1.500000e+00 : f32
        %sub3A_996 = vector.broadcast %sub3A_995 : f32 to vector<16xf32>
        %sub3A_997 = arith.subf %sub3A_996, %mul3A_994 : vector<16xf32>
        %mul3A_998 = arith.mulf %mul3A_992, %sub3A_997 : vector<16xf32>
        %mul3A_999 = arith.mulf %add3A_975, %mul3A_998 : vector<16xf32>
        %add3A_1000 = arith.addf %gather3A_959, %gather3A_964 : vector<16xf32>
        %mul3A_1001 = arith.mulf %add3A_1000, %mul3A_999 : vector<16xf32>
        %mul3A_1002 = arith.mulf %get3A_29, %mul3A_1001 : vector<16xf32>
        %exp3A_1003 = math.exp %mul3A_1002 : vector<16xf32>
        %mul3A_1004 = arith.mulf %get3A_13, %exp3A_1003 : vector<16xf32>
        %mul3A_1005 = arith.mulf %get3A_33, %mul3A_1001 : vector<16xf32>
        %exp3A_1006 = math.exp %mul3A_1005 : vector<16xf32>
        %mul3A_1007 = arith.mulf %get3A_17, %exp3A_1006 : vector<16xf32>
        %add3A_1008 = arith.addf %mul3A_1004, %mul3A_1007 : vector<16xf32>
        %mul3A_1009 = arith.mulf %get3A_37, %mul3A_1001 : vector<16xf32>
        %exp3A_1010 = math.exp %mul3A_1009 : vector<16xf32>
        %mul3A_1011 = arith.mulf %get3A_21, %exp3A_1010 : vector<16xf32>
        %add3A_1012 = arith.addf %add3A_1008, %mul3A_1011 : vector<16xf32>
        %mul3A_1013 = arith.mulf %get3A_41, %mul3A_1001 : vector<16xf32>
        %exp3A_1014 = math.exp %mul3A_1013 : vector<16xf32>
        %mul3A_1015 = arith.mulf %get3A_25, %exp3A_1014 : vector<16xf32>
        %add3A_1016 = arith.addf %add3A_1012, %mul3A_1015 : vector<16xf32>
        %convert_element_type3A_1017 = arith.sitofp %and3A_948 : vector<16xi32> to vector<16xf32>
        %convert_element_type3A_1018 = arith.sitofp %and3A_951 : vector<16xi32> to vector<16xf32>
        %mul3A_1019 = arith.mulf %convert_element_type3A_1017, %convert_element_type3A_1018 : vector<16xf32>
        %mul3A_1020 = arith.mulf %mul3A_1019, %mul3A_998 : vector<16xf32>
        %add3A_1021 = arith.addi %mul3A_3, %shift_right_arithmetic3A_954 : vector<16xi32>
        %mul3A_1022 = arith.mulf %mul3A_1020, %add3A_1016 : vector<16xf32>
        tpu.vector_store_idx %arg24[%add3A_1021], %mul3A_1022 {add = true} : memref<16144xf32, #tpu.memory_space<vmem>>[vector<16xi32>], vector<16xf32>,
        %mul3A_1023 = arith.constant 10 : i32
        %mul3A_1024 = arith.muli %scan3A_229, %mul3A_1023 : i32
        %add3A_1025 = arith.constant 9 : i32
        %add3A_1026 = arith.addi %mul3A_1024, %add3A_1025 : i32
        %mul3A_1027 = arith.constant 16 : i32
        %mul3A_1028 = arith.muli %add3A_1026, %mul3A_1027 : i32
        %get3A_1029 = arith.index_cast %mul3A_1028 : i32 to index
        %get3A_1030 = tpu.vector_load %arg22[%get3A_1029] {strides = array<i32>} : memref<800xi32, #tpu.memory_space<vmem>>, vector<16xi32>,
        %get3A_1031 = arith.index_cast %mul3A_1028 : i32 to index
        %get3A_1032 = tpu.vector_load %arg23[%get3A_1031] {strides = array<i32>} : memref<800xi32, #tpu.memory_space<vmem>>, vector<16xi32>,
        %gather3A_1033 = tpu.vector_load_idx %arg11[%get3A_1030] : memref<100000xi32, #tpu.memory_space<vmem>>[vector<16xi32>], vector<16xi32>,
        %gather3A_1034 = tpu.vector_load_idx %arg11[%get3A_1032] : memref<100000xi32, #tpu.memory_space<vmem>>[vector<16xi32>], vector<16xi32>,
        %and3A_1035 = arith.constant 127 : i32
        %and3A_1036 = vector.broadcast %and3A_1035 : i32 to vector<16xi32>
        %and3A_1037 = arith.andi %gather3A_1033, %and3A_1036 : vector<16xi32>
        %and3A_1038 = arith.constant 127 : i32
        %and3A_1039 = vector.broadcast %and3A_1038 : i32 to vector<16xi32>
        %and3A_1040 = arith.andi %gather3A_1034, %and3A_1039 : vector<16xi32>
        %shift_right_arithmetic3A_1041 = arith.constant 7 : i32
        %shift_right_arithmetic3A_1042 = vector.broadcast %shift_right_arithmetic3A_1041 : i32 to vector<16xi32>
        %shift_right_arithmetic3A_1043 = arith.shrsi %gather3A_1033, %shift_right_arithmetic3A_1042 : vector<16xi32>
        %shift_left3A_1044 = arith.constant 4 : i32
        %shift_left3A_1045 = vector.broadcast %shift_left3A_1044 : i32 to vector<16xi32>
        %shift_left3A_1046 = arith.shli %and3A_1037, %shift_left3A_1045 : vector<16xi32>
        %or3A_1047 = arith.ori %shift_left3A_1046, %iota3A : vector<16xi32>
        %gather3A_1048 = tpu.vector_load_idx %arg12[%or3A_1047] : memref<2048xf32, #tpu.memory_space<vmem>>[vector<16xi32>], vector<16xf32>,
        %shift_left3A_1049 = arith.constant 4 : i32
        %shift_left3A_1050 = vector.broadcast %shift_left3A_1049 : i32 to vector<16xi32>
        %shift_left3A_1051 = arith.shli %and3A_1040, %shift_left3A_1050 : vector<16xi32>
        %or3A_1052 = arith.ori %shift_left3A_1051, %iota3A : vector<16xi32>
        %gather3A_1053 = tpu.vector_load_idx %arg12[%or3A_1052] : memref<2048xf32, #tpu.memory_space<vmem>>[vector<16xi32>], vector<16xf32>,
        %get3A_1054 = arith.index_cast %mul3A_1028 : i32 to index
        %get3A_1055 = tpu.vector_load %arg19[%get3A_1054] {strides = array<i32>} : memref<800xf32, #tpu.memory_space<vmem>>, vector<16xf32>,
        %get3A_1056 = arith.index_cast %mul3A_1028 : i32 to index
        %get3A_1057 = tpu.vector_load %arg20[%get3A_1056] {strides = array<i32>} : memref<800xf32, #tpu.memory_space<vmem>>, vector<16xf32>,
        %get3A_1058 = arith.index_cast %mul3A_1028 : i32 to index
        %get3A_1059 = tpu.vector_load %arg21[%get3A_1058] {strides = array<i32>} : memref<800xf32, #tpu.memory_space<vmem>>, vector<16xf32>,
        %mul3A_1060 = arith.mulf %get3A_1055, %get3A_1055 : vector<16xf32>
        %mul3A_1061 = arith.mulf %get3A_1057, %get3A_1057 : vector<16xf32>
        %add3A_1062 = arith.addf %mul3A_1060, %mul3A_1061 : vector<16xf32>
        %mul3A_1063 = arith.mulf %get3A_1059, %get3A_1059 : vector<16xf32>
        %add3A_1064 = arith.addf %add3A_1062, %mul3A_1063 : vector<16xf32>
        %mul3A_1065 = arith.constant 5.000000e-01 : f32
        %mul3A_1066 = vector.broadcast %mul3A_1065 : f32 to vector<16xf32>
        %mul3A_1067 = arith.mulf %add3A_1064, %mul3A_1066 : vector<16xf32>
        %bitcast3A_1068 = vector.bitcast %add3A_1064 : vector<16xf32> to vector<16xi32>
        %shift_right_arithmetic3A_1069 = arith.constant 1 : i32
        %shift_right_arithmetic3A_1070 = vector.broadcast %shift_right_arithmetic3A_1069 : i32 to vector<16xi32>
        %shift_right_arithmetic3A_1071 = arith.shrsi %bitcast3A_1068, %shift_right_arithmetic3A_1070 : vector<16xi32>
        %sub3A_1072 = arith.constant 1597463007 : i32
        %sub3A_1073 = vector.broadcast %sub3A_1072 : i32 to vector<16xi32>
        %sub3A_1074 = arith.subi %sub3A_1073, %shift_right_arithmetic3A_1071 : vector<16xi32>
        %bitcast3A_1075 = vector.bitcast %sub3A_1074 : vector<16xi32> to vector<16xf32>
        %mul3A_1076 = arith.mulf %mul3A_1067, %bitcast3A_1075 : vector<16xf32>
        %mul3A_1077 = arith.mulf %mul3A_1076, %bitcast3A_1075 : vector<16xf32>
        %sub3A_1078 = arith.constant 1.500000e+00 : f32
        %sub3A_1079 = vector.broadcast %sub3A_1078 : f32 to vector<16xf32>
        %sub3A_1080 = arith.subf %sub3A_1079, %mul3A_1077 : vector<16xf32>
        %mul3A_1081 = arith.mulf %bitcast3A_1075, %sub3A_1080 : vector<16xf32>
        %mul3A_1082 = arith.mulf %mul3A_1067, %mul3A_1081 : vector<16xf32>
        %mul3A_1083 = arith.mulf %mul3A_1082, %mul3A_1081 : vector<16xf32>
        %sub3A_1084 = arith.constant 1.500000e+00 : f32
        %sub3A_1085 = vector.broadcast %sub3A_1084 : f32 to vector<16xf32>
        %sub3A_1086 = arith.subf %sub3A_1085, %mul3A_1083 : vector<16xf32>
        %mul3A_1087 = arith.mulf %mul3A_1081, %sub3A_1086 : vector<16xf32>
        %mul3A_1088 = arith.mulf %add3A_1064, %mul3A_1087 : vector<16xf32>
        %add3A_1089 = arith.addf %gather3A_1048, %gather3A_1053 : vector<16xf32>
        %mul3A_1090 = arith.mulf %add3A_1089, %mul3A_1088 : vector<16xf32>
        %mul3A_1091 = arith.mulf %get3A_29, %mul3A_1090 : vector<16xf32>
        %exp3A_1092 = math.exp %mul3A_1091 : vector<16xf32>
        %mul3A_1093 = arith.mulf %get3A_13, %exp3A_1092 : vector<16xf32>
        %mul3A_1094 = arith.mulf %get3A_33, %mul3A_1090 : vector<16xf32>
        %exp3A_1095 = math.exp %mul3A_1094 : vector<16xf32>
        %mul3A_1096 = arith.mulf %get3A_17, %exp3A_1095 : vector<16xf32>
        %add3A_1097 = arith.addf %mul3A_1093, %mul3A_1096 : vector<16xf32>
        %mul3A_1098 = arith.mulf %get3A_37, %mul3A_1090 : vector<16xf32>
        %exp3A_1099 = math.exp %mul3A_1098 : vector<16xf32>
        %mul3A_1100 = arith.mulf %get3A_21, %exp3A_1099 : vector<16xf32>
        %add3A_1101 = arith.addf %add3A_1097, %mul3A_1100 : vector<16xf32>
        %mul3A_1102 = arith.mulf %get3A_41, %mul3A_1090 : vector<16xf32>
        %exp3A_1103 = math.exp %mul3A_1102 : vector<16xf32>
        %mul3A_1104 = arith.mulf %get3A_25, %exp3A_1103 : vector<16xf32>
        %add3A_1105 = arith.addf %add3A_1101, %mul3A_1104 : vector<16xf32>
        %convert_element_type3A_1106 = arith.sitofp %and3A_1037 : vector<16xi32> to vector<16xf32>
        %convert_element_type3A_1107 = arith.sitofp %and3A_1040 : vector<16xi32> to vector<16xf32>
        %mul3A_1108 = arith.mulf %convert_element_type3A_1106, %convert_element_type3A_1107 : vector<16xf32>
        %mul3A_1109 = arith.mulf %mul3A_1108, %mul3A_1087 : vector<16xf32>
        %add3A_1110 = arith.addi %mul3A_3, %shift_right_arithmetic3A_1043 : vector<16xi32>
        %mul3A_1111 = arith.mulf %mul3A_1109, %add3A_1105 : vector<16xf32>
        tpu.vector_store_idx %arg24[%add3A_1110], %mul3A_1111 {add = true} : memref<16144xf32, #tpu.memory_space<vmem>>[vector<16xi32>], vector<16xf32>,
        %scan3A_1112 = arith.constant 0 : i32
        scf.yield %scan3A_1112 : i32
      }
      %scan3A_208 = arith.constant 5 : i32
      %add3A_209 = arith.constant 2 : i32
      %add3A_210 = arith.addi %add3A_136, %add3A_209 : i32
      %min3A_211 = arith.constant 124 : i32
      %min3A_212 = arith.minsi %add3A_210, %min3A_211 : i32
      %mul3A_213 = arith.constant 100000 : i32
      %mul3A_214 = arith.muli %add3A, %mul3A_213 : i32
      %mul3A_215 = arith.constant 800 : i32
      %mul3A_216 = arith.muli %min3A_212, %mul3A_215 : i32
      %add3A_217 = arith.addi %mul3A_214, %mul3A_216 : i32
      %dma_start3A_218 = tpu.memref_slice %arg8[%add3A_217] : memref<3200000xi32, #tpu.memory_space<hbm>> -> memref<800xi32, #tpu.memory_space<hbm>>
      %dma_start3A_219 = tpu.memref_slice %arg8[%add3A_217] : memref<3200000xi32, #tpu.memory_space<hbm>> -> memref<800xi32, #tpu.memory_space<hbm>>
      tpu.enqueue_dma source(%dma_start3A_219 : memref<800xi32, #tpu.memory_space<hbm>>) target(%arg22 : memref<800xi32, #tpu.memory_space<vmem>>) target_semaphore(%arg27 : memref<!tpu.dma_semaphore, #tpu.memory_space<semaphore_mem>>)
      %dma_start3A_220 = tpu.memref_slice %arg9[%add3A_217] : memref<3200000xi32, #tpu.memory_space<hbm>> -> memref<800xi32, #tpu.memory_space<hbm>>
      %dma_start3A_221 = tpu.memref_slice %arg9[%add3A_217] : memref<3200000xi32, #tpu.memory_space<hbm>> -> memref<800xi32, #tpu.memory_space<hbm>>
      tpu.enqueue_dma source(%dma_start3A_221 : memref<800xi32, #tpu.memory_space<hbm>>) target(%arg23 : memref<800xi32, #tpu.memory_space<vmem>>) target_semaphore(%arg27 : memref<!tpu.dma_semaphore, #tpu.memory_space<semaphore_mem>>)
      %dma_start3A_222 = tpu.memref_slice %arg5[%add3A_217] : memref<3200000xf32, #tpu.memory_space<hbm>> -> memref<800xf32, #tpu.memory_space<hbm>>
      %dma_start3A_223 = tpu.memref_slice %arg5[%add3A_217] : memref<3200000xf32, #tpu.memory_space<hbm>> -> memref<800xf32, #tpu.memory_space<hbm>>
      tpu.enqueue_dma source(%dma_start3A_223 : memref<800xf32, #tpu.memory_space<hbm>>) target(%arg19 : memref<800xf32, #tpu.memory_space<vmem>>) target_semaphore(%arg27 : memref<!tpu.dma_semaphore, #tpu.memory_space<semaphore_mem>>)
      %dma_start3A_224 = tpu.memref_slice %arg6[%add3A_217] : memref<3200000xf32, #tpu.memory_space<hbm>> -> memref<800xf32, #tpu.memory_space<hbm>>
      %dma_start3A_225 = tpu.memref_slice %arg6[%add3A_217] : memref<3200000xf32, #tpu.memory_space<hbm>> -> memref<800xf32, #tpu.memory_space<hbm>>
      tpu.enqueue_dma source(%dma_start3A_225 : memref<800xf32, #tpu.memory_space<hbm>>) target(%arg20 : memref<800xf32, #tpu.memory_space<vmem>>) target_semaphore(%arg27 : memref<!tpu.dma_semaphore, #tpu.memory_space<semaphore_mem>>)
      %dma_start3A_226 = tpu.memref_slice %arg7[%add3A_217] : memref<3200000xf32, #tpu.memory_space<hbm>> -> memref<800xf32, #tpu.memory_space<hbm>>
      %dma_start3A_227 = tpu.memref_slice %arg7[%add3A_217] : memref<3200000xf32, #tpu.memory_space<hbm>> -> memref<800xf32, #tpu.memory_space<hbm>>
      tpu.enqueue_dma source(%dma_start3A_227 : memref<800xf32, #tpu.memory_space<hbm>>) target(%arg21 : memref<800xf32, #tpu.memory_space<vmem>>) target_semaphore(%arg27 : memref<!tpu.dma_semaphore, #tpu.memory_space<semaphore_mem>>)
      %scan3A_228 = arith.constant 0 : i32
      scf.yield %scan3A_228 : i32
    }
    %scan3A_75 = arith.constant 62 : i32
    %dma_wait3A = arith.constant 0 : i32
    %dma_wait3A_76 = tpu.memref_slice %arg8[%dma_wait3A] : memref<3200000xi32, #tpu.memory_space<hbm>> -> memref<800xi32, #tpu.memory_space<hbm>>
    %dma_wait3A_77 = arith.constant 0 : i32
    %dma_wait3A_78 = tpu.memref_slice %arg8[%dma_wait3A_77] : memref<3200000xi32, #tpu.memory_space<hbm>> -> memref<800xi32, #tpu.memory_space<hbm>>
    tpu.wait_dma2 semaphore(%arg26 : memref<!tpu.dma_semaphore, #tpu.memory_space<semaphore_mem>>) src(%dma_wait3A_78 : memref<800xi32, #tpu.memory_space<hbm>>) dst(%arg17 : memref<800xi32, #tpu.memory_space<vmem>>)
    %dma_wait3A_79 = arith.constant 0 : i32
    %dma_wait3A_80 = tpu.memref_slice %arg9[%dma_wait3A_79] : memref<3200000xi32, #tpu.memory_space<hbm>> -> memref<800xi32, #tpu.memory_space<hbm>>
    %dma_wait3A_81 = arith.constant 0 : i32
    %dma_wait3A_82 = tpu.memref_slice %arg9[%dma_wait3A_81] : memref<3200000xi32, #tpu.memory_space<hbm>> -> memref<800xi32, #tpu.memory_space<hbm>>
    tpu.wait_dma2 semaphore(%arg26 : memref<!tpu.dma_semaphore, #tpu.memory_space<semaphore_mem>>) src(%dma_wait3A_82 : memref<800xi32, #tpu.memory_space<hbm>>) dst(%arg18 : memref<800xi32, #tpu.memory_space<vmem>>)
    %dma_wait3A_83 = arith.constant 0 : i32
    %dma_wait3A_84 = tpu.memref_slice %arg5[%dma_wait3A_83] : memref<3200000xf32, #tpu.memory_space<hbm>> -> memref<800xf32, #tpu.memory_space<hbm>>
    %dma_wait3A_85 = arith.constant 0 : i32
    %dma_wait3A_86 = tpu.memref_slice %arg5[%dma_wait3A_85] : memref<3200000xf32, #tpu.memory_space<hbm>> -> memref<800xf32, #tpu.memory_space<hbm>>
    tpu.wait_dma2 semaphore(%arg26 : memref<!tpu.dma_semaphore, #tpu.memory_space<semaphore_mem>>) src(%dma_wait3A_86 : memref<800xf32, #tpu.memory_space<hbm>>) dst(%arg14 : memref<800xf32, #tpu.memory_space<vmem>>)
    %dma_wait3A_87 = arith.constant 0 : i32
    %dma_wait3A_88 = tpu.memref_slice %arg6[%dma_wait3A_87] : memref<3200000xf32, #tpu.memory_space<hbm>> -> memref<800xf32, #tpu.memory_space<hbm>>
    %dma_wait3A_89 = arith.constant 0 : i32
    %dma_wait3A_90 = tpu.memref_slice %arg6[%dma_wait3A_89] : memref<3200000xf32, #tpu.memory_space<hbm>> -> memref<800xf32, #tpu.memory_space<hbm>>
    tpu.wait_dma2 semaphore(%arg26 : memref<!tpu.dma_semaphore, #tpu.memory_space<semaphore_mem>>) src(%dma_wait3A_90 : memref<800xf32, #tpu.memory_space<hbm>>) dst(%arg15 : memref<800xf32, #tpu.memory_space<vmem>>)
    %dma_wait3A_91 = arith.constant 0 : i32
    %dma_wait3A_92 = tpu.memref_slice %arg7[%dma_wait3A_91] : memref<3200000xf32, #tpu.memory_space<hbm>> -> memref<800xf32, #tpu.memory_space<hbm>>
    %dma_wait3A_93 = arith.constant 0 : i32
    %dma_wait3A_94 = tpu.memref_slice %arg7[%dma_wait3A_93] : memref<3200000xf32, #tpu.memory_space<hbm>> -> memref<800xf32, #tpu.memory_space<hbm>>
    tpu.wait_dma2 semaphore(%arg26 : memref<!tpu.dma_semaphore, #tpu.memory_space<semaphore_mem>>) src(%dma_wait3A_94 : memref<800xf32, #tpu.memory_space<hbm>>) dst(%arg16 : memref<800xf32, #tpu.memory_space<vmem>>)
    %scan3A_95 = arith.constant 0 : i32
    %scan3A_96 = arith.constant 0 : i32
    %scan3A_97 = arith.constant 5 : i32
    %scan3A_98 = arith.addi %scan3A_96, %scan3A_97 : i32
    %scan3A_99 = arith.constant 1 : i32
    %scan3A_100 = scf.for %scan3A_131 = %scan3A_96 to %scan3A_98 step %scan3A_99 iter_args(%scan3A_132 = %scan3A_95) -> (i32)  : i32 {
      %mul3A_133 = arith.constant 10 : i32
      %mul3A_134 = arith.muli %scan3A_131, %mul3A_133 : i32
      %add3A_135 = arith.constant 0 : i32
      %add3A_136 = arith.addi %mul3A_134, %add3A_135 : i32
      %mul3A_137 = arith.constant 16 : i32
      %mul3A_138 = arith.muli %add3A_136, %mul3A_137 : i32
      %get3A_139 = arith.index_cast %mul3A_138 : i32 to index
      %get3A_140 = tpu.vector_load %arg17[%get3A_139] {strides = array<i32>} : memref<800xi32, #tpu.memory_space<vmem>>, vector<16xi32>,
      %get3A_141 = arith.index_cast %mul3A_138 : i32 to index
      %get3A_142 = tpu.vector_load %arg18[%get3A_141] {strides = array<i32>} : memref<800xi32, #tpu.memory_space<vmem>>, vector<16xi32>,
      %gather3A = tpu.vector_load_idx %arg11[%get3A_140] : memref<100000xi32, #tpu.memory_space<vmem>>[vector<16xi32>], vector<16xi32>,
      %gather3A_143 = tpu.vector_load_idx %arg11[%get3A_142] : memref<100000xi32, #tpu.memory_space<vmem>>[vector<16xi32>], vector<16xi32>,
      %and3A = arith.constant 127 : i32
      %and3A_144 = vector.broadcast %and3A : i32 to vector<16xi32>
      %and3A_145 = arith.andi %gather3A, %and3A_144 : vector<16xi32>
      %and3A_146 = arith.constant 127 : i32
      %and3A_147 = vector.broadcast %and3A_146 : i32 to vector<16xi32>
      %and3A_148 = arith.andi %gather3A_143, %and3A_147 : vector<16xi32>
      %shift_right_arithmetic3A = arith.constant 7 : i32
      %shift_right_arithmetic3A_149 = vector.broadcast %shift_right_arithmetic3A : i32 to vector<16xi32>
      %shift_right_arithmetic3A_150 = arith.shrsi %gather3A, %shift_right_arithmetic3A_149 : vector<16xi32>
      %shift_left3A = arith.constant 4 : i32
      %shift_left3A_151 = vector.broadcast %shift_left3A : i32 to vector<16xi32>
      %shift_left3A_152 = arith.shli %and3A_145, %shift_left3A_151 : vector<16xi32>
      %or3A = arith.ori %shift_left3A_152, %iota3A : vector<16xi32>
      %gather3A_153 = tpu.vector_load_idx %arg12[%or3A] : memref<2048xf32, #tpu.memory_space<vmem>>[vector<16xi32>], vector<16xf32>,
      %shift_left3A_154 = arith.constant 4 : i32
      %shift_left3A_155 = vector.broadcast %shift_left3A_154 : i32 to vector<16xi32>
      %shift_left3A_156 = arith.shli %and3A_148, %shift_left3A_155 : vector<16xi32>
      %or3A_157 = arith.ori %shift_left3A_156, %iota3A : vector<16xi32>
      %gather3A_158 = tpu.vector_load_idx %arg12[%or3A_157] : memref<2048xf32, #tpu.memory_space<vmem>>[vector<16xi32>], vector<16xf32>,
      %get3A_159 = arith.index_cast %mul3A_138 : i32 to index
      %get3A_160 = tpu.vector_load %arg14[%get3A_159] {strides = array<i32>} : memref<800xf32, #tpu.memory_space<vmem>>, vector<16xf32>,
      %get3A_161 = arith.index_cast %mul3A_138 : i32 to index
      %get3A_162 = tpu.vector_load %arg15[%get3A_161] {strides = array<i32>} : memref<800xf32, #tpu.memory_space<vmem>>, vector<16xf32>,
      %get3A_163 = arith.index_cast %mul3A_138 : i32 to index
      %get3A_164 = tpu.vector_load %arg16[%get3A_163] {strides = array<i32>} : memref<800xf32, #tpu.memory_space<vmem>>, vector<16xf32>,
      %mul3A_165 = arith.mulf %get3A_160, %get3A_160 : vector<16xf32>
      %mul3A_166 = arith.mulf %get3A_162, %get3A_162 : vector<16xf32>
      %add3A_167 = arith.addf %mul3A_165, %mul3A_166 : vector<16xf32>
      %mul3A_168 = arith.mulf %get3A_164, %get3A_164 : vector<16xf32>
      %add3A_169 = arith.addf %add3A_167, %mul3A_168 : vector<16xf32>
      %mul3A_170 = arith.constant 5.000000e-01 : f32
      %mul3A_171 = vector.broadcast %mul3A_170 : f32 to vector<16xf32>
      %mul3A_172 = arith.mulf %add3A_169, %mul3A_171 : vector<16xf32>
      %bitcast3A = vector.bitcast %add3A_169 : vector<16xf32> to vector<16xi32>
      %shift_right_arithmetic3A_173 = arith.constant 1 : i32
      %shift_right_arithmetic3A_174 = vector.broadcast %shift_right_arithmetic3A_173 : i32 to vector<16xi32>
      %shift_right_arithmetic3A_175 = arith.shrsi %bitcast3A, %shift_right_arithmetic3A_174 : vector<16xi32>
      %sub3A = arith.constant 1597463007 : i32
      %sub3A_176 = vector.broadcast %sub3A : i32 to vector<16xi32>
      %sub3A_177 = arith.subi %sub3A_176, %shift_right_arithmetic3A_175 : vector<16xi32>
      %bitcast3A_178 = vector.bitcast %sub3A_177 : vector<16xi32> to vector<16xf32>
      %mul3A_179 = arith.mulf %mul3A_172, %bitcast3A_178 : vector<16xf32>
      %mul3A_180 = arith.mulf %mul3A_179, %bitcast3A_178 : vector<16xf32>
      %sub3A_181 = arith.constant 1.500000e+00 : f32
      %sub3A_182 = vector.broadcast %sub3A_181 : f32 to vector<16xf32>
      %sub3A_183 = arith.subf %sub3A_182, %mul3A_180 : vector<16xf32>
      %mul3A_184 = arith.mulf %bitcast3A_178, %sub3A_183 : vector<16xf32>
      %mul3A_185 = arith.mulf %mul3A_172, %mul3A_184 : vector<16xf32>
      %mul3A_186 = arith.mulf %mul3A_185, %mul3A_184 : vector<16xf32>
      %sub3A_187 = arith.constant 1.500000e+00 : f32
      %sub3A_188 = vector.broadcast %sub3A_187 : f32 to vector<16xf32>
      %sub3A_189 = arith.subf %sub3A_188, %mul3A_186 : vector<16xf32>
      %mul3A_190 = arith.mulf %mul3A_184, %sub3A_189 : vector<16xf32>
      %mul3A_191 = arith.mulf %add3A_169, %mul3A_190 : vector<16xf32>
      %add3A_192 = arith.addf %gather3A_153, %gather3A_158 : vector<16xf32>
      %mul3A_193 = arith.mulf %add3A_192, %mul3A_191 : vector<16xf32>
      %mul3A_194 = arith.mulf %get3A_29, %mul3A_193 : vector<16xf32>
      %exp3A = math.exp %mul3A_194 : vector<16xf32>
      %mul3A_195 = arith.mulf %get3A_13, %exp3A : vector<16xf32>
      %mul3A_196 = arith.mulf %get3A_33, %mul3A_193 : vector<16xf32>
      %exp3A_197 = math.exp %mul3A_196 : vector<16xf32>
      %mul3A_198 = arith.mulf %get3A_17, %exp3A_197 : vector<16xf32>
      %add3A_199 = arith.addf %mul3A_195, %mul3A_198 : vector<16xf32>
      %mul3A_200 = arith.mulf %get3A_37, %mul3A_193 : vector<16xf32>
      %exp3A_201 = math.exp %mul3A_200 : vector<16xf32>
      %mul3A_202 = arith.mulf %get3A_21, %exp3A_201 : vector<16xf32>
      %add3A_203 = arith.addf %add3A_199, %mul3A_202 : vector<16xf32>
      %mul3A_204 = arith.mulf %get3A_41, %mul3A_193 : vector<16xf32>
      %exp3A_205 = math.exp %mul3A_204 : vector<16xf32>
      %mul3A_206 = arith.mulf %get3A_25, %exp3A_205 : vector<16xf32>
      %add3A_207 = arith.addf %add3A_203, %mul3A_206 : vector<16xf32>
      %convert_element_type3A = arith.sitofp %and3A_145 : vector<16xi32> to vector<16xf32>
      %convert_element_type3A_208 = arith.sitofp %and3A_148 : vector<16xi32> to vector<16xf32>
      %mul3A_209 = arith.mulf %convert_element_type3A, %convert_element_type3A_208 : vector<16xf32>
      %mul3A_210 = arith.mulf %mul3A_209, %mul3A_190 : vector<16xf32>
      %add3A_211 = arith.addi %mul3A_3, %shift_right_arithmetic3A_150 : vector<16xi32>
      %mul3A_212 = arith.mulf %mul3A_210, %add3A_207 : vector<16xf32>
      tpu.vector_store_idx %arg24[%add3A_211], %mul3A_212 {add = true} : memref<16144xf32, #tpu.memory_space<vmem>>[vector<16xi32>], vector<16xf32>,
      %mul3A_213 = arith.constant 10 : i32
      %mul3A_214 = arith.muli %scan3A_131, %mul3A_213 : i32
      %add3A_215 = arith.constant 1 : i32
      %add3A_216 = arith.addi %mul3A_214, %add3A_215 : i32
      %mul3A_217 = arith.constant 16 : i32
      %mul3A_218 = arith.muli %add3A_216, %mul3A_217 : i32
      %get3A_219 = arith.index_cast %mul3A_218 : i32 to index
      %get3A_220 = tpu.vector_load %arg17[%get3A_219] {strides = array<i32>} : memref<800xi32, #tpu.memory_space<vmem>>, vector<16xi32>,
      %get3A_221 = arith.index_cast %mul3A_218 : i32 to index
      %get3A_222 = tpu.vector_load %arg18[%get3A_221] {strides = array<i32>} : memref<800xi32, #tpu.memory_space<vmem>>, vector<16xi32>,
      %gather3A_223 = tpu.vector_load_idx %arg11[%get3A_220] : memref<100000xi32, #tpu.memory_space<vmem>>[vector<16xi32>], vector<16xi32>,
      %gather3A_224 = tpu.vector_load_idx %arg11[%get3A_222] : memref<100000xi32, #tpu.memory_space<vmem>>[vector<16xi32>], vector<16xi32>,
      %and3A_225 = arith.constant 127 : i32
      %and3A_226 = vector.broadcast %and3A_225 : i32 to vector<16xi32>
      %and3A_227 = arith.andi %gather3A_223, %and3A_226 : vector<16xi32>
      %and3A_228 = arith.constant 127 : i32
      %and3A_229 = vector.broadcast %and3A_228 : i32 to vector<16xi32>
      %and3A_230 = arith.andi %gather3A_224, %and3A_229 : vector<16xi32>
      %shift_right_arithmetic3A_231 = arith.constant 7 : i32
      %shift_right_arithmetic3A_232 = vector.broadcast %shift_right_arithmetic3A_231 : i32 to vector<16xi32>
      %shift_right_arithmetic3A_233 = arith.shrsi %gather3A_223, %shift_right_arithmetic3A_232 : vector<16xi32>
      %shift_left3A_234 = arith.constant 4 : i32
      %shift_left3A_235 = vector.broadcast %shift_left3A_234 : i32 to vector<16xi32>
      %shift_left3A_236 = arith.shli %and3A_227, %shift_left3A_235 : vector<16xi32>
      %or3A_237 = arith.ori %shift_left3A_236, %iota3A : vector<16xi32>
      %gather3A_238 = tpu.vector_load_idx %arg12[%or3A_237] : memref<2048xf32, #tpu.memory_space<vmem>>[vector<16xi32>], vector<16xf32>,
      %shift_left3A_239 = arith.constant 4 : i32
      %shift_left3A_240 = vector.broadcast %shift_left3A_239 : i32 to vector<16xi32>
      %shift_left3A_241 = arith.shli %and3A_230, %shift_left3A_240 : vector<16xi32>
      %or3A_242 = arith.ori %shift_left3A_241, %iota3A : vector<16xi32>
      %gather3A_243 = tpu.vector_load_idx %arg12[%or3A_242] : memref<2048xf32, #tpu.memory_space<vmem>>[vector<16xi32>], vector<16xf32>,
      %get3A_244 = arith.index_cast %mul3A_218 : i32 to index
      %get3A_245 = tpu.vector_load %arg14[%get3A_244] {strides = array<i32>} : memref<800xf32, #tpu.memory_space<vmem>>, vector<16xf32>,
      %get3A_246 = arith.index_cast %mul3A_218 : i32 to index
      %get3A_247 = tpu.vector_load %arg15[%get3A_246] {strides = array<i32>} : memref<800xf32, #tpu.memory_space<vmem>>, vector<16xf32>,
      %get3A_248 = arith.index_cast %mul3A_218 : i32 to index
      %get3A_249 = tpu.vector_load %arg16[%get3A_248] {strides = array<i32>} : memref<800xf32, #tpu.memory_space<vmem>>, vector<16xf32>,
      %mul3A_250 = arith.mulf %get3A_245, %get3A_245 : vector<16xf32>
      %mul3A_251 = arith.mulf %get3A_247, %get3A_247 : vector<16xf32>
      %add3A_252 = arith.addf %mul3A_250, %mul3A_251 : vector<16xf32>
      %mul3A_253 = arith.mulf %get3A_249, %get3A_249 : vector<16xf32>
      %add3A_254 = arith.addf %add3A_252, %mul3A_253 : vector<16xf32>
      %mul3A_255 = arith.constant 5.000000e-01 : f32
      %mul3A_256 = vector.broadcast %mul3A_255 : f32 to vector<16xf32>
      %mul3A_257 = arith.mulf %add3A_254, %mul3A_256 : vector<16xf32>
      %bitcast3A_258 = vector.bitcast %add3A_254 : vector<16xf32> to vector<16xi32>
      %shift_right_arithmetic3A_259 = arith.constant 1 : i32
      %shift_right_arithmetic3A_260 = vector.broadcast %shift_right_arithmetic3A_259 : i32 to vector<16xi32>
      %shift_right_arithmetic3A_261 = arith.shrsi %bitcast3A_258, %shift_right_arithmetic3A_260 : vector<16xi32>
      %sub3A_262 = arith.constant 1597463007 : i32
      %sub3A_263 = vector.broadcast %sub3A_262 : i32 to vector<16xi32>
      %sub3A_264 = arith.subi %sub3A_263, %shift_right_arithmetic3A_261 : vector<16xi32>
      %bitcast3A_265 = vector.bitcast %sub3A_264 : vector<16xi32> to vector<16xf32>
      %mul3A_266 = arith.mulf %mul3A_257, %bitcast3A_265 : vector<16xf32>
      %mul3A_267 = arith.mulf %mul3A_266, %bitcast3A_265 : vector<16xf32>
      %sub3A_268 = arith.constant 1.500000e+00 : f32
      %sub3A_269 = vector.broadcast %sub3A_268 : f32 to vector<16xf32>
      %sub3A_270 = arith.subf %sub3A_269, %mul3A_267 : vector<16xf32>
      %mul3A_271 = arith.mulf %bitcast3A_265, %sub3A_270 : vector<16xf32>
      %mul3A_272 = arith.mulf %mul3A_257, %mul3A_271 : vector<16xf32>
      %mul3A_273 = arith.mulf %mul3A_272, %mul3A_271 : vector<16xf32>
      %sub3A_274 = arith.constant 1.500000e+00 : f32
      %sub3A_275 = vector.broadcast %sub3A_274 : f32 to vector<16xf32>
      %sub3A_276 = arith.subf %sub3A_275, %mul3A_273 : vector<16xf32>
      %mul3A_277 = arith.mulf %mul3A_271, %sub3A_276 : vector<16xf32>
      %mul3A_278 = arith.mulf %add3A_254, %mul3A_277 : vector<16xf32>
      %add3A_279 = arith.addf %gather3A_238, %gather3A_243 : vector<16xf32>
      %mul3A_280 = arith.mulf %add3A_279, %mul3A_278 : vector<16xf32>
      %mul3A_281 = arith.mulf %get3A_29, %mul3A_280 : vector<16xf32>
      %exp3A_282 = math.exp %mul3A_281 : vector<16xf32>
      %mul3A_283 = arith.mulf %get3A_13, %exp3A_282 : vector<16xf32>
      %mul3A_284 = arith.mulf %get3A_33, %mul3A_280 : vector<16xf32>
      %exp3A_285 = math.exp %mul3A_284 : vector<16xf32>
      %mul3A_286 = arith.mulf %get3A_17, %exp3A_285 : vector<16xf32>
      %add3A_287 = arith.addf %mul3A_283, %mul3A_286 : vector<16xf32>
      %mul3A_288 = arith.mulf %get3A_37, %mul3A_280 : vector<16xf32>
      %exp3A_289 = math.exp %mul3A_288 : vector<16xf32>
      %mul3A_290 = arith.mulf %get3A_21, %exp3A_289 : vector<16xf32>
      %add3A_291 = arith.addf %add3A_287, %mul3A_290 : vector<16xf32>
      %mul3A_292 = arith.mulf %get3A_41, %mul3A_280 : vector<16xf32>
      %exp3A_293 = math.exp %mul3A_292 : vector<16xf32>
      %mul3A_294 = arith.mulf %get3A_25, %exp3A_293 : vector<16xf32>
      %add3A_295 = arith.addf %add3A_291, %mul3A_294 : vector<16xf32>
      %convert_element_type3A_296 = arith.sitofp %and3A_227 : vector<16xi32> to vector<16xf32>
      %convert_element_type3A_297 = arith.sitofp %and3A_230 : vector<16xi32> to vector<16xf32>
      %mul3A_298 = arith.mulf %convert_element_type3A_296, %convert_element_type3A_297 : vector<16xf32>
      %mul3A_299 = arith.mulf %mul3A_298, %mul3A_277 : vector<16xf32>
      %add3A_300 = arith.addi %mul3A_3, %shift_right_arithmetic3A_233 : vector<16xi32>
      %mul3A_301 = arith.mulf %mul3A_299, %add3A_295 : vector<16xf32>
      tpu.vector_store_idx %arg24[%add3A_300], %mul3A_301 {add = true} : memref<16144xf32, #tpu.memory_space<vmem>>[vector<16xi32>], vector<16xf32>,
      %mul3A_302 = arith.constant 10 : i32
      %mul3A_303 = arith.muli %scan3A_131, %mul3A_302 : i32
      %add3A_304 = arith.constant 2 : i32
      %add3A_305 = arith.addi %mul3A_303, %add3A_304 : i32
      %mul3A_306 = arith.constant 16 : i32
      %mul3A_307 = arith.muli %add3A_305, %mul3A_306 : i32
      %get3A_308 = arith.index_cast %mul3A_307 : i32 to index
      %get3A_309 = tpu.vector_load %arg17[%get3A_308] {strides = array<i32>} : memref<800xi32, #tpu.memory_space<vmem>>, vector<16xi32>,
      %get3A_310 = arith.index_cast %mul3A_307 : i32 to index
      %get3A_311 = tpu.vector_load %arg18[%get3A_310] {strides = array<i32>} : memref<800xi32, #tpu.memory_space<vmem>>, vector<16xi32>,
      %gather3A_312 = tpu.vector_load_idx %arg11[%get3A_309] : memref<100000xi32, #tpu.memory_space<vmem>>[vector<16xi32>], vector<16xi32>,
      %gather3A_313 = tpu.vector_load_idx %arg11[%get3A_311] : memref<100000xi32, #tpu.memory_space<vmem>>[vector<16xi32>], vector<16xi32>,
      %and3A_314 = arith.constant 127 : i32
      %and3A_315 = vector.broadcast %and3A_314 : i32 to vector<16xi32>
      %and3A_316 = arith.andi %gather3A_312, %and3A_315 : vector<16xi32>
      %and3A_317 = arith.constant 127 : i32
      %and3A_318 = vector.broadcast %and3A_317 : i32 to vector<16xi32>
      %and3A_319 = arith.andi %gather3A_313, %and3A_318 : vector<16xi32>
      %shift_right_arithmetic3A_320 = arith.constant 7 : i32
      %shift_right_arithmetic3A_321 = vector.broadcast %shift_right_arithmetic3A_320 : i32 to vector<16xi32>
      %shift_right_arithmetic3A_322 = arith.shrsi %gather3A_312, %shift_right_arithmetic3A_321 : vector<16xi32>
      %shift_left3A_323 = arith.constant 4 : i32
      %shift_left3A_324 = vector.broadcast %shift_left3A_323 : i32 to vector<16xi32>
      %shift_left3A_325 = arith.shli %and3A_316, %shift_left3A_324 : vector<16xi32>
      %or3A_326 = arith.ori %shift_left3A_325, %iota3A : vector<16xi32>
      %gather3A_327 = tpu.vector_load_idx %arg12[%or3A_326] : memref<2048xf32, #tpu.memory_space<vmem>>[vector<16xi32>], vector<16xf32>,
      %shift_left3A_328 = arith.constant 4 : i32
      %shift_left3A_329 = vector.broadcast %shift_left3A_328 : i32 to vector<16xi32>
      %shift_left3A_330 = arith.shli %and3A_319, %shift_left3A_329 : vector<16xi32>
      %or3A_331 = arith.ori %shift_left3A_330, %iota3A : vector<16xi32>
      %gather3A_332 = tpu.vector_load_idx %arg12[%or3A_331] : memref<2048xf32, #tpu.memory_space<vmem>>[vector<16xi32>], vector<16xf32>,
      %get3A_333 = arith.index_cast %mul3A_307 : i32 to index
      %get3A_334 = tpu.vector_load %arg14[%get3A_333] {strides = array<i32>} : memref<800xf32, #tpu.memory_space<vmem>>, vector<16xf32>,
      %get3A_335 = arith.index_cast %mul3A_307 : i32 to index
      %get3A_336 = tpu.vector_load %arg15[%get3A_335] {strides = array<i32>} : memref<800xf32, #tpu.memory_space<vmem>>, vector<16xf32>,
      %get3A_337 = arith.index_cast %mul3A_307 : i32 to index
      %get3A_338 = tpu.vector_load %arg16[%get3A_337] {strides = array<i32>} : memref<800xf32, #tpu.memory_space<vmem>>, vector<16xf32>,
      %mul3A_339 = arith.mulf %get3A_334, %get3A_334 : vector<16xf32>
      %mul3A_340 = arith.mulf %get3A_336, %get3A_336 : vector<16xf32>
      %add3A_341 = arith.addf %mul3A_339, %mul3A_340 : vector<16xf32>
      %mul3A_342 = arith.mulf %get3A_338, %get3A_338 : vector<16xf32>
      %add3A_343 = arith.addf %add3A_341, %mul3A_342 : vector<16xf32>
      %mul3A_344 = arith.constant 5.000000e-01 : f32
      %mul3A_345 = vector.broadcast %mul3A_344 : f32 to vector<16xf32>
      %mul3A_346 = arith.mulf %add3A_343, %mul3A_345 : vector<16xf32>
      %bitcast3A_347 = vector.bitcast %add3A_343 : vector<16xf32> to vector<16xi32>
      %shift_right_arithmetic3A_348 = arith.constant 1 : i32
      %shift_right_arithmetic3A_349 = vector.broadcast %shift_right_arithmetic3A_348 : i32 to vector<16xi32>
      %shift_right_arithmetic3A_350 = arith.shrsi %bitcast3A_347, %shift_right_arithmetic3A_349 : vector<16xi32>
      %sub3A_351 = arith.constant 1597463007 : i32
      %sub3A_352 = vector.broadcast %sub3A_351 : i32 to vector<16xi32>
      %sub3A_353 = arith.subi %sub3A_352, %shift_right_arithmetic3A_350 : vector<16xi32>
      %bitcast3A_354 = vector.bitcast %sub3A_353 : vector<16xi32> to vector<16xf32>
      %mul3A_355 = arith.mulf %mul3A_346, %bitcast3A_354 : vector<16xf32>
      %mul3A_356 = arith.mulf %mul3A_355, %bitcast3A_354 : vector<16xf32>
      %sub3A_357 = arith.constant 1.500000e+00 : f32
      %sub3A_358 = vector.broadcast %sub3A_357 : f32 to vector<16xf32>
      %sub3A_359 = arith.subf %sub3A_358, %mul3A_356 : vector<16xf32>
      %mul3A_360 = arith.mulf %bitcast3A_354, %sub3A_359 : vector<16xf32>
      %mul3A_361 = arith.mulf %mul3A_346, %mul3A_360 : vector<16xf32>
      %mul3A_362 = arith.mulf %mul3A_361, %mul3A_360 : vector<16xf32>
      %sub3A_363 = arith.constant 1.500000e+00 : f32
      %sub3A_364 = vector.broadcast %sub3A_363 : f32 to vector<16xf32>
      %sub3A_365 = arith.subf %sub3A_364, %mul3A_362 : vector<16xf32>
      %mul3A_366 = arith.mulf %mul3A_360, %sub3A_365 : vector<16xf32>
      %mul3A_367 = arith.mulf %add3A_343, %mul3A_366 : vector<16xf32>
      %add3A_368 = arith.addf %gather3A_327, %gather3A_332 : vector<16xf32>
      %mul3A_369 = arith.mulf %add3A_368, %mul3A_367 : vector<16xf32>
      %mul3A_370 = arith.mulf %get3A_29, %mul3A_369 : vector<16xf32>
      %exp3A_371 = math.exp %mul3A_370 : vector<16xf32>
      %mul3A_372 = arith.mulf %get3A_13, %exp3A_371 : vector<16xf32>
      %mul3A_373 = arith.mulf %get3A_33, %mul3A_369 : vector<16xf32>
      %exp3A_374 = math.exp %mul3A_373 : vector<16xf32>
      %mul3A_375 = arith.mulf %get3A_17, %exp3A_374 : vector<16xf32>
      %add3A_376 = arith.addf %mul3A_372, %mul3A_375 : vector<16xf32>
      %mul3A_377 = arith.mulf %get3A_37, %mul3A_369 : vector<16xf32>
      %exp3A_378 = math.exp %mul3A_377 : vector<16xf32>
      %mul3A_379 = arith.mulf %get3A_21, %exp3A_378 : vector<16xf32>
      %add3A_380 = arith.addf %add3A_376, %mul3A_379 : vector<16xf32>
      %mul3A_381 = arith.mulf %get3A_41, %mul3A_369 : vector<16xf32>
      %exp3A_382 = math.exp %mul3A_381 : vector<16xf32>
      %mul3A_383 = arith.mulf %get3A_25, %exp3A_382 : vector<16xf32>
      %add3A_384 = arith.addf %add3A_380, %mul3A_383 : vector<16xf32>
      %convert_element_type3A_385 = arith.sitofp %and3A_316 : vector<16xi32> to vector<16xf32>
      %convert_element_type3A_386 = arith.sitofp %and3A_319 : vector<16xi32> to vector<16xf32>
      %mul3A_387 = arith.mulf %convert_element_type3A_385, %convert_element_type3A_386 : vector<16xf32>
      %mul3A_388 = arith.mulf %mul3A_387, %mul3A_366 : vector<16xf32>
      %add3A_389 = arith.addi %mul3A_3, %shift_right_arithmetic3A_322 : vector<16xi32>
      %mul3A_390 = arith.mulf %mul3A_388, %add3A_384 : vector<16xf32>
      tpu.vector_store_idx %arg24[%add3A_389], %mul3A_390 {add = true} : memref<16144xf32, #tpu.memory_space<vmem>>[vector<16xi32>], vector<16xf32>,
      %mul3A_391 = arith.constant 10 : i32
      %mul3A_392 = arith.muli %scan3A_131, %mul3A_391 : i32
      %add3A_393 = arith.constant 3 : i32
      %add3A_394 = arith.addi %mul3A_392, %add3A_393 : i32
      %mul3A_395 = arith.constant 16 : i32
      %mul3A_396 = arith.muli %add3A_394, %mul3A_395 : i32
      %get3A_397 = arith.index_cast %mul3A_396 : i32 to index
      %get3A_398 = tpu.vector_load %arg17[%get3A_397] {strides = array<i32>} : memref<800xi32, #tpu.memory_space<vmem>>, vector<16xi32>,
      %get3A_399 = arith.index_cast %mul3A_396 : i32 to index
      %get3A_400 = tpu.vector_load %arg18[%get3A_399] {strides = array<i32>} : memref<800xi32, #tpu.memory_space<vmem>>, vector<16xi32>,
      %gather3A_401 = tpu.vector_load_idx %arg11[%get3A_398] : memref<100000xi32, #tpu.memory_space<vmem>>[vector<16xi32>], vector<16xi32>,
      %gather3A_402 = tpu.vector_load_idx %arg11[%get3A_400] : memref<100000xi32, #tpu.memory_space<vmem>>[vector<16xi32>], vector<16xi32>,
      %and3A_403 = arith.constant 127 : i32
      %and3A_404 = vector.broadcast %and3A_403 : i32 to vector<16xi32>
      %and3A_405 = arith.andi %gather3A_401, %and3A_404 : vector<16xi32>
      %and3A_406 = arith.constant 127 : i32
      %and3A_407 = vector.broadcast %and3A_406 : i32 to vector<16xi32>
      %and3A_408 = arith.andi %gather3A_402, %and3A_407 : vector<16xi32>
      %shift_right_arithmetic3A_409 = arith.constant 7 : i32
      %shift_right_arithmetic3A_410 = vector.broadcast %shift_right_arithmetic3A_409 : i32 to vector<16xi32>
      %shift_right_arithmetic3A_411 = arith.shrsi %gather3A_401, %shift_right_arithmetic3A_410 : vector<16xi32>
      %shift_left3A_412 = arith.constant 4 : i32
      %shift_left3A_413 = vector.broadcast %shift_left3A_412 : i32 to vector<16xi32>
      %shift_left3A_414 = arith.shli %and3A_405, %shift_left3A_413 : vector<16xi32>
      %or3A_415 = arith.ori %shift_left3A_414, %iota3A : vector<16xi32>
      %gather3A_416 = tpu.vector_load_idx %arg12[%or3A_415] : memref<2048xf32, #tpu.memory_space<vmem>>[vector<16xi32>], vector<16xf32>,
      %shift_left3A_417 = arith.constant 4 : i32
      %shift_left3A_418 = vector.broadcast %shift_left3A_417 : i32 to vector<16xi32>
      %shift_left3A_419 = arith.shli %and3A_408, %shift_left3A_418 : vector<16xi32>
      %or3A_420 = arith.ori %shift_left3A_419, %iota3A : vector<16xi32>
      %gather3A_421 = tpu.vector_load_idx %arg12[%or3A_420] : memref<2048xf32, #tpu.memory_space<vmem>>[vector<16xi32>], vector<16xf32>,
      %get3A_422 = arith.index_cast %mul3A_396 : i32 to index
      %get3A_423 = tpu.vector_load %arg14[%get3A_422] {strides = array<i32>} : memref<800xf32, #tpu.memory_space<vmem>>, vector<16xf32>,
      %get3A_424 = arith.index_cast %mul3A_396 : i32 to index
      %get3A_425 = tpu.vector_load %arg15[%get3A_424] {strides = array<i32>} : memref<800xf32, #tpu.memory_space<vmem>>, vector<16xf32>,
      %get3A_426 = arith.index_cast %mul3A_396 : i32 to index
      %get3A_427 = tpu.vector_load %arg16[%get3A_426] {strides = array<i32>} : memref<800xf32, #tpu.memory_space<vmem>>, vector<16xf32>,
      %mul3A_428 = arith.mulf %get3A_423, %get3A_423 : vector<16xf32>
      %mul3A_429 = arith.mulf %get3A_425, %get3A_425 : vector<16xf32>
      %add3A_430 = arith.addf %mul3A_428, %mul3A_429 : vector<16xf32>
      %mul3A_431 = arith.mulf %get3A_427, %get3A_427 : vector<16xf32>
      %add3A_432 = arith.addf %add3A_430, %mul3A_431 : vector<16xf32>
      %mul3A_433 = arith.constant 5.000000e-01 : f32
      %mul3A_434 = vector.broadcast %mul3A_433 : f32 to vector<16xf32>
      %mul3A_435 = arith.mulf %add3A_432, %mul3A_434 : vector<16xf32>
      %bitcast3A_436 = vector.bitcast %add3A_432 : vector<16xf32> to vector<16xi32>
      %shift_right_arithmetic3A_437 = arith.constant 1 : i32
      %shift_right_arithmetic3A_438 = vector.broadcast %shift_right_arithmetic3A_437 : i32 to vector<16xi32>
      %shift_right_arithmetic3A_439 = arith.shrsi %bitcast3A_436, %shift_right_arithmetic3A_438 : vector<16xi32>
      %sub3A_440 = arith.constant 1597463007 : i32
      %sub3A_441 = vector.broadcast %sub3A_440 : i32 to vector<16xi32>
      %sub3A_442 = arith.subi %sub3A_441, %shift_right_arithmetic3A_439 : vector<16xi32>
      %bitcast3A_443 = vector.bitcast %sub3A_442 : vector<16xi32> to vector<16xf32>
      %mul3A_444 = arith.mulf %mul3A_435, %bitcast3A_443 : vector<16xf32>
      %mul3A_445 = arith.mulf %mul3A_444, %bitcast3A_443 : vector<16xf32>
      %sub3A_446 = arith.constant 1.500000e+00 : f32
      %sub3A_447 = vector.broadcast %sub3A_446 : f32 to vector<16xf32>
      %sub3A_448 = arith.subf %sub3A_447, %mul3A_445 : vector<16xf32>
      %mul3A_449 = arith.mulf %bitcast3A_443, %sub3A_448 : vector<16xf32>
      %mul3A_450 = arith.mulf %mul3A_435, %mul3A_449 : vector<16xf32>
      %mul3A_451 = arith.mulf %mul3A_450, %mul3A_449 : vector<16xf32>
      %sub3A_452 = arith.constant 1.500000e+00 : f32
      %sub3A_453 = vector.broadcast %sub3A_452 : f32 to vector<16xf32>
      %sub3A_454 = arith.subf %sub3A_453, %mul3A_451 : vector<16xf32>
      %mul3A_455 = arith.mulf %mul3A_449, %sub3A_454 : vector<16xf32>
      %mul3A_456 = arith.mulf %add3A_432, %mul3A_455 : vector<16xf32>
      %add3A_457 = arith.addf %gather3A_416, %gather3A_421 : vector<16xf32>
      %mul3A_458 = arith.mulf %add3A_457, %mul3A_456 : vector<16xf32>
      %mul3A_459 = arith.mulf %get3A_29, %mul3A_458 : vector<16xf32>
      %exp3A_460 = math.exp %mul3A_459 : vector<16xf32>
      %mul3A_461 = arith.mulf %get3A_13, %exp3A_460 : vector<16xf32>
      %mul3A_462 = arith.mulf %get3A_33, %mul3A_458 : vector<16xf32>
      %exp3A_463 = math.exp %mul3A_462 : vector<16xf32>
      %mul3A_464 = arith.mulf %get3A_17, %exp3A_463 : vector<16xf32>
      %add3A_465 = arith.addf %mul3A_461, %mul3A_464 : vector<16xf32>
      %mul3A_466 = arith.mulf %get3A_37, %mul3A_458 : vector<16xf32>
      %exp3A_467 = math.exp %mul3A_466 : vector<16xf32>
      %mul3A_468 = arith.mulf %get3A_21, %exp3A_467 : vector<16xf32>
      %add3A_469 = arith.addf %add3A_465, %mul3A_468 : vector<16xf32>
      %mul3A_470 = arith.mulf %get3A_41, %mul3A_458 : vector<16xf32>
      %exp3A_471 = math.exp %mul3A_470 : vector<16xf32>
      %mul3A_472 = arith.mulf %get3A_25, %exp3A_471 : vector<16xf32>
      %add3A_473 = arith.addf %add3A_469, %mul3A_472 : vector<16xf32>
      %convert_element_type3A_474 = arith.sitofp %and3A_405 : vector<16xi32> to vector<16xf32>
      %convert_element_type3A_475 = arith.sitofp %and3A_408 : vector<16xi32> to vector<16xf32>
      %mul3A_476 = arith.mulf %convert_element_type3A_474, %convert_element_type3A_475 : vector<16xf32>
      %mul3A_477 = arith.mulf %mul3A_476, %mul3A_455 : vector<16xf32>
      %add3A_478 = arith.addi %mul3A_3, %shift_right_arithmetic3A_411 : vector<16xi32>
      %mul3A_479 = arith.mulf %mul3A_477, %add3A_473 : vector<16xf32>
      tpu.vector_store_idx %arg24[%add3A_478], %mul3A_479 {add = true} : memref<16144xf32, #tpu.memory_space<vmem>>[vector<16xi32>], vector<16xf32>,
      %mul3A_480 = arith.constant 10 : i32
      %mul3A_481 = arith.muli %scan3A_131, %mul3A_480 : i32
      %add3A_482 = arith.constant 4 : i32
      %add3A_483 = arith.addi %mul3A_481, %add3A_482 : i32
      %mul3A_484 = arith.constant 16 : i32
      %mul3A_485 = arith.muli %add3A_483, %mul3A_484 : i32
      %get3A_486 = arith.index_cast %mul3A_485 : i32 to index
      %get3A_487 = tpu.vector_load %arg17[%get3A_486] {strides = array<i32>} : memref<800xi32, #tpu.memory_space<vmem>>, vector<16xi32>,
      %get3A_488 = arith.index_cast %mul3A_485 : i32 to index
      %get3A_489 = tpu.vector_load %arg18[%get3A_488] {strides = array<i32>} : memref<800xi32, #tpu.memory_space<vmem>>, vector<16xi32>,
      %gather3A_490 = tpu.vector_load_idx %arg11[%get3A_487] : memref<100000xi32, #tpu.memory_space<vmem>>[vector<16xi32>], vector<16xi32>,
      %gather3A_491 = tpu.vector_load_idx %arg11[%get3A_489] : memref<100000xi32, #tpu.memory_space<vmem>>[vector<16xi32>], vector<16xi32>,
      %and3A_492 = arith.constant 127 : i32
      %and3A_493 = vector.broadcast %and3A_492 : i32 to vector<16xi32>
      %and3A_494 = arith.andi %gather3A_490, %and3A_493 : vector<16xi32>
      %and3A_495 = arith.constant 127 : i32
      %and3A_496 = vector.broadcast %and3A_495 : i32 to vector<16xi32>
      %and3A_497 = arith.andi %gather3A_491, %and3A_496 : vector<16xi32>
      %shift_right_arithmetic3A_498 = arith.constant 7 : i32
      %shift_right_arithmetic3A_499 = vector.broadcast %shift_right_arithmetic3A_498 : i32 to vector<16xi32>
      %shift_right_arithmetic3A_500 = arith.shrsi %gather3A_490, %shift_right_arithmetic3A_499 : vector<16xi32>
      %shift_left3A_501 = arith.constant 4 : i32
      %shift_left3A_502 = vector.broadcast %shift_left3A_501 : i32 to vector<16xi32>
      %shift_left3A_503 = arith.shli %and3A_494, %shift_left3A_502 : vector<16xi32>
      %or3A_504 = arith.ori %shift_left3A_503, %iota3A : vector<16xi32>
      %gather3A_505 = tpu.vector_load_idx %arg12[%or3A_504] : memref<2048xf32, #tpu.memory_space<vmem>>[vector<16xi32>], vector<16xf32>,
      %shift_left3A_506 = arith.constant 4 : i32
      %shift_left3A_507 = vector.broadcast %shift_left3A_506 : i32 to vector<16xi32>
      %shift_left3A_508 = arith.shli %and3A_497, %shift_left3A_507 : vector<16xi32>
      %or3A_509 = arith.ori %shift_left3A_508, %iota3A : vector<16xi32>
      %gather3A_510 = tpu.vector_load_idx %arg12[%or3A_509] : memref<2048xf32, #tpu.memory_space<vmem>>[vector<16xi32>], vector<16xf32>,
      %get3A_511 = arith.index_cast %mul3A_485 : i32 to index
      %get3A_512 = tpu.vector_load %arg14[%get3A_511] {strides = array<i32>} : memref<800xf32, #tpu.memory_space<vmem>>, vector<16xf32>,
      %get3A_513 = arith.index_cast %mul3A_485 : i32 to index
      %get3A_514 = tpu.vector_load %arg15[%get3A_513] {strides = array<i32>} : memref<800xf32, #tpu.memory_space<vmem>>, vector<16xf32>,
      %get3A_515 = arith.index_cast %mul3A_485 : i32 to index
      %get3A_516 = tpu.vector_load %arg16[%get3A_515] {strides = array<i32>} : memref<800xf32, #tpu.memory_space<vmem>>, vector<16xf32>,
      %mul3A_517 = arith.mulf %get3A_512, %get3A_512 : vector<16xf32>
      %mul3A_518 = arith.mulf %get3A_514, %get3A_514 : vector<16xf32>
      %add3A_519 = arith.addf %mul3A_517, %mul3A_518 : vector<16xf32>
      %mul3A_520 = arith.mulf %get3A_516, %get3A_516 : vector<16xf32>
      %add3A_521 = arith.addf %add3A_519, %mul3A_520 : vector<16xf32>
      %mul3A_522 = arith.constant 5.000000e-01 : f32
      %mul3A_523 = vector.broadcast %mul3A_522 : f32 to vector<16xf32>
      %mul3A_524 = arith.mulf %add3A_521, %mul3A_523 : vector<16xf32>
      %bitcast3A_525 = vector.bitcast %add3A_521 : vector<16xf32> to vector<16xi32>
      %shift_right_arithmetic3A_526 = arith.constant 1 : i32
      %shift_right_arithmetic3A_527 = vector.broadcast %shift_right_arithmetic3A_526 : i32 to vector<16xi32>
      %shift_right_arithmetic3A_528 = arith.shrsi %bitcast3A_525, %shift_right_arithmetic3A_527 : vector<16xi32>
      %sub3A_529 = arith.constant 1597463007 : i32
      %sub3A_530 = vector.broadcast %sub3A_529 : i32 to vector<16xi32>
      %sub3A_531 = arith.subi %sub3A_530, %shift_right_arithmetic3A_528 : vector<16xi32>
      %bitcast3A_532 = vector.bitcast %sub3A_531 : vector<16xi32> to vector<16xf32>
      %mul3A_533 = arith.mulf %mul3A_524, %bitcast3A_532 : vector<16xf32>
      %mul3A_534 = arith.mulf %mul3A_533, %bitcast3A_532 : vector<16xf32>
      %sub3A_535 = arith.constant 1.500000e+00 : f32
      %sub3A_536 = vector.broadcast %sub3A_535 : f32 to vector<16xf32>
      %sub3A_537 = arith.subf %sub3A_536, %mul3A_534 : vector<16xf32>
      %mul3A_538 = arith.mulf %bitcast3A_532, %sub3A_537 : vector<16xf32>
      %mul3A_539 = arith.mulf %mul3A_524, %mul3A_538 : vector<16xf32>
      %mul3A_540 = arith.mulf %mul3A_539, %mul3A_538 : vector<16xf32>
      %sub3A_541 = arith.constant 1.500000e+00 : f32
      %sub3A_542 = vector.broadcast %sub3A_541 : f32 to vector<16xf32>
      %sub3A_543 = arith.subf %sub3A_542, %mul3A_540 : vector<16xf32>
      %mul3A_544 = arith.mulf %mul3A_538, %sub3A_543 : vector<16xf32>
      %mul3A_545 = arith.mulf %add3A_521, %mul3A_544 : vector<16xf32>
      %add3A_546 = arith.addf %gather3A_505, %gather3A_510 : vector<16xf32>
      %mul3A_547 = arith.mulf %add3A_546, %mul3A_545 : vector<16xf32>
      %mul3A_548 = arith.mulf %get3A_29, %mul3A_547 : vector<16xf32>
      %exp3A_549 = math.exp %mul3A_548 : vector<16xf32>
      %mul3A_550 = arith.mulf %get3A_13, %exp3A_549 : vector<16xf32>
      %mul3A_551 = arith.mulf %get3A_33, %mul3A_547 : vector<16xf32>
      %exp3A_552 = math.exp %mul3A_551 : vector<16xf32>
      %mul3A_553 = arith.mulf %get3A_17, %exp3A_552 : vector<16xf32>
      %add3A_554 = arith.addf %mul3A_550, %mul3A_553 : vector<16xf32>
      %mul3A_555 = arith.mulf %get3A_37, %mul3A_547 : vector<16xf32>
      %exp3A_556 = math.exp %mul3A_555 : vector<16xf32>
      %mul3A_557 = arith.mulf %get3A_21, %exp3A_556 : vector<16xf32>
      %add3A_558 = arith.addf %add3A_554, %mul3A_557 : vector<16xf32>
      %mul3A_559 = arith.mulf %get3A_41, %mul3A_547 : vector<16xf32>
      %exp3A_560 = math.exp %mul3A_559 : vector<16xf32>
      %mul3A_561 = arith.mulf %get3A_25, %exp3A_560 : vector<16xf32>
      %add3A_562 = arith.addf %add3A_558, %mul3A_561 : vector<16xf32>
      %convert_element_type3A_563 = arith.sitofp %and3A_494 : vector<16xi32> to vector<16xf32>
      %convert_element_type3A_564 = arith.sitofp %and3A_497 : vector<16xi32> to vector<16xf32>
      %mul3A_565 = arith.mulf %convert_element_type3A_563, %convert_element_type3A_564 : vector<16xf32>
      %mul3A_566 = arith.mulf %mul3A_565, %mul3A_544 : vector<16xf32>
      %add3A_567 = arith.addi %mul3A_3, %shift_right_arithmetic3A_500 : vector<16xi32>
      %mul3A_568 = arith.mulf %mul3A_566, %add3A_562 : vector<16xf32>
      tpu.vector_store_idx %arg24[%add3A_567], %mul3A_568 {add = true} : memref<16144xf32, #tpu.memory_space<vmem>>[vector<16xi32>], vector<16xf32>,
      %mul3A_569 = arith.constant 10 : i32
      %mul3A_570 = arith.muli %scan3A_131, %mul3A_569 : i32
      %add3A_571 = arith.constant 5 : i32
      %add3A_572 = arith.addi %mul3A_570, %add3A_571 : i32
      %mul3A_573 = arith.constant 16 : i32
      %mul3A_574 = arith.muli %add3A_572, %mul3A_573 : i32
      %get3A_575 = arith.index_cast %mul3A_574 : i32 to index
      %get3A_576 = tpu.vector_load %arg17[%get3A_575] {strides = array<i32>} : memref<800xi32, #tpu.memory_space<vmem>>, vector<16xi32>,
      %get3A_577 = arith.index_cast %mul3A_574 : i32 to index
      %get3A_578 = tpu.vector_load %arg18[%get3A_577] {strides = array<i32>} : memref<800xi32, #tpu.memory_space<vmem>>, vector<16xi32>,
      %gather3A_579 = tpu.vector_load_idx %arg11[%get3A_576] : memref<100000xi32, #tpu.memory_space<vmem>>[vector<16xi32>], vector<16xi32>,
      %gather3A_580 = tpu.vector_load_idx %arg11[%get3A_578] : memref<100000xi32, #tpu.memory_space<vmem>>[vector<16xi32>], vector<16xi32>,
      %and3A_581 = arith.constant 127 : i32
      %and3A_582 = vector.broadcast %and3A_581 : i32 to vector<16xi32>
      %and3A_583 = arith.andi %gather3A_579, %and3A_582 : vector<16xi32>
      %and3A_584 = arith.constant 127 : i32
      %and3A_585 = vector.broadcast %and3A_584 : i32 to vector<16xi32>
      %and3A_586 = arith.andi %gather3A_580, %and3A_585 : vector<16xi32>
      %shift_right_arithmetic3A_587 = arith.constant 7 : i32
      %shift_right_arithmetic3A_588 = vector.broadcast %shift_right_arithmetic3A_587 : i32 to vector<16xi32>
      %shift_right_arithmetic3A_589 = arith.shrsi %gather3A_579, %shift_right_arithmetic3A_588 : vector<16xi32>
      %shift_left3A_590 = arith.constant 4 : i32
      %shift_left3A_591 = vector.broadcast %shift_left3A_590 : i32 to vector<16xi32>
      %shift_left3A_592 = arith.shli %and3A_583, %shift_left3A_591 : vector<16xi32>
      %or3A_593 = arith.ori %shift_left3A_592, %iota3A : vector<16xi32>
      %gather3A_594 = tpu.vector_load_idx %arg12[%or3A_593] : memref<2048xf32, #tpu.memory_space<vmem>>[vector<16xi32>], vector<16xf32>,
      %shift_left3A_595 = arith.constant 4 : i32
      %shift_left3A_596 = vector.broadcast %shift_left3A_595 : i32 to vector<16xi32>
      %shift_left3A_597 = arith.shli %and3A_586, %shift_left3A_596 : vector<16xi32>
      %or3A_598 = arith.ori %shift_left3A_597, %iota3A : vector<16xi32>
      %gather3A_599 = tpu.vector_load_idx %arg12[%or3A_598] : memref<2048xf32, #tpu.memory_space<vmem>>[vector<16xi32>], vector<16xf32>,
      %get3A_600 = arith.index_cast %mul3A_574 : i32 to index
      %get3A_601 = tpu.vector_load %arg14[%get3A_600] {strides = array<i32>} : memref<800xf32, #tpu.memory_space<vmem>>, vector<16xf32>,
      %get3A_602 = arith.index_cast %mul3A_574 : i32 to index
      %get3A_603 = tpu.vector_load %arg15[%get3A_602] {strides = array<i32>} : memref<800xf32, #tpu.memory_space<vmem>>, vector<16xf32>,
      %get3A_604 = arith.index_cast %mul3A_574 : i32 to index
      %get3A_605 = tpu.vector_load %arg16[%get3A_604] {strides = array<i32>} : memref<800xf32, #tpu.memory_space<vmem>>, vector<16xf32>,
      %mul3A_606 = arith.mulf %get3A_601, %get3A_601 : vector<16xf32>
      %mul3A_607 = arith.mulf %get3A_603, %get3A_603 : vector<16xf32>
      %add3A_608 = arith.addf %mul3A_606, %mul3A_607 : vector<16xf32>
      %mul3A_609 = arith.mulf %get3A_605, %get3A_605 : vector<16xf32>
      %add3A_610 = arith.addf %add3A_608, %mul3A_609 : vector<16xf32>
      %mul3A_611 = arith.constant 5.000000e-01 : f32
      %mul3A_612 = vector.broadcast %mul3A_611 : f32 to vector<16xf32>
      %mul3A_613 = arith.mulf %add3A_610, %mul3A_612 : vector<16xf32>
      %bitcast3A_614 = vector.bitcast %add3A_610 : vector<16xf32> to vector<16xi32>
      %shift_right_arithmetic3A_615 = arith.constant 1 : i32
      %shift_right_arithmetic3A_616 = vector.broadcast %shift_right_arithmetic3A_615 : i32 to vector<16xi32>
      %shift_right_arithmetic3A_617 = arith.shrsi %bitcast3A_614, %shift_right_arithmetic3A_616 : vector<16xi32>
      %sub3A_618 = arith.constant 1597463007 : i32
      %sub3A_619 = vector.broadcast %sub3A_618 : i32 to vector<16xi32>
      %sub3A_620 = arith.subi %sub3A_619, %shift_right_arithmetic3A_617 : vector<16xi32>
      %bitcast3A_621 = vector.bitcast %sub3A_620 : vector<16xi32> to vector<16xf32>
      %mul3A_622 = arith.mulf %mul3A_613, %bitcast3A_621 : vector<16xf32>
      %mul3A_623 = arith.mulf %mul3A_622, %bitcast3A_621 : vector<16xf32>
      %sub3A_624 = arith.constant 1.500000e+00 : f32
      %sub3A_625 = vector.broadcast %sub3A_624 : f32 to vector<16xf32>
      %sub3A_626 = arith.subf %sub3A_625, %mul3A_623 : vector<16xf32>
      %mul3A_627 = arith.mulf %bitcast3A_621, %sub3A_626 : vector<16xf32>
      %mul3A_628 = arith.mulf %mul3A_613, %mul3A_627 : vector<16xf32>
      %mul3A_629 = arith.mulf %mul3A_628, %mul3A_627 : vector<16xf32>
      %sub3A_630 = arith.constant 1.500000e+00 : f32
      %sub3A_631 = vector.broadcast %sub3A_630 : f32 to vector<16xf32>
      %sub3A_632 = arith.subf %sub3A_631, %mul3A_629 : vector<16xf32>
      %mul3A_633 = arith.mulf %mul3A_627, %sub3A_632 : vector<16xf32>
      %mul3A_634 = arith.mulf %add3A_610, %mul3A_633 : vector<16xf32>
      %add3A_635 = arith.addf %gather3A_594, %gather3A_599 : vector<16xf32>
      %mul3A_636 = arith.mulf %add3A_635, %mul3A_634 : vector<16xf32>
      %mul3A_637 = arith.mulf %get3A_29, %mul3A_636 : vector<16xf32>
      %exp3A_638 = math.exp %mul3A_637 : vector<16xf32>
      %mul3A_639 = arith.mulf %get3A_13, %exp3A_638 : vector<16xf32>
      %mul3A_640 = arith.mulf %get3A_33, %mul3A_636 : vector<16xf32>
      %exp3A_641 = math.exp %mul3A_640 : vector<16xf32>
      %mul3A_642 = arith.mulf %get3A_17, %exp3A_641 : vector<16xf32>
      %add3A_643 = arith.addf %mul3A_639, %mul3A_642 : vector<16xf32>
      %mul3A_644 = arith.mulf %get3A_37, %mul3A_636 : vector<16xf32>
      %exp3A_645 = math.exp %mul3A_644 : vector<16xf32>
      %mul3A_646 = arith.mulf %get3A_21, %exp3A_645 : vector<16xf32>
      %add3A_647 = arith.addf %add3A_643, %mul3A_646 : vector<16xf32>
      %mul3A_648 = arith.mulf %get3A_41, %mul3A_636 : vector<16xf32>
      %exp3A_649 = math.exp %mul3A_648 : vector<16xf32>
      %mul3A_650 = arith.mulf %get3A_25, %exp3A_649 : vector<16xf32>
      %add3A_651 = arith.addf %add3A_647, %mul3A_650 : vector<16xf32>
      %convert_element_type3A_652 = arith.sitofp %and3A_583 : vector<16xi32> to vector<16xf32>
      %convert_element_type3A_653 = arith.sitofp %and3A_586 : vector<16xi32> to vector<16xf32>
      %mul3A_654 = arith.mulf %convert_element_type3A_652, %convert_element_type3A_653 : vector<16xf32>
      %mul3A_655 = arith.mulf %mul3A_654, %mul3A_633 : vector<16xf32>
      %add3A_656 = arith.addi %mul3A_3, %shift_right_arithmetic3A_589 : vector<16xi32>
      %mul3A_657 = arith.mulf %mul3A_655, %add3A_651 : vector<16xf32>
      tpu.vector_store_idx %arg24[%add3A_656], %mul3A_657 {add = true} : memref<16144xf32, #tpu.memory_space<vmem>>[vector<16xi32>], vector<16xf32>,
      %mul3A_658 = arith.constant 10 : i32
      %mul3A_659 = arith.muli %scan3A_131, %mul3A_658 : i32
      %add3A_660 = arith.constant 6 : i32
      %add3A_661 = arith.addi %mul3A_659, %add3A_660 : i32
      %mul3A_662 = arith.constant 16 : i32
      %mul3A_663 = arith.muli %add3A_661, %mul3A_662 : i32
      %get3A_664 = arith.index_cast %mul3A_663 : i32 to index
      %get3A_665 = tpu.vector_load %arg17[%get3A_664] {strides = array<i32>} : memref<800xi32, #tpu.memory_space<vmem>>, vector<16xi32>,
      %get3A_666 = arith.index_cast %mul3A_663 : i32 to index
      %get3A_667 = tpu.vector_load %arg18[%get3A_666] {strides = array<i32>} : memref<800xi32, #tpu.memory_space<vmem>>, vector<16xi32>,
      %gather3A_668 = tpu.vector_load_idx %arg11[%get3A_665] : memref<100000xi32, #tpu.memory_space<vmem>>[vector<16xi32>], vector<16xi32>,
      %gather3A_669 = tpu.vector_load_idx %arg11[%get3A_667] : memref<100000xi32, #tpu.memory_space<vmem>>[vector<16xi32>], vector<16xi32>,
      %and3A_670 = arith.constant 127 : i32
      %and3A_671 = vector.broadcast %and3A_670 : i32 to vector<16xi32>
      %and3A_672 = arith.andi %gather3A_668, %and3A_671 : vector<16xi32>
      %and3A_673 = arith.constant 127 : i32
      %and3A_674 = vector.broadcast %and3A_673 : i32 to vector<16xi32>
      %and3A_675 = arith.andi %gather3A_669, %and3A_674 : vector<16xi32>
      %shift_right_arithmetic3A_676 = arith.constant 7 : i32
      %shift_right_arithmetic3A_677 = vector.broadcast %shift_right_arithmetic3A_676 : i32 to vector<16xi32>
      %shift_right_arithmetic3A_678 = arith.shrsi %gather3A_668, %shift_right_arithmetic3A_677 : vector<16xi32>
      %shift_left3A_679 = arith.constant 4 : i32
      %shift_left3A_680 = vector.broadcast %shift_left3A_679 : i32 to vector<16xi32>
      %shift_left3A_681 = arith.shli %and3A_672, %shift_left3A_680 : vector<16xi32>
      %or3A_682 = arith.ori %shift_left3A_681, %iota3A : vector<16xi32>
      %gather3A_683 = tpu.vector_load_idx %arg12[%or3A_682] : memref<2048xf32, #tpu.memory_space<vmem>>[vector<16xi32>], vector<16xf32>,
      %shift_left3A_684 = arith.constant 4 : i32
      %shift_left3A_685 = vector.broadcast %shift_left3A_684 : i32 to vector<16xi32>
      %shift_left3A_686 = arith.shli %and3A_675, %shift_left3A_685 : vector<16xi32>
      %or3A_687 = arith.ori %shift_left3A_686, %iota3A : vector<16xi32>
      %gather3A_688 = tpu.vector_load_idx %arg12[%or3A_687] : memref<2048xf32, #tpu.memory_space<vmem>>[vector<16xi32>], vector<16xf32>,
      %get3A_689 = arith.index_cast %mul3A_663 : i32 to index
      %get3A_690 = tpu.vector_load %arg14[%get3A_689] {strides = array<i32>} : memref<800xf32, #tpu.memory_space<vmem>>, vector<16xf32>,
      %get3A_691 = arith.index_cast %mul3A_663 : i32 to index
      %get3A_692 = tpu.vector_load %arg15[%get3A_691] {strides = array<i32>} : memref<800xf32, #tpu.memory_space<vmem>>, vector<16xf32>,
      %get3A_693 = arith.index_cast %mul3A_663 : i32 to index
      %get3A_694 = tpu.vector_load %arg16[%get3A_693] {strides = array<i32>} : memref<800xf32, #tpu.memory_space<vmem>>, vector<16xf32>,
      %mul3A_695 = arith.mulf %get3A_690, %get3A_690 : vector<16xf32>
      %mul3A_696 = arith.mulf %get3A_692, %get3A_692 : vector<16xf32>
      %add3A_697 = arith.addf %mul3A_695, %mul3A_696 : vector<16xf32>
      %mul3A_698 = arith.mulf %get3A_694, %get3A_694 : vector<16xf32>
      %add3A_699 = arith.addf %add3A_697, %mul3A_698 : vector<16xf32>
      %mul3A_700 = arith.constant 5.000000e-01 : f32
      %mul3A_701 = vector.broadcast %mul3A_700 : f32 to vector<16xf32>
      %mul3A_702 = arith.mulf %add3A_699, %mul3A_701 : vector<16xf32>
      %bitcast3A_703 = vector.bitcast %add3A_699 : vector<16xf32> to vector<16xi32>
      %shift_right_arithmetic3A_704 = arith.constant 1 : i32
      %shift_right_arithmetic3A_705 = vector.broadcast %shift_right_arithmetic3A_704 : i32 to vector<16xi32>
      %shift_right_arithmetic3A_706 = arith.shrsi %bitcast3A_703, %shift_right_arithmetic3A_705 : vector<16xi32>
      %sub3A_707 = arith.constant 1597463007 : i32
      %sub3A_708 = vector.broadcast %sub3A_707 : i32 to vector<16xi32>
      %sub3A_709 = arith.subi %sub3A_708, %shift_right_arithmetic3A_706 : vector<16xi32>
      %bitcast3A_710 = vector.bitcast %sub3A_709 : vector<16xi32> to vector<16xf32>
      %mul3A_711 = arith.mulf %mul3A_702, %bitcast3A_710 : vector<16xf32>
      %mul3A_712 = arith.mulf %mul3A_711, %bitcast3A_710 : vector<16xf32>
      %sub3A_713 = arith.constant 1.500000e+00 : f32
      %sub3A_714 = vector.broadcast %sub3A_713 : f32 to vector<16xf32>
      %sub3A_715 = arith.subf %sub3A_714, %mul3A_712 : vector<16xf32>
      %mul3A_716 = arith.mulf %bitcast3A_710, %sub3A_715 : vector<16xf32>
      %mul3A_717 = arith.mulf %mul3A_702, %mul3A_716 : vector<16xf32>
      %mul3A_718 = arith.mulf %mul3A_717, %mul3A_716 : vector<16xf32>
      %sub3A_719 = arith.constant 1.500000e+00 : f32
      %sub3A_720 = vector.broadcast %sub3A_719 : f32 to vector<16xf32>
      %sub3A_721 = arith.subf %sub3A_720, %mul3A_718 : vector<16xf32>
      %mul3A_722 = arith.mulf %mul3A_716, %sub3A_721 : vector<16xf32>
      %mul3A_723 = arith.mulf %add3A_699, %mul3A_722 : vector<16xf32>
      %add3A_724 = arith.addf %gather3A_683, %gather3A_688 : vector<16xf32>
      %mul3A_725 = arith.mulf %add3A_724, %mul3A_723 : vector<16xf32>
      %mul3A_726 = arith.mulf %get3A_29, %mul3A_725 : vector<16xf32>
      %exp3A_727 = math.exp %mul3A_726 : vector<16xf32>
      %mul3A_728 = arith.mulf %get3A_13, %exp3A_727 : vector<16xf32>
      %mul3A_729 = arith.mulf %get3A_33, %mul3A_725 : vector<16xf32>
      %exp3A_730 = math.exp %mul3A_729 : vector<16xf32>
      %mul3A_731 = arith.mulf %get3A_17, %exp3A_730 : vector<16xf32>
      %add3A_732 = arith.addf %mul3A_728, %mul3A_731 : vector<16xf32>
      %mul3A_733 = arith.mulf %get3A_37, %mul3A_725 : vector<16xf32>
      %exp3A_734 = math.exp %mul3A_733 : vector<16xf32>
      %mul3A_735 = arith.mulf %get3A_21, %exp3A_734 : vector<16xf32>
      %add3A_736 = arith.addf %add3A_732, %mul3A_735 : vector<16xf32>
      %mul3A_737 = arith.mulf %get3A_41, %mul3A_725 : vector<16xf32>
      %exp3A_738 = math.exp %mul3A_737 : vector<16xf32>
      %mul3A_739 = arith.mulf %get3A_25, %exp3A_738 : vector<16xf32>
      %add3A_740 = arith.addf %add3A_736, %mul3A_739 : vector<16xf32>
      %convert_element_type3A_741 = arith.sitofp %and3A_672 : vector<16xi32> to vector<16xf32>
      %convert_element_type3A_742 = arith.sitofp %and3A_675 : vector<16xi32> to vector<16xf32>
      %mul3A_743 = arith.mulf %convert_element_type3A_741, %convert_element_type3A_742 : vector<16xf32>
      %mul3A_744 = arith.mulf %mul3A_743, %mul3A_722 : vector<16xf32>
      %add3A_745 = arith.addi %mul3A_3, %shift_right_arithmetic3A_678 : vector<16xi32>
      %mul3A_746 = arith.mulf %mul3A_744, %add3A_740 : vector<16xf32>
      tpu.vector_store_idx %arg24[%add3A_745], %mul3A_746 {add = true} : memref<16144xf32, #tpu.memory_space<vmem>>[vector<16xi32>], vector<16xf32>,
      %mul3A_747 = arith.constant 10 : i32
      %mul3A_748 = arith.muli %scan3A_131, %mul3A_747 : i32
      %add3A_749 = arith.constant 7 : i32
      %add3A_750 = arith.addi %mul3A_748, %add3A_749 : i32
      %mul3A_751 = arith.constant 16 : i32
      %mul3A_752 = arith.muli %add3A_750, %mul3A_751 : i32
      %get3A_753 = arith.index_cast %mul3A_752 : i32 to index
      %get3A_754 = tpu.vector_load %arg17[%get3A_753] {strides = array<i32>} : memref<800xi32, #tpu.memory_space<vmem>>, vector<16xi32>,
      %get3A_755 = arith.index_cast %mul3A_752 : i32 to index
      %get3A_756 = tpu.vector_load %arg18[%get3A_755] {strides = array<i32>} : memref<800xi32, #tpu.memory_space<vmem>>, vector<16xi32>,
      %gather3A_757 = tpu.vector_load_idx %arg11[%get3A_754] : memref<100000xi32, #tpu.memory_space<vmem>>[vector<16xi32>], vector<16xi32>,
      %gather3A_758 = tpu.vector_load_idx %arg11[%get3A_756] : memref<100000xi32, #tpu.memory_space<vmem>>[vector<16xi32>], vector<16xi32>,
      %and3A_759 = arith.constant 127 : i32
      %and3A_760 = vector.broadcast %and3A_759 : i32 to vector<16xi32>
      %and3A_761 = arith.andi %gather3A_757, %and3A_760 : vector<16xi32>
      %and3A_762 = arith.constant 127 : i32
      %and3A_763 = vector.broadcast %and3A_762 : i32 to vector<16xi32>
      %and3A_764 = arith.andi %gather3A_758, %and3A_763 : vector<16xi32>
      %shift_right_arithmetic3A_765 = arith.constant 7 : i32
      %shift_right_arithmetic3A_766 = vector.broadcast %shift_right_arithmetic3A_765 : i32 to vector<16xi32>
      %shift_right_arithmetic3A_767 = arith.shrsi %gather3A_757, %shift_right_arithmetic3A_766 : vector<16xi32>
      %shift_left3A_768 = arith.constant 4 : i32
      %shift_left3A_769 = vector.broadcast %shift_left3A_768 : i32 to vector<16xi32>
      %shift_left3A_770 = arith.shli %and3A_761, %shift_left3A_769 : vector<16xi32>
      %or3A_771 = arith.ori %shift_left3A_770, %iota3A : vector<16xi32>
      %gather3A_772 = tpu.vector_load_idx %arg12[%or3A_771] : memref<2048xf32, #tpu.memory_space<vmem>>[vector<16xi32>], vector<16xf32>,
      %shift_left3A_773 = arith.constant 4 : i32
      %shift_left3A_774 = vector.broadcast %shift_left3A_773 : i32 to vector<16xi32>
      %shift_left3A_775 = arith.shli %and3A_764, %shift_left3A_774 : vector<16xi32>
      %or3A_776 = arith.ori %shift_left3A_775, %iota3A : vector<16xi32>
      %gather3A_777 = tpu.vector_load_idx %arg12[%or3A_776] : memref<2048xf32, #tpu.memory_space<vmem>>[vector<16xi32>], vector<16xf32>,
      %get3A_778 = arith.index_cast %mul3A_752 : i32 to index
      %get3A_779 = tpu.vector_load %arg14[%get3A_778] {strides = array<i32>} : memref<800xf32, #tpu.memory_space<vmem>>, vector<16xf32>,
      %get3A_780 = arith.index_cast %mul3A_752 : i32 to index
      %get3A_781 = tpu.vector_load %arg15[%get3A_780] {strides = array<i32>} : memref<800xf32, #tpu.memory_space<vmem>>, vector<16xf32>,
      %get3A_782 = arith.index_cast %mul3A_752 : i32 to index
      %get3A_783 = tpu.vector_load %arg16[%get3A_782] {strides = array<i32>} : memref<800xf32, #tpu.memory_space<vmem>>, vector<16xf32>,
      %mul3A_784 = arith.mulf %get3A_779, %get3A_779 : vector<16xf32>
      %mul3A_785 = arith.mulf %get3A_781, %get3A_781 : vector<16xf32>
      %add3A_786 = arith.addf %mul3A_784, %mul3A_785 : vector<16xf32>
      %mul3A_787 = arith.mulf %get3A_783, %get3A_783 : vector<16xf32>
      %add3A_788 = arith.addf %add3A_786, %mul3A_787 : vector<16xf32>
      %mul3A_789 = arith.constant 5.000000e-01 : f32
      %mul3A_790 = vector.broadcast %mul3A_789 : f32 to vector<16xf32>
      %mul3A_791 = arith.mulf %add3A_788, %mul3A_790 : vector<16xf32>
      %bitcast3A_792 = vector.bitcast %add3A_788 : vector<16xf32> to vector<16xi32>
      %shift_right_arithmetic3A_793 = arith.constant 1 : i32
      %shift_right_arithmetic3A_794 = vector.broadcast %shift_right_arithmetic3A_793 : i32 to vector<16xi32>
      %shift_right_arithmetic3A_795 = arith.shrsi %bitcast3A_792, %shift_right_arithmetic3A_794 : vector<16xi32>
      %sub3A_796 = arith.constant 1597463007 : i32
      %sub3A_797 = vector.broadcast %sub3A_796 : i32 to vector<16xi32>
      %sub3A_798 = arith.subi %sub3A_797, %shift_right_arithmetic3A_795 : vector<16xi32>
      %bitcast3A_799 = vector.bitcast %sub3A_798 : vector<16xi32> to vector<16xf32>
      %mul3A_800 = arith.mulf %mul3A_791, %bitcast3A_799 : vector<16xf32>
      %mul3A_801 = arith.mulf %mul3A_800, %bitcast3A_799 : vector<16xf32>
      %sub3A_802 = arith.constant 1.500000e+00 : f32
      %sub3A_803 = vector.broadcast %sub3A_802 : f32 to vector<16xf32>
      %sub3A_804 = arith.subf %sub3A_803, %mul3A_801 : vector<16xf32>
      %mul3A_805 = arith.mulf %bitcast3A_799, %sub3A_804 : vector<16xf32>
      %mul3A_806 = arith.mulf %mul3A_791, %mul3A_805 : vector<16xf32>
      %mul3A_807 = arith.mulf %mul3A_806, %mul3A_805 : vector<16xf32>
      %sub3A_808 = arith.constant 1.500000e+00 : f32
      %sub3A_809 = vector.broadcast %sub3A_808 : f32 to vector<16xf32>
      %sub3A_810 = arith.subf %sub3A_809, %mul3A_807 : vector<16xf32>
      %mul3A_811 = arith.mulf %mul3A_805, %sub3A_810 : vector<16xf32>
      %mul3A_812 = arith.mulf %add3A_788, %mul3A_811 : vector<16xf32>
      %add3A_813 = arith.addf %gather3A_772, %gather3A_777 : vector<16xf32>
      %mul3A_814 = arith.mulf %add3A_813, %mul3A_812 : vector<16xf32>
      %mul3A_815 = arith.mulf %get3A_29, %mul3A_814 : vector<16xf32>
      %exp3A_816 = math.exp %mul3A_815 : vector<16xf32>
      %mul3A_817 = arith.mulf %get3A_13, %exp3A_816 : vector<16xf32>
      %mul3A_818 = arith.mulf %get3A_33, %mul3A_814 : vector<16xf32>
      %exp3A_819 = math.exp %mul3A_818 : vector<16xf32>
      %mul3A_820 = arith.mulf %get3A_17, %exp3A_819 : vector<16xf32>
      %add3A_821 = arith.addf %mul3A_817, %mul3A_820 : vector<16xf32>
      %mul3A_822 = arith.mulf %get3A_37, %mul3A_814 : vector<16xf32>
      %exp3A_823 = math.exp %mul3A_822 : vector<16xf32>
      %mul3A_824 = arith.mulf %get3A_21, %exp3A_823 : vector<16xf32>
      %add3A_825 = arith.addf %add3A_821, %mul3A_824 : vector<16xf32>
      %mul3A_826 = arith.mulf %get3A_41, %mul3A_814 : vector<16xf32>
      %exp3A_827 = math.exp %mul3A_826 : vector<16xf32>
      %mul3A_828 = arith.mulf %get3A_25, %exp3A_827 : vector<16xf32>
      %add3A_829 = arith.addf %add3A_825, %mul3A_828 : vector<16xf32>
      %convert_element_type3A_830 = arith.sitofp %and3A_761 : vector<16xi32> to vector<16xf32>
      %convert_element_type3A_831 = arith.sitofp %and3A_764 : vector<16xi32> to vector<16xf32>
      %mul3A_832 = arith.mulf %convert_element_type3A_830, %convert_element_type3A_831 : vector<16xf32>
      %mul3A_833 = arith.mulf %mul3A_832, %mul3A_811 : vector<16xf32>
      %add3A_834 = arith.addi %mul3A_3, %shift_right_arithmetic3A_767 : vector<16xi32>
      %mul3A_835 = arith.mulf %mul3A_833, %add3A_829 : vector<16xf32>
      tpu.vector_store_idx %arg24[%add3A_834], %mul3A_835 {add = true} : memref<16144xf32, #tpu.memory_space<vmem>>[vector<16xi32>], vector<16xf32>,
      %mul3A_836 = arith.constant 10 : i32
      %mul3A_837 = arith.muli %scan3A_131, %mul3A_836 : i32
      %add3A_838 = arith.constant 8 : i32
      %add3A_839 = arith.addi %mul3A_837, %add3A_838 : i32
      %mul3A_840 = arith.constant 16 : i32
      %mul3A_841 = arith.muli %add3A_839, %mul3A_840 : i32
      %get3A_842 = arith.index_cast %mul3A_841 : i32 to index
      %get3A_843 = tpu.vector_load %arg17[%get3A_842] {strides = array<i32>} : memref<800xi32, #tpu.memory_space<vmem>>, vector<16xi32>,
      %get3A_844 = arith.index_cast %mul3A_841 : i32 to index
      %get3A_845 = tpu.vector_load %arg18[%get3A_844] {strides = array<i32>} : memref<800xi32, #tpu.memory_space<vmem>>, vector<16xi32>,
      %gather3A_846 = tpu.vector_load_idx %arg11[%get3A_843] : memref<100000xi32, #tpu.memory_space<vmem>>[vector<16xi32>], vector<16xi32>,
      %gather3A_847 = tpu.vector_load_idx %arg11[%get3A_845] : memref<100000xi32, #tpu.memory_space<vmem>>[vector<16xi32>], vector<16xi32>,
      %and3A_848 = arith.constant 127 : i32
      %and3A_849 = vector.broadcast %and3A_848 : i32 to vector<16xi32>
      %and3A_850 = arith.andi %gather3A_846, %and3A_849 : vector<16xi32>
      %and3A_851 = arith.constant 127 : i32
      %and3A_852 = vector.broadcast %and3A_851 : i32 to vector<16xi32>
      %and3A_853 = arith.andi %gather3A_847, %and3A_852 : vector<16xi32>
      %shift_right_arithmetic3A_854 = arith.constant 7 : i32
      %shift_right_arithmetic3A_855 = vector.broadcast %shift_right_arithmetic3A_854 : i32 to vector<16xi32>
      %shift_right_arithmetic3A_856 = arith.shrsi %gather3A_846, %shift_right_arithmetic3A_855 : vector<16xi32>
      %shift_left3A_857 = arith.constant 4 : i32
      %shift_left3A_858 = vector.broadcast %shift_left3A_857 : i32 to vector<16xi32>
      %shift_left3A_859 = arith.shli %and3A_850, %shift_left3A_858 : vector<16xi32>
      %or3A_860 = arith.ori %shift_left3A_859, %iota3A : vector<16xi32>
      %gather3A_861 = tpu.vector_load_idx %arg12[%or3A_860] : memref<2048xf32, #tpu.memory_space<vmem>>[vector<16xi32>], vector<16xf32>,
      %shift_left3A_862 = arith.constant 4 : i32
      %shift_left3A_863 = vector.broadcast %shift_left3A_862 : i32 to vector<16xi32>
      %shift_left3A_864 = arith.shli %and3A_853, %shift_left3A_863 : vector<16xi32>
      %or3A_865 = arith.ori %shift_left3A_864, %iota3A : vector<16xi32>
      %gather3A_866 = tpu.vector_load_idx %arg12[%or3A_865] : memref<2048xf32, #tpu.memory_space<vmem>>[vector<16xi32>], vector<16xf32>,
      %get3A_867 = arith.index_cast %mul3A_841 : i32 to index
      %get3A_868 = tpu.vector_load %arg14[%get3A_867] {strides = array<i32>} : memref<800xf32, #tpu.memory_space<vmem>>, vector<16xf32>,
      %get3A_869 = arith.index_cast %mul3A_841 : i32 to index
      %get3A_870 = tpu.vector_load %arg15[%get3A_869] {strides = array<i32>} : memref<800xf32, #tpu.memory_space<vmem>>, vector<16xf32>,
      %get3A_871 = arith.index_cast %mul3A_841 : i32 to index
      %get3A_872 = tpu.vector_load %arg16[%get3A_871] {strides = array<i32>} : memref<800xf32, #tpu.memory_space<vmem>>, vector<16xf32>,
      %mul3A_873 = arith.mulf %get3A_868, %get3A_868 : vector<16xf32>
      %mul3A_874 = arith.mulf %get3A_870, %get3A_870 : vector<16xf32>
      %add3A_875 = arith.addf %mul3A_873, %mul3A_874 : vector<16xf32>
      %mul3A_876 = arith.mulf %get3A_872, %get3A_872 : vector<16xf32>
      %add3A_877 = arith.addf %add3A_875, %mul3A_876 : vector<16xf32>
      %mul3A_878 = arith.constant 5.000000e-01 : f32
      %mul3A_879 = vector.broadcast %mul3A_878 : f32 to vector<16xf32>
      %mul3A_880 = arith.mulf %add3A_877, %mul3A_879 : vector<16xf32>
      %bitcast3A_881 = vector.bitcast %add3A_877 : vector<16xf32> to vector<16xi32>
      %shift_right_arithmetic3A_882 = arith.constant 1 : i32
      %shift_right_arithmetic3A_883 = vector.broadcast %shift_right_arithmetic3A_882 : i32 to vector<16xi32>
      %shift_right_arithmetic3A_884 = arith.shrsi %bitcast3A_881, %shift_right_arithmetic3A_883 : vector<16xi32>
      %sub3A_885 = arith.constant 1597463007 : i32
      %sub3A_886 = vector.broadcast %sub3A_885 : i32 to vector<16xi32>
      %sub3A_887 = arith.subi %sub3A_886, %shift_right_arithmetic3A_884 : vector<16xi32>
      %bitcast3A_888 = vector.bitcast %sub3A_887 : vector<16xi32> to vector<16xf32>
      %mul3A_889 = arith.mulf %mul3A_880, %bitcast3A_888 : vector<16xf32>
      %mul3A_890 = arith.mulf %mul3A_889, %bitcast3A_888 : vector<16xf32>
      %sub3A_891 = arith.constant 1.500000e+00 : f32
      %sub3A_892 = vector.broadcast %sub3A_891 : f32 to vector<16xf32>
      %sub3A_893 = arith.subf %sub3A_892, %mul3A_890 : vector<16xf32>
      %mul3A_894 = arith.mulf %bitcast3A_888, %sub3A_893 : vector<16xf32>
      %mul3A_895 = arith.mulf %mul3A_880, %mul3A_894 : vector<16xf32>
      %mul3A_896 = arith.mulf %mul3A_895, %mul3A_894 : vector<16xf32>
      %sub3A_897 = arith.constant 1.500000e+00 : f32
      %sub3A_898 = vector.broadcast %sub3A_897 : f32 to vector<16xf32>
      %sub3A_899 = arith.subf %sub3A_898, %mul3A_896 : vector<16xf32>
      %mul3A_900 = arith.mulf %mul3A_894, %sub3A_899 : vector<16xf32>
      %mul3A_901 = arith.mulf %add3A_877, %mul3A_900 : vector<16xf32>
      %add3A_902 = arith.addf %gather3A_861, %gather3A_866 : vector<16xf32>
      %mul3A_903 = arith.mulf %add3A_902, %mul3A_901 : vector<16xf32>
      %mul3A_904 = arith.mulf %get3A_29, %mul3A_903 : vector<16xf32>
      %exp3A_905 = math.exp %mul3A_904 : vector<16xf32>
      %mul3A_906 = arith.mulf %get3A_13, %exp3A_905 : vector<16xf32>
      %mul3A_907 = arith.mulf %get3A_33, %mul3A_903 : vector<16xf32>
      %exp3A_908 = math.exp %mul3A_907 : vector<16xf32>
      %mul3A_909 = arith.mulf %get3A_17, %exp3A_908 : vector<16xf32>
      %add3A_910 = arith.addf %mul3A_906, %mul3A_909 : vector<16xf32>
      %mul3A_911 = arith.mulf %get3A_37, %mul3A_903 : vector<16xf32>
      %exp3A_912 = math.exp %mul3A_911 : vector<16xf32>
      %mul3A_913 = arith.mulf %get3A_21, %exp3A_912 : vector<16xf32>
      %add3A_914 = arith.addf %add3A_910, %mul3A_913 : vector<16xf32>
      %mul3A_915 = arith.mulf %get3A_41, %mul3A_903 : vector<16xf32>
      %exp3A_916 = math.exp %mul3A_915 : vector<16xf32>
      %mul3A_917 = arith.mulf %get3A_25, %exp3A_916 : vector<16xf32>
      %add3A_918 = arith.addf %add3A_914, %mul3A_917 : vector<16xf32>
      %convert_element_type3A_919 = arith.sitofp %and3A_850 : vector<16xi32> to vector<16xf32>
      %convert_element_type3A_920 = arith.sitofp %and3A_853 : vector<16xi32> to vector<16xf32>
      %mul3A_921 = arith.mulf %convert_element_type3A_919, %convert_element_type3A_920 : vector<16xf32>
      %mul3A_922 = arith.mulf %mul3A_921, %mul3A_900 : vector<16xf32>
      %add3A_923 = arith.addi %mul3A_3, %shift_right_arithmetic3A_856 : vector<16xi32>
      %mul3A_924 = arith.mulf %mul3A_922, %add3A_918 : vector<16xf32>
      tpu.vector_store_idx %arg24[%add3A_923], %mul3A_924 {add = true} : memref<16144xf32, #tpu.memory_space<vmem>>[vector<16xi32>], vector<16xf32>,
      %mul3A_925 = arith.constant 10 : i32
      %mul3A_926 = arith.muli %scan3A_131, %mul3A_925 : i32
      %add3A_927 = arith.constant 9 : i32
      %add3A_928 = arith.addi %mul3A_926, %add3A_927 : i32
      %mul3A_929 = arith.constant 16 : i32
      %mul3A_930 = arith.muli %add3A_928, %mul3A_929 : i32
      %get3A_931 = arith.index_cast %mul3A_930 : i32 to index
      %get3A_932 = tpu.vector_load %arg17[%get3A_931] {strides = array<i32>} : memref<800xi32, #tpu.memory_space<vmem>>, vector<16xi32>,
      %get3A_933 = arith.index_cast %mul3A_930 : i32 to index
      %get3A_934 = tpu.vector_load %arg18[%get3A_933] {strides = array<i32>} : memref<800xi32, #tpu.memory_space<vmem>>, vector<16xi32>,
      %gather3A_935 = tpu.vector_load_idx %arg11[%get3A_932] : memref<100000xi32, #tpu.memory_space<vmem>>[vector<16xi32>], vector<16xi32>,
      %gather3A_936 = tpu.vector_load_idx %arg11[%get3A_934] : memref<100000xi32, #tpu.memory_space<vmem>>[vector<16xi32>], vector<16xi32>,
      %and3A_937 = arith.constant 127 : i32
      %and3A_938 = vector.broadcast %and3A_937 : i32 to vector<16xi32>
      %and3A_939 = arith.andi %gather3A_935, %and3A_938 : vector<16xi32>
      %and3A_940 = arith.constant 127 : i32
      %and3A_941 = vector.broadcast %and3A_940 : i32 to vector<16xi32>
      %and3A_942 = arith.andi %gather3A_936, %and3A_941 : vector<16xi32>
      %shift_right_arithmetic3A_943 = arith.constant 7 : i32
      %shift_right_arithmetic3A_944 = vector.broadcast %shift_right_arithmetic3A_943 : i32 to vector<16xi32>
      %shift_right_arithmetic3A_945 = arith.shrsi %gather3A_935, %shift_right_arithmetic3A_944 : vector<16xi32>
      %shift_left3A_946 = arith.constant 4 : i32
      %shift_left3A_947 = vector.broadcast %shift_left3A_946 : i32 to vector<16xi32>
      %shift_left3A_948 = arith.shli %and3A_939, %shift_left3A_947 : vector<16xi32>
      %or3A_949 = arith.ori %shift_left3A_948, %iota3A : vector<16xi32>
      %gather3A_950 = tpu.vector_load_idx %arg12[%or3A_949] : memref<2048xf32, #tpu.memory_space<vmem>>[vector<16xi32>], vector<16xf32>,
      %shift_left3A_951 = arith.constant 4 : i32
      %shift_left3A_952 = vector.broadcast %shift_left3A_951 : i32 to vector<16xi32>
      %shift_left3A_953 = arith.shli %and3A_942, %shift_left3A_952 : vector<16xi32>
      %or3A_954 = arith.ori %shift_left3A_953, %iota3A : vector<16xi32>
      %gather3A_955 = tpu.vector_load_idx %arg12[%or3A_954] : memref<2048xf32, #tpu.memory_space<vmem>>[vector<16xi32>], vector<16xf32>,
      %get3A_956 = arith.index_cast %mul3A_930 : i32 to index
      %get3A_957 = tpu.vector_load %arg14[%get3A_956] {strides = array<i32>} : memref<800xf32, #tpu.memory_space<vmem>>, vector<16xf32>,
      %get3A_958 = arith.index_cast %mul3A_930 : i32 to index
      %get3A_959 = tpu.vector_load %arg15[%get3A_958] {strides = array<i32>} : memref<800xf32, #tpu.memory_space<vmem>>, vector<16xf32>,
      %get3A_960 = arith.index_cast %mul3A_930 : i32 to index
      %get3A_961 = tpu.vector_load %arg16[%get3A_960] {strides = array<i32>} : memref<800xf32, #tpu.memory_space<vmem>>, vector<16xf32>,
      %mul3A_962 = arith.mulf %get3A_957, %get3A_957 : vector<16xf32>
      %mul3A_963 = arith.mulf %get3A_959, %get3A_959 : vector<16xf32>
      %add3A_964 = arith.addf %mul3A_962, %mul3A_963 : vector<16xf32>
      %mul3A_965 = arith.mulf %get3A_961, %get3A_961 : vector<16xf32>
      %add3A_966 = arith.addf %add3A_964, %mul3A_965 : vector<16xf32>
      %mul3A_967 = arith.constant 5.000000e-01 : f32
      %mul3A_968 = vector.broadcast %mul3A_967 : f32 to vector<16xf32>
      %mul3A_969 = arith.mulf %add3A_966, %mul3A_968 : vector<16xf32>
      %bitcast3A_970 = vector.bitcast %add3A_966 : vector<16xf32> to vector<16xi32>
      %shift_right_arithmetic3A_971 = arith.constant 1 : i32
      %shift_right_arithmetic3A_972 = vector.broadcast %shift_right_arithmetic3A_971 : i32 to vector<16xi32>
      %shift_right_arithmetic3A_973 = arith.shrsi %bitcast3A_970, %shift_right_arithmetic3A_972 : vector<16xi32>
      %sub3A_974 = arith.constant 1597463007 : i32
      %sub3A_975 = vector.broadcast %sub3A_974 : i32 to vector<16xi32>
      %sub3A_976 = arith.subi %sub3A_975, %shift_right_arithmetic3A_973 : vector<16xi32>
      %bitcast3A_977 = vector.bitcast %sub3A_976 : vector<16xi32> to vector<16xf32>
      %mul3A_978 = arith.mulf %mul3A_969, %bitcast3A_977 : vector<16xf32>
      %mul3A_979 = arith.mulf %mul3A_978, %bitcast3A_977 : vector<16xf32>
      %sub3A_980 = arith.constant 1.500000e+00 : f32
      %sub3A_981 = vector.broadcast %sub3A_980 : f32 to vector<16xf32>
      %sub3A_982 = arith.subf %sub3A_981, %mul3A_979 : vector<16xf32>
      %mul3A_983 = arith.mulf %bitcast3A_977, %sub3A_982 : vector<16xf32>
      %mul3A_984 = arith.mulf %mul3A_969, %mul3A_983 : vector<16xf32>
      %mul3A_985 = arith.mulf %mul3A_984, %mul3A_983 : vector<16xf32>
      %sub3A_986 = arith.constant 1.500000e+00 : f32
      %sub3A_987 = vector.broadcast %sub3A_986 : f32 to vector<16xf32>
      %sub3A_988 = arith.subf %sub3A_987, %mul3A_985 : vector<16xf32>
      %mul3A_989 = arith.mulf %mul3A_983, %sub3A_988 : vector<16xf32>
      %mul3A_990 = arith.mulf %add3A_966, %mul3A_989 : vector<16xf32>
      %add3A_991 = arith.addf %gather3A_950, %gather3A_955 : vector<16xf32>
      %mul3A_992 = arith.mulf %add3A_991, %mul3A_990 : vector<16xf32>
      %mul3A_993 = arith.mulf %get3A_29, %mul3A_992 : vector<16xf32>
      %exp3A_994 = math.exp %mul3A_993 : vector<16xf32>
      %mul3A_995 = arith.mulf %get3A_13, %exp3A_994 : vector<16xf32>
      %mul3A_996 = arith.mulf %get3A_33, %mul3A_992 : vector<16xf32>
      %exp3A_997 = math.exp %mul3A_996 : vector<16xf32>
      %mul3A_998 = arith.mulf %get3A_17, %exp3A_997 : vector<16xf32>
      %add3A_999 = arith.addf %mul3A_995, %mul3A_998 : vector<16xf32>
      %mul3A_1000 = arith.mulf %get3A_37, %mul3A_992 : vector<16xf32>
      %exp3A_1001 = math.exp %mul3A_1000 : vector<16xf32>
      %mul3A_1002 = arith.mulf %get3A_21, %exp3A_1001 : vector<16xf32>
      %add3A_1003 = arith.addf %add3A_999, %mul3A_1002 : vector<16xf32>
      %mul3A_1004 = arith.mulf %get3A_41, %mul3A_992 : vector<16xf32>
      %exp3A_1005 = math.exp %mul3A_1004 : vector<16xf32>
      %mul3A_1006 = arith.mulf %get3A_25, %exp3A_1005 : vector<16xf32>
      %add3A_1007 = arith.addf %add3A_1003, %mul3A_1006 : vector<16xf32>
      %convert_element_type3A_1008 = arith.sitofp %and3A_939 : vector<16xi32> to vector<16xf32>
      %convert_element_type3A_1009 = arith.sitofp %and3A_942 : vector<16xi32> to vector<16xf32>
      %mul3A_1010 = arith.mulf %convert_element_type3A_1008, %convert_element_type3A_1009 : vector<16xf32>
      %mul3A_1011 = arith.mulf %mul3A_1010, %mul3A_989 : vector<16xf32>
      %add3A_1012 = arith.addi %mul3A_3, %shift_right_arithmetic3A_945 : vector<16xi32>
      %mul3A_1013 = arith.mulf %mul3A_1011, %add3A_1007 : vector<16xf32>
      tpu.vector_store_idx %arg24[%add3A_1012], %mul3A_1013 {add = true} : memref<16144xf32, #tpu.memory_space<vmem>>[vector<16xi32>], vector<16xf32>,
      %scan3A_1014 = arith.constant 0 : i32
      scf.yield %scan3A_1014 : i32
    }
    %scan3A_101 = arith.constant 5 : i32
    %dma_wait3A_102 = arith.constant 0 : i32
    %dma_wait3A_103 = tpu.memref_slice %arg8[%dma_wait3A_102] : memref<3200000xi32, #tpu.memory_space<hbm>> -> memref<800xi32, #tpu.memory_space<hbm>>
    %dma_wait3A_104 = arith.constant 0 : i32
    %dma_wait3A_105 = tpu.memref_slice %arg8[%dma_wait3A_104] : memref<3200000xi32, #tpu.memory_space<hbm>> -> memref<800xi32, #tpu.memory_space<hbm>>
    tpu.wait_dma2 semaphore(%arg27 : memref<!tpu.dma_semaphore, #tpu.memory_space<semaphore_mem>>) src(%dma_wait3A_105 : memref<800xi32, #tpu.memory_space<hbm>>) dst(%arg22 : memref<800xi32, #tpu.memory_space<vmem>>)
    %dma_wait3A_106 = arith.constant 0 : i32
    %dma_wait3A_107 = tpu.memref_slice %arg9[%dma_wait3A_106] : memref<3200000xi32, #tpu.memory_space<hbm>> -> memref<800xi32, #tpu.memory_space<hbm>>
    %dma_wait3A_108 = arith.constant 0 : i32
    %dma_wait3A_109 = tpu.memref_slice %arg9[%dma_wait3A_108] : memref<3200000xi32, #tpu.memory_space<hbm>> -> memref<800xi32, #tpu.memory_space<hbm>>
    tpu.wait_dma2 semaphore(%arg27 : memref<!tpu.dma_semaphore, #tpu.memory_space<semaphore_mem>>) src(%dma_wait3A_109 : memref<800xi32, #tpu.memory_space<hbm>>) dst(%arg23 : memref<800xi32, #tpu.memory_space<vmem>>)
    %dma_wait3A_110 = arith.constant 0 : i32
    %dma_wait3A_111 = tpu.memref_slice %arg5[%dma_wait3A_110] : memref<3200000xf32, #tpu.memory_space<hbm>> -> memref<800xf32, #tpu.memory_space<hbm>>
    %dma_wait3A_112 = arith.constant 0 : i32
    %dma_wait3A_113 = tpu.memref_slice %arg5[%dma_wait3A_112] : memref<3200000xf32, #tpu.memory_space<hbm>> -> memref<800xf32, #tpu.memory_space<hbm>>
    tpu.wait_dma2 semaphore(%arg27 : memref<!tpu.dma_semaphore, #tpu.memory_space<semaphore_mem>>) src(%dma_wait3A_113 : memref<800xf32, #tpu.memory_space<hbm>>) dst(%arg19 : memref<800xf32, #tpu.memory_space<vmem>>)
    %dma_wait3A_114 = arith.constant 0 : i32
    %dma_wait3A_115 = tpu.memref_slice %arg6[%dma_wait3A_114] : memref<3200000xf32, #tpu.memory_space<hbm>> -> memref<800xf32, #tpu.memory_space<hbm>>
    %dma_wait3A_116 = arith.constant 0 : i32
    %dma_wait3A_117 = tpu.memref_slice %arg6[%dma_wait3A_116] : memref<3200000xf32, #tpu.memory_space<hbm>> -> memref<800xf32, #tpu.memory_space<hbm>>
    tpu.wait_dma2 semaphore(%arg27 : memref<!tpu.dma_semaphore, #tpu.memory_space<semaphore_mem>>) src(%dma_wait3A_117 : memref<800xf32, #tpu.memory_space<hbm>>) dst(%arg20 : memref<800xf32, #tpu.memory_space<vmem>>)
    %dma_wait3A_118 = arith.constant 0 : i32
    %dma_wait3A_119 = tpu.memref_slice %arg7[%dma_wait3A_118] : memref<3200000xf32, #tpu.memory_space<hbm>> -> memref<800xf32, #tpu.memory_space<hbm>>
    %dma_wait3A_120 = arith.constant 0 : i32
    %dma_wait3A_121 = tpu.memref_slice %arg7[%dma_wait3A_120] : memref<3200000xf32, #tpu.memory_space<hbm>> -> memref<800xf32, #tpu.memory_space<hbm>>
    tpu.wait_dma2 semaphore(%arg27 : memref<!tpu.dma_semaphore, #tpu.memory_space<semaphore_mem>>) src(%dma_wait3A_121 : memref<800xf32, #tpu.memory_space<hbm>>) dst(%arg21 : memref<800xf32, #tpu.memory_space<vmem>>)
    %scan3A_122 = arith.constant 0 : i32
    %scan3A_123 = arith.constant 0 : i32
    %scan3A_124 = arith.constant 63 : i32
    %scan3A_125 = arith.addi %scan3A_123, %scan3A_124 : i32
    %scan3A_126 = arith.constant 1 : i32
    %scan3A_127 = scf.for %scan3A_131 = %scan3A_123 to %scan3A_125 step %scan3A_126 iter_args(%scan3A_132 = %scan3A_122) -> (i32)  : i32 {
      %mul3A_133 = arith.constant 16 : i32
      %mul3A_134 = arith.muli %scan3A_131, %mul3A_133 : i32
      %get3A_135 = arith.index_cast %mul3A_134 : i32 to index
      %get3A_136 = tpu.vector_load %arg24[%get3A_135] {strides = array<i32>} : memref<16144xf32, #tpu.memory_space<vmem>>, vector<16xf32>,
      %add3A_137 = arith.constant 1009 : i32
      %add3A_138 = arith.addi %add3A_137, %mul3A_134 : i32
      %get3A_139 = arith.index_cast %add3A_138 : i32 to index
      %get3A_140 = tpu.vector_load %arg24[%get3A_139] {strides = array<i32>} : memref<16144xf32, #tpu.memory_space<vmem>>, vector<16xf32>,
      %add3A_141 = arith.addf %get3A_136, %get3A_140 : vector<16xf32>
      %add3A_142 = arith.constant 2018 : i32
      %add3A_143 = arith.addi %add3A_142, %mul3A_134 : i32
      %get3A_144 = arith.index_cast %add3A_143 : i32 to index
      %get3A_145 = tpu.vector_load %arg24[%get3A_144] {strides = array<i32>} : memref<16144xf32, #tpu.memory_space<vmem>>, vector<16xf32>,
      %add3A_146 = arith.addf %add3A_141, %get3A_145 : vector<16xf32>
      %add3A_147 = arith.constant 3027 : i32
      %add3A_148 = arith.addi %add3A_147, %mul3A_134 : i32
      %get3A_149 = arith.index_cast %add3A_148 : i32 to index
      %get3A_150 = tpu.vector_load %arg24[%get3A_149] {strides = array<i32>} : memref<16144xf32, #tpu.memory_space<vmem>>, vector<16xf32>,
      %add3A_151 = arith.addf %add3A_146, %get3A_150 : vector<16xf32>
      %add3A_152 = arith.constant 4036 : i32
      %add3A_153 = arith.addi %add3A_152, %mul3A_134 : i32
      %get3A_154 = arith.index_cast %add3A_153 : i32 to index
      %get3A_155 = tpu.vector_load %arg24[%get3A_154] {strides = array<i32>} : memref<16144xf32, #tpu.memory_space<vmem>>, vector<16xf32>,
      %add3A_156 = arith.addf %add3A_151, %get3A_155 : vector<16xf32>
      %add3A_157 = arith.constant 5045 : i32
      %add3A_158 = arith.addi %add3A_157, %mul3A_134 : i32
      %get3A_159 = arith.index_cast %add3A_158 : i32 to index
      %get3A_160 = tpu.vector_load %arg24[%get3A_159] {strides = array<i32>} : memref<16144xf32, #tpu.memory_space<vmem>>, vector<16xf32>,
      %add3A_161 = arith.addf %add3A_156, %get3A_160 : vector<16xf32>
      %add3A_162 = arith.constant 6054 : i32
      %add3A_163 = arith.addi %add3A_162, %mul3A_134 : i32
      %get3A_164 = arith.index_cast %add3A_163 : i32 to index
      %get3A_165 = tpu.vector_load %arg24[%get3A_164] {strides = array<i32>} : memref<16144xf32, #tpu.memory_space<vmem>>, vector<16xf32>,
      %add3A_166 = arith.addf %add3A_161, %get3A_165 : vector<16xf32>
      %add3A_167 = arith.constant 7063 : i32
      %add3A_168 = arith.addi %add3A_167, %mul3A_134 : i32
      %get3A_169 = arith.index_cast %add3A_168 : i32 to index
      %get3A_170 = tpu.vector_load %arg24[%get3A_169] {strides = array<i32>} : memref<16144xf32, #tpu.memory_space<vmem>>, vector<16xf32>,
      %add3A_171 = arith.addf %add3A_166, %get3A_170 : vector<16xf32>
      %add3A_172 = arith.constant 8072 : i32
      %add3A_173 = arith.addi %add3A_172, %mul3A_134 : i32
      %get3A_174 = arith.index_cast %add3A_173 : i32 to index
      %get3A_175 = tpu.vector_load %arg24[%get3A_174] {strides = array<i32>} : memref<16144xf32, #tpu.memory_space<vmem>>, vector<16xf32>,
      %add3A_176 = arith.addf %add3A_171, %get3A_175 : vector<16xf32>
      %add3A_177 = arith.constant 9081 : i32
      %add3A_178 = arith.addi %add3A_177, %mul3A_134 : i32
      %get3A_179 = arith.index_cast %add3A_178 : i32 to index
      %get3A_180 = tpu.vector_load %arg24[%get3A_179] {strides = array<i32>} : memref<16144xf32, #tpu.memory_space<vmem>>, vector<16xf32>,
      %add3A_181 = arith.addf %add3A_176, %get3A_180 : vector<16xf32>
      %add3A_182 = arith.constant 10090 : i32
      %add3A_183 = arith.addi %add3A_182, %mul3A_134 : i32
      %get3A_184 = arith.index_cast %add3A_183 : i32 to index
      %get3A_185 = tpu.vector_load %arg24[%get3A_184] {strides = array<i32>} : memref<16144xf32, #tpu.memory_space<vmem>>, vector<16xf32>,
      %add3A_186 = arith.addf %add3A_181, %get3A_185 : vector<16xf32>
      %add3A_187 = arith.constant 11099 : i32
      %add3A_188 = arith.addi %add3A_187, %mul3A_134 : i32
      %get3A_189 = arith.index_cast %add3A_188 : i32 to index
      %get3A_190 = tpu.vector_load %arg24[%get3A_189] {strides = array<i32>} : memref<16144xf32, #tpu.memory_space<vmem>>, vector<16xf32>,
      %add3A_191 = arith.addf %add3A_186, %get3A_190 : vector<16xf32>
      %add3A_192 = arith.constant 12108 : i32
      %add3A_193 = arith.addi %add3A_192, %mul3A_134 : i32
      %get3A_194 = arith.index_cast %add3A_193 : i32 to index
      %get3A_195 = tpu.vector_load %arg24[%get3A_194] {strides = array<i32>} : memref<16144xf32, #tpu.memory_space<vmem>>, vector<16xf32>,
      %add3A_196 = arith.addf %add3A_191, %get3A_195 : vector<16xf32>
      %add3A_197 = arith.constant 13117 : i32
      %add3A_198 = arith.addi %add3A_197, %mul3A_134 : i32
      %get3A_199 = arith.index_cast %add3A_198 : i32 to index
      %get3A_200 = tpu.vector_load %arg24[%get3A_199] {strides = array<i32>} : memref<16144xf32, #tpu.memory_space<vmem>>, vector<16xf32>,
      %add3A_201 = arith.addf %add3A_196, %get3A_200 : vector<16xf32>
      %add3A_202 = arith.constant 14126 : i32
      %add3A_203 = arith.addi %add3A_202, %mul3A_134 : i32
      %get3A_204 = arith.index_cast %add3A_203 : i32 to index
      %get3A_205 = tpu.vector_load %arg24[%get3A_204] {strides = array<i32>} : memref<16144xf32, #tpu.memory_space<vmem>>, vector<16xf32>,
      %add3A_206 = arith.addf %add3A_201, %get3A_205 : vector<16xf32>
      %add3A_207 = arith.constant 15135 : i32
      %add3A_208 = arith.addi %add3A_207, %mul3A_134 : i32
      %get3A_209 = arith.index_cast %add3A_208 : i32 to index
      %get3A_210 = tpu.vector_load %arg24[%get3A_209] {strides = array<i32>} : memref<16144xf32, #tpu.memory_space<vmem>>, vector<16xf32>,
      %add3A_211 = arith.addf %add3A_206, %get3A_210 : vector<16xf32>
      %swap3A = arith.index_cast %mul3A_134 : i32 to index
      %swap3A_212 = tpu.vector_load %arg25[%swap3A] {strides = array<i32>} : memref<1008xf32, #tpu.memory_space<vmem>>, vector<16xf32>,
      tpu.vector_store %arg25[%swap3A], %add3A_211 {strides = array<i32>} : memref<1008xf32, #tpu.memory_space<vmem>>, vector<16xf32>,
      %scan3A_213 = arith.constant 0 : i32
      scf.yield %scan3A_213 : i32
    }
    %scan3A_128 = arith.constant 63 : i32
    %mul3A_129 = arith.constant 1000 : i32
    %mul3A_130 = arith.muli %add3A, %mul3A_129 : i32
    "tpu.region"() ({
      %run_scoped3A = tpu.sem_alloc : memref<!tpu.dma_semaphore, #tpu.memory_space<semaphore_mem>>
      %dma_start3A_131 = arith.constant 0 : i32
      %dma_start3A_132 = tpu.memref_slice %arg25[%dma_start3A_131] : memref<1008xf32, #tpu.memory_space<vmem>> -> memref<1000xf32, #tpu.memory_space<vmem>>
      %dma_start3A_133 = tpu.memref_slice %arg10[%mul3A_130] : memref<32000xf32, #tpu.memory_space<hbm>> -> memref<1000xf32, #tpu.memory_space<hbm>>
      %dma_start3A_134 = tpu.memref_slice %arg10[%mul3A_130] : memref<32000xf32, #tpu.memory_space<hbm>> -> memref<1000xf32, #tpu.memory_space<hbm>>
      %dma_start3A_135 = arith.constant 0 : i32
      %dma_start3A_136 = tpu.memref_slice %arg25[%dma_start3A_135] : memref<1008xf32, #tpu.memory_space<vmem>> -> memref<1000xf32, #tpu.memory_space<vmem>>
      tpu.enqueue_dma source(%dma_start3A_136 : memref<1000xf32, #tpu.memory_space<vmem>>) target(%dma_start3A_134 : memref<1000xf32, #tpu.memory_space<hbm>>) target_semaphore(%run_scoped3A : memref<!tpu.dma_semaphore, #tpu.memory_space<semaphore_mem>>)
      %dma_wait3A_137 = arith.constant 0 : i32
      %dma_wait3A_138 = tpu.memref_slice %arg25[%dma_wait3A_137] : memref<1008xf32, #tpu.memory_space<vmem>> -> memref<1000xf32, #tpu.memory_space<vmem>>
      %dma_wait3A_139 = tpu.memref_slice %arg10[%mul3A_130] : memref<32000xf32, #tpu.memory_space<hbm>> -> memref<1000xf32, #tpu.memory_space<hbm>>
      %dma_wait3A_140 = tpu.memref_slice %arg10[%mul3A_130] : memref<32000xf32, #tpu.memory_space<hbm>> -> memref<1000xf32, #tpu.memory_space<hbm>>
      %dma_wait3A_141 = arith.constant 0 : i32
      %dma_wait3A_142 = tpu.memref_slice %arg25[%dma_wait3A_141] : memref<1008xf32, #tpu.memory_space<vmem>> -> memref<1000xf32, #tpu.memory_space<vmem>>
      tpu.wait_dma2 semaphore(%run_scoped3A : memref<!tpu.dma_semaphore, #tpu.memory_space<semaphore_mem>>) src(%dma_wait3A_142 : memref<1000xf32, #tpu.memory_space<vmem>>) dst(%dma_wait3A_140 : memref<1000xf32, #tpu.memory_space<hbm>>)
      tpu.yield
    }) : () -> ()
    return
  }
}

</mosaic_0001>

<sc_bundles>
// kernel: kernel.3.cloned.1.call-start
scs
__scs_entry_jumppad:
0x0: {  	(pc) =	sbr.rel $0x88, $3  }
0x1: {  	(tag) =	ssettag $0x0;
	lr =	simm.s32 $0x1  }
0x2: {  	[smem:$0x3F98] =	sst lr;
	_ =	strace $0xD0000000  }
0x3: {  	_ = 	snop  }
0x4: {  	_ = 	snop  }
0x5: {  	_ = 	snop  }
0x6: {  	_ = 	snop  }
0x7: {  	_ = 	snop  }
__scs_overlays_trampoline_lowered:
0x8: {  	[smem:$0x3FA7] =	sst s0  }
0x9: {  	[smem:$0x3FA8] =	sst s1  }
0xa: {  	[smem:$0x3FA9] =	sst s2  }
0xb: {  	[smem:$0x3FAA] =	sst s3  }
0xc: {  	[smem:$0x3FAB] =	sst s4  }
0xd: {  	[smem:$0x3FAC] =	sst s5  }
0xe: {  	[smem:$0x3FAD] =	sst s6  }
0xf: {  	[smem:$0x3FAE] =	sst s7  }
0x10: {  	[smem:$0x3FAF] =	sst s8  }
0x11: {  	[smem:$0x3FB0] =	sst s9;
	s0 =	simm.s32 @!p0 $0x0  }
0x12: {  	s1 =	sld [smem:$0x3F96];
	s0 =	simm.s32 @p0 $0x1  }
0x13: {  	[smem:$0x3FB1] =	sst s0;
	s0 =	simm.s32 @!p1 $0x0  }
0x14: {  	s2 =	sld [smem:$0x3F95];
	s0 =	simm.s32 @p1 $0x1  }
0x15: {  	[smem:$0x3FB2] =	sst s0;
	s0 =	simm.s32 @!p2 $0x0  }
0x16: {  	s3 =	sld [smem:$0x3FDB];
	s0 =	simm.s32 @p2 $0x1  }
0x17: {  	s4 =	simm.s32 $0x1BF5;
	[smem:$0x3FB4] =	sst s0  }
0x18: {  	s0 =	sld [smem:$0x3F97];
	_ =	swait.ge [sflag:s4], $0x0  }
0x19: {  	s7 =	sld [smem:$0x3F98]  }
0x1a: {  	s8 =	sadd.s32 $0xFFFFE003, lr  }
0x1b: {  	s9 =	sadd.s32 $0xFFFFFEF7, lr;
	s5 =	simm.s32 $0xFFFFFFFF;
	p2 =	slt.u32 s8, $0xFFFFF086  }
0x1c: {  	p1 =	slt.u32 s9, $0xF7A;
	s5 =	simm.s32 @!p2 $0x0  }
0x1d: {  	s5 =	simm.s32 @p1 $0x1;
	p0 =	seq.s32 s7, s2  }
0x1e: {  	s7 =	smul.u32 @!p0 $0xF7A, s2;
	p2 =	seq.s32 @!p0 s5, $0x0  }
0x1f: {  	s9 =	smul.u32 $0xF7A, s1;
	s8 =	simm.s32 @!p0 $0x1BF5;
	p2 =	por !p2, p0  }
0x20: {  	[sflag:s8] =	ssyncset.s32 @!p0 $0xFFFFF086;
	s6 =	sadd.s32 @!p0 s3, s7;
	s7 =	simm.s32 @!p0 $0x108  }
0x21: {  	s3 =	sadd.s32 s3, s9;
	s6 =	sadd.s32 @!p0 $0x88, s6;
	s7 =	simm.s32 @p2 $0x1082  }
0x22: {  	[simem:s7], [sflag:s8] =	dma.local @!p0 [hbm:s6], $0xF7A  }
0x23: {  	s9 =	sor.u32 $0xD0000000, s2;
	s6 =	simm.s32 $0x108;
	_ =	swait.ge @!p0 [sflag:s8], $0x0  }
0x24: {  	s3 =	sadd.s32 $0x88, s3;
	s6 =	simm.s32 @!p1 $0x1082;
	[sflag:s4] =	ssyncset.s32 $0xFFFFF086  }
0x25: {  	[simem:s6], [sflag:s4] =	dma.local [hbm:s3], $0xF7A  }
0x26: {  	[smem:$0x3F98] =	sst s1;
	(tag) =	ssettag s2;
	_ =	strace s9  }
0x27: {  	s1 =	sld [smem:$0x3FA8]  }
0x28: {  	s2 =	sld [smem:$0x3FA9]  }
0x29: {  	s4 =	sld [smem:$0x3FAB]  }
0x2a: {  	p0 =	seq.s32 s5, $0x0;
	s5 =	sld [smem:$0x3FAC]  }
0x2b: {  	s6 =	sld [smem:$0x3FAD]  }
0x2c: {  	s7 =	sld [smem:$0x3FAE]  }
0x2d: {  	s3 =	simm.s32 $0x108;
	s8 =	sld [smem:$0x3FAF]  }
0x2e: {  	s3 =	simm.s32 @!p0 $0x1082;
	s9 =	sld [smem:$0x3FB0]  }
0x2f: {  	lr =	sadd.s32 s0, s3;
	s0 =	sld [smem:$0x3FA7]  }
0x30: {  	s3 =	sld [smem:$0x3FAA]  }
0x31: {  	[smem:$0x3FB3] =	sst s10  }
0x32: {  	s10 =	sld [smem:$0x3FB1];
	_ =	sdelay $0x3  }
0x33: {  	p0 =	seq.s32 s10, $0x1;
	s10 =	sld [smem:$0x3FB3];
	_ =	sdelay $0x3  }
0x34: {  	[smem:$0x3FB3] =	sst s10  }
0x35: {  	s10 =	sld [smem:$0x3FB2];
	_ =	sdelay $0x3  }
0x36: {  	p1 =	seq.s32 s10, $0x1;
	s10 =	sld [smem:$0x3FB3];
	_ =	sdelay $0x3  }
0x37: {  	[smem:$0x3FB3] =	sst s10  }
0x38: {  	s10 =	sld [smem:$0x3FB4]  }
0x39: {  	_ = 	snop;
	(pc) =	sbr.ind lr, $3  }
0x3a: {  	_ = 	snop  }
0x3b: {  	_ = 	snop  }
0x3c: {  	p2 =	seq.s32 s10, $0x1;
	s10 =	sld [smem:$0x3FB3]  }
0x3d: {  	_ =	shalt  }
0x3e: {  	_ =	shalt  }
0x3f: {  	_ =	shalt  }
0x40: {  	_ =	shalt  }
0x41: {  	_ =	shalt  }
0x42: {  	_ =	shalt  }
0x43: {  	_ =	shalt  }
0x44: {  	_ =	shalt  }
0x45: {  	_ =	shalt  }
0x46: {  	_ =	shalt  }
0x47: {  	_ =	shalt  }
0x48: {  	_ =	shalt  }
0x49: {  	_ =	shalt  }
0x4a: {  	_ =	shalt  }
0x4b: {  	_ =	shalt  }
0x4c: {  	_ =	shalt  }
0x4d: {  	_ =	shalt  }
0x4e: {  	_ =	shalt  }
0x4f: {  	_ =	shalt  }
0x50: {  	_ =	shalt  }
0x51: {  	_ =	shalt  }
0x52: {  	_ =	shalt  }
0x53: {  	_ =	shalt  }
0x54: {  	_ =	shalt  }
0x55: {  	_ =	shalt  }
0x56: {  	_ =	shalt  }
0x57: {  	_ =	shalt  }
0x58: {  	_ =	shalt  }
0x59: {  	_ =	shalt  }
0x5a: {  	_ =	shalt  }
0x5b: {  	_ =	shalt  }
0x5c: {  	_ =	shalt  }
0x5d: {  	_ =	shalt  }
0x5e: {  	_ =	shalt  }
0x5f: {  	_ =	shalt  }
0x60: {  	_ =	shalt  }
0x61: {  	_ =	shalt  }
0x62: {  	_ =	shalt  }
0x63: {  	_ =	shalt  }
0x64: {  	_ =	shalt  }
0x65: {  	_ =	shalt  }
0x66: {  	_ =	shalt  }
0x67: {  	_ =	shalt  }
0x68: {  	_ =	shalt  }
0x69: {  	_ =	shalt  }
0x6a: {  	_ =	shalt  }
0x6b: {  	_ =	shalt  }
0x6c: {  	_ =	shalt  }
0x6d: {  	_ =	shalt  }
0x6e: {  	_ =	shalt  }
0x6f: {  	_ =	shalt  }
0x70: {  	_ =	shalt  }
0x71: {  	_ =	shalt  }
0x72: {  	_ =	shalt  }
0x73: {  	_ =	shalt  }
0x74: {  	_ =	shalt  }
0x75: {  	_ =	shalt  }
0x76: {  	_ =	shalt  }
0x77: {  	_ =	shalt  }
0x78: {  	_ =	shalt  }
0x79: {  	_ =	shalt  }
0x7a: {  	_ =	shalt  }
0x7b: {  	_ =	shalt  }
0x7c: {  	_ =	shalt  }
0x7d: {  	_ =	shalt  }
0x7e: {  	_ =	shalt  }
0x7f: {  	_ =	shalt  }
0x80: {  	_ =	shalt  }
0x81: {  	_ =	shalt  }
0x82: {  	_ =	shalt  }
0x83: {  	_ =	shalt  }
0x84: {  	_ =	shalt  }
0x85: {  	_ =	shalt  }
0x86: {  	_ =	shalt  }
0x87: {  	_ =	shalt  }
.Lfunc_end0:
.L_simem_size_0:
called_computation_lowered:
.L_overlay_start_0:
0x88: {  	s2 =	sld [smem:$0x3FD9]  }
0x89: {  	s3 =	sld [smem:$0x3FFE];
	_ =	sdelay $0x1  }
0x8a: {  	s1 =	srdreg.scid  }
0x8b: {  	s0 =	sand.u32 $0x1, s1  }
0x8c: {  	s17 =	sshll.u32 s0, $0xA;
	s2 =	sadd.s32 s3, s2  }
0x8d: {  	s2 =	sadd.s32 s2, s17  }
0x8e: {  	[smem:$0x3FBF] =	sst s2  }
0x8f: {  	_ = 	snop  }
0x90: {  	s2 =	sld [smem:$0x3FC7]  }
0x91: {  	s18 =	sld [smem:$0x3FC6]  }
0x92: {  	s4 =	sld [smem:$0x3FD0];
	(tm) =	ssettm $0x1  }
0x93: {  	s5 =	sld [smem:$0x3FFB];
	_ =	sdelay $0x3  }
0x94: {  	_ =	strace s5  }
0x95: {  	s5 =	sld [smem:$0x3FFC];
	_ =	sdelay $0x3  }
0x96: {  	_ =	strace s5  }
0x97: {  	s5 =	sld [smem:$0x3FFD];
	_ =	sdelay $0x3  }
0x98: {  	_ =	strace s5  }
0x99: {  	_ =	strace $0x8FFFFFFF  }
0x9a: {  	s19 =	sld [smem:$0x3FDB];
	_ =	sdelay $0x1  }
0x9b: {  	s6 =	simm.s32 $_scs_section_size  }
0x9c: {  	s7 =	simm.s32 $_size__tile_overlayer_lowered;
	s8 =	simm.s32 $_tile_overlayer_lowered  }
0x9d: {  	s22 =	simm.s32 $0x1BFF;
	s21 =	sshll.u32 s8, $0x1;
	s5 =	sadd.s32 s6, s19  }
0x9e: {  	s9 =	simm.s32 $0x0;
	s20 =	sshll.u32 s7, $0x1;
	s7 =	sadd.s32 s21, s5  }
0x9f: {  	[timem:s9], [sflag:s22] =	dma.local [hbm:s7], s20  }
0xa0: {  	_ =	swait.ge [sflag:s22], s20  }
0xa1: {  	s6 =	ssub.s32 $0x0, s20;
	[sflag:s22] =	ssyncset.done $0x0  }
0xa2: {  	[sflag:s22] =	ssyncadd.s32 s6;
	_ =	sdelay $0x1  }
0xa3: {  	s23 =	simm.s32 $0x1B8B  }
0xa4: {  	_ =	swait.ge [sflag:s23], $0x1  }
0xa5: {  	[sflag:s23] =	ssyncset.done $0x0  }
0xa6: {  	s25 =	simm.s32 $0x1B8E;
	s24 =	sld [smem:$0x3FFE];
	[sflag:s23] =	ssyncadd.s32 $0xFFFFFFFF  }
0xa7: {  	s26 =	simm.s32 $execute0_lowered;
	[smem:$0x3FD2] =	sst s25  }
0xa8: {  	s7 =	sshll.u32 s26, $0x1;
	_ =	strace $0x80000046;
	[dreg:$0x1] =	wrdreg $0xFFFFFFFF  }
0xa9: {  	s28 =	simm.s32 $_size_execute0_lowered;
	s5 =	sadd.s32 s5, s7;
	[dreg:$0x0] =	wrdreg $0x0  }
0xaa: {  	s7 =	sshll.u32 s28, $0x1;
	[dreg:$0x2] =	wrdreg s5  }
0xab: {  	[dreg:$0x3] =	wrdreg s7  }
0xac: {  	[dreg:$0x4] =	wrdreg $0xC0  }
0xad: {  	_ =	task [dreg:s9], $0x5FFFF  }
0xae: {  	[dreg:$0x1] =	wrdreg $0xFFFFFFFF  }
0xaf: {  	[dreg:$0x0] =	wrdreg $0x60  }
0xb0: {  	[dreg:$0x2] =	wrdreg s24  }
0xb1: {  	[dreg:$0x3] =	wrdreg s4  }
0xb2: {  	[dreg:$0x4] =	wrdreg s2  }
0xb3: {  	[dreg:$0x5] =	wrdreg s18  }
0xb4: {  	[dreg:$0x6] =	wrdreg $0x9  }
0xb5: {  	_ =	task.clear_ibuf [dreg:s9], $0x7FFFF;
	_ =	strace $0x90000046  }
0xb6: {  	s29 =	simm.s32 $0x9;
	_ =	strace $0x80000048  }
0xb7: {  	_ =	swait.ge [sflag:s29], $0x1  }
0xb8: {  	[sflag:s29] =	ssyncadd.s32 $0xFFFFFFFF  }
0xb9: {  	_ =	strace $0x90000048  }
0xba: {  	_ =	sfence  }
0xbb: {  	s30 =	sld [smem:$0x0];
	_ =	sdelay $0x2  }
0xbc: {  	s31 =	sshll.u32 s1, $0xD;
	s1 =	sshrl.u32 s1, $0x2  }
0xbd: {  	s3 =	sand.u32 $0x4000, s31;
	s1 =	sadd.s32 s1, s30  }
0xbe: {  	s0 =	sor.u32 s3, s0;
	s1 =	sshll.u32 s1, $0x11  }
0xbf: {  	s0 =	sor.u32 s1, s0  }
0xc0: {  	s0 =	sadd.s32 $0x8F2B, s0  }
0xc1: {  	[sflag:s0] =	ssyncadd.remote.s32 $0x1  }
0xc2: {  	_ =	sfence.sel $0xFFFF  }
0xc3: {  	[dreg:$0x0] =	wrdreg $0xFFFFFFFF;
	(pc) =	sbr.abs _section_cstart, $3  }
0xc4: {  	[dreg:$0x1] =	wrdreg $0xFFFFFFFF  }
0xc5: {  	_ =	task.clear_ibuf [dreg:s9], $0x2FFFF;
	_ =	strace $0x9FFFFFFF  }
0xc6: {  	(tm) =	ssettm $0x7FFFFFFF  }
0xc7: {  	_ =	shalt  }
tec
execute0_lowered:
.L_overlay_start_1:
0x0: {  	(tag) =	ssettag $0x1  }
0x1: {  	s0 =	rddreg [dreg:$0x0]  }
0x2: {  	s2 =	rddreg [dreg:$0x2]  }
0x3: {  	s4 =	rddreg [dreg:$0x3];
	s5 =	simm.s32 $0x0;
	s1 =	srdreg.scid  }
0x4: {  	s3 =	stileid.u32;
	s29 =	simm.s32 $0x19D80;
	s30 =	simm.s32 $0x1A100  }
0x5: {  	s31 =	simm.s32 $0x19300;
	s28 =	simm.s32 $0x1B280;
	s11 =	simm.s32 $0x1AB80  }
0x6: {  	s12 =	simm.s32 $0x1;
	s1 =	sand.u32 $0x1, s1;
	s3 =	sshll.u32 s3, $0x1  }
0x7: {  	s13 =	simm.s32 $0x1B600;
	[smem:$0x7FF] =	sst s5;
	s3 =	sor.u32 s1, s3  }
0x8: {  	s6 =	sadd.s32 $0x126000, s0;
	s1 =	ssub.s32 $0x2, s1;
	s15 =	smul.u32 $0x7D, s3  }
0x9: {  	s14 =	sadd.s32 $0xA00, s0;
	s3 =	smul.u32 $0x186A0, s3;
	s7 =	sshrl.u32 s1, $0x1  }
0xa: {  	_ =	strace $0x80000047;
	[dreg:$0x5] =	wrdreg s6;
	s1 =	ssub.s32 s1, s7  }
0xb: {  	[dreg:$0x6] =	wrdreg s14;
	s16 =	sshrl.u32 s3, $0x3;
	s26 =	smax.u32 s1, $0x1  }
0xc: {  	s8 =	sadd.s32 $0xC4400, s0;
	s17 =	sadd.s32 s2, s16;
	[dreg:$0x12] =	wrdreg s26  }
0xd: {  	s9 =	sadd.s32 $0x62800, s0;
	s18 =	sadd.s32 s4, s16;
	[dreg:$0x7] =	wrdreg s17  }
0xe: {  	s10 =	sadd.s32 $0xC00, s0;
	s19 =	sadd.s32 s8, s16;
	[dreg:$0x8] =	wrdreg s18  }
0xf: {  	s14 =	simm.s32 $0x2;
	s20 =	sadd.s32 s9, s16;
	[dreg:$0x9] =	wrdreg s19  }
0x10: {  	s0 =	sadd.s32 s15, s0;
	s21 =	sadd.s32 s10, s16;
	[dreg:$0xa] =	wrdreg s20  }
0x11: {  	s6 =	sadd.s32 $0x64, s16;
	s0 =	sadd.s32 $0x129200, s0;
	[dreg:$0xb] =	wrdreg s21  }
0x12: {  	s7 =	simm.s32 $0x1A800;
	s22 =	sadd.s32 s2, s6;
	[dreg:$0x11] =	wrdreg s0  }
0x13: {  	s1 =	simm.s32 $0x1AF00;
	s23 =	sadd.s32 s4, s6;
	[dreg:$0xc] =	wrdreg s22  }
0x14: {  	s15 =	simm.s32 $0x0;
	s24 =	sadd.s32 s8, s6;
	[dreg:$0xd] =	wrdreg s23  }
0x15: {  	s26 =	simm.s32 $0x18700;
	s25 =	sadd.s32 s9, s6;
	[dreg:$0xe] =	wrdreg s24  }
0x16: {  	s6 =	sadd.s32 s10, s6;
	s21 =	sadd.s32 $0x640, s3;
	[dreg:$0xf] =	wrdreg s25  }
0x17: {  	v0 =	vlaneseq.u32;
	s17 =	simm.s32 $0x3;
	s0 =	simm.s32 $0x19680;
	[dreg:$0x10] =	wrdreg s6  }
0x18: {  	v1 =	vimm.f32 $0.0e+00;
	v2 =	vmul.u32 $0x3F1, v0;
	s22 =	sadd.s32 $0x960, s3;
	s3 =	simm.s32 $0x19A00;
	s6 =	simm.s32 $0x1A480  }
.LBB2_1:
0x19: {  	s16 =	rddreg [dreg:$0x5]  }
0x1a: {  	[tilespmem:s5], [sflag:$0x3] =	stream.linear.gather [hbm4b:s16+s5], $0x18700, $0x38;
	[tilespmem:$0x1F980] =	vst v63  }
0x1b: {  	_ =	swait.ge [sflag:s17], $0x18700  }
0x1c: {  	[sflag:s17] =	ssyncset.done $0x0  }
0x1d: {  	s24 =	rddreg [dreg:$0x6];
	[sflag:s17] =	ssyncadd.s32 $0xFFFE7900  }
0x1e: {  	[tilespmem:s26], [sflag:$0x3] =	stream.linear.gather [hbm4b:s24+s5], $0x800, $0x38;
	[tilespmem:$0x1F980] =	vst v63  }
0x1f: {  	_ =	swait.ge [sflag:s17], $0x800  }
0x20: {  	[sflag:s17] =	ssyncset.done $0x0  }
0x21: {  	[sflag:s17] =	ssyncadd.s32 $0xFFFFF800  }
0x22: {  	s18 =	simm.s32 $0x18F00;
	s25 =	rddreg [dreg:$0x1]  }
0x23: {  	[tilespmem:s18], [sflag:$0x3] =	stream.linear.gather [hbm4b:s25+s5], $0x400, $0x38;
	[tilespmem:$0x1F980] =	vst v63  }
0x24: {  	_ =	swait.ge [sflag:s17], $0x400  }
0x25: {  	[sflag:s17] =	ssyncset.done $0x0  }
0x26: {  	s16 =	simm.s32 $0x40;
	[sflag:s17] =	ssyncadd.s32 $0xFFFFFC00;
	s17 =	simm.s32 $0x0  }
.LBB2_2:
0x27: {  	p0 =	sne.s32 s16, $0xFC00;
	[tilespmem:s17+$0x1B600] =	vst v1;
	s17 =	smov.u32 s16;
	s16 =	sadd.s32 $0x40, s16  }
.Ltmp0:
0x28: {  	(pc) =	sbr.rel @p0 .LBB2_2-.Ltmp0, $2  }
0x29: {  	_ =	sdelay $0x2  }
0x2a: {  	s17 =	sshra.s32 s17, $0x2  }
0x2b: {  	[tilespmem:s17+$0x1B600] =	vst v1  }
0x2c: {  	v3 =	vld [tilespmem:$0x18F00]  }
0x2d: {  	v4 =	vld [tilespmem:$0x18F80]  }
0x2e: {  	v5 =	vld [tilespmem:$0x19000]  }
0x2f: {  	v6 =	vld [tilespmem:$0x19080]  }
0x30: {  	v7 =	vld [tilespmem:$0x19100]  }
0x31: {  	v8 =	vld [tilespmem:$0x19180]  }
0x32: {  	s16 =	simm.s32 $0x0;
	s20 =	rddreg [dreg:$0x7];
	v9 =	vld [tilespmem:$0x19200]  }
0x33: {  	v10 =	vld [tilespmem:$0x19280];
	[tilespmem:s29], [sflag:$0x1] =	stream.linear.gather [hbm4b:s20+s16], $0x320, $0x38  }
0x34: {  	s23 =	rddreg [dreg:$0x8]  }
0x35: {  	[tilespmem:s30], [sflag:$0x1] =	stream.linear.gather [hbm4b:s23+s16], $0x320, $0x38;
	[tilespmem:$0x1F980] =	vst v63  }
0x36: {  	s24 =	rddreg [dreg:$0x9]  }
0x37: {  	[tilespmem:s31], [sflag:$0x1] =	stream.linear.gather [hbm4b:s24+s16], $0x320, $0x38;
	[tilespmem:$0x1F980] =	vst v63  }
0x38: {  	s25 =	rddreg [dreg:$0xa]  }
0x39: {  	[tilespmem:s0], [sflag:$0x1] =	stream.linear.gather [hbm4b:s25+s16], $0x320, $0x38;
	[tilespmem:$0x1F980] =	vst v63  }
0x3a: {  	s18 =	rddreg [dreg:$0xb]  }
0x3b: {  	[tilespmem:s3], [sflag:$0x1] =	stream.linear.gather [hbm4b:s18+s16], $0x320, $0x38;
	[tilespmem:$0x1F980] =	vst v63  }
0x3c: {  	s19 =	rddreg [dreg:$0xc]  }
0x3d: {  	[tilespmem:s1], [sflag:$0x2] =	stream.linear.gather [hbm4b:s19+s16], $0x320, $0x38;
	[tilespmem:$0x1F980] =	vst v63  }
0x3e: {  	s20 =	rddreg [dreg:$0xd]  }
0x3f: {  	[tilespmem:s28], [sflag:$0x2] =	stream.linear.gather [hbm4b:s20+s16], $0x320, $0x38;
	[tilespmem:$0x1F980] =	vst v63  }
0x40: {  	s23 =	rddreg [dreg:$0xe]  }
0x41: {  	[tilespmem:s6], [sflag:$0x2] =	stream.linear.gather [hbm4b:s23+s16], $0x320, $0x38;
	[tilespmem:$0x1F980] =	vst v63  }
0x42: {  	s24 =	rddreg [dreg:$0xf]  }
0x43: {  	[tilespmem:s7], [sflag:$0x2] =	stream.linear.gather [hbm4b:s24+s16], $0x320, $0x38;
	[tilespmem:$0x1F980] =	vst v63  }
0x44: {  	s25 =	rddreg [dreg:$0x10]  }
0x45: {  	[tilespmem:s11], [sflag:$0x2] =	stream.linear.gather [hbm4b:s25+s16], $0x320, $0x38;
	[tilespmem:$0x1F980] =	vst v63  }
.LBB2_4:
0x46: {  	_ =	swait.ge [sflag:s12], $0x320  }
0x47: {  	[sflag:s12] =	ssyncset.done $0x0  }
0x48: {  	[sflag:s12] =	ssyncadd.s32 $0xFFFFFCE0  }
0x49: {  	_ =	swait.ge [sflag:s12], $0x320  }
0x4a: {  	[sflag:s12] =	ssyncset.done $0x0  }
0x4b: {  	[sflag:s12] =	ssyncadd.s32 $0xFFFFFCE0  }
0x4c: {  	_ =	swait.ge [sflag:s12], $0x320  }
0x4d: {  	[sflag:s12] =	ssyncset.done $0x0  }
0x4e: {  	[sflag:s12] =	ssyncadd.s32 $0xFFFFFCE0  }
0x4f: {  	_ =	swait.ge [sflag:s12], $0x320  }
0x50: {  	[sflag:s12] =	ssyncset.done $0x0  }
0x51: {  	[sflag:s12] =	ssyncadd.s32 $0xFFFFFCE0  }
0x52: {  	s17 =	simm.s32 $0x19DD0;
	s18 =	simm.s32 $0x1A150;
	_ =	swait.ge [sflag:s12], $0x320  }
0x53: {  	s19 =	simm.s32 $0x19350;
	s20 =	simm.s32 $0x196D0;
	[sflag:s12] =	ssyncset.done $0x0  }
0x54: {  	s23 =	simm.s32 $0x19A50;
	s24 =	simm.s32 $0x0;
	[sflag:s12] =	ssyncadd.s32 $0xFFFFFCE0  }
.LBB2_5:
0x55: {  	v11 =	vld [tilespmem:s19+$0xFFFFFFB0]  }
0x56: {  	v12 =	vld [tilespmem:s20+$0xFFFFFFB0];
	_ =	sdelay $0x1  }
0x57: {  	v13 =	vld [tilespmem:s23+$0xFFFFFFB0]  }
0x58: {  	v14 =	vld [tilespmem:s17+$0xFFFFFFB0]  }
0x59: {  	v15 =	vld [tilespmem:s18+$0xFFFFFFB0]  }
0x5a: {  	v11 =	vmul.f32 v11, v11;
	v12 =	vmul.f32 v12, v12;
	_ =	sdelay $0x1  }
0x5b: {  	v27 =	vmul.f32 v13, v13;
	v11 =	vadd.f32 v12, v11;
	_ =	sdelay $0x1  }
0x5c: {  	v11 =	vadd.f32 v27, v11;
	_ =	sdelay $0x1  }
0x5d: {  	v28 =	vld.idx.msk [tilespmem:v14+s5+$0x0], $0xffff;
	v29 =	vmul.f32 $5.000000000e-01, v11;
	v30 =	vshra.s32 v11, $0x1  }
0x5e: {  	v15 =	vld.idx.msk [tilespmem:v15+s5+$0x0], $0xffff;
	v14 =	vsub.s32 $0x5F3759DF, v30  }
0x5f: {  	v16 =	vmul.f32 v14, v29;
	_ =	sdelay $0x1  }
0x60: {  	v16 =	vmul.f32 v14, v16  }
0x61: {  	v17 =	vand.u32 $0x7F, v28  }
0x62: {  	v15 =	vand.u32 $0x7F, v15;
	v18 =	vshll.u32 v17, $0x4;
	v16 =	vsub.f32 $1.500000000e+00, v16  }
0x63: {  	v19 =	vshll.u32 v15, $0x4;
	v18 =	vor.u32 v0, v18  }
0x64: {  	v19 =	vor.u32 v0, v19;
	v14 =	vmul.f32 v14, v16;
	_ =	sdelay $0x1  }
0x65: {  	v13 =	vmul.f32 v14, v29;
	_ =	sdelay $0x1  }
0x66: {  	v31 =	vld.idx.msk [tilespmem:v18+s26+$0x0], $0xffff;
	v13 =	vmul.f32 v13, v14  }
0x67: {  	v32 =	vld.idx.msk [tilespmem:v19+s26+$0x0], $0xffff  }
0x68: {  	v13 =	vsub.f32 $1.500000000e+00, v13;
	_ =	sdelay $0x1  }
0x69: {  	v13 =	vmul.f32 v13, v14;
	_ =	sdelay $0x1  }
0x6a: {  	v33 =	vadd.f32 v32, v31;
	v11 =	vmul.f32 v13, v11;
	_ =	sdelay $0x1  }
0x6b: {  	v11 =	vmul.f32 v11, v33;
	_ =	sdelay $0x1  }
0x6c: {  	v14 =	vmul.f32 v11, v7  }
0x6d: {  	v34 =	vmul.f32 v11, v8  }
0x6e: {  	v14 =	vmul.f32 $1.442695020e+00, v14  }
0x6f: {  	v35 =	vmul.f32 v11, v9;
	v16 =	vmul.f32 $1.442695020e+00, v34  }
0x70: {  	v11 =	vmul.f32 v11, v10;
	(erf) = vpow2.f32 v14  }
0x71: {  	v36 =	vmul.f32 $1.442695020e+00, v35;
	(erf) = vpow2.f32 v16;
	_ =	sdelay $0x1  }
0x72: {  	v11 =	vmul.f32 $1.442695020e+00, v11;
	(erf) = vpow2.f32 v36;
	_ =	sdelay $0x1  }
0x73: {  	(erf) = vpow2.f32 v11;
	_ =	sdelay $0x3  }
0x74: {  	v11 =	vpop (erf)  }
0x75: {  	v37 =	vpop (erf)  }
0x76: {  	v11 =	vmul.f32 v11, v3;
	v14 =	vmul.f32 v37, v4  }
0x77: {  	v39 =	vcvt.s32.f32 v17;
	v38 =	vpop (erf)  }
0x78: {  	v15 =	vcvt.s32.f32 v15;
	v16 =	vmul.f32 v38, v5;
	v11 =	vadd.f32 v14, v11  }
0x79: {  	v12 =	vshra.s32 v28, $0x7;
	v40 =	vpop (erf)  }
0x7a: {  	v41 =	vmul.f32 v40, v6;
	v14 =	vmul.f32 v15, v39;
	v11 =	vadd.f32 v11, v16  }
0x7b: {  	v12 =	vadd.s32 v2, v12  }
0x7c: {  	v13 =	vmul.f32 v13, v14;
	v11 =	vadd.f32 v11, v41;
	_ =	sdelay $0x1  }
0x7d: {  	v11 =	vmul.f32 v11, v13;
	_ =	sdelay $0x1  }
0x7e: {  	[tilespmem:v12+s13+$0x0] =	vst.idx.add.f32.msk $0xffff, v11  }
0x7f: {  	v11 =	vld [tilespmem:s19+$0xFFFFFFC0]  }
0x80: {  	v12 =	vld [tilespmem:s20+$0xFFFFFFC0];
	_ =	sdelay $0x1  }
0x81: {  	v42 =	vld [tilespmem:s23+$0xFFFFFFC0]  }
0x82: {  	v43 =	vld [tilespmem:s17+$0xFFFFFFC0]  }
0x83: {  	v44 =	vld [tilespmem:s18+$0xFFFFFFC0]  }
0x84: {  	v11 =	vmul.f32 v11, v11;
	v12 =	vmul.f32 v12, v12;
	_ =	sdelay $0x1  }
0x85: {  	v45 =	vmul.f32 v42, v42;
	v11 =	vadd.f32 v12, v11;
	_ =	sdelay $0x1  }
0x86: {  	v11 =	vadd.f32 v45, v11;
	_ =	sdelay $0x1  }
0x87: {  	v46 =	vld.idx.msk [tilespmem:v43+s5+$0x0], $0xffff;
	v47 =	vmul.f32 $5.000000000e-01, v11;
	v48 =	vshra.s32 v11, $0x1  }
0x88: {  	v15 =	vld.idx.msk [tilespmem:v44+s5+$0x0], $0xffff;
	v14 =	vsub.s32 $0x5F3759DF, v48  }
0x89: {  	v49 =	vmul.f32 v14, v47;
	_ =	sdelay $0x1  }
0x8a: {  	v16 =	vmul.f32 v14, v49  }
0x8b: {  	v50 =	vand.u32 $0x7F, v46  }
0x8c: {  	v15 =	vand.u32 $0x7F, v15;
	v51 =	vshll.u32 v50, $0x4;
	v16 =	vsub.f32 $1.500000000e+00, v16  }
0x8d: {  	v52 =	vshll.u32 v15, $0x4;
	v18 =	vor.u32 v0, v51  }
0x8e: {  	v19 =	vor.u32 v0, v52;
	v14 =	vmul.f32 v14, v16;
	_ =	sdelay $0x1  }
0x8f: {  	v13 =	vmul.f32 v14, v47;
	_ =	sdelay $0x1  }
0x90: {  	v53 =	vld.idx.msk [tilespmem:v18+s26+$0x0], $0xffff;
	v13 =	vmul.f32 v13, v14  }
0x91: {  	v54 =	vld.idx.msk [tilespmem:v19+s26+$0x0], $0xffff  }
0x92: {  	v13 =	vsub.f32 $1.500000000e+00, v13;
	_ =	sdelay $0x1  }
0x93: {  	v13 =	vmul.f32 v13, v14;
	_ =	sdelay $0x1  }
0x94: {  	v55 =	vadd.f32 v54, v53;
	v11 =	vmul.f32 v13, v11;
	_ =	sdelay $0x1  }
0x95: {  	v11 =	vmul.f32 v11, v55;
	_ =	sdelay $0x1  }
0x96: {  	v14 =	vmul.f32 v11, v7  }
0x97: {  	v56 =	vmul.f32 v11, v8  }
0x98: {  	v14 =	vmul.f32 $1.442695020e+00, v14  }
0x99: {  	v57 =	vmul.f32 v11, v9;
	v16 =	vmul.f32 $1.442695020e+00, v56  }
0x9a: {  	v11 =	vmul.f32 v11, v10;
	(erf) = vpow2.f32 v14  }
0x9b: {  	v58 =	vmul.f32 $1.442695020e+00, v57;
	(erf) = vpow2.f32 v16;
	_ =	sdelay $0x1  }
0x9c: {  	v11 =	vmul.f32 $1.442695020e+00, v11;
	(erf) = vpow2.f32 v58;
	_ =	sdelay $0x1  }
0x9d: {  	(erf) = vpow2.f32 v11;
	_ =	sdelay $0x3  }
0x9e: {  	v11 =	vpop (erf)  }
0x9f: {  	v59 =	vpop (erf)  }
0xa0: {  	v11 =	vmul.f32 v11, v3;
	v14 =	vmul.f32 v59, v4  }
0xa1: {  	v61 =	vcvt.s32.f32 v50;
	v60 =	vpop (erf)  }
0xa2: {  	v15 =	vcvt.s32.f32 v15;
	v16 =	vmul.f32 v60, v5;
	v11 =	vadd.f32 v14, v11  }
0xa3: {  	v12 =	vshra.s32 v46, $0x7;
	v62 =	vpop (erf)  }
0xa4: {  	v63 =	vmul.f32 v62, v6;
	v14 =	vmul.f32 v15, v61;
	v11 =	vadd.f32 v11, v16  }
0xa5: {  	v12 =	vadd.s32 v2, v12  }
0xa6: {  	v13 =	vmul.f32 v13, v14;
	v11 =	vadd.f32 v11, v63;
	_ =	sdelay $0x1  }
0xa7: {  	v11 =	vmul.f32 v11, v13;
	_ =	sdelay $0x1  }
0xa8: {  	[tilespmem:v12+s13+$0x0] =	vst.idx.add.f32.msk $0xffff, v11  }
0xa9: {  	v11 =	vld [tilespmem:s19+$0xFFFFFFD0]  }
0xaa: {  	v12 =	vld [tilespmem:s20+$0xFFFFFFD0];
	_ =	sdelay $0x1  }
0xab: {  	v20 =	vld [tilespmem:s23+$0xFFFFFFD0]  }
0xac: {  	v21 =	vld [tilespmem:s17+$0xFFFFFFD0]  }
0xad: {  	v22 =	vld [tilespmem:s18+$0xFFFFFFD0]  }
0xae: {  	v11 =	vmul.f32 v11, v11;
	v12 =	vmul.f32 v12, v12;
	_ =	sdelay $0x1  }
0xaf: {  	v23 =	vmul.f32 v20, v20;
	v11 =	vadd.f32 v12, v11;
	_ =	sdelay $0x1  }
0xb0: {  	v11 =	vadd.f32 v23, v11;
	_ =	sdelay $0x1  }
0xb1: {  	v24 =	vld.idx.msk [tilespmem:v21+s5+$0x0], $0xffff;
	v25 =	vmul.f32 $5.000000000e-01, v11;
	v26 =	vshra.s32 v11, $0x1  }
0xb2: {  	v15 =	vld.idx.msk [tilespmem:v22+s5+$0x0], $0xffff;
	v14 =	vsub.s32 $0x5F3759DF, v26  }
0xb3: {  	v27 =	vmul.f32 v14, v25;
	_ =	sdelay $0x1  }
0xb4: {  	v16 =	vmul.f32 v14, v27  }
0xb5: {  	v28 =	vand.u32 $0x7F, v24  }
0xb6: {  	v15 =	vand.u32 $0x7F, v15;
	v29 =	vshll.u32 v28, $0x4;
	v16 =	vsub.f32 $1.500000000e+00, v16  }
0xb7: {  	v30 =	vshll.u32 v15, $0x4;
	v18 =	vor.u32 v0, v29  }
0xb8: {  	v19 =	vor.u32 v0, v30;
	v14 =	vmul.f32 v14, v16;
	_ =	sdelay $0x1  }
0xb9: {  	v13 =	vmul.f32 v14, v25;
	_ =	sdelay $0x1  }
0xba: {  	v31 =	vld.idx.msk [tilespmem:v18+s26+$0x0], $0xffff;
	v13 =	vmul.f32 v13, v14  }
0xbb: {  	v32 =	vld.idx.msk [tilespmem:v19+s26+$0x0], $0xffff  }
0xbc: {  	v13 =	vsub.f32 $1.500000000e+00, v13;
	_ =	sdelay $0x1  }
0xbd: {  	v13 =	vmul.f32 v13, v14;
	_ =	sdelay $0x1  }
0xbe: {  	v33 =	vadd.f32 v32, v31;
	v11 =	vmul.f32 v13, v11;
	_ =	sdelay $0x1  }
0xbf: {  	v11 =	vmul.f32 v11, v33;
	_ =	sdelay $0x1  }
0xc0: {  	v14 =	vmul.f32 v11, v7  }
0xc1: {  	v34 =	vmul.f32 v11, v8  }
0xc2: {  	v14 =	vmul.f32 $1.442695020e+00, v14  }
0xc3: {  	v35 =	vmul.f32 v11, v9;
	v16 =	vmul.f32 $1.442695020e+00, v34  }
0xc4: {  	v11 =	vmul.f32 v11, v10;
	(erf) = vpow2.f32 v14  }
0xc5: {  	v36 =	vmul.f32 $1.442695020e+00, v35;
	(erf) = vpow2.f32 v16;
	_ =	sdelay $0x1  }
0xc6: {  	v11 =	vmul.f32 $1.442695020e+00, v11;
	(erf) = vpow2.f32 v36;
	_ =	sdelay $0x1  }
0xc7: {  	(erf) = vpow2.f32 v11;
	_ =	sdelay $0x3  }
0xc8: {  	v11 =	vpop (erf)  }
0xc9: {  	v37 =	vpop (erf)  }
0xca: {  	v11 =	vmul.f32 v11, v3;
	v14 =	vmul.f32 v37, v4  }
0xcb: {  	v39 =	vcvt.s32.f32 v28;
	v38 =	vpop (erf)  }
0xcc: {  	v15 =	vcvt.s32.f32 v15;
	v16 =	vmul.f32 v38, v5;
	v11 =	vadd.f32 v14, v11  }
0xcd: {  	v12 =	vshra.s32 v24, $0x7;
	v40 =	vpop (erf)  }
0xce: {  	v41 =	vmul.f32 v40, v6;
	v14 =	vmul.f32 v15, v39;
	v11 =	vadd.f32 v11, v16  }
0xcf: {  	v12 =	vadd.s32 v2, v12  }
0xd0: {  	v13 =	vmul.f32 v13, v14;
	v11 =	vadd.f32 v11, v41;
	_ =	sdelay $0x1  }
0xd1: {  	v11 =	vmul.f32 v11, v13;
	_ =	sdelay $0x1  }
0xd2: {  	[tilespmem:v12+s13+$0x0] =	vst.idx.add.f32.msk $0xffff, v11  }
0xd3: {  	v11 =	vld [tilespmem:s19+$0xFFFFFFE0]  }
0xd4: {  	v12 =	vld [tilespmem:s20+$0xFFFFFFE0];
	_ =	sdelay $0x1  }
0xd5: {  	v42 =	vld [tilespmem:s23+$0xFFFFFFE0]  }
0xd6: {  	v43 =	vld [tilespmem:s17+$0xFFFFFFE0]  }
0xd7: {  	v44 =	vld [tilespmem:s18+$0xFFFFFFE0]  }
0xd8: {  	v11 =	vmul.f32 v11, v11;
	v12 =	vmul.f32 v12, v12;
	_ =	sdelay $0x1  }
0xd9: {  	v45 =	vmul.f32 v42, v42;
	v11 =	vadd.f32 v12, v11;
	_ =	sdelay $0x1  }
0xda: {  	v11 =	vadd.f32 v45, v11;
	_ =	sdelay $0x1  }
0xdb: {  	v46 =	vld.idx.msk [tilespmem:v43+s5+$0x0], $0xffff;
	v47 =	vmul.f32 $5.000000000e-01, v11;
	v48 =	vshra.s32 v11, $0x1  }
0xdc: {  	v15 =	vld.idx.msk [tilespmem:v44+s5+$0x0], $0xffff;
	v14 =	vsub.s32 $0x5F3759DF, v48  }
0xdd: {  	v49 =	vmul.f32 v14, v47;
	_ =	sdelay $0x1  }
0xde: {  	v16 =	vmul.f32 v14, v49  }
0xdf: {  	v50 =	vand.u32 $0x7F, v46  }
0xe0: {  	v15 =	vand.u32 $0x7F, v15;
	v51 =	vshll.u32 v50, $0x4;
	v16 =	vsub.f32 $1.500000000e+00, v16  }
0xe1: {  	v52 =	vshll.u32 v15, $0x4;
	v18 =	vor.u32 v0, v51  }
0xe2: {  	v19 =	vor.u32 v0, v52;
	v14 =	vmul.f32 v14, v16;
	_ =	sdelay $0x1  }
0xe3: {  	v13 =	vmul.f32 v14, v47;
	_ =	sdelay $0x1  }
0xe4: {  	v53 =	vld.idx.msk [tilespmem:v18+s26+$0x0], $0xffff;
	v13 =	vmul.f32 v13, v14  }
0xe5: {  	v54 =	vld.idx.msk [tilespmem:v19+s26+$0x0], $0xffff  }
0xe6: {  	v13 =	vsub.f32 $1.500000000e+00, v13;
	_ =	sdelay $0x1  }
0xe7: {  	v13 =	vmul.f32 v13, v14;
	_ =	sdelay $0x1  }
0xe8: {  	v55 =	vadd.f32 v54, v53;
	v11 =	vmul.f32 v13, v11;
	_ =	sdelay $0x1  }
0xe9: {  	v11 =	vmul.f32 v11, v55;
	_ =	sdelay $0x1  }
0xea: {  	v14 =	vmul.f32 v11, v7  }
0xeb: {  	v56 =	vmul.f32 v11, v8  }
0xec: {  	v14 =	vmul.f32 $1.442695020e+00, v14  }
0xed: {  	v57 =	vmul.f32 v11, v9;
	v16 =	vmul.f32 $1.442695020e+00, v56  }
0xee: {  	v11 =	vmul.f32 v11, v10;
	(erf) = vpow2.f32 v14  }
0xef: {  	v58 =	vmul.f32 $1.442695020e+00, v57;
	(erf) = vpow2.f32 v16;
	_ =	sdelay $0x1  }
0xf0: {  	v11 =	vmul.f32 $1.442695020e+00, v11;
	(erf) = vpow2.f32 v58;
	_ =	sdelay $0x1  }
0xf1: {  	(erf) = vpow2.f32 v11;
	_ =	sdelay $0x3  }
0xf2: {  	v11 =	vpop (erf)  }
0xf3: {  	v59 =	vpop (erf)  }
0xf4: {  	v11 =	vmul.f32 v11, v3;
	v14 =	vmul.f32 v59, v4  }
0xf5: {  	v61 =	vcvt.s32.f32 v50;
	v60 =	vpop (erf)  }
0xf6: {  	v15 =	vcvt.s32.f32 v15;
	v16 =	vmul.f32 v60, v5;
	v11 =	vadd.f32 v14, v11  }
0xf7: {  	v12 =	vshra.s32 v46, $0x7;
	v62 =	vpop (erf)  }
0xf8: {  	v63 =	vmul.f32 v62, v6;
	v14 =	vmul.f32 v15, v61;
	v11 =	vadd.f32 v11, v16  }
0xf9: {  	v12 =	vadd.s32 v2, v12  }
0xfa: {  	v13 =	vmul.f32 v13, v14;
	v11 =	vadd.f32 v11, v63;
	_ =	sdelay $0x1  }
0xfb: {  	v11 =	vmul.f32 v11, v13;
	_ =	sdelay $0x1  }
0xfc: {  	[tilespmem:v12+s13+$0x0] =	vst.idx.add.f32.msk $0xffff, v11  }
0xfd: {  	v11 =	vld [tilespmem:s19+$0xFFFFFFF0]  }
0xfe: {  	v12 =	vld [tilespmem:s20+$0xFFFFFFF0];
	_ =	sdelay $0x1  }
0xff: {  	v20 =	vld [tilespmem:s23+$0xFFFFFFF0]  }
0x100: {  	v21 =	vld [tilespmem:s17+$0xFFFFFFF0]  }
0x101: {  	v22 =	vld [tilespmem:s18+$0xFFFFFFF0]  }
0x102: {  	v11 =	vmul.f32 v11, v11;
	v12 =	vmul.f32 v12, v12;
	_ =	sdelay $0x1  }
0x103: {  	v23 =	vmul.f32 v20, v20;
	v11 =	vadd.f32 v12, v11;
	_ =	sdelay $0x1  }
0x104: {  	v11 =	vadd.f32 v23, v11;
	_ =	sdelay $0x1  }
0x105: {  	v24 =	vld.idx.msk [tilespmem:v21+s5+$0x0], $0xffff;
	v25 =	vmul.f32 $5.000000000e-01, v11;
	v26 =	vshra.s32 v11, $0x1  }
0x106: {  	v15 =	vld.idx.msk [tilespmem:v22+s5+$0x0], $0xffff;
	v14 =	vsub.s32 $0x5F3759DF, v26  }
0x107: {  	v27 =	vmul.f32 v14, v25;
	_ =	sdelay $0x1  }
0x108: {  	v16 =	vmul.f32 v14, v27  }
0x109: {  	v28 =	vand.u32 $0x7F, v24  }
0x10a: {  	v15 =	vand.u32 $0x7F, v15;
	v29 =	vshll.u32 v28, $0x4;
	v16 =	vsub.f32 $1.500000000e+00, v16  }
0x10b: {  	v30 =	vshll.u32 v15, $0x4;
	v18 =	vor.u32 v0, v29  }
0x10c: {  	v19 =	vor.u32 v0, v30;
	v14 =	vmul.f32 v14, v16;
	_ =	sdelay $0x1  }
0x10d: {  	v13 =	vmul.f32 v14, v25;
	_ =	sdelay $0x1  }
0x10e: {  	v31 =	vld.idx.msk [tilespmem:v18+s26+$0x0], $0xffff;
	v13 =	vmul.f32 v13, v14  }
0x10f: {  	v32 =	vld.idx.msk [tilespmem:v19+s26+$0x0], $0xffff  }
0x110: {  	v13 =	vsub.f32 $1.500000000e+00, v13;
	_ =	sdelay $0x1  }
0x111: {  	v13 =	vmul.f32 v13, v14;
	_ =	sdelay $0x1  }
0x112: {  	v33 =	vadd.f32 v32, v31;
	v11 =	vmul.f32 v13, v11;
	_ =	sdelay $0x1  }
0x113: {  	v11 =	vmul.f32 v11, v33;
	_ =	sdelay $0x1  }
0x114: {  	v14 =	vmul.f32 v11, v7  }
0x115: {  	v34 =	vmul.f32 v11, v8  }
0x116: {  	v14 =	vmul.f32 $1.442695020e+00, v14  }
0x117: {  	v35 =	vmul.f32 v11, v9;
	v16 =	vmul.f32 $1.442695020e+00, v34  }
0x118: {  	v11 =	vmul.f32 v11, v10;
	(erf) = vpow2.f32 v14  }
0x119: {  	v36 =	vmul.f32 $1.442695020e+00, v35;
	(erf) = vpow2.f32 v16;
	_ =	sdelay $0x1  }
0x11a: {  	v11 =	vmul.f32 $1.442695020e+00, v11;
	(erf) = vpow2.f32 v36;
	_ =	sdelay $0x1  }
0x11b: {  	(erf) = vpow2.f32 v11;
	_ =	sdelay $0x3  }
0x11c: {  	v11 =	vpop (erf)  }
0x11d: {  	v37 =	vpop (erf)  }
0x11e: {  	v11 =	vmul.f32 v11, v3;
	v14 =	vmul.f32 v37, v4  }
0x11f: {  	v39 =	vcvt.s32.f32 v28;
	v38 =	vpop (erf)  }
0x120: {  	v15 =	vcvt.s32.f32 v15;
	v16 =	vmul.f32 v38, v5;
	v11 =	vadd.f32 v14, v11  }
0x121: {  	v12 =	vshra.s32 v24, $0x7;
	v40 =	vpop (erf)  }
0x122: {  	v41 =	vmul.f32 v40, v6;
	v14 =	vmul.f32 v15, v39;
	v11 =	vadd.f32 v11, v16  }
0x123: {  	v12 =	vadd.s32 v2, v12  }
0x124: {  	v13 =	vmul.f32 v13, v14;
	v11 =	vadd.f32 v11, v41;
	_ =	sdelay $0x1  }
0x125: {  	v11 =	vmul.f32 v11, v13;
	_ =	sdelay $0x1  }
0x126: {  	[tilespmem:v12+s13+$0x0] =	vst.idx.add.f32.msk $0xffff, v11  }
0x127: {  	v11 =	vld [tilespmem:s19+$0x0]  }
0x128: {  	v12 =	vld [tilespmem:s20+$0x0];
	_ =	sdelay $0x1  }
0x129: {  	v42 =	vld [tilespmem:s23+$0x0]  }
0x12a: {  	v43 =	vld [tilespmem:s17+$0x0]  }
0x12b: {  	v44 =	vld [tilespmem:s18+$0x0]  }
0x12c: {  	v11 =	vmul.f32 v11, v11;
	v12 =	vmul.f32 v12, v12;
	_ =	sdelay $0x1  }
0x12d: {  	v45 =	vmul.f32 v42, v42;
	v11 =	vadd.f32 v12, v11;
	_ =	sdelay $0x1  }
0x12e: {  	v11 =	vadd.f32 v45, v11;
	_ =	sdelay $0x1  }
0x12f: {  	v46 =	vld.idx.msk [tilespmem:v43+s5+$0x0], $0xffff;
	v47 =	vmul.f32 $5.000000000e-01, v11;
	v48 =	vshra.s32 v11, $0x1  }
0x130: {  	v15 =	vld.idx.msk [tilespmem:v44+s5+$0x0], $0xffff;
	v14 =	vsub.s32 $0x5F3759DF, v48  }
0x131: {  	v49 =	vmul.f32 v14, v47;
	_ =	sdelay $0x1  }
0x132: {  	v16 =	vmul.f32 v14, v49  }
0x133: {  	v50 =	vand.u32 $0x7F, v46  }
0x134: {  	v15 =	vand.u32 $0x7F, v15;
	v51 =	vshll.u32 v50, $0x4;
	v16 =	vsub.f32 $1.500000000e+00, v16  }
0x135: {  	v52 =	vshll.u32 v15, $0x4;
	v18 =	vor.u32 v0, v51  }
0x136: {  	v19 =	vor.u32 v0, v52;
	v14 =	vmul.f32 v14, v16;
	_ =	sdelay $0x1  }
0x137: {  	v13 =	vmul.f32 v14, v47;
	_ =	sdelay $0x1  }
0x138: {  	v53 =	vld.idx.msk [tilespmem:v18+s26+$0x0], $0xffff;
	v13 =	vmul.f32 v13, v14  }
0x139: {  	v54 =	vld.idx.msk [tilespmem:v19+s26+$0x0], $0xffff  }
0x13a: {  	v13 =	vsub.f32 $1.500000000e+00, v13;
	_ =	sdelay $0x1  }
0x13b: {  	v13 =	vmul.f32 v13, v14;
	_ =	sdelay $0x1  }
0x13c: {  	v55 =	vadd.f32 v54, v53;
	v11 =	vmul.f32 v13, v11;
	_ =	sdelay $0x1  }
0x13d: {  	v11 =	vmul.f32 v11, v55;
	_ =	sdelay $0x1  }
0x13e: {  	v14 =	vmul.f32 v11, v7  }
0x13f: {  	v56 =	vmul.f32 v11, v8  }
0x140: {  	v14 =	vmul.f32 $1.442695020e+00, v14  }
0x141: {  	v57 =	vmul.f32 v11, v9;
	v16 =	vmul.f32 $1.442695020e+00, v56  }
0x142: {  	v11 =	vmul.f32 v11, v10;
	(erf) = vpow2.f32 v14  }
0x143: {  	v58 =	vmul.f32 $1.442695020e+00, v57;
	(erf) = vpow2.f32 v16;
	_ =	sdelay $0x1  }
0x144: {  	v11 =	vmul.f32 $1.442695020e+00, v11;
	(erf) = vpow2.f32 v58;
	_ =	sdelay $0x1  }
0x145: {  	(erf) = vpow2.f32 v11;
	_ =	sdelay $0x3  }
0x146: {  	v11 =	vpop (erf)  }
0x147: {  	v59 =	vpop (erf)  }
0x148: {  	v11 =	vmul.f32 v11, v3;
	v14 =	vmul.f32 v59, v4  }
0x149: {  	v61 =	vcvt.s32.f32 v50;
	v60 =	vpop (erf)  }
0x14a: {  	v15 =	vcvt.s32.f32 v15;
	v16 =	vmul.f32 v60, v5;
	v11 =	vadd.f32 v14, v11  }
0x14b: {  	v12 =	vshra.s32 v46, $0x7;
	v62 =	vpop (erf)  }
0x14c: {  	v63 =	vmul.f32 v62, v6;
	v14 =	vmul.f32 v15, v61;
	v11 =	vadd.f32 v11, v16  }
0x14d: {  	v12 =	vadd.s32 v2, v12  }
0x14e: {  	v13 =	vmul.f32 v13, v14;
	v11 =	vadd.f32 v11, v63;
	_ =	sdelay $0x1  }
0x14f: {  	v11 =	vmul.f32 v11, v13;
	_ =	sdelay $0x1  }
0x150: {  	[tilespmem:v12+s13+$0x0] =	vst.idx.add.f32.msk $0xffff, v11  }
0x151: {  	v11 =	vld [tilespmem:s19+$0x10]  }
0x152: {  	v12 =	vld [tilespmem:s20+$0x10];
	_ =	sdelay $0x1  }
0x153: {  	v20 =	vld [tilespmem:s23+$0x10]  }
0x154: {  	v21 =	vld [tilespmem:s17+$0x10]  }
0x155: {  	v22 =	vld [tilespmem:s18+$0x10]  }
0x156: {  	v11 =	vmul.f32 v11, v11;
	v12 =	vmul.f32 v12, v12;
	_ =	sdelay $0x1  }
0x157: {  	v23 =	vmul.f32 v20, v20;
	v11 =	vadd.f32 v12, v11;
	_ =	sdelay $0x1  }
0x158: {  	v11 =	vadd.f32 v23, v11;
	_ =	sdelay $0x1  }
0x159: {  	v24 =	vld.idx.msk [tilespmem:v21+s5+$0x0], $0xffff;
	v25 =	vmul.f32 $5.000000000e-01, v11;
	v26 =	vshra.s32 v11, $0x1  }
0x15a: {  	v15 =	vld.idx.msk [tilespmem:v22+s5+$0x0], $0xffff;
	v14 =	vsub.s32 $0x5F3759DF, v26  }
0x15b: {  	v27 =	vmul.f32 v14, v25;
	_ =	sdelay $0x1  }
0x15c: {  	v16 =	vmul.f32 v14, v27  }
0x15d: {  	v28 =	vand.u32 $0x7F, v24  }
0x15e: {  	v15 =	vand.u32 $0x7F, v15;
	v29 =	vshll.u32 v28, $0x4;
	v16 =	vsub.f32 $1.500000000e+00, v16  }
0x15f: {  	v30 =	vshll.u32 v15, $0x4;
	v18 =	vor.u32 v0, v29  }
0x160: {  	v19 =	vor.u32 v0, v30;
	v14 =	vmul.f32 v14, v16;
	_ =	sdelay $0x1  }
0x161: {  	v13 =	vmul.f32 v14, v25;
	_ =	sdelay $0x1  }
0x162: {  	v31 =	vld.idx.msk [tilespmem:v18+s26+$0x0], $0xffff;
	v13 =	vmul.f32 v13, v14  }
0x163: {  	v32 =	vld.idx.msk [tilespmem:v19+s26+$0x0], $0xffff  }
0x164: {  	v13 =	vsub.f32 $1.500000000e+00, v13;
	_ =	sdelay $0x1  }
0x165: {  	v13 =	vmul.f32 v13, v14;
	_ =	sdelay $0x1  }
0x166: {  	v33 =	vadd.f32 v32, v31;
	v11 =	vmul.f32 v13, v11;
	_ =	sdelay $0x1  }
0x167: {  	v11 =	vmul.f32 v11, v33;
	_ =	sdelay $0x1  }
0x168: {  	v14 =	vmul.f32 v11, v7  }
0x169: {  	v34 =	vmul.f32 v11, v8  }
0x16a: {  	v14 =	vmul.f32 $1.442695020e+00, v14  }
0x16b: {  	v35 =	vmul.f32 v11, v9;
	v16 =	vmul.f32 $1.442695020e+00, v34  }
0x16c: {  	v11 =	vmul.f32 v11, v10;
	(erf) = vpow2.f32 v14  }
0x16d: {  	v36 =	vmul.f32 $1.442695020e+00, v35;
	(erf) = vpow2.f32 v16;
	_ =	sdelay $0x1  }
0x16e: {  	v11 =	vmul.f32 $1.442695020e+00, v11;
	(erf) = vpow2.f32 v36;
	_ =	sdelay $0x1  }
0x16f: {  	(erf) = vpow2.f32 v11;
	_ =	sdelay $0x3  }
0x170: {  	v11 =	vpop (erf)  }
0x171: {  	v37 =	vpop (erf)  }
0x172: {  	v11 =	vmul.f32 v11, v3;
	v14 =	vmul.f32 v37, v4  }
0x173: {  	v39 =	vcvt.s32.f32 v28;
	v38 =	vpop (erf)  }
0x174: {  	v15 =	vcvt.s32.f32 v15;
	v16 =	vmul.f32 v38, v5;
	v11 =	vadd.f32 v14, v11  }
0x175: {  	v12 =	vshra.s32 v24, $0x7;
	v40 =	vpop (erf)  }
0x176: {  	v41 =	vmul.f32 v40, v6;
	v14 =	vmul.f32 v15, v39;
	v11 =	vadd.f32 v11, v16  }
0x177: {  	v12 =	vadd.s32 v2, v12  }
0x178: {  	v13 =	vmul.f32 v13, v14;
	v11 =	vadd.f32 v11, v41;
	_ =	sdelay $0x1  }
0x179: {  	v11 =	vmul.f32 v11, v13;
	_ =	sdelay $0x1  }
0x17a: {  	[tilespmem:v12+s13+$0x0] =	vst.idx.add.f32.msk $0xffff, v11  }
0x17b: {  	v11 =	vld [tilespmem:s19+$0x20]  }
0x17c: {  	v12 =	vld [tilespmem:s20+$0x20];
	_ =	sdelay $0x1  }
0x17d: {  	v42 =	vld [tilespmem:s23+$0x20]  }
0x17e: {  	v43 =	vld [tilespmem:s17+$0x20]  }
0x17f: {  	v44 =	vld [tilespmem:s18+$0x20]  }
0x180: {  	v11 =	vmul.f32 v11, v11;
	v12 =	vmul.f32 v12, v12;
	_ =	sdelay $0x1  }
0x181: {  	v45 =	vmul.f32 v42, v42;
	v11 =	vadd.f32 v12, v11;
	_ =	sdelay $0x1  }
0x182: {  	v11 =	vadd.f32 v45, v11;
	_ =	sdelay $0x1  }
0x183: {  	v46 =	vld.idx.msk [tilespmem:v43+s5+$0x0], $0xffff;
	v47 =	vmul.f32 $5.000000000e-01, v11;
	v48 =	vshra.s32 v11, $0x1  }
0x184: {  	v15 =	vld.idx.msk [tilespmem:v44+s5+$0x0], $0xffff;
	v14 =	vsub.s32 $0x5F3759DF, v48  }
0x185: {  	v49 =	vmul.f32 v14, v47;
	_ =	sdelay $0x1  }
0x186: {  	v16 =	vmul.f32 v14, v49  }
0x187: {  	v50 =	vand.u32 $0x7F, v46  }
0x188: {  	v15 =	vand.u32 $0x7F, v15;
	v51 =	vshll.u32 v50, $0x4;
	v16 =	vsub.f32 $1.500000000e+00, v16  }
0x189: {  	v52 =	vshll.u32 v15, $0x4;
	v18 =	vor.u32 v0, v51  }
0x18a: {  	v19 =	vor.u32 v0, v52;
	v14 =	vmul.f32 v14, v16;
	_ =	sdelay $0x1  }
0x18b: {  	v13 =	vmul.f32 v14, v47;
	_ =	sdelay $0x1  }
0x18c: {  	v53 =	vld.idx.msk [tilespmem:v18+s26+$0x0], $0xffff;
	v13 =	vmul.f32 v13, v14  }
0x18d: {  	v54 =	vld.idx.msk [tilespmem:v19+s26+$0x0], $0xffff  }
0x18e: {  	v13 =	vsub.f32 $1.500000000e+00, v13;
	_ =	sdelay $0x1  }
0x18f: {  	v13 =	vmul.f32 v13, v14;
	_ =	sdelay $0x1  }
0x190: {  	v55 =	vadd.f32 v54, v53;
	v11 =	vmul.f32 v13, v11;
	_ =	sdelay $0x1  }
0x191: {  	v11 =	vmul.f32 v11, v55;
	_ =	sdelay $0x1  }
0x192: {  	v14 =	vmul.f32 v11, v7  }
0x193: {  	v56 =	vmul.f32 v11, v8  }
0x194: {  	v14 =	vmul.f32 $1.442695020e+00, v14  }
0x195: {  	v57 =	vmul.f32 v11, v9;
	v16 =	vmul.f32 $1.442695020e+00, v56  }
0x196: {  	v11 =	vmul.f32 v11, v10;
	(erf) = vpow2.f32 v14  }
0x197: {  	v58 =	vmul.f32 $1.442695020e+00, v57;
	(erf) = vpow2.f32 v16;
	_ =	sdelay $0x1  }
0x198: {  	v11 =	vmul.f32 $1.442695020e+00, v11;
	(erf) = vpow2.f32 v58;
	_ =	sdelay $0x1  }
0x199: {  	(erf) = vpow2.f32 v11;
	_ =	sdelay $0x3  }
0x19a: {  	v11 =	vpop (erf)  }
0x19b: {  	v59 =	vpop (erf)  }
0x19c: {  	v11 =	vmul.f32 v11, v3;
	v14 =	vmul.f32 v59, v4  }
0x19d: {  	v61 =	vcvt.s32.f32 v50;
	v60 =	vpop (erf)  }
0x19e: {  	v15 =	vcvt.s32.f32 v15;
	v16 =	vmul.f32 v60, v5;
	v11 =	vadd.f32 v14, v11  }
0x19f: {  	v12 =	vshra.s32 v46, $0x7;
	v62 =	vpop (erf)  }
0x1a0: {  	v63 =	vmul.f32 v62, v6;
	v14 =	vmul.f32 v15, v61;
	v11 =	vadd.f32 v11, v16  }
0x1a1: {  	v12 =	vadd.s32 v2, v12  }
0x1a2: {  	v13 =	vmul.f32 v13, v14;
	v11 =	vadd.f32 v11, v63;
	_ =	sdelay $0x1  }
0x1a3: {  	v11 =	vmul.f32 v11, v13;
	_ =	sdelay $0x1  }
0x1a4: {  	s25 =	sand.u32 $0x7E0, s24;
	[tilespmem:v12+s13+$0x0] =	vst.idx.add.f32.msk $0xffff, v11  }
0x1a5: {  	v11 =	vld [tilespmem:s25+$0x19380]  }
0x1a6: {  	v12 =	vld [tilespmem:s25+$0x19700];
	_ =	sdelay $0x1  }
0x1a7: {  	v20 =	vld [tilespmem:s25+$0x19A80]  }
0x1a8: {  	v21 =	vld [tilespmem:s25+$0x19E00]  }
0x1a9: {  	v22 =	vld [tilespmem:s25+$0x1A180]  }
0x1aa: {  	v11 =	vmul.f32 v11, v11;
	v12 =	vmul.f32 v12, v12;
	_ =	sdelay $0x1  }
0x1ab: {  	v23 =	vmul.f32 v20, v20;
	v11 =	vadd.f32 v12, v11;
	_ =	sdelay $0x1  }
0x1ac: {  	v11 =	vadd.f32 v23, v11;
	_ =	sdelay $0x1  }
0x1ad: {  	v24 =	vld.idx.msk [tilespmem:v21+s5+$0x0], $0xffff;
	v25 =	vmul.f32 $5.000000000e-01, v11;
	v26 =	vshra.s32 v11, $0x1  }
0x1ae: {  	v15 =	vld.idx.msk [tilespmem:v22+s5+$0x0], $0xffff;
	v14 =	vsub.s32 $0x5F3759DF, v26  }
0x1af: {  	v27 =	vmul.f32 v14, v25;
	_ =	sdelay $0x1  }
0x1b0: {  	v16 =	vmul.f32 v14, v27  }
0x1b1: {  	v28 =	vand.u32 $0x7F, v24  }
0x1b2: {  	v15 =	vand.u32 $0x7F, v15;
	v29 =	vshll.u32 v28, $0x4;
	v16 =	vsub.f32 $1.500000000e+00, v16  }
0x1b3: {  	v30 =	vshll.u32 v15, $0x4;
	v18 =	vor.u32 v0, v29  }
0x1b4: {  	v19 =	vor.u32 v0, v30;
	v14 =	vmul.f32 v14, v16;
	_ =	sdelay $0x1  }
0x1b5: {  	v13 =	vmul.f32 v14, v25;
	_ =	sdelay $0x1  }
0x1b6: {  	v31 =	vld.idx.msk [tilespmem:v18+s26+$0x0], $0xffff;
	v13 =	vmul.f32 v13, v14  }
0x1b7: {  	v32 =	vld.idx.msk [tilespmem:v19+s26+$0x0], $0xffff  }
0x1b8: {  	v13 =	vsub.f32 $1.500000000e+00, v13;
	_ =	sdelay $0x1  }
0x1b9: {  	v13 =	vmul.f32 v13, v14;
	_ =	sdelay $0x1  }
0x1ba: {  	v33 =	vadd.f32 v32, v31;
	v11 =	vmul.f32 v13, v11;
	_ =	sdelay $0x1  }
0x1bb: {  	v11 =	vmul.f32 v11, v33;
	_ =	sdelay $0x1  }
0x1bc: {  	v14 =	vmul.f32 v11, v7  }
0x1bd: {  	v34 =	vmul.f32 v11, v8  }
0x1be: {  	v14 =	vmul.f32 $1.442695020e+00, v14  }
0x1bf: {  	v35 =	vmul.f32 v11, v9;
	v16 =	vmul.f32 $1.442695020e+00, v34  }
0x1c0: {  	v11 =	vmul.f32 v11, v10;
	(erf) = vpow2.f32 v14  }
0x1c1: {  	v36 =	vmul.f32 $1.442695020e+00, v35;
	(erf) = vpow2.f32 v16;
	_ =	sdelay $0x1  }
0x1c2: {  	v11 =	vmul.f32 $1.442695020e+00, v11;
	(erf) = vpow2.f32 v36;
	_ =	sdelay $0x1  }
0x1c3: {  	(erf) = vpow2.f32 v11;
	_ =	sdelay $0x3  }
0x1c4: {  	v11 =	vpop (erf)  }
0x1c5: {  	v37 =	vpop (erf)  }
0x1c6: {  	v11 =	vmul.f32 v11, v3;
	v14 =	vmul.f32 v37, v4  }
0x1c7: {  	v39 =	vcvt.s32.f32 v28;
	v38 =	vpop (erf)  }
0x1c8: {  	v15 =	vcvt.s32.f32 v15;
	v16 =	vmul.f32 v38, v5;
	v11 =	vadd.f32 v14, v11  }
0x1c9: {  	v12 =	vshra.s32 v24, $0x7;
	v40 =	vpop (erf)  }
0x1ca: {  	v41 =	vmul.f32 v40, v6;
	v14 =	vmul.f32 v15, v39;
	v11 =	vadd.f32 v11, v16  }
0x1cb: {  	v12 =	vadd.s32 v2, v12  }
0x1cc: {  	v13 =	vmul.f32 v13, v14;
	v11 =	vadd.f32 v11, v41;
	_ =	sdelay $0x1  }
0x1cd: {  	v11 =	vmul.f32 v11, v13;
	_ =	sdelay $0x1  }
0x1ce: {  	[tilespmem:v12+s13+$0x0] =	vst.idx.add.f32.msk $0xffff, v11  }
0x1cf: {  	v11 =	vld [tilespmem:s19+$0x40]  }
0x1d0: {  	v12 =	vld [tilespmem:s20+$0x40];
	_ =	sdelay $0x1  }
0x1d1: {  	v42 =	vld [tilespmem:s23+$0x40]  }
0x1d2: {  	v43 =	vld [tilespmem:s17+$0x40]  }
0x1d3: {  	v44 =	vld [tilespmem:s18+$0x40]  }
0x1d4: {  	v11 =	vmul.f32 v11, v11;
	v12 =	vmul.f32 v12, v12;
	_ =	sdelay $0x1  }
0x1d5: {  	v45 =	vmul.f32 v42, v42;
	v11 =	vadd.f32 v12, v11;
	_ =	sdelay $0x1  }
0x1d6: {  	v11 =	vadd.f32 v45, v11;
	_ =	sdelay $0x1  }
0x1d7: {  	v46 =	vld.idx.msk [tilespmem:v43+s5+$0x0], $0xffff;
	v47 =	vmul.f32 $5.000000000e-01, v11;
	v48 =	vshra.s32 v11, $0x1  }
0x1d8: {  	v15 =	vld.idx.msk [tilespmem:v44+s5+$0x0], $0xffff;
	v14 =	vsub.s32 $0x5F3759DF, v48  }
0x1d9: {  	v49 =	vmul.f32 v14, v47;
	_ =	sdelay $0x1  }
0x1da: {  	v16 =	vmul.f32 v14, v49  }
0x1db: {  	v50 =	vand.u32 $0x7F, v46  }
0x1dc: {  	v15 =	vand.u32 $0x7F, v15;
	v51 =	vshll.u32 v50, $0x4;
	v16 =	vsub.f32 $1.500000000e+00, v16  }
0x1dd: {  	v52 =	vshll.u32 v15, $0x4;
	v18 =	vor.u32 v0, v51  }
0x1de: {  	v19 =	vor.u32 v0, v52;
	v14 =	vmul.f32 v14, v16;
	_ =	sdelay $0x1  }
0x1df: {  	v13 =	vmul.f32 v14, v47;
	_ =	sdelay $0x1  }
0x1e0: {  	v53 =	vld.idx.msk [tilespmem:v18+s26+$0x0], $0xffff;
	v13 =	vmul.f32 v13, v14  }
0x1e1: {  	v54 =	vld.idx.msk [tilespmem:v19+s26+$0x0], $0xffff  }
0x1e2: {  	v13 =	vsub.f32 $1.500000000e+00, v13;
	_ =	sdelay $0x1  }
0x1e3: {  	v13 =	vmul.f32 v13, v14;
	_ =	sdelay $0x1  }
0x1e4: {  	v55 =	vadd.f32 v54, v53;
	v11 =	vmul.f32 v13, v11;
	_ =	sdelay $0x1  }
0x1e5: {  	v11 =	vmul.f32 v11, v55;
	_ =	sdelay $0x1  }
0x1e6: {  	v14 =	vmul.f32 v11, v7  }
0x1e7: {  	v56 =	vmul.f32 v11, v8  }
0x1e8: {  	v14 =	vmul.f32 $1.442695020e+00, v14  }
0x1e9: {  	v57 =	vmul.f32 v11, v9;
	v16 =	vmul.f32 $1.442695020e+00, v56  }
0x1ea: {  	v11 =	vmul.f32 v11, v10;
	(erf) = vpow2.f32 v14  }
0x1eb: {  	v58 =	vmul.f32 $1.442695020e+00, v57;
	(erf) = vpow2.f32 v16;
	_ =	sdelay $0x1  }
0x1ec: {  	v11 =	vmul.f32 $1.442695020e+00, v11;
	(erf) = vpow2.f32 v58;
	_ =	sdelay $0x1  }
0x1ed: {  	(erf) = vpow2.f32 v11;
	_ =	sdelay $0x3  }
0x1ee: {  	v11 =	vpop (erf)  }
0x1ef: {  	v59 =	vpop (erf)  }
0x1f0: {  	v11 =	vmul.f32 v11, v3;
	v14 =	vmul.f32 v59, v4  }
0x1f1: {  	v61 =	vcvt.s32.f32 v50;
	v60 =	vpop (erf)  }
0x1f2: {  	v15 =	vcvt.s32.f32 v15;
	v16 =	vmul.f32 v60, v5;
	v11 =	vadd.f32 v14, v11  }
0x1f3: {  	v12 =	vshra.s32 v46, $0x7;
	v62 =	vpop (erf)  }
0x1f4: {  	v63 =	vmul.f32 v62, v6;
	v14 =	vmul.f32 v15, v61;
	v11 =	vadd.f32 v11, v16  }
0x1f5: {  	p0 =	sne.s32 s24, $0x280;
	v12 =	vadd.s32 v2, v12  }
.Ltmp1:
0x1f6: {  	v13 =	vmul.f32 v13, v14;
	v11 =	vadd.f32 v11, v63;
	(pc) =	sbr.rel @p0 .LBB2_5-.Ltmp1, $4  }
0x1f7: {  	_ = 	snop  }
0x1f8: {  	v11 =	vmul.f32 v11, v13  }
0x1f9: {  	s24 =	sadd.s32 $0xA0, s24;
	s17 =	sadd.s32 $0xA0, s17;
	s18 =	sadd.s32 $0xA0, s18  }
0x1fa: {  	s19 =	sadd.s32 $0xA0, s19;
	s20 =	sadd.s32 $0xA0, s20;
	s23 =	sadd.s32 $0xA0, s23;
	[tilespmem:v12+s13+$0x0] =	vst.idx.add.f32.msk $0xffff, v11  }
0x1fb: {  	s17 =	smul.u32 $0x640, s16;
	_ =	sdelay $0x1  }
0x1fc: {  	s17 =	sadd.s32 s17, s21  }
0x1fd: {  	s18 =	sshrl.u32 s17, $0x3  }
0x1fe: {  	s17 =	simm.s32 $0x0;
	s19 =	sadd.s32 s2, s18  }
0x1ff: {  	[tilespmem:s29], [sflag:$0x1] =	stream.linear.gather [hbm4b:s19+s17], $0x320, $0x38;
	[tilespmem:$0x1F980] =	vst v63  }
0x200: {  	s23 =	sadd.s32 s4, s18  }
0x201: {  	[tilespmem:s30], [sflag:$0x1] =	stream.linear.gather [hbm4b:s23+s17], $0x320, $0x38;
	[tilespmem:$0x1F980] =	vst v63  }
0x202: {  	s24 =	sadd.s32 s8, s18  }
0x203: {  	[tilespmem:s31], [sflag:$0x1] =	stream.linear.gather [hbm4b:s24+s17], $0x320, $0x38;
	[tilespmem:$0x1F980] =	vst v63  }
0x204: {  	s25 =	sadd.s32 s9, s18  }
0x205: {  	[tilespmem:s0], [sflag:$0x1] =	stream.linear.gather [hbm4b:s25+s17], $0x320, $0x38;
	[tilespmem:$0x1F980] =	vst v63  }
0x206: {  	s18 =	sadd.s32 s10, s18  }
0x207: {  	[tilespmem:s3], [sflag:$0x1] =	stream.linear.gather [hbm4b:s18+s17], $0x320, $0x38;
	[tilespmem:$0x1F980] =	vst v63  }
0x208: {  	_ =	swait.ge [sflag:s14], $0x320  }
0x209: {  	[sflag:s14] =	ssyncset.done $0x0  }
0x20a: {  	[sflag:s14] =	ssyncadd.s32 $0xFFFFFCE0  }
0x20b: {  	_ =	swait.ge [sflag:s14], $0x320  }
0x20c: {  	[sflag:s14] =	ssyncset.done $0x0  }
0x20d: {  	[sflag:s14] =	ssyncadd.s32 $0xFFFFFCE0  }
0x20e: {  	_ =	swait.ge [sflag:s14], $0x320  }
0x20f: {  	[sflag:s14] =	ssyncset.done $0x0  }
0x210: {  	[sflag:s14] =	ssyncadd.s32 $0xFFFFFCE0  }
0x211: {  	_ =	swait.ge [sflag:s14], $0x320  }
0x212: {  	[sflag:s14] =	ssyncset.done $0x0  }
0x213: {  	[sflag:s14] =	ssyncadd.s32 $0xFFFFFCE0  }
0x214: {  	s20 =	simm.s32 $0x1A4D0;
	_ =	swait.ge [sflag:s14], $0x320  }
0x215: {  	s19 =	simm.s32 $0x1B2D0;
	s23 =	simm.s32 $0x1A850;
	[sflag:s14] =	ssyncset.done $0x0  }
0x216: {  	s24 =	simm.s32 $0x1ABD0;
	s18 =	simm.s32 $0x1AF50;
	[sflag:s14] =	ssyncadd.s32 $0xFFFFFCE0  }
.LBB2_7:
0x217: {  	v11 =	vld [tilespmem:s20+$0xFFFFFFB0]  }
0x218: {  	v12 =	vld [tilespmem:s23+$0xFFFFFFB0];
	_ =	sdelay $0x1  }
0x219: {  	v13 =	vld [tilespmem:s24+$0xFFFFFFB0]  }
0x21a: {  	v14 =	vld [tilespmem:s18+$0xFFFFFFB0]  }
0x21b: {  	v15 =	vld [tilespmem:s19+$0xFFFFFFB0]  }
0x21c: {  	v11 =	vmul.f32 v11, v11;
	v12 =	vmul.f32 v12, v12;
	_ =	sdelay $0x1  }
0x21d: {  	v27 =	vmul.f32 v13, v13;
	v11 =	vadd.f32 v12, v11;
	_ =	sdelay $0x1  }
0x21e: {  	v11 =	vadd.f32 v27, v11;
	_ =	sdelay $0x1  }
0x21f: {  	v28 =	vld.idx.msk [tilespmem:v14+s5+$0x0], $0xffff;
	v29 =	vmul.f32 $5.000000000e-01, v11;
	v30 =	vshra.s32 v11, $0x1  }
0x220: {  	v15 =	vld.idx.msk [tilespmem:v15+s5+$0x0], $0xffff;
	v14 =	vsub.s32 $0x5F3759DF, v30  }
0x221: {  	v16 =	vmul.f32 v14, v29;
	_ =	sdelay $0x1  }
0x222: {  	v16 =	vmul.f32 v14, v16  }
0x223: {  	v17 =	vand.u32 $0x7F, v28  }
0x224: {  	v15 =	vand.u32 $0x7F, v15;
	v18 =	vshll.u32 v17, $0x4;
	v16 =	vsub.f32 $1.500000000e+00, v16  }
0x225: {  	v19 =	vshll.u32 v15, $0x4;
	v18 =	vor.u32 v0, v18  }
0x226: {  	v19 =	vor.u32 v0, v19;
	v14 =	vmul.f32 v14, v16;
	_ =	sdelay $0x1  }
0x227: {  	v13 =	vmul.f32 v14, v29;
	_ =	sdelay $0x1  }
0x228: {  	v31 =	vld.idx.msk [tilespmem:v18+s26+$0x0], $0xffff;
	v13 =	vmul.f32 v13, v14  }
0x229: {  	v32 =	vld.idx.msk [tilespmem:v19+s26+$0x0], $0xffff  }
0x22a: {  	v13 =	vsub.f32 $1.500000000e+00, v13;
	_ =	sdelay $0x1  }
0x22b: {  	v13 =	vmul.f32 v13, v14;
	_ =	sdelay $0x1  }
0x22c: {  	v33 =	vadd.f32 v32, v31;
	v11 =	vmul.f32 v13, v11;
	_ =	sdelay $0x1  }
0x22d: {  	v11 =	vmul.f32 v11, v33;
	_ =	sdelay $0x1  }
0x22e: {  	v14 =	vmul.f32 v11, v7  }
0x22f: {  	v34 =	vmul.f32 v11, v8  }
0x230: {  	v14 =	vmul.f32 $1.442695020e+00, v14  }
0x231: {  	v35 =	vmul.f32 v11, v9;
	v16 =	vmul.f32 $1.442695020e+00, v34  }
0x232: {  	v11 =	vmul.f32 v11, v10;
	(erf) = vpow2.f32 v14  }
0x233: {  	v36 =	vmul.f32 $1.442695020e+00, v35;
	(erf) = vpow2.f32 v16;
	_ =	sdelay $0x1  }
0x234: {  	v11 =	vmul.f32 $1.442695020e+00, v11;
	(erf) = vpow2.f32 v36;
	_ =	sdelay $0x1  }
0x235: {  	(erf) = vpow2.f32 v11;
	_ =	sdelay $0x3  }
0x236: {  	v11 =	vpop (erf)  }
0x237: {  	v37 =	vpop (erf)  }
0x238: {  	v11 =	vmul.f32 v11, v3;
	v14 =	vmul.f32 v37, v4  }
0x239: {  	v39 =	vcvt.s32.f32 v17;
	v38 =	vpop (erf)  }
0x23a: {  	v15 =	vcvt.s32.f32 v15;
	v16 =	vmul.f32 v38, v5;
	v11 =	vadd.f32 v14, v11  }
0x23b: {  	v12 =	vshra.s32 v28, $0x7;
	v40 =	vpop (erf)  }
0x23c: {  	v41 =	vmul.f32 v40, v6;
	v14 =	vmul.f32 v15, v39;
	v11 =	vadd.f32 v11, v16  }
0x23d: {  	v12 =	vadd.s32 v2, v12  }
0x23e: {  	v13 =	vmul.f32 v13, v14;
	v11 =	vadd.f32 v11, v41;
	_ =	sdelay $0x1  }
0x23f: {  	v11 =	vmul.f32 v11, v13;
	_ =	sdelay $0x1  }
0x240: {  	[tilespmem:v12+s13+$0x0] =	vst.idx.add.f32.msk $0xffff, v11  }
0x241: {  	v11 =	vld [tilespmem:s20+$0xFFFFFFC0]  }
0x242: {  	v12 =	vld [tilespmem:s23+$0xFFFFFFC0];
	_ =	sdelay $0x1  }
0x243: {  	v42 =	vld [tilespmem:s24+$0xFFFFFFC0]  }
0x244: {  	v43 =	vld [tilespmem:s18+$0xFFFFFFC0]  }
0x245: {  	v44 =	vld [tilespmem:s19+$0xFFFFFFC0]  }
0x246: {  	v11 =	vmul.f32 v11, v11;
	v12 =	vmul.f32 v12, v12;
	_ =	sdelay $0x1  }
0x247: {  	v45 =	vmul.f32 v42, v42;
	v11 =	vadd.f32 v12, v11;
	_ =	sdelay $0x1  }
0x248: {  	v11 =	vadd.f32 v45, v11;
	_ =	sdelay $0x1  }
0x249: {  	v46 =	vld.idx.msk [tilespmem:v43+s5+$0x0], $0xffff;
	v47 =	vmul.f32 $5.000000000e-01, v11;
	v48 =	vshra.s32 v11, $0x1  }
0x24a: {  	v15 =	vld.idx.msk [tilespmem:v44+s5+$0x0], $0xffff;
	v14 =	vsub.s32 $0x5F3759DF, v48  }
0x24b: {  	v49 =	vmul.f32 v14, v47;
	_ =	sdelay $0x1  }
0x24c: {  	v16 =	vmul.f32 v14, v49  }
0x24d: {  	v50 =	vand.u32 $0x7F, v46  }
0x24e: {  	v15 =	vand.u32 $0x7F, v15;
	v51 =	vshll.u32 v50, $0x4;
	v16 =	vsub.f32 $1.500000000e+00, v16  }
0x24f: {  	v52 =	vshll.u32 v15, $0x4;
	v18 =	vor.u32 v0, v51  }
0x250: {  	v19 =	vor.u32 v0, v52;
	v14 =	vmul.f32 v14, v16;
	_ =	sdelay $0x1  }
0x251: {  	v13 =	vmul.f32 v14, v47;
	_ =	sdelay $0x1  }
0x252: {  	v53 =	vld.idx.msk [tilespmem:v18+s26+$0x0], $0xffff;
	v13 =	vmul.f32 v13, v14  }
0x253: {  	v54 =	vld.idx.msk [tilespmem:v19+s26+$0x0], $0xffff  }
0x254: {  	v13 =	vsub.f32 $1.500000000e+00, v13;
	_ =	sdelay $0x1  }
0x255: {  	v13 =	vmul.f32 v13, v14;
	_ =	sdelay $0x1  }
0x256: {  	v55 =	vadd.f32 v54, v53;
	v11 =	vmul.f32 v13, v11;
	_ =	sdelay $0x1  }
0x257: {  	v11 =	vmul.f32 v11, v55;
	_ =	sdelay $0x1  }
0x258: {  	v14 =	vmul.f32 v11, v7  }
0x259: {  	v56 =	vmul.f32 v11, v8  }
0x25a: {  	v14 =	vmul.f32 $1.442695020e+00, v14  }
0x25b: {  	v57 =	vmul.f32 v11, v9;
	v16 =	vmul.f32 $1.442695020e+00, v56  }
0x25c: {  	v11 =	vmul.f32 v11, v10;
	(erf) = vpow2.f32 v14  }
0x25d: {  	v58 =	vmul.f32 $1.442695020e+00, v57;
	(erf) = vpow2.f32 v16;
	_ =	sdelay $0x1  }
0x25e: {  	v11 =	vmul.f32 $1.442695020e+00, v11;
	(erf) = vpow2.f32 v58;
	_ =	sdelay $0x1  }
0x25f: {  	(erf) = vpow2.f32 v11;
	_ =	sdelay $0x3  }
0x260: {  	v11 =	vpop (erf)  }
0x261: {  	v59 =	vpop (erf)  }
0x262: {  	v11 =	vmul.f32 v11, v3;
	v14 =	vmul.f32 v59, v4  }
0x263: {  	v61 =	vcvt.s32.f32 v50;
	v60 =	vpop (erf)  }
0x264: {  	v15 =	vcvt.s32.f32 v15;
	v16 =	vmul.f32 v60, v5;
	v11 =	vadd.f32 v14, v11  }
0x265: {  	v12 =	vshra.s32 v46, $0x7;
	v62 =	vpop (erf)  }
0x266: {  	v63 =	vmul.f32 v62, v6;
	v14 =	vmul.f32 v15, v61;
	v11 =	vadd.f32 v11, v16  }
0x267: {  	v12 =	vadd.s32 v2, v12  }
0x268: {  	v13 =	vmul.f32 v13, v14;
	v11 =	vadd.f32 v11, v63;
	_ =	sdelay $0x1  }
0x269: {  	v11 =	vmul.f32 v11, v13;
	_ =	sdelay $0x1  }
0x26a: {  	[tilespmem:v12+s13+$0x0] =	vst.idx.add.f32.msk $0xffff, v11  }
0x26b: {  	v11 =	vld [tilespmem:s20+$0xFFFFFFD0]  }
0x26c: {  	v12 =	vld [tilespmem:s23+$0xFFFFFFD0];
	_ =	sdelay $0x1  }
0x26d: {  	v20 =	vld [tilespmem:s24+$0xFFFFFFD0]  }
0x26e: {  	v21 =	vld [tilespmem:s18+$0xFFFFFFD0]  }
0x26f: {  	v22 =	vld [tilespmem:s19+$0xFFFFFFD0]  }
0x270: {  	v11 =	vmul.f32 v11, v11;
	v12 =	vmul.f32 v12, v12;
	_ =	sdelay $0x1  }
0x271: {  	v23 =	vmul.f32 v20, v20;
	v11 =	vadd.f32 v12, v11;
	_ =	sdelay $0x1  }
0x272: {  	v11 =	vadd.f32 v23, v11;
	_ =	sdelay $0x1  }
0x273: {  	v24 =	vld.idx.msk [tilespmem:v21+s5+$0x0], $0xffff;
	v25 =	vmul.f32 $5.000000000e-01, v11;
	v26 =	vshra.s32 v11, $0x1  }
0x274: {  	v15 =	vld.idx.msk [tilespmem:v22+s5+$0x0], $0xffff;
	v14 =	vsub.s32 $0x5F3759DF, v26  }
0x275: {  	v27 =	vmul.f32 v14, v25;
	_ =	sdelay $0x1  }
0x276: {  	v16 =	vmul.f32 v14, v27  }
0x277: {  	v28 =	vand.u32 $0x7F, v24  }
0x278: {  	v15 =	vand.u32 $0x7F, v15;
	v29 =	vshll.u32 v28, $0x4;
	v16 =	vsub.f32 $1.500000000e+00, v16  }
0x279: {  	v30 =	vshll.u32 v15, $0x4;
	v18 =	vor.u32 v0, v29  }
0x27a: {  	v19 =	vor.u32 v0, v30;
	v14 =	vmul.f32 v14, v16;
	_ =	sdelay $0x1  }
0x27b: {  	v13 =	vmul.f32 v14, v25;
	_ =	sdelay $0x1  }
0x27c: {  	v31 =	vld.idx.msk [tilespmem:v18+s26+$0x0], $0xffff;
	v13 =	vmul.f32 v13, v14  }
0x27d: {  	v32 =	vld.idx.msk [tilespmem:v19+s26+$0x0], $0xffff  }
0x27e: {  	v13 =	vsub.f32 $1.500000000e+00, v13;
	_ =	sdelay $0x1  }
0x27f: {  	v13 =	vmul.f32 v13, v14;
	_ =	sdelay $0x1  }
0x280: {  	v33 =	vadd.f32 v32, v31;
	v11 =	vmul.f32 v13, v11;
	_ =	sdelay $0x1  }
0x281: {  	v11 =	vmul.f32 v11, v33;
	_ =	sdelay $0x1  }
0x282: {  	v14 =	vmul.f32 v11, v7  }
0x283: {  	v34 =	vmul.f32 v11, v8  }
0x284: {  	v14 =	vmul.f32 $1.442695020e+00, v14  }
0x285: {  	v35 =	vmul.f32 v11, v9;
	v16 =	vmul.f32 $1.442695020e+00, v34  }
0x286: {  	v11 =	vmul.f32 v11, v10;
	(erf) = vpow2.f32 v14  }
0x287: {  	v36 =	vmul.f32 $1.442695020e+00, v35;
	(erf) = vpow2.f32 v16;
	_ =	sdelay $0x1  }
0x288: {  	v11 =	vmul.f32 $1.442695020e+00, v11;
	(erf) = vpow2.f32 v36;
	_ =	sdelay $0x1  }
0x289: {  	(erf) = vpow2.f32 v11;
	_ =	sdelay $0x3  }
0x28a: {  	v11 =	vpop (erf)  }
0x28b: {  	v37 =	vpop (erf)  }
0x28c: {  	v11 =	vmul.f32 v11, v3;
	v14 =	vmul.f32 v37, v4  }
0x28d: {  	v39 =	vcvt.s32.f32 v28;
	v38 =	vpop (erf)  }
0x28e: {  	v15 =	vcvt.s32.f32 v15;
	v16 =	vmul.f32 v38, v5;
	v11 =	vadd.f32 v14, v11  }
0x28f: {  	v12 =	vshra.s32 v24, $0x7;
	v40 =	vpop (erf)  }
0x290: {  	v41 =	vmul.f32 v40, v6;
	v14 =	vmul.f32 v15, v39;
	v11 =	vadd.f32 v11, v16  }
0x291: {  	v12 =	vadd.s32 v2, v12  }
0x292: {  	v13 =	vmul.f32 v13, v14;
	v11 =	vadd.f32 v11, v41;
	_ =	sdelay $0x1  }
0x293: {  	v11 =	vmul.f32 v11, v13;
	_ =	sdelay $0x1  }
0x294: {  	[tilespmem:v12+s13+$0x0] =	vst.idx.add.f32.msk $0xffff, v11  }
0x295: {  	v11 =	vld [tilespmem:s20+$0xFFFFFFE0]  }
0x296: {  	v12 =	vld [tilespmem:s23+$0xFFFFFFE0];
	_ =	sdelay $0x1  }
0x297: {  	v42 =	vld [tilespmem:s24+$0xFFFFFFE0]  }
0x298: {  	v43 =	vld [tilespmem:s18+$0xFFFFFFE0]  }
0x299: {  	v44 =	vld [tilespmem:s19+$0xFFFFFFE0]  }
0x29a: {  	v11 =	vmul.f32 v11, v11;
	v12 =	vmul.f32 v12, v12;
	_ =	sdelay $0x1  }
0x29b: {  	v45 =	vmul.f32 v42, v42;
	v11 =	vadd.f32 v12, v11;
	_ =	sdelay $0x1  }
0x29c: {  	v11 =	vadd.f32 v45, v11;
	_ =	sdelay $0x1  }
0x29d: {  	v46 =	vld.idx.msk [tilespmem:v43+s5+$0x0], $0xffff;
	v47 =	vmul.f32 $5.000000000e-01, v11;
	v48 =	vshra.s32 v11, $0x1  }
0x29e: {  	v15 =	vld.idx.msk [tilespmem:v44+s5+$0x0], $0xffff;
	v14 =	vsub.s32 $0x5F3759DF, v48  }
0x29f: {  	v49 =	vmul.f32 v14, v47;
	_ =	sdelay $0x1  }
0x2a0: {  	v16 =	vmul.f32 v14, v49  }
0x2a1: {  	v50 =	vand.u32 $0x7F, v46  }
0x2a2: {  	v15 =	vand.u32 $0x7F, v15;
	v51 =	vshll.u32 v50, $0x4;
	v16 =	vsub.f32 $1.500000000e+00, v16  }
0x2a3: {  	v52 =	vshll.u32 v15, $0x4;
	v18 =	vor.u32 v0, v51  }
0x2a4: {  	v19 =	vor.u32 v0, v52;
	v14 =	vmul.f32 v14, v16;
	_ =	sdelay $0x1  }
0x2a5: {  	v13 =	vmul.f32 v14, v47;
	_ =	sdelay $0x1  }
0x2a6: {  	v53 =	vld.idx.msk [tilespmem:v18+s26+$0x0], $0xffff;
	v13 =	vmul.f32 v13, v14  }
0x2a7: {  	v54 =	vld.idx.msk [tilespmem:v19+s26+$0x0], $0xffff  }
0x2a8: {  	v13 =	vsub.f32 $1.500000000e+00, v13;
	_ =	sdelay $0x1  }
0x2a9: {  	v13 =	vmul.f32 v13, v14;
	_ =	sdelay $0x1  }
0x2aa: {  	v55 =	vadd.f32 v54, v53;
	v11 =	vmul.f32 v13, v11;
	_ =	sdelay $0x1  }
0x2ab: {  	v11 =	vmul.f32 v11, v55;
	_ =	sdelay $0x1  }
0x2ac: {  	v14 =	vmul.f32 v11, v7  }
0x2ad: {  	v56 =	vmul.f32 v11, v8  }
0x2ae: {  	v14 =	vmul.f32 $1.442695020e+00, v14  }
0x2af: {  	v57 =	vmul.f32 v11, v9;
	v16 =	vmul.f32 $1.442695020e+00, v56  }
0x2b0: {  	v11 =	vmul.f32 v11, v10;
	(erf) = vpow2.f32 v14  }
0x2b1: {  	v58 =	vmul.f32 $1.442695020e+00, v57;
	(erf) = vpow2.f32 v16;
	_ =	sdelay $0x1  }
0x2b2: {  	v11 =	vmul.f32 $1.442695020e+00, v11;
	(erf) = vpow2.f32 v58;
	_ =	sdelay $0x1  }
0x2b3: {  	(erf) = vpow2.f32 v11;
	_ =	sdelay $0x3  }
0x2b4: {  	v11 =	vpop (erf)  }
0x2b5: {  	v59 =	vpop (erf)  }
0x2b6: {  	v11 =	vmul.f32 v11, v3;
	v14 =	vmul.f32 v59, v4  }
0x2b7: {  	v61 =	vcvt.s32.f32 v50;
	v60 =	vpop (erf)  }
0x2b8: {  	v15 =	vcvt.s32.f32 v15;
	v16 =	vmul.f32 v60, v5;
	v11 =	vadd.f32 v14, v11  }
0x2b9: {  	v12 =	vshra.s32 v46, $0x7;
	v62 =	vpop (erf)  }
0x2ba: {  	v63 =	vmul.f32 v62, v6;
	v14 =	vmul.f32 v15, v61;
	v11 =	vadd.f32 v11, v16  }
0x2bb: {  	v12 =	vadd.s32 v2, v12  }
0x2bc: {  	v13 =	vmul.f32 v13, v14;
	v11 =	vadd.f32 v11, v63;
	_ =	sdelay $0x1  }
0x2bd: {  	v11 =	vmul.f32 v11, v13;
	_ =	sdelay $0x1  }
0x2be: {  	[tilespmem:v12+s13+$0x0] =	vst.idx.add.f32.msk $0xffff, v11  }
0x2bf: {  	v11 =	vld [tilespmem:s20+$0xFFFFFFF0]  }
0x2c0: {  	v12 =	vld [tilespmem:s23+$0xFFFFFFF0];
	_ =	sdelay $0x1  }
0x2c1: {  	v20 =	vld [tilespmem:s24+$0xFFFFFFF0]  }
0x2c2: {  	v21 =	vld [tilespmem:s18+$0xFFFFFFF0]  }
0x2c3: {  	v22 =	vld [tilespmem:s19+$0xFFFFFFF0]  }
0x2c4: {  	v11 =	vmul.f32 v11, v11;
	v12 =	vmul.f32 v12, v12;
	_ =	sdelay $0x1  }
0x2c5: {  	v23 =	vmul.f32 v20, v20;
	v11 =	vadd.f32 v12, v11;
	_ =	sdelay $0x1  }
0x2c6: {  	v11 =	vadd.f32 v23, v11;
	_ =	sdelay $0x1  }
0x2c7: {  	v24 =	vld.idx.msk [tilespmem:v21+s5+$0x0], $0xffff;
	v25 =	vmul.f32 $5.000000000e-01, v11;
	v26 =	vshra.s32 v11, $0x1  }
0x2c8: {  	v15 =	vld.idx.msk [tilespmem:v22+s5+$0x0], $0xffff;
	v14 =	vsub.s32 $0x5F3759DF, v26  }
0x2c9: {  	v27 =	vmul.f32 v14, v25;
	_ =	sdelay $0x1  }
0x2ca: {  	v16 =	vmul.f32 v14, v27  }
0x2cb: {  	v28 =	vand.u32 $0x7F, v24  }
0x2cc: {  	v15 =	vand.u32 $0x7F, v15;
	v29 =	vshll.u32 v28, $0x4;
	v16 =	vsub.f32 $1.500000000e+00, v16  }
0x2cd: {  	v30 =	vshll.u32 v15, $0x4;
	v18 =	vor.u32 v0, v29  }
0x2ce: {  	v19 =	vor.u32 v0, v30;
	v14 =	vmul.f32 v14, v16;
	_ =	sdelay $0x1  }
0x2cf: {  	v13 =	vmul.f32 v14, v25;
	_ =	sdelay $0x1  }
0x2d0: {  	v31 =	vld.idx.msk [tilespmem:v18+s26+$0x0], $0xffff;
	v13 =	vmul.f32 v13, v14  }
0x2d1: {  	v32 =	vld.idx.msk [tilespmem:v19+s26+$0x0], $0xffff  }
0x2d2: {  	v13 =	vsub.f32 $1.500000000e+00, v13;
	_ =	sdelay $0x1  }
0x2d3: {  	v13 =	vmul.f32 v13, v14;
	_ =	sdelay $0x1  }
0x2d4: {  	v33 =	vadd.f32 v32, v31;
	v11 =	vmul.f32 v13, v11;
	_ =	sdelay $0x1  }
0x2d5: {  	v11 =	vmul.f32 v11, v33;
	_ =	sdelay $0x1  }
0x2d6: {  	v14 =	vmul.f32 v11, v7  }
0x2d7: {  	v34 =	vmul.f32 v11, v8  }
0x2d8: {  	v14 =	vmul.f32 $1.442695020e+00, v14  }
0x2d9: {  	v35 =	vmul.f32 v11, v9;
	v16 =	vmul.f32 $1.442695020e+00, v34  }
0x2da: {  	v11 =	vmul.f32 v11, v10;
	(erf) = vpow2.f32 v14  }
0x2db: {  	v36 =	vmul.f32 $1.442695020e+00, v35;
	(erf) = vpow2.f32 v16;
	_ =	sdelay $0x1  }
0x2dc: {  	v11 =	vmul.f32 $1.442695020e+00, v11;
	(erf) = vpow2.f32 v36;
	_ =	sdelay $0x1  }
0x2dd: {  	(erf) = vpow2.f32 v11;
	_ =	sdelay $0x3  }
0x2de: {  	v11 =	vpop (erf)  }
0x2df: {  	v37 =	vpop (erf)  }
0x2e0: {  	v11 =	vmul.f32 v11, v3;
	v14 =	vmul.f32 v37, v4  }
0x2e1: {  	v39 =	vcvt.s32.f32 v28;
	v38 =	vpop (erf)  }
0x2e2: {  	v15 =	vcvt.s32.f32 v15;
	v16 =	vmul.f32 v38, v5;
	v11 =	vadd.f32 v14, v11  }
0x2e3: {  	v12 =	vshra.s32 v24, $0x7;
	v40 =	vpop (erf)  }
0x2e4: {  	v41 =	vmul.f32 v40, v6;
	v14 =	vmul.f32 v15, v39;
	v11 =	vadd.f32 v11, v16  }
0x2e5: {  	v12 =	vadd.s32 v2, v12  }
0x2e6: {  	v13 =	vmul.f32 v13, v14;
	v11 =	vadd.f32 v11, v41;
	_ =	sdelay $0x1  }
0x2e7: {  	v11 =	vmul.f32 v11, v13;
	_ =	sdelay $0x1  }
0x2e8: {  	[tilespmem:v12+s13+$0x0] =	vst.idx.add.f32.msk $0xffff, v11  }
0x2e9: {  	v11 =	vld [tilespmem:s20+$0x0]  }
0x2ea: {  	v12 =	vld [tilespmem:s23+$0x0];
	_ =	sdelay $0x1  }
0x2eb: {  	v42 =	vld [tilespmem:s24+$0x0]  }
0x2ec: {  	v43 =	vld [tilespmem:s18+$0x0]  }
0x2ed: {  	v44 =	vld [tilespmem:s19+$0x0]  }
0x2ee: {  	v11 =	vmul.f32 v11, v11;
	v12 =	vmul.f32 v12, v12;
	_ =	sdelay $0x1  }
0x2ef: {  	v45 =	vmul.f32 v42, v42;
	v11 =	vadd.f32 v12, v11;
	_ =	sdelay $0x1  }
0x2f0: {  	v11 =	vadd.f32 v45, v11;
	_ =	sdelay $0x1  }
0x2f1: {  	v46 =	vld.idx.msk [tilespmem:v43+s5+$0x0], $0xffff;
	v47 =	vmul.f32 $5.000000000e-01, v11;
	v48 =	vshra.s32 v11, $0x1  }
0x2f2: {  	v15 =	vld.idx.msk [tilespmem:v44+s5+$0x0], $0xffff;
	v14 =	vsub.s32 $0x5F3759DF, v48  }
0x2f3: {  	v49 =	vmul.f32 v14, v47;
	_ =	sdelay $0x1  }
0x2f4: {  	v16 =	vmul.f32 v14, v49  }
0x2f5: {  	v50 =	vand.u32 $0x7F, v46  }
0x2f6: {  	v15 =	vand.u32 $0x7F, v15;
	v51 =	vshll.u32 v50, $0x4;
	v16 =	vsub.f32 $1.500000000e+00, v16  }
0x2f7: {  	v52 =	vshll.u32 v15, $0x4;
	v18 =	vor.u32 v0, v51  }
0x2f8: {  	v19 =	vor.u32 v0, v52;
	v14 =	vmul.f32 v14, v16;
	_ =	sdelay $0x1  }
0x2f9: {  	v13 =	vmul.f32 v14, v47;
	_ =	sdelay $0x1  }
0x2fa: {  	v53 =	vld.idx.msk [tilespmem:v18+s26+$0x0], $0xffff;
	v13 =	vmul.f32 v13, v14  }
0x2fb: {  	v54 =	vld.idx.msk [tilespmem:v19+s26+$0x0], $0xffff  }
0x2fc: {  	v13 =	vsub.f32 $1.500000000e+00, v13;
	_ =	sdelay $0x1  }
0x2fd: {  	v13 =	vmul.f32 v13, v14;
	_ =	sdelay $0x1  }
0x2fe: {  	v55 =	vadd.f32 v54, v53;
	v11 =	vmul.f32 v13, v11;
	_ =	sdelay $0x1  }
0x2ff: {  	v11 =	vmul.f32 v11, v55;
	_ =	sdelay $0x1  }
0x300: {  	v14 =	vmul.f32 v11, v7  }
0x301: {  	v56 =	vmul.f32 v11, v8  }
0x302: {  	v14 =	vmul.f32 $1.442695020e+00, v14  }
0x303: {  	v57 =	vmul.f32 v11, v9;
	v16 =	vmul.f32 $1.442695020e+00, v56  }
0x304: {  	v11 =	vmul.f32 v11, v10;
	(erf) = vpow2.f32 v14  }
0x305: {  	v58 =	vmul.f32 $1.442695020e+00, v57;
	(erf) = vpow2.f32 v16;
	_ =	sdelay $0x1  }
0x306: {  	v11 =	vmul.f32 $1.442695020e+00, v11;
	(erf) = vpow2.f32 v58;
	_ =	sdelay $0x1  }
0x307: {  	(erf) = vpow2.f32 v11;
	_ =	sdelay $0x3  }
0x308: {  	v11 =	vpop (erf)  }
0x309: {  	v59 =	vpop (erf)  }
0x30a: {  	v11 =	vmul.f32 v11, v3;
	v14 =	vmul.f32 v59, v4  }
0x30b: {  	v61 =	vcvt.s32.f32 v50;
	v60 =	vpop (erf)  }
0x30c: {  	v15 =	vcvt.s32.f32 v15;
	v16 =	vmul.f32 v60, v5;
	v11 =	vadd.f32 v14, v11  }
0x30d: {  	v12 =	vshra.s32 v46, $0x7;
	v62 =	vpop (erf)  }
0x30e: {  	v63 =	vmul.f32 v62, v6;
	v14 =	vmul.f32 v15, v61;
	v11 =	vadd.f32 v11, v16  }
0x30f: {  	v12 =	vadd.s32 v2, v12  }
0x310: {  	v13 =	vmul.f32 v13, v14;
	v11 =	vadd.f32 v11, v63;
	_ =	sdelay $0x1  }
0x311: {  	v11 =	vmul.f32 v11, v13;
	_ =	sdelay $0x1  }
0x312: {  	[tilespmem:v12+s13+$0x0] =	vst.idx.add.f32.msk $0xffff, v11  }
0x313: {  	v11 =	vld [tilespmem:s20+$0x10]  }
0x314: {  	v12 =	vld [tilespmem:s23+$0x10];
	_ =	sdelay $0x1  }
0x315: {  	v20 =	vld [tilespmem:s24+$0x10]  }
0x316: {  	v21 =	vld [tilespmem:s18+$0x10]  }
0x317: {  	v22 =	vld [tilespmem:s19+$0x10]  }
0x318: {  	v11 =	vmul.f32 v11, v11;
	v12 =	vmul.f32 v12, v12;
	_ =	sdelay $0x1  }
0x319: {  	v23 =	vmul.f32 v20, v20;
	v11 =	vadd.f32 v12, v11;
	_ =	sdelay $0x1  }
0x31a: {  	v11 =	vadd.f32 v23, v11;
	_ =	sdelay $0x1  }
0x31b: {  	v24 =	vld.idx.msk [tilespmem:v21+s5+$0x0], $0xffff;
	v25 =	vmul.f32 $5.000000000e-01, v11;
	v26 =	vshra.s32 v11, $0x1  }
0x31c: {  	v15 =	vld.idx.msk [tilespmem:v22+s5+$0x0], $0xffff;
	v14 =	vsub.s32 $0x5F3759DF, v26  }
0x31d: {  	v27 =	vmul.f32 v14, v25;
	_ =	sdelay $0x1  }
0x31e: {  	v16 =	vmul.f32 v14, v27  }
0x31f: {  	v28 =	vand.u32 $0x7F, v24  }
0x320: {  	v15 =	vand.u32 $0x7F, v15;
	v29 =	vshll.u32 v28, $0x4;
	v16 =	vsub.f32 $1.500000000e+00, v16  }
0x321: {  	v30 =	vshll.u32 v15, $0x4;
	v18 =	vor.u32 v0, v29  }
0x322: {  	v19 =	vor.u32 v0, v30;
	v14 =	vmul.f32 v14, v16;
	_ =	sdelay $0x1  }
0x323: {  	v13 =	vmul.f32 v14, v25;
	_ =	sdelay $0x1  }
0x324: {  	v31 =	vld.idx.msk [tilespmem:v18+s26+$0x0], $0xffff;
	v13 =	vmul.f32 v13, v14  }
0x325: {  	v32 =	vld.idx.msk [tilespmem:v19+s26+$0x0], $0xffff  }
0x326: {  	v13 =	vsub.f32 $1.500000000e+00, v13;
	_ =	sdelay $0x1  }
0x327: {  	v13 =	vmul.f32 v13, v14;
	_ =	sdelay $0x1  }
0x328: {  	v33 =	vadd.f32 v32, v31;
	v11 =	vmul.f32 v13, v11;
	_ =	sdelay $0x1  }
0x329: {  	v11 =	vmul.f32 v11, v33;
	_ =	sdelay $0x1  }
0x32a: {  	v14 =	vmul.f32 v11, v7  }
0x32b: {  	v34 =	vmul.f32 v11, v8  }
0x32c: {  	v14 =	vmul.f32 $1.442695020e+00, v14  }
0x32d: {  	v35 =	vmul.f32 v11, v9;
	v16 =	vmul.f32 $1.442695020e+00, v34  }
0x32e: {  	v11 =	vmul.f32 v11, v10;
	(erf) = vpow2.f32 v14  }
0x32f: {  	v36 =	vmul.f32 $1.442695020e+00, v35;
	(erf) = vpow2.f32 v16;
	_ =	sdelay $0x1  }
0x330: {  	v11 =	vmul.f32 $1.442695020e+00, v11;
	(erf) = vpow2.f32 v36;
	_ =	sdelay $0x1  }
0x331: {  	(erf) = vpow2.f32 v11;
	_ =	sdelay $0x3  }
0x332: {  	v11 =	vpop (erf)  }
0x333: {  	v37 =	vpop (erf)  }
0x334: {  	v11 =	vmul.f32 v11, v3;
	v14 =	vmul.f32 v37, v4  }
0x335: {  	v39 =	vcvt.s32.f32 v28;
	v38 =	vpop (erf)  }
0x336: {  	v15 =	vcvt.s32.f32 v15;
	v16 =	vmul.f32 v38, v5;
	v11 =	vadd.f32 v14, v11  }
0x337: {  	v12 =	vshra.s32 v24, $0x7;
	v40 =	vpop (erf)  }
0x338: {  	v41 =	vmul.f32 v40, v6;
	v14 =	vmul.f32 v15, v39;
	v11 =	vadd.f32 v11, v16  }
0x339: {  	v12 =	vadd.s32 v2, v12  }
0x33a: {  	v13 =	vmul.f32 v13, v14;
	v11 =	vadd.f32 v11, v41;
	_ =	sdelay $0x1  }
0x33b: {  	v11 =	vmul.f32 v11, v13;
	_ =	sdelay $0x1  }
0x33c: {  	[tilespmem:v12+s13+$0x0] =	vst.idx.add.f32.msk $0xffff, v11  }
0x33d: {  	v11 =	vld [tilespmem:s20+$0x20]  }
0x33e: {  	v12 =	vld [tilespmem:s23+$0x20];
	_ =	sdelay $0x1  }
0x33f: {  	v42 =	vld [tilespmem:s24+$0x20]  }
0x340: {  	v43 =	vld [tilespmem:s18+$0x20]  }
0x341: {  	v44 =	vld [tilespmem:s19+$0x20]  }
0x342: {  	v11 =	vmul.f32 v11, v11;
	v12 =	vmul.f32 v12, v12;
	_ =	sdelay $0x1  }
0x343: {  	v45 =	vmul.f32 v42, v42;
	v11 =	vadd.f32 v12, v11;
	_ =	sdelay $0x1  }
0x344: {  	v11 =	vadd.f32 v45, v11;
	_ =	sdelay $0x1  }
0x345: {  	v46 =	vld.idx.msk [tilespmem:v43+s5+$0x0], $0xffff;
	v47 =	vmul.f32 $5.000000000e-01, v11;
	v48 =	vshra.s32 v11, $0x1  }
0x346: {  	v15 =	vld.idx.msk [tilespmem:v44+s5+$0x0], $0xffff;
	v14 =	vsub.s32 $0x5F3759DF, v48  }
0x347: {  	v49 =	vmul.f32 v14, v47;
	_ =	sdelay $0x1  }
0x348: {  	v16 =	vmul.f32 v14, v49  }
0x349: {  	v50 =	vand.u32 $0x7F, v46  }
0x34a: {  	v15 =	vand.u32 $0x7F, v15;
	v51 =	vshll.u32 v50, $0x4;
	v16 =	vsub.f32 $1.500000000e+00, v16  }
0x34b: {  	v52 =	vshll.u32 v15, $0x4;
	v18 =	vor.u32 v0, v51  }
0x34c: {  	v19 =	vor.u32 v0, v52;
	v14 =	vmul.f32 v14, v16;
	_ =	sdelay $0x1  }
0x34d: {  	v13 =	vmul.f32 v14, v47;
	_ =	sdelay $0x1  }
0x34e: {  	v53 =	vld.idx.msk [tilespmem:v18+s26+$0x0], $0xffff;
	v13 =	vmul.f32 v13, v14  }
0x34f: {  	v54 =	vld.idx.msk [tilespmem:v19+s26+$0x0], $0xffff  }
0x350: {  	v13 =	vsub.f32 $1.500000000e+00, v13;
	_ =	sdelay $0x1  }
0x351: {  	v13 =	vmul.f32 v13, v14;
	_ =	sdelay $0x1  }
0x352: {  	v55 =	vadd.f32 v54, v53;
	v11 =	vmul.f32 v13, v11;
	_ =	sdelay $0x1  }
0x353: {  	v11 =	vmul.f32 v11, v55;
	_ =	sdelay $0x1  }
0x354: {  	v14 =	vmul.f32 v11, v7  }
0x355: {  	v56 =	vmul.f32 v11, v8  }
0x356: {  	v14 =	vmul.f32 $1.442695020e+00, v14  }
0x357: {  	v57 =	vmul.f32 v11, v9;
	v16 =	vmul.f32 $1.442695020e+00, v56  }
0x358: {  	v11 =	vmul.f32 v11, v10;
	(erf) = vpow2.f32 v14  }
0x359: {  	v58 =	vmul.f32 $1.442695020e+00, v57;
	(erf) = vpow2.f32 v16;
	_ =	sdelay $0x1  }
0x35a: {  	v11 =	vmul.f32 $1.442695020e+00, v11;
	(erf) = vpow2.f32 v58;
	_ =	sdelay $0x1  }
0x35b: {  	(erf) = vpow2.f32 v11;
	_ =	sdelay $0x3  }
0x35c: {  	v11 =	vpop (erf)  }
0x35d: {  	v59 =	vpop (erf)  }
0x35e: {  	v11 =	vmul.f32 v11, v3;
	v14 =	vmul.f32 v59, v4  }
0x35f: {  	v61 =	vcvt.s32.f32 v50;
	v60 =	vpop (erf)  }
0x360: {  	v15 =	vcvt.s32.f32 v15;
	v16 =	vmul.f32 v60, v5;
	v11 =	vadd.f32 v14, v11  }
0x361: {  	v12 =	vshra.s32 v46, $0x7;
	v62 =	vpop (erf)  }
0x362: {  	v63 =	vmul.f32 v62, v6;
	v14 =	vmul.f32 v15, v61;
	v11 =	vadd.f32 v11, v16  }
0x363: {  	v12 =	vadd.s32 v2, v12  }
0x364: {  	v13 =	vmul.f32 v13, v14;
	v11 =	vadd.f32 v11, v63;
	_ =	sdelay $0x1  }
0x365: {  	v11 =	vmul.f32 v11, v13;
	_ =	sdelay $0x1  }
0x366: {  	s25 =	sand.u32 $0x7E0, s17;
	[tilespmem:v12+s13+$0x0] =	vst.idx.add.f32.msk $0xffff, v11  }
0x367: {  	v11 =	vld [tilespmem:s25+$0x1A500]  }
0x368: {  	v12 =	vld [tilespmem:s25+$0x1A880];
	_ =	sdelay $0x1  }
0x369: {  	v20 =	vld [tilespmem:s25+$0x1AC00]  }
0x36a: {  	v21 =	vld [tilespmem:s25+$0x1AF80]  }
0x36b: {  	v22 =	vld [tilespmem:s25+$0x1B300]  }
0x36c: {  	v11 =	vmul.f32 v11, v11;
	v12 =	vmul.f32 v12, v12;
	_ =	sdelay $0x1  }
0x36d: {  	v23 =	vmul.f32 v20, v20;
	v11 =	vadd.f32 v12, v11;
	_ =	sdelay $0x1  }
0x36e: {  	v11 =	vadd.f32 v23, v11;
	_ =	sdelay $0x1  }
0x36f: {  	v24 =	vld.idx.msk [tilespmem:v21+s5+$0x0], $0xffff;
	v25 =	vmul.f32 $5.000000000e-01, v11;
	v26 =	vshra.s32 v11, $0x1  }
0x370: {  	v15 =	vld.idx.msk [tilespmem:v22+s5+$0x0], $0xffff;
	v14 =	vsub.s32 $0x5F3759DF, v26  }
0x371: {  	v27 =	vmul.f32 v14, v25;
	_ =	sdelay $0x1  }
0x372: {  	v16 =	vmul.f32 v14, v27  }
0x373: {  	v28 =	vand.u32 $0x7F, v24  }
0x374: {  	v15 =	vand.u32 $0x7F, v15;
	v29 =	vshll.u32 v28, $0x4;
	v16 =	vsub.f32 $1.500000000e+00, v16  }
0x375: {  	v30 =	vshll.u32 v15, $0x4;
	v18 =	vor.u32 v0, v29  }
0x376: {  	v19 =	vor.u32 v0, v30;
	v14 =	vmul.f32 v14, v16;
	_ =	sdelay $0x1  }
0x377: {  	v13 =	vmul.f32 v14, v25;
	_ =	sdelay $0x1  }
0x378: {  	v31 =	vld.idx.msk [tilespmem:v18+s26+$0x0], $0xffff;
	v13 =	vmul.f32 v13, v14  }
0x379: {  	v32 =	vld.idx.msk [tilespmem:v19+s26+$0x0], $0xffff  }
0x37a: {  	v13 =	vsub.f32 $1.500000000e+00, v13;
	_ =	sdelay $0x1  }
0x37b: {  	v13 =	vmul.f32 v13, v14;
	_ =	sdelay $0x1  }
0x37c: {  	v33 =	vadd.f32 v32, v31;
	v11 =	vmul.f32 v13, v11;
	_ =	sdelay $0x1  }
0x37d: {  	v11 =	vmul.f32 v11, v33;
	_ =	sdelay $0x1  }
0x37e: {  	v14 =	vmul.f32 v11, v7  }
0x37f: {  	v34 =	vmul.f32 v11, v8  }
0x380: {  	v14 =	vmul.f32 $1.442695020e+00, v14  }
0x381: {  	v35 =	vmul.f32 v11, v9;
	v16 =	vmul.f32 $1.442695020e+00, v34  }
0x382: {  	v11 =	vmul.f32 v11, v10;
	(erf) = vpow2.f32 v14  }
0x383: {  	v36 =	vmul.f32 $1.442695020e+00, v35;
	(erf) = vpow2.f32 v16;
	_ =	sdelay $0x1  }
0x384: {  	v11 =	vmul.f32 $1.442695020e+00, v11;
	(erf) = vpow2.f32 v36;
	_ =	sdelay $0x1  }
0x385: {  	(erf) = vpow2.f32 v11;
	_ =	sdelay $0x3  }
0x386: {  	v11 =	vpop (erf)  }
0x387: {  	v37 =	vpop (erf)  }
0x388: {  	v11 =	vmul.f32 v11, v3;
	v14 =	vmul.f32 v37, v4  }
0x389: {  	v39 =	vcvt.s32.f32 v28;
	v38 =	vpop (erf)  }
0x38a: {  	v15 =	vcvt.s32.f32 v15;
	v16 =	vmul.f32 v38, v5;
	v11 =	vadd.f32 v14, v11  }
0x38b: {  	v12 =	vshra.s32 v24, $0x7;
	v40 =	vpop (erf)  }
0x38c: {  	v41 =	vmul.f32 v40, v6;
	v14 =	vmul.f32 v15, v39;
	v11 =	vadd.f32 v11, v16  }
0x38d: {  	v12 =	vadd.s32 v2, v12  }
0x38e: {  	v13 =	vmul.f32 v13, v14;
	v11 =	vadd.f32 v11, v41;
	_ =	sdelay $0x1  }
0x38f: {  	v11 =	vmul.f32 v11, v13;
	_ =	sdelay $0x1  }
0x390: {  	[tilespmem:v12+s13+$0x0] =	vst.idx.add.f32.msk $0xffff, v11  }
0x391: {  	v11 =	vld [tilespmem:s20+$0x40]  }
0x392: {  	v12 =	vld [tilespmem:s23+$0x40];
	_ =	sdelay $0x1  }
0x393: {  	v42 =	vld [tilespmem:s24+$0x40]  }
0x394: {  	v43 =	vld [tilespmem:s18+$0x40]  }
0x395: {  	v44 =	vld [tilespmem:s19+$0x40]  }
0x396: {  	v11 =	vmul.f32 v11, v11;
	v12 =	vmul.f32 v12, v12;
	_ =	sdelay $0x1  }
0x397: {  	v45 =	vmul.f32 v42, v42;
	v11 =	vadd.f32 v12, v11;
	_ =	sdelay $0x1  }
0x398: {  	v11 =	vadd.f32 v45, v11;
	_ =	sdelay $0x1  }
0x399: {  	v46 =	vld.idx.msk [tilespmem:v43+s5+$0x0], $0xffff;
	v47 =	vmul.f32 $5.000000000e-01, v11;
	v48 =	vshra.s32 v11, $0x1  }
0x39a: {  	v15 =	vld.idx.msk [tilespmem:v44+s5+$0x0], $0xffff;
	v14 =	vsub.s32 $0x5F3759DF, v48  }
0x39b: {  	v49 =	vmul.f32 v14, v47;
	_ =	sdelay $0x1  }
0x39c: {  	v16 =	vmul.f32 v14, v49  }
0x39d: {  	v50 =	vand.u32 $0x7F, v46  }
0x39e: {  	v15 =	vand.u32 $0x7F, v15;
	v51 =	vshll.u32 v50, $0x4;
	v16 =	vsub.f32 $1.500000000e+00, v16  }
0x39f: {  	v52 =	vshll.u32 v15, $0x4;
	v18 =	vor.u32 v0, v51  }
0x3a0: {  	v19 =	vor.u32 v0, v52;
	v14 =	vmul.f32 v14, v16;
	_ =	sdelay $0x1  }
0x3a1: {  	v13 =	vmul.f32 v14, v47;
	_ =	sdelay $0x1  }
0x3a2: {  	v53 =	vld.idx.msk [tilespmem:v18+s26+$0x0], $0xffff;
	v13 =	vmul.f32 v13, v14  }
0x3a3: {  	v54 =	vld.idx.msk [tilespmem:v19+s26+$0x0], $0xffff  }
0x3a4: {  	v13 =	vsub.f32 $1.500000000e+00, v13;
	_ =	sdelay $0x1  }
0x3a5: {  	v13 =	vmul.f32 v13, v14;
	_ =	sdelay $0x1  }
0x3a6: {  	v55 =	vadd.f32 v54, v53;
	v11 =	vmul.f32 v13, v11;
	_ =	sdelay $0x1  }
0x3a7: {  	v11 =	vmul.f32 v11, v55;
	_ =	sdelay $0x1  }
0x3a8: {  	v14 =	vmul.f32 v11, v7  }
0x3a9: {  	v56 =	vmul.f32 v11, v8  }
0x3aa: {  	v14 =	vmul.f32 $1.442695020e+00, v14  }
0x3ab: {  	v57 =	vmul.f32 v11, v9;
	v16 =	vmul.f32 $1.442695020e+00, v56  }
0x3ac: {  	v11 =	vmul.f32 v11, v10;
	(erf) = vpow2.f32 v14  }
0x3ad: {  	v58 =	vmul.f32 $1.442695020e+00, v57;
	(erf) = vpow2.f32 v16;
	_ =	sdelay $0x1  }
0x3ae: {  	v11 =	vmul.f32 $1.442695020e+00, v11;
	(erf) = vpow2.f32 v58;
	_ =	sdelay $0x1  }
0x3af: {  	(erf) = vpow2.f32 v11;
	_ =	sdelay $0x3  }
0x3b0: {  	v11 =	vpop (erf)  }
0x3b1: {  	v59 =	vpop (erf)  }
0x3b2: {  	v11 =	vmul.f32 v11, v3;
	v14 =	vmul.f32 v59, v4  }
0x3b3: {  	v61 =	vcvt.s32.f32 v50;
	v60 =	vpop (erf)  }
0x3b4: {  	v15 =	vcvt.s32.f32 v15;
	v16 =	vmul.f32 v60, v5;
	v11 =	vadd.f32 v14, v11  }
0x3b5: {  	v12 =	vshra.s32 v46, $0x7;
	v62 =	vpop (erf)  }
0x3b6: {  	v63 =	vmul.f32 v62, v6;
	v14 =	vmul.f32 v15, v61;
	v11 =	vadd.f32 v11, v16  }
0x3b7: {  	p0 =	sne.s32 s17, $0x280;
	v12 =	vadd.s32 v2, v12  }
.Ltmp2:
0x3b8: {  	v13 =	vmul.f32 v13, v14;
	v11 =	vadd.f32 v11, v63;
	(pc) =	sbr.rel @p0 .LBB2_7-.Ltmp2, $4  }
0x3b9: {  	_ = 	snop  }
0x3ba: {  	v11 =	vmul.f32 v11, v13  }
0x3bb: {  	s17 =	sadd.s32 $0xA0, s17;
	s18 =	sadd.s32 $0xA0, s18;
	s19 =	sadd.s32 $0xA0, s19  }
0x3bc: {  	s20 =	sadd.s32 $0xA0, s20;
	s23 =	sadd.s32 $0xA0, s23;
	s24 =	sadd.s32 $0xA0, s24;
	[tilespmem:v12+s13+$0x0] =	vst.idx.add.f32.msk $0xffff, v11  }
0x3bd: {  	s17 =	sshll.u32 s16, $0x1  }
0x3be: {  	s17 =	smin.u32 s17, $0x79  }
0x3bf: {  	s17 =	smul.u32 $0x320, s17;
	_ =	sdelay $0x1  }
0x3c0: {  	s17 =	sadd.s32 s17, s22  }
0x3c1: {  	s17 =	sshrl.u32 s17, $0x3  }
0x3c2: {  	s18 =	sadd.s32 s2, s17  }
0x3c3: {  	[tilespmem:s1], [sflag:$0x2] =	stream.linear.gather [hbm4b:s18+s5], $0x320, $0x38;
	[tilespmem:$0x1F980] =	vst v63  }
0x3c4: {  	s16 =	sadd.s32 $0x1, s16;
	s23 =	sadd.s32 s4, s17  }
0x3c5: {  	[tilespmem:s28], [sflag:$0x2] =	stream.linear.gather [hbm4b:s23+s5], $0x320, $0x38;
	[tilespmem:$0x1F980] =	vst v63  }
0x3c6: {  	p0 =	sne.s32 s16, $0x3E;
	s24 =	sadd.s32 s8, s17  }
0x3c7: {  	[tilespmem:s6], [sflag:$0x2] =	stream.linear.gather [hbm4b:s24+s5], $0x320, $0x38;
	[tilespmem:$0x1F980] =	vst v63  }
.Ltmp3:
0x3c8: {  	_ = 	snop;
	(pc) =	sbr.rel @p0 .LBB2_4-.Ltmp3, $4  }
0x3c9: {  	s25 =	sadd.s32 s9, s17  }
0x3ca: {  	[tilespmem:s7], [sflag:$0x2] =	stream.linear.gather [hbm4b:s25+s5], $0x320, $0x38;
	[tilespmem:$0x1F980] =	vst v63  }
0x3cb: {  	s17 =	sadd.s32 s10, s17  }
0x3cc: {  	[tilespmem:s11], [sflag:$0x2] =	stream.linear.gather [hbm4b:s17+s5], $0x320, $0x38;
	[tilespmem:$0x1F980] =	vst v63  }
0x3cd: {  	_ =	swait.ge [sflag:s12], $0x320  }
0x3ce: {  	[sflag:s12] =	ssyncset.done $0x0  }
0x3cf: {  	[sflag:s12] =	ssyncadd.s32 $0xFFFFFCE0  }
0x3d0: {  	_ =	swait.ge [sflag:s12], $0x320  }
0x3d1: {  	[sflag:s12] =	ssyncset.done $0x0  }
0x3d2: {  	[sflag:s12] =	ssyncadd.s32 $0xFFFFFCE0  }
0x3d3: {  	_ =	swait.ge [sflag:s12], $0x320  }
0x3d4: {  	[sflag:s12] =	ssyncset.done $0x0  }
0x3d5: {  	[sflag:s12] =	ssyncadd.s32 $0xFFFFFCE0  }
0x3d6: {  	_ =	swait.ge [sflag:s12], $0x320  }
0x3d7: {  	[sflag:s12] =	ssyncset.done $0x0  }
0x3d8: {  	[sflag:s12] =	ssyncadd.s32 $0xFFFFFCE0  }
0x3d9: {  	s16 =	simm.s32 $0x0;
	s17 =	simm.s32 $0x19DD0;
	_ =	swait.ge [sflag:s12], $0x320  }
0x3da: {  	s18 =	simm.s32 $0x1A150;
	s19 =	simm.s32 $0x19350;
	[sflag:s12] =	ssyncset.done $0x0  }
0x3db: {  	s20 =	simm.s32 $0x196D0;
	s23 =	simm.s32 $0x19A50;
	[sflag:s12] =	ssyncadd.s32 $0xFFFFFCE0  }
.LBB2_10:
0x3dc: {  	v11 =	vld [tilespmem:s19+$0xFFFFFFB0]  }
0x3dd: {  	v12 =	vld [tilespmem:s20+$0xFFFFFFB0];
	_ =	sdelay $0x1  }
0x3de: {  	v13 =	vld [tilespmem:s23+$0xFFFFFFB0]  }
0x3df: {  	v14 =	vld [tilespmem:s17+$0xFFFFFFB0]  }
0x3e0: {  	v15 =	vld [tilespmem:s18+$0xFFFFFFB0]  }
0x3e1: {  	v11 =	vmul.f32 v11, v11;
	v12 =	vmul.f32 v12, v12;
	_ =	sdelay $0x1  }
0x3e2: {  	v27 =	vmul.f32 v13, v13;
	v11 =	vadd.f32 v12, v11;
	_ =	sdelay $0x1  }
0x3e3: {  	v11 =	vadd.f32 v27, v11;
	_ =	sdelay $0x1  }
0x3e4: {  	v28 =	vld.idx.msk [tilespmem:v14+s5+$0x0], $0xffff;
	v29 =	vmul.f32 $5.000000000e-01, v11;
	v30 =	vshra.s32 v11, $0x1  }
0x3e5: {  	v15 =	vld.idx.msk [tilespmem:v15+s5+$0x0], $0xffff;
	v14 =	vsub.s32 $0x5F3759DF, v30  }
0x3e6: {  	v16 =	vmul.f32 v14, v29;
	_ =	sdelay $0x1  }
0x3e7: {  	v16 =	vmul.f32 v14, v16  }
0x3e8: {  	v17 =	vand.u32 $0x7F, v28  }
0x3e9: {  	v15 =	vand.u32 $0x7F, v15;
	v18 =	vshll.u32 v17, $0x4;
	v16 =	vsub.f32 $1.500000000e+00, v16  }
0x3ea: {  	v19 =	vshll.u32 v15, $0x4;
	v18 =	vor.u32 v0, v18  }
0x3eb: {  	v19 =	vor.u32 v0, v19;
	v14 =	vmul.f32 v14, v16;
	_ =	sdelay $0x1  }
0x3ec: {  	v13 =	vmul.f32 v14, v29;
	_ =	sdelay $0x1  }
0x3ed: {  	v31 =	vld.idx.msk [tilespmem:v18+s26+$0x0], $0xffff;
	v13 =	vmul.f32 v13, v14  }
0x3ee: {  	v32 =	vld.idx.msk [tilespmem:v19+s26+$0x0], $0xffff  }
0x3ef: {  	v13 =	vsub.f32 $1.500000000e+00, v13;
	_ =	sdelay $0x1  }
0x3f0: {  	v13 =	vmul.f32 v13, v14;
	_ =	sdelay $0x1  }
0x3f1: {  	v33 =	vadd.f32 v32, v31;
	v11 =	vmul.f32 v13, v11;
	_ =	sdelay $0x1  }
0x3f2: {  	v11 =	vmul.f32 v11, v33;
	_ =	sdelay $0x1  }
0x3f3: {  	v14 =	vmul.f32 v11, v7  }
0x3f4: {  	v34 =	vmul.f32 v11, v8  }
0x3f5: {  	v14 =	vmul.f32 $1.442695020e+00, v14  }
0x3f6: {  	v35 =	vmul.f32 v11, v9;
	v16 =	vmul.f32 $1.442695020e+00, v34  }
0x3f7: {  	v11 =	vmul.f32 v11, v10;
	(erf) = vpow2.f32 v14  }
0x3f8: {  	v36 =	vmul.f32 $1.442695020e+00, v35;
	(erf) = vpow2.f32 v16;
	_ =	sdelay $0x1  }
0x3f9: {  	v11 =	vmul.f32 $1.442695020e+00, v11;
	(erf) = vpow2.f32 v36;
	_ =	sdelay $0x1  }
0x3fa: {  	(erf) = vpow2.f32 v11;
	_ =	sdelay $0x3  }
0x3fb: {  	v11 =	vpop (erf)  }
0x3fc: {  	v37 =	vpop (erf)  }
0x3fd: {  	v11 =	vmul.f32 v11, v3;
	v14 =	vmul.f32 v37, v4  }
0x3fe: {  	v39 =	vcvt.s32.f32 v17;
	v38 =	vpop (erf)  }
0x3ff: {  	v15 =	vcvt.s32.f32 v15;
	v16 =	vmul.f32 v38, v5;
	v11 =	vadd.f32 v14, v11  }
0x400: {  	v12 =	vshra.s32 v28, $0x7;
	v40 =	vpop (erf)  }
0x401: {  	v41 =	vmul.f32 v40, v6;
	v14 =	vmul.f32 v15, v39;
	v11 =	vadd.f32 v11, v16  }
0x402: {  	v12 =	vadd.s32 v2, v12  }
0x403: {  	v13 =	vmul.f32 v13, v14;
	v11 =	vadd.f32 v11, v41;
	_ =	sdelay $0x1  }
0x404: {  	v11 =	vmul.f32 v11, v13;
	_ =	sdelay $0x1  }
0x405: {  	[tilespmem:v12+s13+$0x0] =	vst.idx.add.f32.msk $0xffff, v11  }
0x406: {  	v11 =	vld [tilespmem:s19+$0xFFFFFFC0]  }
0x407: {  	v12 =	vld [tilespmem:s20+$0xFFFFFFC0];
	_ =	sdelay $0x1  }
0x408: {  	v42 =	vld [tilespmem:s23+$0xFFFFFFC0]  }
0x409: {  	v43 =	vld [tilespmem:s17+$0xFFFFFFC0]  }
0x40a: {  	v44 =	vld [tilespmem:s18+$0xFFFFFFC0]  }
0x40b: {  	v11 =	vmul.f32 v11, v11;
	v12 =	vmul.f32 v12, v12;
	_ =	sdelay $0x1  }
0x40c: {  	v45 =	vmul.f32 v42, v42;
	v11 =	vadd.f32 v12, v11;
	_ =	sdelay $0x1  }
0x40d: {  	v11 =	vadd.f32 v45, v11;
	_ =	sdelay $0x1  }
0x40e: {  	v46 =	vld.idx.msk [tilespmem:v43+s5+$0x0], $0xffff;
	v47 =	vmul.f32 $5.000000000e-01, v11;
	v48 =	vshra.s32 v11, $0x1  }
0x40f: {  	v15 =	vld.idx.msk [tilespmem:v44+s5+$0x0], $0xffff;
	v14 =	vsub.s32 $0x5F3759DF, v48  }
0x410: {  	v49 =	vmul.f32 v14, v47;
	_ =	sdelay $0x1  }
0x411: {  	v16 =	vmul.f32 v14, v49  }
0x412: {  	v50 =	vand.u32 $0x7F, v46  }
0x413: {  	v15 =	vand.u32 $0x7F, v15;
	v51 =	vshll.u32 v50, $0x4;
	v16 =	vsub.f32 $1.500000000e+00, v16  }
0x414: {  	v52 =	vshll.u32 v15, $0x4;
	v18 =	vor.u32 v0, v51  }
0x415: {  	v19 =	vor.u32 v0, v52;
	v14 =	vmul.f32 v14, v16;
	_ =	sdelay $0x1  }
0x416: {  	v13 =	vmul.f32 v14, v47;
	_ =	sdelay $0x1  }
0x417: {  	v53 =	vld.idx.msk [tilespmem:v18+s26+$0x0], $0xffff;
	v13 =	vmul.f32 v13, v14  }
0x418: {  	v54 =	vld.idx.msk [tilespmem:v19+s26+$0x0], $0xffff  }
0x419: {  	v13 =	vsub.f32 $1.500000000e+00, v13;
	_ =	sdelay $0x1  }
0x41a: {  	v13 =	vmul.f32 v13, v14;
	_ =	sdelay $0x1  }
0x41b: {  	v55 =	vadd.f32 v54, v53;
	v11 =	vmul.f32 v13, v11;
	_ =	sdelay $0x1  }
0x41c: {  	v11 =	vmul.f32 v11, v55;
	_ =	sdelay $0x1  }
0x41d: {  	v14 =	vmul.f32 v11, v7  }
0x41e: {  	v56 =	vmul.f32 v11, v8  }
0x41f: {  	v14 =	vmul.f32 $1.442695020e+00, v14  }
0x420: {  	v57 =	vmul.f32 v11, v9;
	v16 =	vmul.f32 $1.442695020e+00, v56  }
0x421: {  	v11 =	vmul.f32 v11, v10;
	(erf) = vpow2.f32 v14  }
0x422: {  	v58 =	vmul.f32 $1.442695020e+00, v57;
	(erf) = vpow2.f32 v16;
	_ =	sdelay $0x1  }
0x423: {  	v11 =	vmul.f32 $1.442695020e+00, v11;
	(erf) = vpow2.f32 v58;
	_ =	sdelay $0x1  }
0x424: {  	(erf) = vpow2.f32 v11;
	_ =	sdelay $0x3  }
0x425: {  	v11 =	vpop (erf)  }
0x426: {  	v59 =	vpop (erf)  }
0x427: {  	v11 =	vmul.f32 v11, v3;
	v14 =	vmul.f32 v59, v4  }
0x428: {  	v61 =	vcvt.s32.f32 v50;
	v60 =	vpop (erf)  }
0x429: {  	v15 =	vcvt.s32.f32 v15;
	v16 =	vmul.f32 v60, v5;
	v11 =	vadd.f32 v14, v11  }
0x42a: {  	v12 =	vshra.s32 v46, $0x7;
	v62 =	vpop (erf)  }
0x42b: {  	v63 =	vmul.f32 v62, v6;
	v14 =	vmul.f32 v15, v61;
	v11 =	vadd.f32 v11, v16  }
0x42c: {  	v12 =	vadd.s32 v2, v12  }
0x42d: {  	v13 =	vmul.f32 v13, v14;
	v11 =	vadd.f32 v11, v63;
	_ =	sdelay $0x1  }
0x42e: {  	v11 =	vmul.f32 v11, v13;
	_ =	sdelay $0x1  }
0x42f: {  	[tilespmem:v12+s13+$0x0] =	vst.idx.add.f32.msk $0xffff, v11  }
0x430: {  	v11 =	vld [tilespmem:s19+$0xFFFFFFD0]  }
0x431: {  	v12 =	vld [tilespmem:s20+$0xFFFFFFD0];
	_ =	sdelay $0x1  }
0x432: {  	v20 =	vld [tilespmem:s23+$0xFFFFFFD0]  }
0x433: {  	v21 =	vld [tilespmem:s17+$0xFFFFFFD0]  }
0x434: {  	v22 =	vld [tilespmem:s18+$0xFFFFFFD0]  }
0x435: {  	v11 =	vmul.f32 v11, v11;
	v12 =	vmul.f32 v12, v12;
	_ =	sdelay $0x1  }
0x436: {  	v23 =	vmul.f32 v20, v20;
	v11 =	vadd.f32 v12, v11;
	_ =	sdelay $0x1  }
0x437: {  	v11 =	vadd.f32 v23, v11;
	_ =	sdelay $0x1  }
0x438: {  	v24 =	vld.idx.msk [tilespmem:v21+s5+$0x0], $0xffff;
	v25 =	vmul.f32 $5.000000000e-01, v11;
	v26 =	vshra.s32 v11, $0x1  }
0x439: {  	v15 =	vld.idx.msk [tilespmem:v22+s5+$0x0], $0xffff;
	v14 =	vsub.s32 $0x5F3759DF, v26  }
0x43a: {  	v27 =	vmul.f32 v14, v25;
	_ =	sdelay $0x1  }
0x43b: {  	v16 =	vmul.f32 v14, v27  }
0x43c: {  	v28 =	vand.u32 $0x7F, v24  }
0x43d: {  	v15 =	vand.u32 $0x7F, v15;
	v29 =	vshll.u32 v28, $0x4;
	v16 =	vsub.f32 $1.500000000e+00, v16  }
0x43e: {  	v30 =	vshll.u32 v15, $0x4;
	v18 =	vor.u32 v0, v29  }
0x43f: {  	v19 =	vor.u32 v0, v30;
	v14 =	vmul.f32 v14, v16;
	_ =	sdelay $0x1  }
0x440: {  	v13 =	vmul.f32 v14, v25;
	_ =	sdelay $0x1  }
0x441: {  	v31 =	vld.idx.msk [tilespmem:v18+s26+$0x0], $0xffff;
	v13 =	vmul.f32 v13, v14  }
0x442: {  	v32 =	vld.idx.msk [tilespmem:v19+s26+$0x0], $0xffff  }
0x443: {  	v13 =	vsub.f32 $1.500000000e+00, v13;
	_ =	sdelay $0x1  }
0x444: {  	v13 =	vmul.f32 v13, v14;
	_ =	sdelay $0x1  }
0x445: {  	v33 =	vadd.f32 v32, v31;
	v11 =	vmul.f32 v13, v11;
	_ =	sdelay $0x1  }
0x446: {  	v11 =	vmul.f32 v11, v33;
	_ =	sdelay $0x1  }
0x447: {  	v14 =	vmul.f32 v11, v7  }
0x448: {  	v34 =	vmul.f32 v11, v8  }
0x449: {  	v14 =	vmul.f32 $1.442695020e+00, v14  }
0x44a: {  	v35 =	vmul.f32 v11, v9;
	v16 =	vmul.f32 $1.442695020e+00, v34  }
0x44b: {  	v11 =	vmul.f32 v11, v10;
	(erf) = vpow2.f32 v14  }
0x44c: {  	v36 =	vmul.f32 $1.442695020e+00, v35;
	(erf) = vpow2.f32 v16;
	_ =	sdelay $0x1  }
0x44d: {  	v11 =	vmul.f32 $1.442695020e+00, v11;
	(erf) = vpow2.f32 v36;
	_ =	sdelay $0x1  }
0x44e: {  	(erf) = vpow2.f32 v11;
	_ =	sdelay $0x3  }
0x44f: {  	v11 =	vpop (erf)  }
0x450: {  	v37 =	vpop (erf)  }
0x451: {  	v11 =	vmul.f32 v11, v3;
	v14 =	vmul.f32 v37, v4  }
0x452: {  	v39 =	vcvt.s32.f32 v28;
	v38 =	vpop (erf)  }
0x453: {  	v15 =	vcvt.s32.f32 v15;
	v16 =	vmul.f32 v38, v5;
	v11 =	vadd.f32 v14, v11  }
0x454: {  	v12 =	vshra.s32 v24, $0x7;
	v40 =	vpop (erf)  }
0x455: {  	v41 =	vmul.f32 v40, v6;
	v14 =	vmul.f32 v15, v39;
	v11 =	vadd.f32 v11, v16  }
0x456: {  	v12 =	vadd.s32 v2, v12  }
0x457: {  	v13 =	vmul.f32 v13, v14;
	v11 =	vadd.f32 v11, v41;
	_ =	sdelay $0x1  }
0x458: {  	v11 =	vmul.f32 v11, v13;
	_ =	sdelay $0x1  }
0x459: {  	[tilespmem:v12+s13+$0x0] =	vst.idx.add.f32.msk $0xffff, v11  }
0x45a: {  	v11 =	vld [tilespmem:s19+$0xFFFFFFE0]  }
0x45b: {  	v12 =	vld [tilespmem:s20+$0xFFFFFFE0];
	_ =	sdelay $0x1  }
0x45c: {  	v42 =	vld [tilespmem:s23+$0xFFFFFFE0]  }
0x45d: {  	v43 =	vld [tilespmem:s17+$0xFFFFFFE0]  }
0x45e: {  	v44 =	vld [tilespmem:s18+$0xFFFFFFE0]  }
0x45f: {  	v11 =	vmul.f32 v11, v11;
	v12 =	vmul.f32 v12, v12;
	_ =	sdelay $0x1  }
0x460: {  	v45 =	vmul.f32 v42, v42;
	v11 =	vadd.f32 v12, v11;
	_ =	sdelay $0x1  }
0x461: {  	v11 =	vadd.f32 v45, v11;
	_ =	sdelay $0x1  }
0x462: {  	v46 =	vld.idx.msk [tilespmem:v43+s5+$0x0], $0xffff;
	v47 =	vmul.f32 $5.000000000e-01, v11;
	v48 =	vshra.s32 v11, $0x1  }
0x463: {  	v15 =	vld.idx.msk [tilespmem:v44+s5+$0x0], $0xffff;
	v14 =	vsub.s32 $0x5F3759DF, v48  }
0x464: {  	v49 =	vmul.f32 v14, v47;
	_ =	sdelay $0x1  }
0x465: {  	v16 =	vmul.f32 v14, v49  }
0x466: {  	v50 =	vand.u32 $0x7F, v46  }
0x467: {  	v15 =	vand.u32 $0x7F, v15;
	v51 =	vshll.u32 v50, $0x4;
	v16 =	vsub.f32 $1.500000000e+00, v16  }
0x468: {  	v52 =	vshll.u32 v15, $0x4;
	v18 =	vor.u32 v0, v51  }
0x469: {  	v19 =	vor.u32 v0, v52;
	v14 =	vmul.f32 v14, v16;
	_ =	sdelay $0x1  }
0x46a: {  	v13 =	vmul.f32 v14, v47;
	_ =	sdelay $0x1  }
0x46b: {  	v53 =	vld.idx.msk [tilespmem:v18+s26+$0x0], $0xffff;
	v13 =	vmul.f32 v13, v14  }
0x46c: {  	v54 =	vld.idx.msk [tilespmem:v19+s26+$0x0], $0xffff  }
0x46d: {  	v13 =	vsub.f32 $1.500000000e+00, v13;
	_ =	sdelay $0x1  }
0x46e: {  	v13 =	vmul.f32 v13, v14;
	_ =	sdelay $0x1  }
0x46f: {  	v55 =	vadd.f32 v54, v53;
	v11 =	vmul.f32 v13, v11;
	_ =	sdelay $0x1  }
0x470: {  	v11 =	vmul.f32 v11, v55;
	_ =	sdelay $0x1  }
0x471: {  	v14 =	vmul.f32 v11, v7  }
0x472: {  	v56 =	vmul.f32 v11, v8  }
0x473: {  	v14 =	vmul.f32 $1.442695020e+00, v14  }
0x474: {  	v57 =	vmul.f32 v11, v9;
	v16 =	vmul.f32 $1.442695020e+00, v56  }
0x475: {  	v11 =	vmul.f32 v11, v10;
	(erf) = vpow2.f32 v14  }
0x476: {  	v58 =	vmul.f32 $1.442695020e+00, v57;
	(erf) = vpow2.f32 v16;
	_ =	sdelay $0x1  }
0x477: {  	v11 =	vmul.f32 $1.442695020e+00, v11;
	(erf) = vpow2.f32 v58;
	_ =	sdelay $0x1  }
0x478: {  	(erf) = vpow2.f32 v11;
	_ =	sdelay $0x3  }
0x479: {  	v11 =	vpop (erf)  }
0x47a: {  	v59 =	vpop (erf)  }
0x47b: {  	v11 =	vmul.f32 v11, v3;
	v14 =	vmul.f32 v59, v4  }
0x47c: {  	v61 =	vcvt.s32.f32 v50;
	v60 =	vpop (erf)  }
0x47d: {  	v15 =	vcvt.s32.f32 v15;
	v16 =	vmul.f32 v60, v5;
	v11 =	vadd.f32 v14, v11  }
0x47e: {  	v12 =	vshra.s32 v46, $0x7;
	v62 =	vpop (erf)  }
0x47f: {  	v63 =	vmul.f32 v62, v6;
	v14 =	vmul.f32 v15, v61;
	v11 =	vadd.f32 v11, v16  }
0x480: {  	v12 =	vadd.s32 v2, v12  }
0x481: {  	v13 =	vmul.f32 v13, v14;
	v11 =	vadd.f32 v11, v63;
	_ =	sdelay $0x1  }
0x482: {  	v11 =	vmul.f32 v11, v13;
	_ =	sdelay $0x1  }
0x483: {  	[tilespmem:v12+s13+$0x0] =	vst.idx.add.f32.msk $0xffff, v11  }
0x484: {  	v11 =	vld [tilespmem:s19+$0xFFFFFFF0]  }
0x485: {  	v12 =	vld [tilespmem:s20+$0xFFFFFFF0];
	_ =	sdelay $0x1  }
0x486: {  	v20 =	vld [tilespmem:s23+$0xFFFFFFF0]  }
0x487: {  	v21 =	vld [tilespmem:s17+$0xFFFFFFF0]  }
0x488: {  	v22 =	vld [tilespmem:s18+$0xFFFFFFF0]  }
0x489: {  	v11 =	vmul.f32 v11, v11;
	v12 =	vmul.f32 v12, v12;
	_ =	sdelay $0x1  }
0x48a: {  	v23 =	vmul.f32 v20, v20;
	v11 =	vadd.f32 v12, v11;
	_ =	sdelay $0x1  }
0x48b: {  	v11 =	vadd.f32 v23, v11;
	_ =	sdelay $0x1  }
0x48c: {  	v24 =	vld.idx.msk [tilespmem:v21+s5+$0x0], $0xffff;
	v25 =	vmul.f32 $5.000000000e-01, v11;
	v26 =	vshra.s32 v11, $0x1  }
0x48d: {  	v15 =	vld.idx.msk [tilespmem:v22+s5+$0x0], $0xffff;
	v14 =	vsub.s32 $0x5F3759DF, v26  }
0x48e: {  	v27 =	vmul.f32 v14, v25;
	_ =	sdelay $0x1  }
0x48f: {  	v16 =	vmul.f32 v14, v27  }
0x490: {  	v28 =	vand.u32 $0x7F, v24  }
0x491: {  	v15 =	vand.u32 $0x7F, v15;
	v29 =	vshll.u32 v28, $0x4;
	v16 =	vsub.f32 $1.500000000e+00, v16  }
0x492: {  	v30 =	vshll.u32 v15, $0x4;
	v18 =	vor.u32 v0, v29  }
0x493: {  	v19 =	vor.u32 v0, v30;
	v14 =	vmul.f32 v14, v16;
	_ =	sdelay $0x1  }
0x494: {  	v13 =	vmul.f32 v14, v25;
	_ =	sdelay $0x1  }
0x495: {  	v31 =	vld.idx.msk [tilespmem:v18+s26+$0x0], $0xffff;
	v13 =	vmul.f32 v13, v14  }
0x496: {  	v32 =	vld.idx.msk [tilespmem:v19+s26+$0x0], $0xffff  }
0x497: {  	v13 =	vsub.f32 $1.500000000e+00, v13;
	_ =	sdelay $0x1  }
0x498: {  	v13 =	vmul.f32 v13, v14;
	_ =	sdelay $0x1  }
0x499: {  	v33 =	vadd.f32 v32, v31;
	v11 =	vmul.f32 v13, v11;
	_ =	sdelay $0x1  }
0x49a: {  	v11 =	vmul.f32 v11, v33;
	_ =	sdelay $0x1  }
0x49b: {  	v14 =	vmul.f32 v11, v7  }
0x49c: {  	v34 =	vmul.f32 v11, v8  }
0x49d: {  	v14 =	vmul.f32 $1.442695020e+00, v14  }
0x49e: {  	v35 =	vmul.f32 v11, v9;
	v16 =	vmul.f32 $1.442695020e+00, v34  }
0x49f: {  	v11 =	vmul.f32 v11, v10;
	(erf) = vpow2.f32 v14  }
0x4a0: {  	v36 =	vmul.f32 $1.442695020e+00, v35;
	(erf) = vpow2.f32 v16;
	_ =	sdelay $0x1  }
0x4a1: {  	v11 =	vmul.f32 $1.442695020e+00, v11;
	(erf) = vpow2.f32 v36;
	_ =	sdelay $0x1  }
0x4a2: {  	(erf) = vpow2.f32 v11;
	_ =	sdelay $0x3  }
0x4a3: {  	v11 =	vpop (erf)  }
0x4a4: {  	v37 =	vpop (erf)  }
0x4a5: {  	v11 =	vmul.f32 v11, v3;
	v14 =	vmul.f32 v37, v4  }
0x4a6: {  	v39 =	vcvt.s32.f32 v28;
	v38 =	vpop (erf)  }
0x4a7: {  	v15 =	vcvt.s32.f32 v15;
	v16 =	vmul.f32 v38, v5;
	v11 =	vadd.f32 v14, v11  }
0x4a8: {  	v12 =	vshra.s32 v24, $0x7;
	v40 =	vpop (erf)  }
0x4a9: {  	v41 =	vmul.f32 v40, v6;
	v14 =	vmul.f32 v15, v39;
	v11 =	vadd.f32 v11, v16  }
0x4aa: {  	v12 =	vadd.s32 v2, v12  }
0x4ab: {  	v13 =	vmul.f32 v13, v14;
	v11 =	vadd.f32 v11, v41;
	_ =	sdelay $0x1  }
0x4ac: {  	v11 =	vmul.f32 v11, v13;
	_ =	sdelay $0x1  }
0x4ad: {  	[tilespmem:v12+s13+$0x0] =	vst.idx.add.f32.msk $0xffff, v11  }
0x4ae: {  	v11 =	vld [tilespmem:s19+$0x0]  }
0x4af: {  	v12 =	vld [tilespmem:s20+$0x0];
	_ =	sdelay $0x1  }
0x4b0: {  	v42 =	vld [tilespmem:s23+$0x0]  }
0x4b1: {  	v43 =	vld [tilespmem:s17+$0x0]  }
0x4b2: {  	v44 =	vld [tilespmem:s18+$0x0]  }
0x4b3: {  	v11 =	vmul.f32 v11, v11;
	v12 =	vmul.f32 v12, v12;
	_ =	sdelay $0x1  }
0x4b4: {  	v45 =	vmul.f32 v42, v42;
	v11 =	vadd.f32 v12, v11;
	_ =	sdelay $0x1  }
0x4b5: {  	v11 =	vadd.f32 v45, v11;
	_ =	sdelay $0x1  }
0x4b6: {  	v46 =	vld.idx.msk [tilespmem:v43+s5+$0x0], $0xffff;
	v47 =	vmul.f32 $5.000000000e-01, v11;
	v48 =	vshra.s32 v11, $0x1  }
0x4b7: {  	v15 =	vld.idx.msk [tilespmem:v44+s5+$0x0], $0xffff;
	v14 =	vsub.s32 $0x5F3759DF, v48  }
0x4b8: {  	v49 =	vmul.f32 v14, v47;
	_ =	sdelay $0x1  }
0x4b9: {  	v16 =	vmul.f32 v14, v49  }
0x4ba: {  	v50 =	vand.u32 $0x7F, v46  }
0x4bb: {  	v15 =	vand.u32 $0x7F, v15;
	v51 =	vshll.u32 v50, $0x4;
	v16 =	vsub.f32 $1.500000000e+00, v16  }
0x4bc: {  	v52 =	vshll.u32 v15, $0x4;
	v18 =	vor.u32 v0, v51  }
0x4bd: {  	v19 =	vor.u32 v0, v52;
	v14 =	vmul.f32 v14, v16;
	_ =	sdelay $0x1  }
0x4be: {  	v13 =	vmul.f32 v14, v47;
	_ =	sdelay $0x1  }
0x4bf: {  	v53 =	vld.idx.msk [tilespmem:v18+s26+$0x0], $0xffff;
	v13 =	vmul.f32 v13, v14  }
0x4c0: {  	v54 =	vld.idx.msk [tilespmem:v19+s26+$0x0], $0xffff  }
0x4c1: {  	v13 =	vsub.f32 $1.500000000e+00, v13;
	_ =	sdelay $0x1  }
0x4c2: {  	v13 =	vmul.f32 v13, v14;
	_ =	sdelay $0x1  }
0x4c3: {  	v55 =	vadd.f32 v54, v53;
	v11 =	vmul.f32 v13, v11;
	_ =	sdelay $0x1  }
0x4c4: {  	v11 =	vmul.f32 v11, v55;
	_ =	sdelay $0x1  }
0x4c5: {  	v14 =	vmul.f32 v11, v7  }
0x4c6: {  	v56 =	vmul.f32 v11, v8  }
0x4c7: {  	v14 =	vmul.f32 $1.442695020e+00, v14  }
0x4c8: {  	v57 =	vmul.f32 v11, v9;
	v16 =	vmul.f32 $1.442695020e+00, v56  }
0x4c9: {  	v11 =	vmul.f32 v11, v10;
	(erf) = vpow2.f32 v14  }
0x4ca: {  	v58 =	vmul.f32 $1.442695020e+00, v57;
	(erf) = vpow2.f32 v16;
	_ =	sdelay $0x1  }
0x4cb: {  	v11 =	vmul.f32 $1.442695020e+00, v11;
	(erf) = vpow2.f32 v58;
	_ =	sdelay $0x1  }
0x4cc: {  	(erf) = vpow2.f32 v11;
	_ =	sdelay $0x3  }
0x4cd: {  	v11 =	vpop (erf)  }
0x4ce: {  	v59 =	vpop (erf)  }
0x4cf: {  	v11 =	vmul.f32 v11, v3;
	v14 =	vmul.f32 v59, v4  }
0x4d0: {  	v61 =	vcvt.s32.f32 v50;
	v60 =	vpop (erf)  }
0x4d1: {  	v15 =	vcvt.s32.f32 v15;
	v16 =	vmul.f32 v60, v5;
	v11 =	vadd.f32 v14, v11  }
0x4d2: {  	v12 =	vshra.s32 v46, $0x7;
	v62 =	vpop (erf)  }
0x4d3: {  	v63 =	vmul.f32 v62, v6;
	v14 =	vmul.f32 v15, v61;
	v11 =	vadd.f32 v11, v16  }
0x4d4: {  	v12 =	vadd.s32 v2, v12  }
0x4d5: {  	v13 =	vmul.f32 v13, v14;
	v11 =	vadd.f32 v11, v63;
	_ =	sdelay $0x1  }
0x4d6: {  	v11 =	vmul.f32 v11, v13;
	_ =	sdelay $0x1  }
0x4d7: {  	[tilespmem:v12+s13+$0x0] =	vst.idx.add.f32.msk $0xffff, v11  }
0x4d8: {  	v11 =	vld [tilespmem:s19+$0x10]  }
0x4d9: {  	v12 =	vld [tilespmem:s20+$0x10];
	_ =	sdelay $0x1  }
0x4da: {  	v20 =	vld [tilespmem:s23+$0x10]  }
0x4db: {  	v21 =	vld [tilespmem:s17+$0x10]  }
0x4dc: {  	v22 =	vld [tilespmem:s18+$0x10]  }
0x4dd: {  	v11 =	vmul.f32 v11, v11;
	v12 =	vmul.f32 v12, v12;
	_ =	sdelay $0x1  }
0x4de: {  	v23 =	vmul.f32 v20, v20;
	v11 =	vadd.f32 v12, v11;
	_ =	sdelay $0x1  }
0x4df: {  	v11 =	vadd.f32 v23, v11;
	_ =	sdelay $0x1  }
0x4e0: {  	v24 =	vld.idx.msk [tilespmem:v21+s5+$0x0], $0xffff;
	v25 =	vmul.f32 $5.000000000e-01, v11;
	v26 =	vshra.s32 v11, $0x1  }
0x4e1: {  	v15 =	vld.idx.msk [tilespmem:v22+s5+$0x0], $0xffff;
	v14 =	vsub.s32 $0x5F3759DF, v26  }
0x4e2: {  	v27 =	vmul.f32 v14, v25;
	_ =	sdelay $0x1  }
0x4e3: {  	v16 =	vmul.f32 v14, v27  }
0x4e4: {  	v28 =	vand.u32 $0x7F, v24  }
0x4e5: {  	v15 =	vand.u32 $0x7F, v15;
	v29 =	vshll.u32 v28, $0x4;
	v16 =	vsub.f32 $1.500000000e+00, v16  }
0x4e6: {  	v30 =	vshll.u32 v15, $0x4;
	v18 =	vor.u32 v0, v29  }
0x4e7: {  	v19 =	vor.u32 v0, v30;
	v14 =	vmul.f32 v14, v16;
	_ =	sdelay $0x1  }
0x4e8: {  	v13 =	vmul.f32 v14, v25;
	_ =	sdelay $0x1  }
0x4e9: {  	v31 =	vld.idx.msk [tilespmem:v18+s26+$0x0], $0xffff;
	v13 =	vmul.f32 v13, v14  }
0x4ea: {  	v32 =	vld.idx.msk [tilespmem:v19+s26+$0x0], $0xffff  }
0x4eb: {  	v13 =	vsub.f32 $1.500000000e+00, v13;
	_ =	sdelay $0x1  }
0x4ec: {  	v13 =	vmul.f32 v13, v14;
	_ =	sdelay $0x1  }
0x4ed: {  	v33 =	vadd.f32 v32, v31;
	v11 =	vmul.f32 v13, v11;
	_ =	sdelay $0x1  }
0x4ee: {  	v11 =	vmul.f32 v11, v33;
	_ =	sdelay $0x1  }
0x4ef: {  	v14 =	vmul.f32 v11, v7  }
0x4f0: {  	v34 =	vmul.f32 v11, v8  }
0x4f1: {  	v14 =	vmul.f32 $1.442695020e+00, v14  }
0x4f2: {  	v35 =	vmul.f32 v11, v9;
	v16 =	vmul.f32 $1.442695020e+00, v34  }
0x4f3: {  	v11 =	vmul.f32 v11, v10;
	(erf) = vpow2.f32 v14  }
0x4f4: {  	v36 =	vmul.f32 $1.442695020e+00, v35;
	(erf) = vpow2.f32 v16;
	_ =	sdelay $0x1  }
0x4f5: {  	v11 =	vmul.f32 $1.442695020e+00, v11;
	(erf) = vpow2.f32 v36;
	_ =	sdelay $0x1  }
0x4f6: {  	(erf) = vpow2.f32 v11;
	_ =	sdelay $0x3  }
0x4f7: {  	v11 =	vpop (erf)  }
0x4f8: {  	v37 =	vpop (erf)  }
0x4f9: {  	v11 =	vmul.f32 v11, v3;
	v14 =	vmul.f32 v37, v4  }
0x4fa: {  	v39 =	vcvt.s32.f32 v28;
	v38 =	vpop (erf)  }
0x4fb: {  	v15 =	vcvt.s32.f32 v15;
	v16 =	vmul.f32 v38, v5;
	v11 =	vadd.f32 v14, v11  }
0x4fc: {  	v12 =	vshra.s32 v24, $0x7;
	v40 =	vpop (erf)  }
0x4fd: {  	v41 =	vmul.f32 v40, v6;
	v14 =	vmul.f32 v15, v39;
	v11 =	vadd.f32 v11, v16  }
0x4fe: {  	v12 =	vadd.s32 v2, v12  }
0x4ff: {  	v13 =	vmul.f32 v13, v14;
	v11 =	vadd.f32 v11, v41;
	_ =	sdelay $0x1  }
0x500: {  	v11 =	vmul.f32 v11, v13;
	_ =	sdelay $0x1  }
0x501: {  	[tilespmem:v12+s13+$0x0] =	vst.idx.add.f32.msk $0xffff, v11  }
0x502: {  	v11 =	vld [tilespmem:s19+$0x20]  }
0x503: {  	v12 =	vld [tilespmem:s20+$0x20];
	_ =	sdelay $0x1  }
0x504: {  	v42 =	vld [tilespmem:s23+$0x20]  }
0x505: {  	v43 =	vld [tilespmem:s17+$0x20]  }
0x506: {  	v44 =	vld [tilespmem:s18+$0x20]  }
0x507: {  	v11 =	vmul.f32 v11, v11;
	v12 =	vmul.f32 v12, v12;
	_ =	sdelay $0x1  }
0x508: {  	v45 =	vmul.f32 v42, v42;
	v11 =	vadd.f32 v12, v11;
	_ =	sdelay $0x1  }
0x509: {  	v11 =	vadd.f32 v45, v11;
	_ =	sdelay $0x1  }
0x50a: {  	v46 =	vld.idx.msk [tilespmem:v43+s5+$0x0], $0xffff;
	v47 =	vmul.f32 $5.000000000e-01, v11;
	v48 =	vshra.s32 v11, $0x1  }
0x50b: {  	v15 =	vld.idx.msk [tilespmem:v44+s5+$0x0], $0xffff;
	v14 =	vsub.s32 $0x5F3759DF, v48  }
0x50c: {  	v49 =	vmul.f32 v14, v47;
	_ =	sdelay $0x1  }
0x50d: {  	v16 =	vmul.f32 v14, v49  }
0x50e: {  	v50 =	vand.u32 $0x7F, v46  }
0x50f: {  	v15 =	vand.u32 $0x7F, v15;
	v51 =	vshll.u32 v50, $0x4;
	v16 =	vsub.f32 $1.500000000e+00, v16  }
0x510: {  	v52 =	vshll.u32 v15, $0x4;
	v18 =	vor.u32 v0, v51  }
0x511: {  	v19 =	vor.u32 v0, v52;
	v14 =	vmul.f32 v14, v16;
	_ =	sdelay $0x1  }
0x512: {  	v13 =	vmul.f32 v14, v47;
	_ =	sdelay $0x1  }
0x513: {  	v53 =	vld.idx.msk [tilespmem:v18+s26+$0x0], $0xffff;
	v13 =	vmul.f32 v13, v14  }
0x514: {  	v54 =	vld.idx.msk [tilespmem:v19+s26+$0x0], $0xffff  }
0x515: {  	v13 =	vsub.f32 $1.500000000e+00, v13;
	_ =	sdelay $0x1  }
0x516: {  	v13 =	vmul.f32 v13, v14;
	_ =	sdelay $0x1  }
0x517: {  	v55 =	vadd.f32 v54, v53;
	v11 =	vmul.f32 v13, v11;
	_ =	sdelay $0x1  }
0x518: {  	v11 =	vmul.f32 v11, v55;
	_ =	sdelay $0x1  }
0x519: {  	v14 =	vmul.f32 v11, v7  }
0x51a: {  	v56 =	vmul.f32 v11, v8  }
0x51b: {  	v14 =	vmul.f32 $1.442695020e+00, v14  }
0x51c: {  	v57 =	vmul.f32 v11, v9;
	v16 =	vmul.f32 $1.442695020e+00, v56  }
0x51d: {  	v11 =	vmul.f32 v11, v10;
	(erf) = vpow2.f32 v14  }
0x51e: {  	v58 =	vmul.f32 $1.442695020e+00, v57;
	(erf) = vpow2.f32 v16;
	_ =	sdelay $0x1  }
0x51f: {  	v11 =	vmul.f32 $1.442695020e+00, v11;
	(erf) = vpow2.f32 v58;
	_ =	sdelay $0x1  }
0x520: {  	(erf) = vpow2.f32 v11;
	_ =	sdelay $0x3  }
0x521: {  	v11 =	vpop (erf)  }
0x522: {  	v59 =	vpop (erf)  }
0x523: {  	v11 =	vmul.f32 v11, v3;
	v14 =	vmul.f32 v59, v4  }
0x524: {  	v61 =	vcvt.s32.f32 v50;
	v60 =	vpop (erf)  }
0x525: {  	v15 =	vcvt.s32.f32 v15;
	v16 =	vmul.f32 v60, v5;
	v11 =	vadd.f32 v14, v11  }
0x526: {  	v12 =	vshra.s32 v46, $0x7;
	v62 =	vpop (erf)  }
0x527: {  	v63 =	vmul.f32 v62, v6;
	v14 =	vmul.f32 v15, v61;
	v11 =	vadd.f32 v11, v16  }
0x528: {  	v12 =	vadd.s32 v2, v12  }
0x529: {  	v13 =	vmul.f32 v13, v14;
	v11 =	vadd.f32 v11, v63;
	_ =	sdelay $0x1  }
0x52a: {  	v11 =	vmul.f32 v11, v13;
	_ =	sdelay $0x1  }
0x52b: {  	s24 =	sand.u32 $0x7E0, s16;
	[tilespmem:v12+s13+$0x0] =	vst.idx.add.f32.msk $0xffff, v11  }
0x52c: {  	v11 =	vld [tilespmem:s24+$0x19380]  }
0x52d: {  	v12 =	vld [tilespmem:s24+$0x19700];
	_ =	sdelay $0x1  }
0x52e: {  	v20 =	vld [tilespmem:s24+$0x19A80]  }
0x52f: {  	v21 =	vld [tilespmem:s24+$0x19E00]  }
0x530: {  	v22 =	vld [tilespmem:s24+$0x1A180]  }
0x531: {  	v11 =	vmul.f32 v11, v11;
	v12 =	vmul.f32 v12, v12;
	_ =	sdelay $0x1  }
0x532: {  	v23 =	vmul.f32 v20, v20;
	v11 =	vadd.f32 v12, v11;
	_ =	sdelay $0x1  }
0x533: {  	v11 =	vadd.f32 v23, v11;
	_ =	sdelay $0x1  }
0x534: {  	v24 =	vld.idx.msk [tilespmem:v21+s5+$0x0], $0xffff;
	v25 =	vmul.f32 $5.000000000e-01, v11;
	v26 =	vshra.s32 v11, $0x1  }
0x535: {  	v15 =	vld.idx.msk [tilespmem:v22+s5+$0x0], $0xffff;
	v14 =	vsub.s32 $0x5F3759DF, v26  }
0x536: {  	v27 =	vmul.f32 v14, v25;
	_ =	sdelay $0x1  }
0x537: {  	v16 =	vmul.f32 v14, v27  }
0x538: {  	v28 =	vand.u32 $0x7F, v24  }
0x539: {  	v15 =	vand.u32 $0x7F, v15;
	v29 =	vshll.u32 v28, $0x4;
	v16 =	vsub.f32 $1.500000000e+00, v16  }
0x53a: {  	v30 =	vshll.u32 v15, $0x4;
	v18 =	vor.u32 v0, v29  }
0x53b: {  	v19 =	vor.u32 v0, v30;
	v14 =	vmul.f32 v14, v16;
	_ =	sdelay $0x1  }
0x53c: {  	v13 =	vmul.f32 v14, v25;
	_ =	sdelay $0x1  }
0x53d: {  	v31 =	vld.idx.msk [tilespmem:v18+s26+$0x0], $0xffff;
	v13 =	vmul.f32 v13, v14  }
0x53e: {  	v32 =	vld.idx.msk [tilespmem:v19+s26+$0x0], $0xffff  }
0x53f: {  	v13 =	vsub.f32 $1.500000000e+00, v13;
	_ =	sdelay $0x1  }
0x540: {  	v13 =	vmul.f32 v13, v14;
	_ =	sdelay $0x1  }
0x541: {  	v33 =	vadd.f32 v32, v31;
	v11 =	vmul.f32 v13, v11;
	_ =	sdelay $0x1  }
0x542: {  	v11 =	vmul.f32 v11, v33;
	_ =	sdelay $0x1  }
0x543: {  	v14 =	vmul.f32 v11, v7  }
0x544: {  	v34 =	vmul.f32 v11, v8  }
0x545: {  	v14 =	vmul.f32 $1.442695020e+00, v14  }
0x546: {  	v35 =	vmul.f32 v11, v9;
	v16 =	vmul.f32 $1.442695020e+00, v34  }
0x547: {  	v11 =	vmul.f32 v11, v10;
	(erf) = vpow2.f32 v14  }
0x548: {  	v36 =	vmul.f32 $1.442695020e+00, v35;
	(erf) = vpow2.f32 v16;
	_ =	sdelay $0x1  }
0x549: {  	v11 =	vmul.f32 $1.442695020e+00, v11;
	(erf) = vpow2.f32 v36;
	_ =	sdelay $0x1  }
0x54a: {  	(erf) = vpow2.f32 v11;
	_ =	sdelay $0x3  }
0x54b: {  	v11 =	vpop (erf)  }
0x54c: {  	v37 =	vpop (erf)  }
0x54d: {  	v11 =	vmul.f32 v11, v3;
	v14 =	vmul.f32 v37, v4  }
0x54e: {  	v39 =	vcvt.s32.f32 v28;
	v38 =	vpop (erf)  }
0x54f: {  	v15 =	vcvt.s32.f32 v15;
	v16 =	vmul.f32 v38, v5;
	v11 =	vadd.f32 v14, v11  }
0x550: {  	v12 =	vshra.s32 v24, $0x7;
	v40 =	vpop (erf)  }
0x551: {  	v41 =	vmul.f32 v40, v6;
	v14 =	vmul.f32 v15, v39;
	v11 =	vadd.f32 v11, v16  }
0x552: {  	v12 =	vadd.s32 v2, v12  }
0x553: {  	v13 =	vmul.f32 v13, v14;
	v11 =	vadd.f32 v11, v41;
	_ =	sdelay $0x1  }
0x554: {  	v11 =	vmul.f32 v11, v13;
	_ =	sdelay $0x1  }
0x555: {  	[tilespmem:v12+s13+$0x0] =	vst.idx.add.f32.msk $0xffff, v11  }
0x556: {  	v11 =	vld [tilespmem:s19+$0x40]  }
0x557: {  	v12 =	vld [tilespmem:s20+$0x40];
	_ =	sdelay $0x1  }
0x558: {  	v42 =	vld [tilespmem:s23+$0x40]  }
0x559: {  	v43 =	vld [tilespmem:s17+$0x40]  }
0x55a: {  	v44 =	vld [tilespmem:s18+$0x40]  }
0x55b: {  	v11 =	vmul.f32 v11, v11;
	v12 =	vmul.f32 v12, v12;
	_ =	sdelay $0x1  }
0x55c: {  	v45 =	vmul.f32 v42, v42;
	v11 =	vadd.f32 v12, v11;
	_ =	sdelay $0x1  }
0x55d: {  	v11 =	vadd.f32 v45, v11;
	_ =	sdelay $0x1  }
0x55e: {  	v46 =	vld.idx.msk [tilespmem:v43+s5+$0x0], $0xffff;
	v47 =	vmul.f32 $5.000000000e-01, v11;
	v48 =	vshra.s32 v11, $0x1  }
0x55f: {  	v15 =	vld.idx.msk [tilespmem:v44+s5+$0x0], $0xffff;
	v14 =	vsub.s32 $0x5F3759DF, v48  }
0x560: {  	v49 =	vmul.f32 v14, v47;
	_ =	sdelay $0x1  }
0x561: {  	v16 =	vmul.f32 v14, v49  }
0x562: {  	v50 =	vand.u32 $0x7F, v46  }
0x563: {  	v15 =	vand.u32 $0x7F, v15;
	v51 =	vshll.u32 v50, $0x4;
	v16 =	vsub.f32 $1.500000000e+00, v16  }
0x564: {  	v52 =	vshll.u32 v15, $0x4;
	v18 =	vor.u32 v0, v51  }
0x565: {  	v19 =	vor.u32 v0, v52;
	v14 =	vmul.f32 v14, v16;
	_ =	sdelay $0x1  }
0x566: {  	v13 =	vmul.f32 v14, v47;
	_ =	sdelay $0x1  }
0x567: {  	v53 =	vld.idx.msk [tilespmem:v18+s26+$0x0], $0xffff;
	v13 =	vmul.f32 v13, v14  }
0x568: {  	v54 =	vld.idx.msk [tilespmem:v19+s26+$0x0], $0xffff  }
0x569: {  	v13 =	vsub.f32 $1.500000000e+00, v13;
	_ =	sdelay $0x1  }
0x56a: {  	v13 =	vmul.f32 v13, v14;
	_ =	sdelay $0x1  }
0x56b: {  	v55 =	vadd.f32 v54, v53;
	v11 =	vmul.f32 v13, v11;
	_ =	sdelay $0x1  }
0x56c: {  	v11 =	vmul.f32 v11, v55;
	_ =	sdelay $0x1  }
0x56d: {  	v14 =	vmul.f32 v11, v7  }
0x56e: {  	v56 =	vmul.f32 v11, v8  }
0x56f: {  	v14 =	vmul.f32 $1.442695020e+00, v14  }
0x570: {  	v57 =	vmul.f32 v11, v9;
	v16 =	vmul.f32 $1.442695020e+00, v56  }
0x571: {  	v11 =	vmul.f32 v11, v10;
	(erf) = vpow2.f32 v14  }
0x572: {  	v58 =	vmul.f32 $1.442695020e+00, v57;
	(erf) = vpow2.f32 v16;
	_ =	sdelay $0x1  }
0x573: {  	v11 =	vmul.f32 $1.442695020e+00, v11;
	(erf) = vpow2.f32 v58;
	_ =	sdelay $0x1  }
0x574: {  	(erf) = vpow2.f32 v11;
	_ =	sdelay $0x3  }
0x575: {  	v11 =	vpop (erf)  }
0x576: {  	v59 =	vpop (erf)  }
0x577: {  	v11 =	vmul.f32 v11, v3;
	v14 =	vmul.f32 v59, v4  }
0x578: {  	v61 =	vcvt.s32.f32 v50;
	v60 =	vpop (erf)  }
0x579: {  	v15 =	vcvt.s32.f32 v15;
	v16 =	vmul.f32 v60, v5;
	v11 =	vadd.f32 v14, v11  }
0x57a: {  	v12 =	vshra.s32 v46, $0x7;
	v62 =	vpop (erf)  }
0x57b: {  	v63 =	vmul.f32 v62, v6;
	v14 =	vmul.f32 v15, v61;
	v11 =	vadd.f32 v11, v16  }
0x57c: {  	p0 =	sne.s32 s16, $0x280;
	v12 =	vadd.s32 v2, v12  }
.Ltmp4:
0x57d: {  	v13 =	vmul.f32 v13, v14;
	v11 =	vadd.f32 v11, v63;
	(pc) =	sbr.rel @p0 .LBB2_10-.Ltmp4, $4  }
0x57e: {  	_ = 	snop  }
0x57f: {  	v11 =	vmul.f32 v11, v13  }
0x580: {  	s16 =	sadd.s32 $0xA0, s16;
	s17 =	sadd.s32 $0xA0, s17;
	s18 =	sadd.s32 $0xA0, s18  }
0x581: {  	s19 =	sadd.s32 $0xA0, s19;
	s20 =	sadd.s32 $0xA0, s20;
	s23 =	sadd.s32 $0xA0, s23;
	[tilespmem:v12+s13+$0x0] =	vst.idx.add.f32.msk $0xffff, v11  }
0x582: {  	_ =	swait.ge [sflag:s14], $0x320  }
0x583: {  	[sflag:s14] =	ssyncset.done $0x0  }
0x584: {  	[sflag:s14] =	ssyncadd.s32 $0xFFFFFCE0  }
0x585: {  	_ =	swait.ge [sflag:s14], $0x320  }
0x586: {  	[sflag:s14] =	ssyncset.done $0x0  }
0x587: {  	[sflag:s14] =	ssyncadd.s32 $0xFFFFFCE0  }
0x588: {  	_ =	swait.ge [sflag:s14], $0x320  }
0x589: {  	[sflag:s14] =	ssyncset.done $0x0  }
0x58a: {  	[sflag:s14] =	ssyncadd.s32 $0xFFFFFCE0  }
0x58b: {  	_ =	swait.ge [sflag:s14], $0x320  }
0x58c: {  	[sflag:s14] =	ssyncset.done $0x0  }
0x58d: {  	[sflag:s14] =	ssyncadd.s32 $0xFFFFFCE0  }
0x58e: {  	_ =	swait.ge [sflag:s14], $0x320  }
0x58f: {  	[sflag:s14] =	ssyncset.done $0x0  }
0x590: {  	s17 =	simm.s32 $0x0;
	[sflag:s14] =	ssyncadd.s32 $0xFFFFFCE0  }
0x591: {  	v3 =	vld [tilespmem:s17+$0x1B600]  }
0x592: {  	v4 =	vld [tilespmem:s17+$0x1B9F1];
	_ =	sdelay $0x1  }
0x593: {  	v5 =	vld [tilespmem:s17+$0x1BDE2];
	_ =	sdelay $0x1  }
0x594: {  	v6 =	vld [tilespmem:s17+$0x1C1D3]  }
0x595: {  	v3 =	vadd.f32 v4, v3  }
0x596: {  	v4 =	vld [tilespmem:s17+$0x1C5C4]  }
0x597: {  	v3 =	vadd.f32 v5, v3  }
0x598: {  	v5 =	vld [tilespmem:s17+$0x1C9B5]  }
0x599: {  	v3 =	vadd.f32 v6, v3  }
0x59a: {  	v6 =	vld [tilespmem:s17+$0x1CDA6]  }
0x59b: {  	v3 =	vadd.f32 v4, v3  }
0x59c: {  	v4 =	vld [tilespmem:s17+$0x1D197]  }
0x59d: {  	s16 =	simm.s32 $0x10;
	v7 =	vld [tilespmem:s17+$0x1D588];
	v3 =	vadd.f32 v5, v3  }
0x59e: {  	v8 =	vld [tilespmem:s16+$0x1B600]  }
0x59f: {  	v5 =	vld [tilespmem:s17+$0x1D979];
	v3 =	vadd.f32 v6, v3  }
0x5a0: {  	v6 =	vld [tilespmem:s16+$0x1B9F1]  }
0x5a1: {  	v9 =	vld [tilespmem:s16+$0x1BDE2];
	v3 =	vadd.f32 v4, v3  }
0x5a2: {  	v4 =	vld [tilespmem:s17+$0x1DD6A]  }
0x5a3: {  	v10 =	vld [tilespmem:s16+$0x1C1D3];
	v3 =	vadd.f32 v7, v3  }
0x5a4: {  	v7 =	vld [tilespmem:s17+$0x1E15B]  }
0x5a5: {  	v6 =	vadd.f32 v6, v8;
	v8 =	vld [tilespmem:s16+$0x1C5C4];
	v3 =	vadd.f32 v5, v3  }
0x5a6: {  	v5 =	vld [tilespmem:s17+$0x1E54C]  }
0x5a7: {  	v6 =	vadd.f32 v9, v6;
	v9 =	vld [tilespmem:s16+$0x1C9B5];
	v3 =	vadd.f32 v4, v3  }
0x5a8: {  	v4 =	vld [tilespmem:s17+$0x1E93D]  }
0x5a9: {  	v11 =	vld [tilespmem:s16+$0x1CDA6];
	v6 =	vadd.f32 v10, v6;
	v3 =	vadd.f32 v7, v3  }
0x5aa: {  	v10 =	vld [tilespmem:s17+$0x1ED2E]  }
0x5ab: {  	v7 =	vadd.f32 v8, v6;
	v6 =	vld [tilespmem:s16+$0x1D197];
	v8 =	vadd.f32 v5, v3  }
0x5ac: {  	v5 =	vld [tilespmem:s17+$0x1F11F]  }
0x5ad: {  	v3 =	vld [tilespmem:s16+$0x1D979];
	v9 =	vadd.f32 v9, v7;
	v12 =	vadd.f32 v4, v8  }
0x5ae: {  	s18 =	simm.s32 $0x20;
	v7 =	vld [tilespmem:s16+$0x1D588]  }
0x5af: {  	s19 =	simm.s32 $0xC0;
	v4 =	vld [tilespmem:s18+$0x1B600];
	v8 =	vadd.f32 v11, v9;
	v9 =	vadd.f32 v10, v12  }
.LBB2_12:
0x5b0: {  	p0 =	sne.s32 s19, $0xF80;
	v10 =	vld [tilespmem:s18+$0x1B9F1]  }
0x5b1: {  	v6 =	vadd.f32 v6, v8;
	v8 =	vld [tilespmem:s16+$0x1DD6A];
	v5 =	vadd.f32 v5, v9  }
0x5b2: {  	v9 =	vld [tilespmem:s18+$0x1BDE2]  }
0x5b3: {  	v6 =	vadd.f32 v7, v6;
	v7 =	vld [tilespmem:s16+$0x1E15B];
	[tilespmem:s17+$0x1F580] =	vst v5;
	s17 =	smov.u32 s16;
	s16 =	smov.u32 s18  }
0x5b4: {  	v5 =	vld [tilespmem:s16+$0x1C1D3]  }
0x5b5: {  	v4 =	vadd.f32 v10, v4;
	v3 =	vadd.f32 v3, v6;
	v6 =	vld [tilespmem:s17+$0x1E54C]  }
0x5b6: {  	v10 =	vld [tilespmem:s16+$0x1C5C4]  }
0x5b7: {  	v4 =	vadd.f32 v9, v4;
	v3 =	vadd.f32 v8, v3;
	v8 =	vld [tilespmem:s17+$0x1E93D]  }
0x5b8: {  	v9 =	vld [tilespmem:s16+$0x1C9B5]  }
0x5b9: {  	v4 =	vadd.f32 v5, v4;
	v3 =	vadd.f32 v7, v3;
	v11 =	vld [tilespmem:s17+$0x1ED2E]  }
0x5ba: {  	v12 =	vld [tilespmem:s16+$0x1CDA6]  }
.Ltmp5:
0x5bb: {  	v4 =	vadd.f32 v10, v4;
	v7 =	vadd.f32 v6, v3;
	v5 =	vld [tilespmem:s17+$0x1F11F];
	(pc) =	sbr.rel @p0 .LBB2_12-.Ltmp5, $4  }
0x5bc: {  	v6 =	vld [tilespmem:s16+$0x1D197]  }
0x5bd: {  	v9 =	vadd.f32 v9, v4;
	v3 =	vld [tilespmem:s16+$0x1D979];
	v10 =	vadd.f32 v8, v7  }
0x5be: {  	s18 =	sshra.s32 s19, $0x2;
	v7 =	vld [tilespmem:s16+$0x1D588]  }
0x5bf: {  	s19 =	sadd.s32 $0x40, s19;
	v4 =	vld [tilespmem:s18+$0x1B600];
	v8 =	vadd.f32 v12, v9;
	v9 =	vadd.f32 v11, v10  }
0x5c0: {  	v10 =	vld [tilespmem:s18+$0x1B9F1]  }
0x5c1: {  	v11 =	vld [tilespmem:s16+$0x1DD6A];
	v5 =	vadd.f32 v5, v9  }
0x5c2: {  	v47 =	vld [tilespmem:s18+$0x1BDE2]  }
0x5c3: {  	v12 =	vld [tilespmem:s16+$0x1E15B];
	v6 =	vadd.f32 v6, v8;
	[tilespmem:s17+$0x1F580] =	vst v5  }
0x5c4: {  	v5 =	vld [tilespmem:s18+$0x1C1D3]  }
0x5c5: {  	v6 =	vadd.f32 v7, v6;
	v4 =	vadd.f32 v10, v4  }
0x5c6: {  	v48 =	vld [tilespmem:s18+$0x1C5C4]  }
0x5c7: {  	v49 =	vld [tilespmem:s16+$0x1E54C];
	v3 =	vadd.f32 v3, v6;
	v4 =	vadd.f32 v47, v4  }
0x5c8: {  	v50 =	vld [tilespmem:s18+$0x1C9B5]  }
0x5c9: {  	v51 =	vld [tilespmem:s16+$0x1E93D];
	v3 =	vadd.f32 v11, v3;
	v4 =	vadd.f32 v5, v4  }
0x5ca: {  	v52 =	vld [tilespmem:s18+$0x1CDA6]  }
0x5cb: {  	v53 =	vld [tilespmem:s16+$0x1ED2E];
	v3 =	vadd.f32 v12, v3;
	v4 =	vadd.f32 v48, v4  }
0x5cc: {  	v54 =	vld [tilespmem:s18+$0x1D197]  }
0x5cd: {  	v55 =	vld [tilespmem:s16+$0x1F11F];
	v3 =	vadd.f32 v49, v3;
	v4 =	vadd.f32 v50, v4  }
0x5ce: {  	v56 =	vld [tilespmem:s18+$0x1D588]  }
0x5cf: {  	v3 =	vadd.f32 v51, v3;
	v4 =	vadd.f32 v52, v4  }
0x5d0: {  	v57 =	vld [tilespmem:s18+$0x1D979]  }
0x5d1: {  	v3 =	vadd.f32 v53, v3;
	v4 =	vadd.f32 v54, v4  }
0x5d2: {  	v58 =	vld [tilespmem:s18+$0x1DD6A]  }
0x5d3: {  	v3 =	vadd.f32 v55, v3;
	v4 =	vadd.f32 v56, v4  }
0x5d4: {  	v59 =	vld [tilespmem:s18+$0x1E15B]  }
0x5d5: {  	[tilespmem:s16+$0x1F580] =	vst v3;
	v3 =	vadd.f32 v57, v4  }
0x5d6: {  	v60 =	vld [tilespmem:s18+$0x1E54C]  }
0x5d7: {  	v3 =	vadd.f32 v58, v3  }
0x5d8: {  	v61 =	vld [tilespmem:s18+$0x1E93D]  }
0x5d9: {  	v3 =	vadd.f32 v59, v3  }
0x5da: {  	v62 =	vld [tilespmem:s18+$0x1ED2E]  }
0x5db: {  	v3 =	vadd.f32 v60, v3  }
0x5dc: {  	v63 =	vld [tilespmem:s18+$0x1F11F]  }
0x5dd: {  	v3 =	vadd.f32 v61, v3;
	_ =	sdelay $0x1  }
0x5de: {  	v3 =	vadd.f32 v62, v3;
	_ =	sdelay $0x1  }
0x5df: {  	v3 =	vadd.f32 v63, v3;
	_ =	sdelay $0x1  }
0x5e0: {  	s23 =	rddreg [dreg:$0x11];
	s24 =	simm.s32 $0x1F580;
	s17 =	simm.s32 $0x3;
	[tilespmem:s18+$0x1F580] =	vst v3  }
0x5e1: {  	[hbm4b:s23+s5] =	stream.linear.scatter [tilespmem:s24], [sflag:$0x3], $0x3E8, $0x38;
	[tilespmem:$0x1F980] =	vst v63  }
0x5e2: {  	_ =	swait.ge [sflag:s17], $0x3E8  }
0x5e3: {  	s15 =	sadd.s32 $0x1, s15;
	s25 =	rddreg [dreg:$0x12]  }
0x5e4: {  	p0 =	sne.s32 s15, s25  }
.Ltmp6:
0x5e5: {  	_ = 	snop;
	(pc) =	sbr.rel @p0 .LBB2_1-.Ltmp6, $3  }
0x5e6: {  	_ =	sdelay $0x1  }
0x5e7: {  	[sflag:s17] =	ssyncset.done $0x0  }
0x5e8: {  	[sflag:s17] =	ssyncadd.s32 $0xFFFFFC18  }
0x5e9: {  	_ =	sfence.sel $0x180000  }
0x5ea: {  	[bflag:$0x0] =	sbarrier.arrive $0xFFFF  }
0x5eb: {  	_ =	strace $0x90000047  }
0x5ec: {  	s0 =	stileid.u32;
	[bflag:$0x2] =	sbarrier.arrive $0xFFFF  }
0x5ed: {  	p0 =	sne.s32 s0, $0x0;
	s0 =	rddreg [dreg:$0x4]  }
0x5ee: {  	s0 =	sadd.s32 @!p0 $0x100000, s0  }
0x5ef: {  	[sflag:s0] =	ssyncadd.tile.s32 @!p0 $0x1;
	_ =	shalt  }
.Lfunc_end2:
_tile_overlayer_lowered:
.L_overlay_start_2:
0x5f0: {  	(tag) =	ssettag $0x2  }
0x5f1: {  	s0 =	rddreg [dreg:$0x0];
	s2 =	stileid.u32  }
0x5f2: {  	s1 =	rddreg [dreg:$0x1];
	p0 =	sne.s32 s2, $0x0  }
0x5f3: {  	s3 =	rddreg [dreg:$0x2];
	[bflag:$0x3] =	sbarrier.arrive $0xFFFF;
	s2 =	simm.s32 @!p0 $0x1C03  }
0x5f4: {  	[timem:s3], [sflag:s2] =	dma.local @!p0 [hbm:s0], s1  }
0x5f5: {  	s0 =	simm.s32 @!p0 $0x3  }
0x5f6: {  	_ =	swait.ge @!p0 [sflag:s0], s1  }
0x5f7: {  	s1 =	ssub.s32 @!p0 $0x0, s1;
	[sflag:s0] =	ssyncset.done @!p0 $0x0  }
0x5f8: {  	[sflag:s0] =	ssyncadd.s32 @!p0 s1  }
0x5f9: {  	[bflag:$0x3] =	sbarrier.arrive $0xFFFF  }
0x5fa: {  	_ =	shalt  }

</sc_bundles>
